<compile_context>
chip_gen: v7x
topology: tpu7x:2x2x1
jax: 0.10.2.dev20260603
libtpu: 0.0.44.dev20260713+nightly
codegen_flags: <defaults>
</compile_context>

<pallas_src>
import functools

import jax
import jax.numpy as jnp
from jax import lax
from jax.experimental import pallas as pl
from jax.experimental.pallas import tpu as pltpu
from jax.experimental.pallas import tpu_sc as plsc

N_NODES = 10000
D = 128
N_EDGES = 320000

NUM_CORES = 2
NUM_SUBCORES = 16

NPAD = 10240
EPAD = 327680
HALF = NPAD // 2
ACC_ROWS = HALF + 8
TRASH = HALF

SEG = EPAD // (NUM_CORES * NUM_SUBCORES)
SEG_CHUNKS = SEG // 16
SEG_CAP_ROWS = 84
SEG_CAP = SEG_CAP_ROWS * 128
AGG_CHUNK = 128
HIST_ROWS = NPAD // 128
AGG_WB = HALF // NUM_SUBCORES

BLK = 1280
GRID = NPAD // BLK

_mesh = plsc.VectorSubcoreMesh(core_axis_name="c", subcore_axis_name="s")


@functools.partial(
    pl.kernel,
    out_type=[jax.ShapeDtypeStruct((NUM_CORES, 32, SEG_CAP), jnp.int32),
              jax.ShapeDtypeStruct((NUM_CORES, 32, SEG_CAP), jnp.int32),
              jax.ShapeDtypeStruct((NUM_CORES, 32, 16), jnp.int32),
              jax.ShapeDtypeStruct((NUM_CORES, HIST_ROWS, 128), jnp.float32)],
    mesh=_mesh,
    scratch_types=[
        pltpu.VMEM((SEG,), jnp.int32),
        pltpu.VMEM((SEG,), jnp.int32),
        pltpu.VMEM((SEG_CAP,), jnp.int32),
        pltpu.VMEM((SEG_CAP,), jnp.int32),
        pltpu.VMEM((SEG_CAP,), jnp.int32),
        pltpu.VMEM((SEG_CAP,), jnp.int32),
        pltpu.VMEM((16,), jnp.int32),
        pltpu.VMEM((HIST_ROWS, 128), jnp.float32),
        pltpu.VMEM((1, HIST_ROWS), jnp.int32),
        pltpu.VMEM_SHARED((HIST_ROWS, 128), jnp.float32),
    ],
    compiler_params=pltpu.CompilerParams(needs_layout_passes=False),
)
def _sc_partition(srcf_hbm, dstf_hbm, fsrc_hbm, fdst_hbm, z2_hbm, iota_hbm,
                  osrc_hbm, odst_hbm, ocnt_hbm, odeg_hbm,
                  srcv, dstv, cs0, cd0, cs1, cd1, cntv, degp, idv, deg_sh):
    cid = lax.axis_index("c")
    sid = lax.axis_index("s")
    t = cid * NUM_SUBCORES + sid
    pltpu.sync_copy(srcf_hbm.at[pl.ds(t * SEG, SEG)], srcv)
    pltpu.sync_copy(dstf_hbm.at[pl.ds(t * SEG, SEG)], dstv)
    pltpu.sync_copy(fsrc_hbm, cs0)
    pltpu.sync_copy(fsrc_hbm, cs1)
    pltpu.sync_copy(fdst_hbm, cd0)
    pltpu.sync_copy(fdst_hbm, cd1)
    pltpu.sync_copy(z2_hbm, degp)
    pltpu.sync_copy(iota_hbm, idv)
    @pl.when(sid < 10)
    def _():
        pltpu.sync_copy(z2_hbm.at[pl.ds(sid * 8, 8)],
                        deg_sh.at[pl.ds(sid * 8, 8)])
    plsc.subcore_barrier()

    ones_f = jnp.ones((16,), jnp.float32)

    def chunk(i, carry):
        o0, o1 = carry
        vs = srcv[pl.ds(i * 16, 16)]
        vd = dstv[pl.ds(i * 16, 16)]
        plsc.addupdate_scatter(degp, [vd >> 7, vd & 127], ones_f)
        m0 = vd < HALF
        plsc.store_compressed(cs0.at[pl.ds(o0, 16)], vs, mask=m0)
        plsc.store_compressed(cd0.at[pl.ds(o0, 16)], vd, mask=m0)
        m1 = jnp.logical_not(m0)
        plsc.store_compressed(cs1.at[pl.ds(o1, 16)], vs, mask=m1)
        plsc.store_compressed(cd1.at[pl.ds(o1, 16)], vd - HALF, mask=m1)
        n0 = jnp.sum(m0.astype(jnp.int32))
        return (o0 + n0, o1 + (16 - n0))

    o0, o1 = lax.fori_loop(0, SEG_CHUNKS, chunk, (0, 0))
    plsc.subcore_barrier()
    pltpu.sync_copy(cs0, osrc_hbm.at[0, t])
    pltpu.sync_copy(cd0, odst_hbm.at[0, t])
    pltpu.sync_copy(cs1, osrc_hbm.at[1, t])
    pltpu.sync_copy(cd1, odst_hbm.at[1, t])
    cntv[...] = jnp.full((16,), o0, jnp.int32)
    plsc.subcore_barrier()
    pltpu.sync_copy(cntv, ocnt_hbm.at[0, t])
    cntv[...] = jnp.full((16,), o1, jnp.int32)
    plsc.subcore_barrier()
    pltpu.sync_copy(cntv, ocnt_hbm.at[1, t])
    pltpu.sync_copy(degp, deg_sh.at[idv.at[0]], add=True)
    plsc.subcore_barrier()

    @pl.when(sid < 10)
    def _():
        pltpu.sync_copy(deg_sh.at[pl.ds(sid * 8, 8)],
                        odeg_hbm.at[cid, pl.ds(sid * 8, 8)])


@functools.partial(
    pl.kernel,
    out_type=jax.ShapeDtypeStruct((NUM_CORES, HALF, D), jnp.float32),
    mesh=_mesh,
    scratch_types=[
        pltpu.VMEM((SEG_CAP_ROWS, 128), jnp.int32),
        pltpu.VMEM((SEG_CAP_ROWS, 128), jnp.int32),
        pltpu.VMEM((16,), jnp.int32),
        pltpu.VMEM((AGG_CHUNK, D), jnp.float32),
        pltpu.VMEM((AGG_CHUNK, D), jnp.float32),
        pltpu.VMEM((AGG_CHUNK, D), jnp.float32),
        pltpu.VMEM_SHARED((ACC_ROWS, D), jnp.float32),
        pltpu.SemaphoreType.DMA,
        pltpu.SemaphoreType.DMA,
        pltpu.SemaphoreType.DMA,
        pltpu.SemaphoreType.DMA,
        pltpu.SemaphoreType.DMA,
        pltpu.SemaphoreType.DMA,
    ],
    compiler_params=pltpu.CompilerParams(needs_layout_passes=False),
)
def _sc_aggregate(hp_hbm, seg_src_hbm, seg_dst_hbm, cnt_hbm, z_hbm, out_hbm,
                  srci, dsti, cntv, buf0, buf1, buf2, acc_sh,
                  g0, g1, g2, s0, s1, s2):
    bufs = (buf0, buf1, buf2)
    gsems = (g0, g1, g2)
    ssems = (s0, s1, s2)
    cid = lax.axis_index("c")
    sid = lax.axis_index("s")
    wb = sid * AGG_WB
    pltpu.sync_copy(z_hbm.at[pl.ds(wb, AGG_WB)], acc_sh.at[pl.ds(wb, AGG_WB)])
    plsc.subcore_barrier()

    def run_segment(t):
        pltpu.sync_copy(seg_src_hbm.at[cid, t], srci)
        pltpu.sync_copy(seg_dst_hbm.at[cid, t], dsti)
        pltpu.sync_copy(cnt_hbm.at[cid, t], cntv)
        n = jnp.max(cntv[...])
        nr = (n + 127) // 128
        rows = jnp.minimum(jnp.maximum(((nr + 2) // 3) * 3, 3), SEG_CAP_ROWS)
        for b in range(3):
            pltpu.async_copy(hp_hbm.at[srci.at[b]], bufs[b], gsems[b])

        def step(i, _):
            c0 = 3 * i
            for b in range(3):
                j = c0 + b
                pltpu.make_async_copy(hp_hbm.at[srci.at[j]], bufs[b],
                                      gsems[b]).wait()
                pltpu.async_copy(bufs[b], acc_sh.at[dsti.at[j]], ssems[b],
                                 add=True)

                @pl.when(j + 3 < rows)
                def _():
                    pltpu.make_async_copy(bufs[b], acc_sh.at[dsti.at[j]],
                                          ssems[b]).wait()
                    pltpu.async_copy(hp_hbm.at[srci.at[j + 3]], bufs[b],
                                     gsems[b])
            return 0

        lax.fori_loop(0, rows // 3, step, 0)
        for b in range(3):
            pltpu.make_async_copy(bufs[b], acc_sh.at[dsti.at[b]],
                                  ssems[b]).wait()

    run_segment(2 * sid)
    run_segment(2 * sid + 1)
    plsc.subcore_barrier()
    pltpu.sync_copy(acc_sh.at[pl.ds(wb, AGG_WB)],
                    out_hbm.at[cid, pl.ds(wb, AGG_WB)])


def _tc_matmul(xp, W):
    def body(x_ref, w_ref, o_ref):
        o_ref[...] = jnp.dot(x_ref[...], w_ref[...],
                             preferred_element_type=jnp.float32)

    return pl.pallas_call(
        body,
        grid=(GRID,),
        in_specs=[pl.BlockSpec((BLK, D), lambda i: (i, 0)),
                  pl.BlockSpec((D, D), lambda i: (0, 0))],
        out_specs=pl.BlockSpec((BLK, D), lambda i: (i, 0)),
        out_shape=jax.ShapeDtypeStruct((NPAD, D), jnp.float32),
    )(xp, W)


def _tc_scale(deg_parts, hm):

    def body(dp_ref, hm_ref, disb_ref, hp_ref):
        deg = dp_ref[0] + dp_ref[1]
        dis = 1.0 / jnp.sqrt(deg[:, 0:1] + 1.0)
        disb = jnp.broadcast_to(dis, (BLK, D))
        disb_ref[...] = disb
        hp_ref[...] = disb * hm_ref[...]

    return pl.pallas_call(
        body,
        grid=(GRID,),
        in_specs=[pl.BlockSpec((NUM_CORES, BLK, 16), lambda i: (0, i, 0)),
                  pl.BlockSpec((BLK, D), lambda i: (i, 0))],
        out_specs=[pl.BlockSpec((BLK, D), lambda i: (i, 0)),
                   pl.BlockSpec((BLK, D), lambda i: (i, 0))],
        out_shape=[jax.ShapeDtypeStruct((NPAD, D), jnp.float32),
                   jax.ShapeDtypeStruct((NPAD, D), jnp.float32)],
    )(deg_parts, hm)


_ACC_SPEC = pl.BlockSpec((1, BLK, D), lambda i: (i // 4, i % 4, 0))


def _tc_layer(acc_parts, hp_prev, disb, bias, Wn):

    def body(a_ref, hp_ref, d_ref, b_ref, w_ref, o_ref):
        t = d_ref[...] * (a_ref[0] + hp_ref[...]) + b_ref[...]
        t = jnp.where(t >= 0, t, 0.01 * t)
        o_ref[...] = d_ref[...] * jnp.dot(t, w_ref[...],
                                          preferred_element_type=jnp.float32)

    return pl.pallas_call(
        body,
        grid=(GRID,),
        in_specs=[_ACC_SPEC,
                  pl.BlockSpec((BLK, D), lambda i: (i, 0)),
                  pl.BlockSpec((BLK, D), lambda i: (i, 0)),
                  pl.BlockSpec((1, D), lambda i: (0, 0)),
                  pl.BlockSpec((D, D), lambda i: (0, 0))],
        out_specs=pl.BlockSpec((BLK, D), lambda i: (i, 0)),
        out_shape=jax.ShapeDtypeStruct((NPAD, D), jnp.float32),
    )(acc_parts, hp_prev, disb, bias, Wn)


def _tc_final(acc_parts, hp_prev, disb, bias):
    def body(a_ref, hp_ref, d_ref, b_ref, o_ref):
        o_ref[...] = d_ref[...] * (a_ref[0] + hp_ref[...]) + b_ref[...]

    return pl.pallas_call(
        body,
        grid=(GRID,),
        in_specs=[_ACC_SPEC,
                  pl.BlockSpec((BLK, D), lambda i: (i, 0)),
                  pl.BlockSpec((BLK, D), lambda i: (i, 0)),
                  pl.BlockSpec((1, D), lambda i: (0, 0))],
        out_specs=pl.BlockSpec((BLK, D), lambda i: (i, 0)),
        out_shape=jax.ShapeDtypeStruct((NPAD, D), jnp.float32),
    )(acc_parts, hp_prev, disb, bias)


def kernel(x, edge_index, W1, b1, W2, b2, W3, b3):
    ei = edge_index.astype(jnp.int32)
    pad_src = jnp.arange(EPAD - N_EDGES, dtype=jnp.int32) % NPAD
    pad_dst = jnp.full((EPAD - N_EDGES,), N_NODES, jnp.int32)
    srcf = jnp.concatenate([ei[0], pad_src])
    dstf = jnp.concatenate([ei[1], pad_dst])
    fill_src = jnp.arange(SEG_CAP, dtype=jnp.int32) % NPAD
    fill_dst = jnp.full((SEG_CAP,), TRASH, jnp.int32)
    zeros_hist = jnp.zeros((HIST_ROWS, 128), jnp.float32)
    iota_rows = jnp.arange(HIST_ROWS, dtype=jnp.int32)[None, :]
    xp = jnp.zeros((NPAD, D), jnp.float32).at[:N_NODES].set(x)
    zeros_acc = jnp.zeros((HALF, D), jnp.float32)

    seg_src, seg_dst, cnt, deg_rows = _sc_partition(
        srcf, dstf, fill_src, fill_dst, zeros_hist, iota_rows)
    seg_src = seg_src.reshape(NUM_CORES, 32, SEG_CAP_ROWS, 128)
    seg_dst = seg_dst.reshape(NUM_CORES, 32, SEG_CAP_ROWS, 128)
    deg_parts = jnp.broadcast_to(deg_rows.reshape(NUM_CORES, NPAD, 1),
                                 (NUM_CORES, NPAD, 16))
    hm1 = _tc_matmul(xp, W1)
    disb, hp1 = _tc_scale(deg_parts, hm1)

    acc1 = _sc_aggregate(hp1, seg_src, seg_dst, cnt, zeros_acc)
    hp2 = _tc_layer(acc1, hp1, disb, b1.reshape(1, D), W2)
    acc2 = _sc_aggregate(hp2, seg_src, seg_dst, cnt, zeros_acc)
    hp3 = _tc_layer(acc2, hp2, disb, b2.reshape(1, D), W3)
    acc3 = _sc_aggregate(hp3, seg_src, seg_dst, cnt, zeros_acc)
    out = _tc_final(acc3, hp3, disb, b3.reshape(1, D))
    return out[:N_NODES]

# --- scband reference (transcript-rebuilt; emitter-appended) ---
"""Pipeline reference for scband-simple-gcn-2370821947614 (READ-ONLY COPY).

The authoritative reference and input builder live on the scoring server;
editing this copy changes nothing except your own understanding.
"""

import jax, jax.numpy as jnp
import numpy as np

N_NODES = 10000
N_EDGES = 320000
D_IN = 128
D_HID = 128


def setup_inputs(seed: int = 0) -> dict:
    key = jax.random.key(seed)
    k = jax.random.split(key, 8)
    x = jax.random.normal(k[0], (N_NODES, D_IN), dtype=jnp.float32)
    edge_index = jax.random.randint(k[1], (2, N_EDGES), 0, N_NODES, dtype=jnp.int64)
    W1 = jax.random.normal(k[2], (D_IN, D_HID), dtype=jnp.float32) * 0.05
    b1 = jnp.zeros((D_HID,), dtype=jnp.float32)
    W2 = jax.random.normal(k[3], (D_HID, D_HID), dtype=jnp.float32) * 0.05
    b2 = jnp.zeros((D_HID,), dtype=jnp.float32)
    W3 = jax.random.normal(k[4], (D_HID, D_HID), dtype=jnp.float32) * 0.05
    b3 = jnp.zeros((D_HID,), dtype=jnp.float32)
    return {"x": x, "edge_index": edge_index, "W1": W1, "b1": b1, "W2": W2, "b2": b2, "W3": W3, "b3": b3}


def _gcn_conv(x, src, dst, norm, W, b, num_nodes):
    # h = X W ; out[dst] += norm * h[src] ; out += b
    h = x @ W
    msgs = h[src] * norm[:, None]
    out = jnp.zeros((num_nodes, W.shape[1]), dtype=x.dtype).at[dst].add(msgs)
    return out + b


def _leaky_relu(x, negative_slope=0.01):
    return jnp.where(x >= 0, x, negative_slope * x)


def reference(x, edge_index, W1, b1, W2, b2, W3, b3):
    num_nodes = x.shape[0]
    # add self loops (PyG GCNConv default)
    loop = jnp.arange(num_nodes, dtype=edge_index.dtype)
    src = jnp.concatenate([edge_index[0], loop])
    dst = jnp.concatenate([edge_index[1], loop])
    # symmetric normalization D^{-1/2} A_hat D^{-1/2}
    deg = jnp.zeros((num_nodes,), dtype=x.dtype).at[dst].add(1.0)
    deg_inv_sqrt = jnp.where(deg > 0, 1.0 / jnp.sqrt(deg), 0.0)
    norm = deg_inv_sqrt[src] * deg_inv_sqrt[dst]
    h = _gcn_conv(x, src, dst, norm, W1, b1, num_nodes)
    h = _leaky_relu(h)
    # dropout is identity in eval mode
    h = _gcn_conv(h, src, dst, norm, W2, b2, num_nodes)
    h = _leaky_relu(h)
    h = _gcn_conv(h, src, dst, norm, W3, b3, num_nodes)
    return h

if __name__ == "__main__":
    import jax
    _d = setup_inputs()
    print(jax.jit(kernel)(*tuple(_d.values())))

</pallas_src>

<mosaic_0001>
#map = affine_map<(d0, d1) -> (0)>
#map1 = affine_map<(d0, d1) -> (0, 0)>
#map2 = affine_map<(d0, d1) -> (0, 0, 0)>
module attributes {stable_mosaic.version = 14 : i64} {
  func.func @_sc_partition(%arg0: i32, %arg1: i32, %arg2: memref<327680xi32, #tpu.memory_space<hbm>>, %arg3: memref<327680xi32, #tpu.memory_space<hbm>>, %arg4: memref<10752xi32, #tpu.memory_space<hbm>>, %arg5: memref<10752xi32, #tpu.memory_space<hbm>>, %arg6: memref<80x128xf32, #tpu.memory_space<hbm>>, %arg7: memref<1x80xi32, #tpu.memory_space<hbm>>, %arg8: memref<2x32x10752xi32, #tpu.memory_space<hbm>>, %arg9: memref<2x32x10752xi32, #tpu.memory_space<hbm>>, %arg10: memref<2x32x16xi32, #tpu.memory_space<hbm>>, %arg11: memref<2x80x128xf32, #tpu.memory_space<hbm>>, %arg12: memref<10240xi32, #tpu.memory_space<vmem>>, %arg13: memref<10240xi32, #tpu.memory_space<vmem>>, %arg14: memref<10752xi32, #tpu.memory_space<vmem>>, %arg15: memref<10752xi32, #tpu.memory_space<vmem>>, %arg16: memref<10752xi32, #tpu.memory_space<vmem>>, %arg17: memref<10752xi32, #tpu.memory_space<vmem>>, %arg18: memref<16xi32, #tpu.memory_space<vmem>>, %arg19: memref<80x128xf32, #tpu.memory_space<vmem>>, %arg20: memref<1x80xi32, #tpu.memory_space<vmem>>, %arg21: memref<80x128xf32, #tpu.memory_space<vmem_shared>>) attributes {dimension_semantics = [#tpu.dimension_semantics<core_parallel>, #tpu.dimension_semantics<subcore_parallel>], iteration_bounds = array<i64: 2, 16>, scalar_prefetch = 0 : i64, scratch_operands = 10 : i64, tpu.core_type = #tpu.core_type<sc_vector_subcore>, window_params = [{transform_indices = #map}, {transform_indices = #map}, {transform_indices = #map}, {transform_indices = #map}, {transform_indices = #map1}, {transform_indices = #map1}, {transform_indices = #map2}, {transform_indices = #map2}, {transform_indices = #map2}, {transform_indices = #map2}]} {
    %mul3A = arith.constant 16 : i32
    %mul3A_0 = arith.muli %arg0, %mul3A : i32
    %add3A = arith.addi %mul3A_0, %arg1 : i32
    %mul3A_1 = arith.constant 10240 : i32
    %mul3A_2 = arith.muli %add3A, %mul3A_1 : i32
    "tpu.region"() ({
      %run_scoped3A_35 = tpu.sem_alloc : memref<!tpu.dma_semaphore, #tpu.memory_space<semaphore_mem>>
      %dma_start3A = tpu.memref_slice %arg2[%mul3A_2] : memref<327680xi32, #tpu.memory_space<hbm>> -> memref<10240xi32, #tpu.memory_space<hbm>>
      %dma_start3A_36 = tpu.memref_slice %arg2[%mul3A_2] : memref<327680xi32, #tpu.memory_space<hbm>> -> memref<10240xi32, #tpu.memory_space<hbm>>
      tpu.enqueue_dma source(%dma_start3A_36 : memref<10240xi32, #tpu.memory_space<hbm>>) target(%arg12 : memref<10240xi32, #tpu.memory_space<vmem>>) target_semaphore(%run_scoped3A_35 : memref<!tpu.dma_semaphore, #tpu.memory_space<semaphore_mem>>)
      %dma_wait3A = tpu.memref_slice %arg2[%mul3A_2] : memref<327680xi32, #tpu.memory_space<hbm>> -> memref<10240xi32, #tpu.memory_space<hbm>>
      %dma_wait3A_37 = tpu.memref_slice %arg2[%mul3A_2] : memref<327680xi32, #tpu.memory_space<hbm>> -> memref<10240xi32, #tpu.memory_space<hbm>>
      tpu.wait_dma2 semaphore(%run_scoped3A_35 : memref<!tpu.dma_semaphore, #tpu.memory_space<semaphore_mem>>) src(%dma_wait3A_37 : memref<10240xi32, #tpu.memory_space<hbm>>) dst(%arg12 : memref<10240xi32, #tpu.memory_space<vmem>>)
      tpu.yield
    }) : () -> ()
    %mul3A_3 = arith.constant 10240 : i32
    %mul3A_4 = arith.muli %add3A, %mul3A_3 : i32
    "tpu.region"() ({
      %run_scoped3A_35 = tpu.sem_alloc : memref<!tpu.dma_semaphore, #tpu.memory_space<semaphore_mem>>
      %dma_start3A = tpu.memref_slice %arg3[%mul3A_4] : memref<327680xi32, #tpu.memory_space<hbm>> -> memref<10240xi32, #tpu.memory_space<hbm>>
      %dma_start3A_36 = tpu.memref_slice %arg3[%mul3A_4] : memref<327680xi32, #tpu.memory_space<hbm>> -> memref<10240xi32, #tpu.memory_space<hbm>>
      tpu.enqueue_dma source(%dma_start3A_36 : memref<10240xi32, #tpu.memory_space<hbm>>) target(%arg13 : memref<10240xi32, #tpu.memory_space<vmem>>) target_semaphore(%run_scoped3A_35 : memref<!tpu.dma_semaphore, #tpu.memory_space<semaphore_mem>>)
      %dma_wait3A = tpu.memref_slice %arg3[%mul3A_4] : memref<327680xi32, #tpu.memory_space<hbm>> -> memref<10240xi32, #tpu.memory_space<hbm>>
      %dma_wait3A_37 = tpu.memref_slice %arg3[%mul3A_4] : memref<327680xi32, #tpu.memory_space<hbm>> -> memref<10240xi32, #tpu.memory_space<hbm>>
      tpu.wait_dma2 semaphore(%run_scoped3A_35 : memref<!tpu.dma_semaphore, #tpu.memory_space<semaphore_mem>>) src(%dma_wait3A_37 : memref<10240xi32, #tpu.memory_space<hbm>>) dst(%arg13 : memref<10240xi32, #tpu.memory_space<vmem>>)
      tpu.yield
    }) : () -> ()
    "tpu.region"() ({
      %run_scoped3A_35 = tpu.sem_alloc : memref<!tpu.dma_semaphore, #tpu.memory_space<semaphore_mem>>
      tpu.enqueue_dma source(%arg4 : memref<10752xi32, #tpu.memory_space<hbm>>) target(%arg14 : memref<10752xi32, #tpu.memory_space<vmem>>) target_semaphore(%run_scoped3A_35 : memref<!tpu.dma_semaphore, #tpu.memory_space<semaphore_mem>>)
      tpu.wait_dma2 semaphore(%run_scoped3A_35 : memref<!tpu.dma_semaphore, #tpu.memory_space<semaphore_mem>>) src(%arg4 : memref<10752xi32, #tpu.memory_space<hbm>>) dst(%arg14 : memref<10752xi32, #tpu.memory_space<vmem>>)
      tpu.yield
    }) : () -> ()
    "tpu.region"() ({
      %run_scoped3A_35 = tpu.sem_alloc : memref<!tpu.dma_semaphore, #tpu.memory_space<semaphore_mem>>
      tpu.enqueue_dma source(%arg4 : memref<10752xi32, #tpu.memory_space<hbm>>) target(%arg16 : memref<10752xi32, #tpu.memory_space<vmem>>) target_semaphore(%run_scoped3A_35 : memref<!tpu.dma_semaphore, #tpu.memory_space<semaphore_mem>>)
      tpu.wait_dma2 semaphore(%run_scoped3A_35 : memref<!tpu.dma_semaphore, #tpu.memory_space<semaphore_mem>>) src(%arg4 : memref<10752xi32, #tpu.memory_space<hbm>>) dst(%arg16 : memref<10752xi32, #tpu.memory_space<vmem>>)
      tpu.yield
    }) : () -> ()
    "tpu.region"() ({
      %run_scoped3A_35 = tpu.sem_alloc : memref<!tpu.dma_semaphore, #tpu.memory_space<semaphore_mem>>
      tpu.enqueue_dma source(%arg5 : memref<10752xi32, #tpu.memory_space<hbm>>) target(%arg15 : memref<10752xi32, #tpu.memory_space<vmem>>) target_semaphore(%run_scoped3A_35 : memref<!tpu.dma_semaphore, #tpu.memory_space<semaphore_mem>>)
      tpu.wait_dma2 semaphore(%run_scoped3A_35 : memref<!tpu.dma_semaphore, #tpu.memory_space<semaphore_mem>>) src(%arg5 : memref<10752xi32, #tpu.memory_space<hbm>>) dst(%arg15 : memref<10752xi32, #tpu.memory_space<vmem>>)
      tpu.yield
    }) : () -> ()
    "tpu.region"() ({
      %run_scoped3A_35 = tpu.sem_alloc : memref<!tpu.dma_semaphore, #tpu.memory_space<semaphore_mem>>
      tpu.enqueue_dma source(%arg5 : memref<10752xi32, #tpu.memory_space<hbm>>) target(%arg17 : memref<10752xi32, #tpu.memory_space<vmem>>) target_semaphore(%run_scoped3A_35 : memref<!tpu.dma_semaphore, #tpu.memory_space<semaphore_mem>>)
      tpu.wait_dma2 semaphore(%run_scoped3A_35 : memref<!tpu.dma_semaphore, #tpu.memory_space<semaphore_mem>>) src(%arg5 : memref<10752xi32, #tpu.memory_space<hbm>>) dst(%arg17 : memref<10752xi32, #tpu.memory_space<vmem>>)
      tpu.yield
    }) : () -> ()
    "tpu.region"() ({
      %run_scoped3A_35 = tpu.sem_alloc : memref<!tpu.dma_semaphore, #tpu.memory_space<semaphore_mem>>
      tpu.enqueue_dma source(%arg6 : memref<80x128xf32, #tpu.memory_space<hbm>>) target(%arg19 : memref<80x128xf32, #tpu.memory_space<vmem>>) target_semaphore(%run_scoped3A_35 : memref<!tpu.dma_semaphore, #tpu.memory_space<semaphore_mem>>)
      tpu.wait_dma2 semaphore(%run_scoped3A_35 : memref<!tpu.dma_semaphore, #tpu.memory_space<semaphore_mem>>) src(%arg6 : memref<80x128xf32, #tpu.memory_space<hbm>>) dst(%arg19 : memref<80x128xf32, #tpu.memory_space<vmem>>)
      tpu.yield
    }) : () -> ()
    "tpu.region"() ({
      %run_scoped3A_35 = tpu.sem_alloc : memref<!tpu.dma_semaphore, #tpu.memory_space<semaphore_mem>>
      tpu.enqueue_dma source(%arg7 : memref<1x80xi32, #tpu.memory_space<hbm>>) target(%arg20 : memref<1x80xi32, #tpu.memory_space<vmem>>) target_semaphore(%run_scoped3A_35 : memref<!tpu.dma_semaphore, #tpu.memory_space<semaphore_mem>>)
      tpu.wait_dma2 semaphore(%run_scoped3A_35 : memref<!tpu.dma_semaphore, #tpu.memory_space<semaphore_mem>>) src(%arg7 : memref<1x80xi32, #tpu.memory_space<hbm>>) dst(%arg20 : memref<1x80xi32, #tpu.memory_space<vmem>>)
      tpu.yield
    }) : () -> ()
    %lt3A = arith.constant 10 : i32
    %lt3A_5 = arith.cmpi slt, %arg1, %lt3A : i32
    %convert_element_type3A = arith.extui %lt3A_5 : i1 to i32
    %cond3A = arith.constant 0 : i32
    %cond3A_6 = arith.cmpi ne, %convert_element_type3A, %cond3A : i32
    scf.if %cond3A_6 {
      %mul3A_35 = arith.constant 8 : i32
      %mul3A_36 = arith.muli %arg1, %mul3A_35 : i32
      %mul3A_37 = arith.constant 8 : i32
      %mul3A_38 = arith.muli %arg1, %mul3A_37 : i32
      "tpu.region"() ({
        %run_scoped3A_39 = tpu.sem_alloc : memref<!tpu.dma_semaphore, #tpu.memory_space<semaphore_mem>>
        %dma_start3A = arith.constant 0 : i32
        %dma_start3A_40 = tpu.memref_slice %arg21[%mul3A_38, %dma_start3A] : memref<80x128xf32, #tpu.memory_space<vmem_shared>> -> memref<8x128xf32, #tpu.memory_space<vmem_shared>>
        %dma_start3A_41 = arith.constant 0 : i32
        %dma_start3A_42 = tpu.memref_slice %arg6[%mul3A_36, %dma_start3A_41] : memref<80x128xf32, #tpu.memory_space<hbm>> -> memref<8x128xf32, #tpu.memory_space<hbm>>
        tpu.enqueue_dma source(%dma_start3A_42 : memref<8x128xf32, #tpu.memory_space<hbm>>) target(%dma_start3A_40 : memref<8x128xf32, #tpu.memory_space<vmem_shared>>) target_semaphore(%run_scoped3A_39 : memref<!tpu.dma_semaphore, #tpu.memory_space<semaphore_mem>>)
        %dma_wait3A = arith.constant 0 : i32
        %dma_wait3A_43 = tpu.memref_slice %arg21[%mul3A_38, %dma_wait3A] : memref<80x128xf32, #tpu.memory_space<vmem_shared>> -> memref<8x128xf32, #tpu.memory_space<vmem_shared>>
        %dma_wait3A_44 = arith.constant 0 : i32
        %dma_wait3A_45 = tpu.memref_slice %arg6[%mul3A_36, %dma_wait3A_44] : memref<80x128xf32, #tpu.memory_space<hbm>> -> memref<8x128xf32, #tpu.memory_space<hbm>>
        tpu.wait_dma2 semaphore(%run_scoped3A_39 : memref<!tpu.dma_semaphore, #tpu.memory_space<semaphore_mem>>) src(%dma_wait3A_45 : memref<8x128xf32, #tpu.memory_space<hbm>>) dst(%dma_wait3A_43 : memref<8x128xf32, #tpu.memory_space<vmem_shared>>)
        tpu.yield
      }) : () -> ()
    } else {
    }
    %barrier3A = arith.constant 0 : index
    tpu.barrier barrier_id(%barrier3A)
    %broadcast_in_dim3A = arith.constant 1.000000e+00 : f32
    %broadcast_in_dim3A_7 = vector.broadcast %broadcast_in_dim3A : f32 to vector<16xf32>
    %scan3A = arith.constant 0 : i32
    %scan3A_8 = arith.constant 0 : i32
    %scan3A_9 = arith.constant 0 : i32
    %scan3A_10 = arith.constant 640 : i32
    %scan3A_11 = arith.addi %scan3A_9, %scan3A_10 : i32
    %scan3A_12 = arith.constant 1 : i32
    %scan3A_13:2 = scf.for %scan3A_35 = %scan3A_9 to %scan3A_11 step %scan3A_12 iter_args(%scan3A_36 = %scan3A, %scan3A_37 = %scan3A_8) -> (i32, i32)  : i32 {
      %mul3A_38 = arith.constant 16 : i32
      %mul3A_39 = arith.muli %scan3A_35, %mul3A_38 : i32
      %get3A = arith.index_cast %mul3A_39 : i32 to index
      %get3A_40 = tpu.vector_load %arg12[%get3A] {strides = array<i32>} : memref<10240xi32, #tpu.memory_space<vmem>>, vector<16xi32>,
      %mul3A_41 = arith.constant 16 : i32
      %mul3A_42 = arith.muli %scan3A_35, %mul3A_41 : i32
      %get3A_43 = arith.index_cast %mul3A_42 : i32 to index
      %get3A_44 = tpu.vector_load %arg13[%get3A_43] {strides = array<i32>} : memref<10240xi32, #tpu.memory_space<vmem>>, vector<16xi32>,
      %shift_right_arithmetic3A = arith.constant 7 : i32
      %shift_right_arithmetic3A_45 = vector.broadcast %shift_right_arithmetic3A : i32 to vector<16xi32>
      %shift_right_arithmetic3A_46 = arith.shrsi %get3A_44, %shift_right_arithmetic3A_45 : vector<16xi32>
      %and3A = arith.constant 127 : i32
      %and3A_47 = vector.broadcast %and3A : i32 to vector<16xi32>
      %and3A_48 = arith.andi %get3A_44, %and3A_47 : vector<16xi32>
      tpu.vector_store_idx %arg19[%shift_right_arithmetic3A_46, %and3A_48], %broadcast_in_dim3A_7 {add = true} : memref<80x128xf32, #tpu.memory_space<vmem>>[vector<16xi32>, vector<16xi32>], vector<16xf32>,
      %lt3A_49 = arith.constant 5120 : i32
      %lt3A_50 = vector.broadcast %lt3A_49 : i32 to vector<16xi32>
      %lt3A_51 = arith.cmpi slt, %get3A_44, %lt3A_50 : vector<16xi32>
      %swap3A_52 = arith.index_cast %scan3A_36 : i32 to index
      %swap3A_53 = tpu.vector_load %arg14[%swap3A_52] masked %lt3A_51 {strides = array<i32>} : memref<10752xi32, #tpu.memory_space<vmem>>, vector<16xi32>, vector<16xi1>
      tpu.vector_store %arg14[%swap3A_52], %get3A_40 masked %lt3A_51 {strides = array<i32>} : memref<10752xi32, #tpu.memory_space<vmem>>, vector<16xi32>, vector<16xi1>
      %swap3A_54 = arith.index_cast %scan3A_36 : i32 to index
      %swap3A_55 = tpu.vector_load %arg15[%swap3A_54] masked %lt3A_51 {strides = array<i32>} : memref<10752xi32, #tpu.memory_space<vmem>>, vector<16xi32>, vector<16xi1>
      tpu.vector_store %arg15[%swap3A_54], %get3A_44 masked %lt3A_51 {strides = array<i32>} : memref<10752xi32, #tpu.memory_space<vmem>>, vector<16xi32>, vector<16xi1>
      %not3A = arith.constant dense<true> : vector<16xi1>
      %not3A_56 = arith.xori %lt3A_51, %not3A : vector<16xi1>
      %swap3A_57 = arith.index_cast %scan3A_37 : i32 to index
      %swap3A_58 = tpu.vector_load %arg16[%swap3A_57] masked %not3A_56 {strides = array<i32>} : memref<10752xi32, #tpu.memory_space<vmem>>, vector<16xi32>, vector<16xi1>
      tpu.vector_store %arg16[%swap3A_57], %get3A_40 masked %not3A_56 {strides = array<i32>} : memref<10752xi32, #tpu.memory_space<vmem>>, vector<16xi32>, vector<16xi1>
      %sub3A = arith.constant 5120 : i32
      %sub3A_59 = vector.broadcast %sub3A : i32 to vector<16xi32>
      %sub3A_60 = arith.subi %get3A_44, %sub3A_59 : vector<16xi32>
      %swap3A_61 = arith.index_cast %scan3A_37 : i32 to index
      %swap3A_62 = tpu.vector_load %arg17[%swap3A_61] masked %not3A_56 {strides = array<i32>} : memref<10752xi32, #tpu.memory_space<vmem>>, vector<16xi32>, vector<16xi1>
      tpu.vector_store %arg17[%swap3A_61], %sub3A_60 masked %not3A_56 {strides = array<i32>} : memref<10752xi32, #tpu.memory_space<vmem>>, vector<16xi32>, vector<16xi1>
      %convert_element_type3A_63 = arith.extui %lt3A_51 : vector<16xi1> to vector<16xi32>
      %reduce_sum3A = arith.constant true
      %reduce_sum3A_64 = vector.broadcast %reduce_sum3A : i1 to vector<16xi1>
      %reduce_sum3A_65 = tpu.scan <sum>, %convert_element_type3A_63 masked %reduce_sum3A_64 : vector<16xi32>, vector<16xi1> -> vector<16xi32>
      %reduce_sum3A_66 = vector.extract %reduce_sum3A_65[15] : i32 from vector<16xi32>
      %add3A_67 = arith.addi %scan3A_36, %reduce_sum3A_66 : i32
      %sub3A_68 = arith.constant 16 : i32
      %sub3A_69 = arith.subi %sub3A_68, %reduce_sum3A_66 : i32
      %add3A_70 = arith.addi %scan3A_37, %sub3A_69 : i32
      scf.yield %add3A_67, %add3A_70 : i32, i32
    }
    %scan3A_14 = arith.constant 640 : i32
    %barrier3A_15 = arith.constant 0 : index
    tpu.barrier barrier_id(%barrier3A_15)
    %run_scoped3A = arith.constant 0 : i32
    "tpu.region"() ({
      %run_scoped3A_35 = tpu.sem_alloc : memref<!tpu.dma_semaphore, #tpu.memory_space<semaphore_mem>>
      %dma_start3A = arith.constant 0 : i32
      %dma_start3A_36 = tpu.memref_slice %arg8[%run_scoped3A, %add3A, %dma_start3A] : memref<2x32x10752xi32, #tpu.memory_space<hbm>> -> memref<1x1x10752xi32, #tpu.memory_space<hbm>>
      %dma_start3A_37 = tpu.memref_squeeze %dma_start3A_36 : memref<1x1x10752xi32, #tpu.memory_space<hbm>> -> memref<10752xi32, #tpu.memory_space<hbm>>
      %dma_start3A_38 = arith.constant 0 : i32
      %dma_start3A_39 = tpu.memref_slice %arg8[%run_scoped3A, %add3A, %dma_start3A_38] : memref<2x32x10752xi32, #tpu.memory_space<hbm>> -> memref<1x1x10752xi32, #tpu.memory_space<hbm>>
      %dma_start3A_40 = tpu.memref_squeeze %dma_start3A_39 : memref<1x1x10752xi32, #tpu.memory_space<hbm>> -> memref<10752xi32, #tpu.memory_space<hbm>>
      tpu.enqueue_dma source(%arg14 : memref<10752xi32, #tpu.memory_space<vmem>>) target(%dma_start3A_40 : memref<10752xi32, #tpu.memory_space<hbm>>) target_semaphore(%run_scoped3A_35 : memref<!tpu.dma_semaphore, #tpu.memory_space<semaphore_mem>>)
      %dma_wait3A = arith.constant 0 : i32
      %dma_wait3A_41 = tpu.memref_slice %arg8[%run_scoped3A, %add3A, %dma_wait3A] : memref<2x32x10752xi32, #tpu.memory_space<hbm>> -> memref<1x1x10752xi32, #tpu.memory_space<hbm>>
      %dma_wait3A_42 = tpu.memref_squeeze %dma_wait3A_41 : memref<1x1x10752xi32, #tpu.memory_space<hbm>> -> memref<10752xi32, #tpu.memory_space<hbm>>
      %dma_wait3A_43 = arith.constant 0 : i32
      %dma_wait3A_44 = tpu.memref_slice %arg8[%run_scoped3A, %add3A, %dma_wait3A_43] : memref<2x32x10752xi32, #tpu.memory_space<hbm>> -> memref<1x1x10752xi32, #tpu.memory_space<hbm>>
      %dma_wait3A_45 = tpu.memref_squeeze %dma_wait3A_44 : memref<1x1x10752xi32, #tpu.memory_space<hbm>> -> memref<10752xi32, #tpu.memory_space<hbm>>
      tpu.wait_dma2 semaphore(%run_scoped3A_35 : memref<!tpu.dma_semaphore, #tpu.memory_space<semaphore_mem>>) src(%arg14 : memref<10752xi32, #tpu.memory_space<vmem>>) dst(%dma_wait3A_45 : memref<10752xi32, #tpu.memory_space<hbm>>)
      tpu.yield
    }) : () -> ()
    %run_scoped3A_16 = arith.constant 0 : i32
    "tpu.region"() ({
      %run_scoped3A_35 = tpu.sem_alloc : memref<!tpu.dma_semaphore, #tpu.memory_space<semaphore_mem>>
      %dma_start3A = arith.constant 0 : i32
      %dma_start3A_36 = tpu.memref_slice %arg9[%run_scoped3A_16, %add3A, %dma_start3A] : memref<2x32x10752xi32, #tpu.memory_space<hbm>> -> memref<1x1x10752xi32, #tpu.memory_space<hbm>>
      %dma_start3A_37 = tpu.memref_squeeze %dma_start3A_36 : memref<1x1x10752xi32, #tpu.memory_space<hbm>> -> memref<10752xi32, #tpu.memory_space<hbm>>
      %dma_start3A_38 = arith.constant 0 : i32
      %dma_start3A_39 = tpu.memref_slice %arg9[%run_scoped3A_16, %add3A, %dma_start3A_38] : memref<2x32x10752xi32, #tpu.memory_space<hbm>> -> memref<1x1x10752xi32, #tpu.memory_space<hbm>>
      %dma_start3A_40 = tpu.memref_squeeze %dma_start3A_39 : memref<1x1x10752xi32, #tpu.memory_space<hbm>> -> memref<10752xi32, #tpu.memory_space<hbm>>
      tpu.enqueue_dma source(%arg15 : memref<10752xi32, #tpu.memory_space<vmem>>) target(%dma_start3A_40 : memref<10752xi32, #tpu.memory_space<hbm>>) target_semaphore(%run_scoped3A_35 : memref<!tpu.dma_semaphore, #tpu.memory_space<semaphore_mem>>)
      %dma_wait3A = arith.constant 0 : i32
      %dma_wait3A_41 = tpu.memref_slice %arg9[%run_scoped3A_16, %add3A, %dma_wait3A] : memref<2x32x10752xi32, #tpu.memory_space<hbm>> -> memref<1x1x10752xi32, #tpu.memory_space<hbm>>
      %dma_wait3A_42 = tpu.memref_squeeze %dma_wait3A_41 : memref<1x1x10752xi32, #tpu.memory_space<hbm>> -> memref<10752xi32, #tpu.memory_space<hbm>>
      %dma_wait3A_43 = arith.constant 0 : i32
      %dma_wait3A_44 = tpu.memref_slice %arg9[%run_scoped3A_16, %add3A, %dma_wait3A_43] : memref<2x32x10752xi32, #tpu.memory_space<hbm>> -> memref<1x1x10752xi32, #tpu.memory_space<hbm>>
      %dma_wait3A_45 = tpu.memref_squeeze %dma_wait3A_44 : memref<1x1x10752xi32, #tpu.memory_space<hbm>> -> memref<10752xi32, #tpu.memory_space<hbm>>
      tpu.wait_dma2 semaphore(%run_scoped3A_35 : memref<!tpu.dma_semaphore, #tpu.memory_space<semaphore_mem>>) src(%arg15 : memref<10752xi32, #tpu.memory_space<vmem>>) dst(%dma_wait3A_45 : memref<10752xi32, #tpu.memory_space<hbm>>)
      tpu.yield
    }) : () -> ()
    %run_scoped3A_17 = arith.constant 1 : i32
    "tpu.region"() ({
      %run_scoped3A_35 = tpu.sem_alloc : memref<!tpu.dma_semaphore, #tpu.memory_space<semaphore_mem>>
      %dma_start3A = arith.constant 0 : i32
      %dma_start3A_36 = tpu.memref_slice %arg8[%run_scoped3A_17, %add3A, %dma_start3A] : memref<2x32x10752xi32, #tpu.memory_space<hbm>> -> memref<1x1x10752xi32, #tpu.memory_space<hbm>>
      %dma_start3A_37 = tpu.memref_squeeze %dma_start3A_36 : memref<1x1x10752xi32, #tpu.memory_space<hbm>> -> memref<10752xi32, #tpu.memory_space<hbm>>
      %dma_start3A_38 = arith.constant 0 : i32
      %dma_start3A_39 = tpu.memref_slice %arg8[%run_scoped3A_17, %add3A, %dma_start3A_38] : memref<2x32x10752xi32, #tpu.memory_space<hbm>> -> memref<1x1x10752xi32, #tpu.memory_space<hbm>>
      %dma_start3A_40 = tpu.memref_squeeze %dma_start3A_39 : memref<1x1x10752xi32, #tpu.memory_space<hbm>> -> memref<10752xi32, #tpu.memory_space<hbm>>
      tpu.enqueue_dma source(%arg16 : memref<10752xi32, #tpu.memory_space<vmem>>) target(%dma_start3A_40 : memref<10752xi32, #tpu.memory_space<hbm>>) target_semaphore(%run_scoped3A_35 : memref<!tpu.dma_semaphore, #tpu.memory_space<semaphore_mem>>)
      %dma_wait3A = arith.constant 0 : i32
      %dma_wait3A_41 = tpu.memref_slice %arg8[%run_scoped3A_17, %add3A, %dma_wait3A] : memref<2x32x10752xi32, #tpu.memory_space<hbm>> -> memref<1x1x10752xi32, #tpu.memory_space<hbm>>
      %dma_wait3A_42 = tpu.memref_squeeze %dma_wait3A_41 : memref<1x1x10752xi32, #tpu.memory_space<hbm>> -> memref<10752xi32, #tpu.memory_space<hbm>>
      %dma_wait3A_43 = arith.constant 0 : i32
      %dma_wait3A_44 = tpu.memref_slice %arg8[%run_scoped3A_17, %add3A, %dma_wait3A_43] : memref<2x32x10752xi32, #tpu.memory_space<hbm>> -> memref<1x1x10752xi32, #tpu.memory_space<hbm>>
      %dma_wait3A_45 = tpu.memref_squeeze %dma_wait3A_44 : memref<1x1x10752xi32, #tpu.memory_space<hbm>> -> memref<10752xi32, #tpu.memory_space<hbm>>
      tpu.wait_dma2 semaphore(%run_scoped3A_35 : memref<!tpu.dma_semaphore, #tpu.memory_space<semaphore_mem>>) src(%arg16 : memref<10752xi32, #tpu.memory_space<vmem>>) dst(%dma_wait3A_45 : memref<10752xi32, #tpu.memory_space<hbm>>)
      tpu.yield
    }) : () -> ()
    %run_scoped3A_18 = arith.constant 1 : i32
    "tpu.region"() ({
      %run_scoped3A_35 = tpu.sem_alloc : memref<!tpu.dma_semaphore, #tpu.memory_space<semaphore_mem>>
      %dma_start3A = arith.constant 0 : i32
      %dma_start3A_36 = tpu.memref_slice %arg9[%run_scoped3A_18, %add3A, %dma_start3A] : memref<2x32x10752xi32, #tpu.memory_space<hbm>> -> memref<1x1x10752xi32, #tpu.memory_space<hbm>>
      %dma_start3A_37 = tpu.memref_squeeze %dma_start3A_36 : memref<1x1x10752xi32, #tpu.memory_space<hbm>> -> memref<10752xi32, #tpu.memory_space<hbm>>
      %dma_start3A_38 = arith.constant 0 : i32
      %dma_start3A_39 = tpu.memref_slice %arg9[%run_scoped3A_18, %add3A, %dma_start3A_38] : memref<2x32x10752xi32, #tpu.memory_space<hbm>> -> memref<1x1x10752xi32, #tpu.memory_space<hbm>>
      %dma_start3A_40 = tpu.memref_squeeze %dma_start3A_39 : memref<1x1x10752xi32, #tpu.memory_space<hbm>> -> memref<10752xi32, #tpu.memory_space<hbm>>
      tpu.enqueue_dma source(%arg17 : memref<10752xi32, #tpu.memory_space<vmem>>) target(%dma_start3A_40 : memref<10752xi32, #tpu.memory_space<hbm>>) target_semaphore(%run_scoped3A_35 : memref<!tpu.dma_semaphore, #tpu.memory_space<semaphore_mem>>)
      %dma_wait3A = arith.constant 0 : i32
      %dma_wait3A_41 = tpu.memref_slice %arg9[%run_scoped3A_18, %add3A, %dma_wait3A] : memref<2x32x10752xi32, #tpu.memory_space<hbm>> -> memref<1x1x10752xi32, #tpu.memory_space<hbm>>
      %dma_wait3A_42 = tpu.memref_squeeze %dma_wait3A_41 : memref<1x1x10752xi32, #tpu.memory_space<hbm>> -> memref<10752xi32, #tpu.memory_space<hbm>>
      %dma_wait3A_43 = arith.constant 0 : i32
      %dma_wait3A_44 = tpu.memref_slice %arg9[%run_scoped3A_18, %add3A, %dma_wait3A_43] : memref<2x32x10752xi32, #tpu.memory_space<hbm>> -> memref<1x1x10752xi32, #tpu.memory_space<hbm>>
      %dma_wait3A_45 = tpu.memref_squeeze %dma_wait3A_44 : memref<1x1x10752xi32, #tpu.memory_space<hbm>> -> memref<10752xi32, #tpu.memory_space<hbm>>
      tpu.wait_dma2 semaphore(%run_scoped3A_35 : memref<!tpu.dma_semaphore, #tpu.memory_space<semaphore_mem>>) src(%arg17 : memref<10752xi32, #tpu.memory_space<vmem>>) dst(%dma_wait3A_45 : memref<10752xi32, #tpu.memory_space<hbm>>)
      tpu.yield
    }) : () -> ()
    %broadcast_in_dim3A_19 = vector.broadcast %scan3A_13#0 : i32 to vector<16xi32>
    %swap3A = arith.constant 0 : index
    %swap3A_20 = tpu.vector_load %arg18[%swap3A] {strides = array<i32>} : memref<16xi32, #tpu.memory_space<vmem>>, vector<16xi32>,
    tpu.vector_store %arg18[%swap3A], %broadcast_in_dim3A_19 {strides = array<i32>} : memref<16xi32, #tpu.memory_space<vmem>>, vector<16xi32>,
    %barrier3A_21 = arith.constant 0 : index
    tpu.barrier barrier_id(%barrier3A_21)
    %run_scoped3A_22 = arith.constant 0 : i32
    "tpu.region"() ({
      %run_scoped3A_35 = tpu.sem_alloc : memref<!tpu.dma_semaphore, #tpu.memory_space<semaphore_mem>>
      %dma_start3A = arith.constant 0 : i32
      %dma_start3A_36 = tpu.memref_slice %arg10[%run_scoped3A_22, %add3A, %dma_start3A] : memref<2x32x16xi32, #tpu.memory_space<hbm>> -> memref<1x1x16xi32, #tpu.memory_space<hbm>>
      %dma_start3A_37 = tpu.memref_squeeze %dma_start3A_36 : memref<1x1x16xi32, #tpu.memory_space<hbm>> -> memref<16xi32, #tpu.memory_space<hbm>>
      %dma_start3A_38 = arith.constant 0 : i32
      %dma_start3A_39 = tpu.memref_slice %arg10[%run_scoped3A_22, %add3A, %dma_start3A_38] : memref<2x32x16xi32, #tpu.memory_space<hbm>> -> memref<1x1x16xi32, #tpu.memory_space<hbm>>
      %dma_start3A_40 = tpu.memref_squeeze %dma_start3A_39 : memref<1x1x16xi32, #tpu.memory_space<hbm>> -> memref<16xi32, #tpu.memory_space<hbm>>
      tpu.enqueue_dma source(%arg18 : memref<16xi32, #tpu.memory_space<vmem>>) target(%dma_start3A_40 : memref<16xi32, #tpu.memory_space<hbm>>) target_semaphore(%run_scoped3A_35 : memref<!tpu.dma_semaphore, #tpu.memory_space<semaphore_mem>>)
      %dma_wait3A = arith.constant 0 : i32
      %dma_wait3A_41 = tpu.memref_slice %arg10[%run_scoped3A_22, %add3A, %dma_wait3A] : memref<2x32x16xi32, #tpu.memory_space<hbm>> -> memref<1x1x16xi32, #tpu.memory_space<hbm>>
      %dma_wait3A_42 = tpu.memref_squeeze %dma_wait3A_41 : memref<1x1x16xi32, #tpu.memory_space<hbm>> -> memref<16xi32, #tpu.memory_space<hbm>>
      %dma_wait3A_43 = arith.constant 0 : i32
      %dma_wait3A_44 = tpu.memref_slice %arg10[%run_scoped3A_22, %add3A, %dma_wait3A_43] : memref<2x32x16xi32, #tpu.memory_space<hbm>> -> memref<1x1x16xi32, #tpu.memory_space<hbm>>
      %dma_wait3A_45 = tpu.memref_squeeze %dma_wait3A_44 : memref<1x1x16xi32, #tpu.memory_space<hbm>> -> memref<16xi32, #tpu.memory_space<hbm>>
      tpu.wait_dma2 semaphore(%run_scoped3A_35 : memref<!tpu.dma_semaphore, #tpu.memory_space<semaphore_mem>>) src(%arg18 : memref<16xi32, #tpu.memory_space<vmem>>) dst(%dma_wait3A_45 : memref<16xi32, #tpu.memory_space<hbm>>)
      tpu.yield
    }) : () -> ()
    %broadcast_in_dim3A_23 = vector.broadcast %scan3A_13#1 : i32 to vector<16xi32>
    %swap3A_24 = arith.constant 0 : index
    %swap3A_25 = tpu.vector_load %arg18[%swap3A_24] {strides = array<i32>} : memref<16xi32, #tpu.memory_space<vmem>>, vector<16xi32>,
    tpu.vector_store %arg18[%swap3A_24], %broadcast_in_dim3A_23 {strides = array<i32>} : memref<16xi32, #tpu.memory_space<vmem>>, vector<16xi32>,
    %barrier3A_26 = arith.constant 0 : index
    tpu.barrier barrier_id(%barrier3A_26)
    %run_scoped3A_27 = arith.constant 1 : i32
    "tpu.region"() ({
      %run_scoped3A_35 = tpu.sem_alloc : memref<!tpu.dma_semaphore, #tpu.memory_space<semaphore_mem>>
      %dma_start3A = arith.constant 0 : i32
      %dma_start3A_36 = tpu.memref_slice %arg10[%run_scoped3A_27, %add3A, %dma_start3A] : memref<2x32x16xi32, #tpu.memory_space<hbm>> -> memref<1x1x16xi32, #tpu.memory_space<hbm>>
      %dma_start3A_37 = tpu.memref_squeeze %dma_start3A_36 : memref<1x1x16xi32, #tpu.memory_space<hbm>> -> memref<16xi32, #tpu.memory_space<hbm>>
      %dma_start3A_38 = arith.constant 0 : i32
      %dma_start3A_39 = tpu.memref_slice %arg10[%run_scoped3A_27, %add3A, %dma_start3A_38] : memref<2x32x16xi32, #tpu.memory_space<hbm>> -> memref<1x1x16xi32, #tpu.memory_space<hbm>>
      %dma_start3A_40 = tpu.memref_squeeze %dma_start3A_39 : memref<1x1x16xi32, #tpu.memory_space<hbm>> -> memref<16xi32, #tpu.memory_space<hbm>>
      tpu.enqueue_dma source(%arg18 : memref<16xi32, #tpu.memory_space<vmem>>) target(%dma_start3A_40 : memref<16xi32, #tpu.memory_space<hbm>>) target_semaphore(%run_scoped3A_35 : memref<!tpu.dma_semaphore, #tpu.memory_space<semaphore_mem>>)
      %dma_wait3A = arith.constant 0 : i32
      %dma_wait3A_41 = tpu.memref_slice %arg10[%run_scoped3A_27, %add3A, %dma_wait3A] : memref<2x32x16xi32, #tpu.memory_space<hbm>> -> memref<1x1x16xi32, #tpu.memory_space<hbm>>
      %dma_wait3A_42 = tpu.memref_squeeze %dma_wait3A_41 : memref<1x1x16xi32, #tpu.memory_space<hbm>> -> memref<16xi32, #tpu.memory_space<hbm>>
      %dma_wait3A_43 = arith.constant 0 : i32
      %dma_wait3A_44 = tpu.memref_slice %arg10[%run_scoped3A_27, %add3A, %dma_wait3A_43] : memref<2x32x16xi32, #tpu.memory_space<hbm>> -> memref<1x1x16xi32, #tpu.memory_space<hbm>>
      %dma_wait3A_45 = tpu.memref_squeeze %dma_wait3A_44 : memref<1x1x16xi32, #tpu.memory_space<hbm>> -> memref<16xi32, #tpu.memory_space<hbm>>
      tpu.wait_dma2 semaphore(%run_scoped3A_35 : memref<!tpu.dma_semaphore, #tpu.memory_space<semaphore_mem>>) src(%arg18 : memref<16xi32, #tpu.memory_space<vmem>>) dst(%dma_wait3A_45 : memref<16xi32, #tpu.memory_space<hbm>>)
      tpu.yield
    }) : () -> ()
    %run_scoped3A_28 = arith.constant 0 : i32
    "tpu.region"() ({
      %run_scoped3A_35 = tpu.sem_alloc : memref<!tpu.dma_semaphore, #tpu.memory_space<semaphore_mem>>
      %dma_start3A = arith.constant 0 : i32
      %dma_start3A_36 = tpu.memref_slice %arg20[%run_scoped3A_28, %dma_start3A] : memref<1x80xi32, #tpu.memory_space<vmem>> -> memref<1x80xi32, #tpu.memory_space<vmem>>
      %dma_start3A_37 = tpu.memref_squeeze %dma_start3A_36 : memref<1x80xi32, #tpu.memory_space<vmem>> -> memref<80xi32, #tpu.memory_space<vmem>>
      %dma_start3A_38 = arith.constant 0 : i32
      %dma_start3A_39 = arith.constant 0 : i32
      %dma_start3A_40 = tpu.memref_slice %arg21[%dma_start3A_38, %dma_start3A_39] : memref<80x128xf32, #tpu.memory_space<vmem_shared>> -> memref<80x128xf32, #tpu.memory_space<vmem_shared>>
      tpu.enqueue_indirect_dma source(%arg19 : memref<80x128xf32, #tpu.memory_space<vmem>>) target(%dma_start3A_40 : memref<80x128xf32, #tpu.memory_space<vmem_shared>>) offsets(%dma_start3A_37 : memref<80xi32, #tpu.memory_space<vmem>>) semaphore(%run_scoped3A_35 : memref<!tpu.dma_semaphore, #tpu.memory_space<semaphore_mem>>) {add = true}
      %dma_wait3A = arith.constant 0 : i32
      %dma_wait3A_41 = tpu.memref_slice %arg20[%run_scoped3A_28, %dma_wait3A] : memref<1x80xi32, #tpu.memory_space<vmem>> -> memref<1x80xi32, #tpu.memory_space<vmem>>
      %dma_wait3A_42 = tpu.memref_squeeze %dma_wait3A_41 : memref<1x80xi32, #tpu.memory_space<vmem>> -> memref<80xi32, #tpu.memory_space<vmem>>
      %dma_wait3A_43 = arith.constant 0 : i32
      %dma_wait3A_44 = arith.constant 0 : i32
      %dma_wait3A_45 = tpu.memref_slice %arg21[%dma_wait3A_43, %dma_wait3A_44] : memref<80x128xf32, #tpu.memory_space<vmem_shared>> -> memref<80x128xf32, #tpu.memory_space<vmem_shared>>
      tpu.wait_indirect_dma semaphore(%run_scoped3A_35 : memref<!tpu.dma_semaphore, #tpu.memory_space<semaphore_mem>>) src(%arg19 : memref<80x128xf32, #tpu.memory_space<vmem>>) dst(%dma_wait3A_45 : memref<80x128xf32, #tpu.memory_space<vmem_shared>>)
      tpu.yield
    }) : () -> ()
    %barrier3A_29 = arith.constant 0 : index
    tpu.barrier barrier_id(%barrier3A_29)
    %lt3A_30 = arith.constant 10 : i32
    %lt3A_31 = arith.cmpi slt, %arg1, %lt3A_30 : i32
    %convert_element_type3A_32 = arith.extui %lt3A_31 : i1 to i32
    %cond3A_33 = arith.constant 0 : i32
    %cond3A_34 = arith.cmpi ne, %convert_element_type3A_32, %cond3A_33 : i32
    scf.if %cond3A_34 {
      %mul3A_35 = arith.constant 8 : i32
      %mul3A_36 = arith.muli %arg1, %mul3A_35 : i32
      %mul3A_37 = arith.constant 8 : i32
      %mul3A_38 = arith.muli %arg1, %mul3A_37 : i32
      "tpu.region"() ({
        %run_scoped3A_39 = tpu.sem_alloc : memref<!tpu.dma_semaphore, #tpu.memory_space<semaphore_mem>>
        %dma_start3A = arith.constant 0 : i32
        %dma_start3A_40 = tpu.memref_slice %arg11[%arg0, %mul3A_38, %dma_start3A] : memref<2x80x128xf32, #tpu.memory_space<hbm>> -> memref<1x8x128xf32, #tpu.memory_space<hbm>>
        %dma_start3A_41 = tpu.memref_squeeze %dma_start3A_40 : memref<1x8x128xf32, #tpu.memory_space<hbm>> -> memref<8x128xf32, #tpu.memory_space<hbm>>
        %dma_start3A_42 = arith.constant 0 : i32
        %dma_start3A_43 = tpu.memref_slice %arg21[%mul3A_36, %dma_start3A_42] : memref<80x128xf32, #tpu.memory_space<vmem_shared>> -> memref<8x128xf32, #tpu.memory_space<vmem_shared>>
        tpu.enqueue_dma source(%dma_start3A_43 : memref<8x128xf32, #tpu.memory_space<vmem_shared>>) target(%dma_start3A_41 : memref<8x128xf32, #tpu.memory_space<hbm>>) target_semaphore(%run_scoped3A_39 : memref<!tpu.dma_semaphore, #tpu.memory_space<semaphore_mem>>)
        %dma_wait3A = arith.constant 0 : i32
        %dma_wait3A_44 = tpu.memref_slice %arg11[%arg0, %mul3A_38, %dma_wait3A] : memref<2x80x128xf32, #tpu.memory_space<hbm>> -> memref<1x8x128xf32, #tpu.memory_space<hbm>>
        %dma_wait3A_45 = tpu.memref_squeeze %dma_wait3A_44 : memref<1x8x128xf32, #tpu.memory_space<hbm>> -> memref<8x128xf32, #tpu.memory_space<hbm>>
        %dma_wait3A_46 = arith.constant 0 : i32
        %dma_wait3A_47 = tpu.memref_slice %arg21[%mul3A_36, %dma_wait3A_46] : memref<80x128xf32, #tpu.memory_space<vmem_shared>> -> memref<8x128xf32, #tpu.memory_space<vmem_shared>>
        tpu.wait_dma2 semaphore(%run_scoped3A_39 : memref<!tpu.dma_semaphore, #tpu.memory_space<semaphore_mem>>) src(%dma_wait3A_47 : memref<8x128xf32, #tpu.memory_space<vmem_shared>>) dst(%dma_wait3A_45 : memref<8x128xf32, #tpu.memory_space<hbm>>)
        tpu.yield
      }) : () -> ()
    } else {
    }
    return
  }
}

#map = affine_map<(d0, d1) -> (0, 0)>
#map1 = affine_map<(d0, d1) -> (0, 0, 0, 0)>
#map2 = affine_map<(d0, d1) -> (0, 0, 0)>
module attributes {stable_mosaic.version = 14 : i64} {
  func.func @_sc_aggregate(%arg0: i32, %arg1: i32, %arg2: memref<10240x128xf32, #tpu.memory_space<hbm>>, %arg3: memref<2x32x84x128xi32, #tpu.memory_space<hbm>>, %arg4: memref<2x32x84x128xi32, #tpu.memory_space<hbm>>, %arg5: memref<2x32x16xi32, #tpu.memory_space<hbm>>, %arg6: memref<5120x128xf32, #tpu.memory_space<hbm>>, %arg7: memref<2x5120x128xf32, #tpu.memory_space<hbm>>, %arg8: memref<84x128xi32, #tpu.memory_space<vmem>>, %arg9: memref<84x128xi32, #tpu.memory_space<vmem>>, %arg10: memref<16xi32, #tpu.memory_space<vmem>>, %arg11: memref<128x128xf32, #tpu.memory_space<vmem>>, %arg12: memref<128x128xf32, #tpu.memory_space<vmem>>, %arg13: memref<128x128xf32, #tpu.memory_space<vmem>>, %arg14: memref<5128x128xf32, #tpu.memory_space<vmem_shared>>, %arg15: memref<!tpu.dma_semaphore, #tpu.memory_space<semaphore_mem>>, %arg16: memref<!tpu.dma_semaphore, #tpu.memory_space<semaphore_mem>>, %arg17: memref<!tpu.dma_semaphore, #tpu.memory_space<semaphore_mem>>, %arg18: memref<!tpu.dma_semaphore, #tpu.memory_space<semaphore_mem>>, %arg19: memref<!tpu.dma_semaphore, #tpu.memory_space<semaphore_mem>>, %arg20: memref<!tpu.dma_semaphore, #tpu.memory_space<semaphore_mem>>) attributes {dimension_semantics = [#tpu.dimension_semantics<core_parallel>, #tpu.dimension_semantics<subcore_parallel>], iteration_bounds = array<i64: 2, 16>, scalar_prefetch = 0 : i64, scratch_operands = 13 : i64, tpu.core_type = #tpu.core_type<sc_vector_subcore>, window_params = [{transform_indices = #map}, {transform_indices = #map1}, {transform_indices = #map1}, {transform_indices = #map2}, {transform_indices = #map}, {transform_indices = #map2}]} {
    %mul3A = arith.constant 320 : i32
    %mul3A_0 = arith.muli %arg1, %mul3A : i32
    "tpu.region"() ({
      %run_scoped3A = tpu.sem_alloc : memref<!tpu.dma_semaphore, #tpu.memory_space<semaphore_mem>>
      %dma_start3A_284 = arith.constant 0 : i32
      %dma_start3A_285 = tpu.memref_slice %arg14[%mul3A_0, %dma_start3A_284] : memref<5128x128xf32, #tpu.memory_space<vmem_shared>> -> memref<320x128xf32, #tpu.memory_space<vmem_shared>>
      %dma_start3A_286 = arith.constant 0 : i32
      %dma_start3A_287 = tpu.memref_slice %arg6[%mul3A_0, %dma_start3A_286] : memref<5120x128xf32, #tpu.memory_space<hbm>> -> memref<320x128xf32, #tpu.memory_space<hbm>>
      tpu.enqueue_dma source(%dma_start3A_287 : memref<320x128xf32, #tpu.memory_space<hbm>>) target(%dma_start3A_285 : memref<320x128xf32, #tpu.memory_space<vmem_shared>>) target_semaphore(%run_scoped3A : memref<!tpu.dma_semaphore, #tpu.memory_space<semaphore_mem>>)
      %dma_wait3A_288 = arith.constant 0 : i32
      %dma_wait3A_289 = tpu.memref_slice %arg14[%mul3A_0, %dma_wait3A_288] : memref<5128x128xf32, #tpu.memory_space<vmem_shared>> -> memref<320x128xf32, #tpu.memory_space<vmem_shared>>
      %dma_wait3A_290 = arith.constant 0 : i32
      %dma_wait3A_291 = tpu.memref_slice %arg6[%mul3A_0, %dma_wait3A_290] : memref<5120x128xf32, #tpu.memory_space<hbm>> -> memref<320x128xf32, #tpu.memory_space<hbm>>
      tpu.wait_dma2 semaphore(%run_scoped3A : memref<!tpu.dma_semaphore, #tpu.memory_space<semaphore_mem>>) src(%dma_wait3A_291 : memref<320x128xf32, #tpu.memory_space<hbm>>) dst(%dma_wait3A_289 : memref<320x128xf32, #tpu.memory_space<vmem_shared>>)
      tpu.yield
    }) : () -> ()
    %barrier3A = arith.constant 0 : index
    tpu.barrier barrier_id(%barrier3A)
    %mul3A_1 = arith.constant 2 : i32
    %mul3A_2 = arith.muli %mul3A_1, %arg1 : i32
    "tpu.region"() ({
      %run_scoped3A = tpu.sem_alloc : memref<!tpu.dma_semaphore, #tpu.memory_space<semaphore_mem>>
      %dma_start3A_284 = arith.constant 0 : i32
      %dma_start3A_285 = arith.constant 0 : i32
      %dma_start3A_286 = tpu.memref_slice %arg3[%arg0, %mul3A_2, %dma_start3A_284, %dma_start3A_285] : memref<2x32x84x128xi32, #tpu.memory_space<hbm>> -> memref<1x1x84x128xi32, #tpu.memory_space<hbm>>
      %dma_start3A_287 = tpu.memref_squeeze %dma_start3A_286 : memref<1x1x84x128xi32, #tpu.memory_space<hbm>> -> memref<84x128xi32, #tpu.memory_space<hbm>>
      %dma_start3A_288 = arith.constant 0 : i32
      %dma_start3A_289 = arith.constant 0 : i32
      %dma_start3A_290 = tpu.memref_slice %arg3[%arg0, %mul3A_2, %dma_start3A_288, %dma_start3A_289] : memref<2x32x84x128xi32, #tpu.memory_space<hbm>> -> memref<1x1x84x128xi32, #tpu.memory_space<hbm>>
      %dma_start3A_291 = tpu.memref_squeeze %dma_start3A_290 : memref<1x1x84x128xi32, #tpu.memory_space<hbm>> -> memref<84x128xi32, #tpu.memory_space<hbm>>
      tpu.enqueue_dma source(%dma_start3A_291 : memref<84x128xi32, #tpu.memory_space<hbm>>) target(%arg8 : memref<84x128xi32, #tpu.memory_space<vmem>>) target_semaphore(%run_scoped3A : memref<!tpu.dma_semaphore, #tpu.memory_space<semaphore_mem>>)
      %dma_wait3A_292 = arith.constant 0 : i32
      %dma_wait3A_293 = arith.constant 0 : i32
      %dma_wait3A_294 = tpu.memref_slice %arg3[%arg0, %mul3A_2, %dma_wait3A_292, %dma_wait3A_293] : memref<2x32x84x128xi32, #tpu.memory_space<hbm>> -> memref<1x1x84x128xi32, #tpu.memory_space<hbm>>
      %dma_wait3A_295 = tpu.memref_squeeze %dma_wait3A_294 : memref<1x1x84x128xi32, #tpu.memory_space<hbm>> -> memref<84x128xi32, #tpu.memory_space<hbm>>
      %dma_wait3A_296 = arith.constant 0 : i32
      %dma_wait3A_297 = arith.constant 0 : i32
      %dma_wait3A_298 = tpu.memref_slice %arg3[%arg0, %mul3A_2, %dma_wait3A_296, %dma_wait3A_297] : memref<2x32x84x128xi32, #tpu.memory_space<hbm>> -> memref<1x1x84x128xi32, #tpu.memory_space<hbm>>
      %dma_wait3A_299 = tpu.memref_squeeze %dma_wait3A_298 : memref<1x1x84x128xi32, #tpu.memory_space<hbm>> -> memref<84x128xi32, #tpu.memory_space<hbm>>
      tpu.wait_dma2 semaphore(%run_scoped3A : memref<!tpu.dma_semaphore, #tpu.memory_space<semaphore_mem>>) src(%dma_wait3A_299 : memref<84x128xi32, #tpu.memory_space<hbm>>) dst(%arg8 : memref<84x128xi32, #tpu.memory_space<vmem>>)
      tpu.yield
    }) : () -> ()
    "tpu.region"() ({
      %run_scoped3A = tpu.sem_alloc : memref<!tpu.dma_semaphore, #tpu.memory_space<semaphore_mem>>
      %dma_start3A_284 = arith.constant 0 : i32
      %dma_start3A_285 = arith.constant 0 : i32
      %dma_start3A_286 = tpu.memref_slice %arg4[%arg0, %mul3A_2, %dma_start3A_284, %dma_start3A_285] : memref<2x32x84x128xi32, #tpu.memory_space<hbm>> -> memref<1x1x84x128xi32, #tpu.memory_space<hbm>>
      %dma_start3A_287 = tpu.memref_squeeze %dma_start3A_286 : memref<1x1x84x128xi32, #tpu.memory_space<hbm>> -> memref<84x128xi32, #tpu.memory_space<hbm>>
      %dma_start3A_288 = arith.constant 0 : i32
      %dma_start3A_289 = arith.constant 0 : i32
      %dma_start3A_290 = tpu.memref_slice %arg4[%arg0, %mul3A_2, %dma_start3A_288, %dma_start3A_289] : memref<2x32x84x128xi32, #tpu.memory_space<hbm>> -> memref<1x1x84x128xi32, #tpu.memory_space<hbm>>
      %dma_start3A_291 = tpu.memref_squeeze %dma_start3A_290 : memref<1x1x84x128xi32, #tpu.memory_space<hbm>> -> memref<84x128xi32, #tpu.memory_space<hbm>>
      tpu.enqueue_dma source(%dma_start3A_291 : memref<84x128xi32, #tpu.memory_space<hbm>>) target(%arg9 : memref<84x128xi32, #tpu.memory_space<vmem>>) target_semaphore(%run_scoped3A : memref<!tpu.dma_semaphore, #tpu.memory_space<semaphore_mem>>)
      %dma_wait3A_292 = arith.constant 0 : i32
      %dma_wait3A_293 = arith.constant 0 : i32
      %dma_wait3A_294 = tpu.memref_slice %arg4[%arg0, %mul3A_2, %dma_wait3A_292, %dma_wait3A_293] : memref<2x32x84x128xi32, #tpu.memory_space<hbm>> -> memref<1x1x84x128xi32, #tpu.memory_space<hbm>>
      %dma_wait3A_295 = tpu.memref_squeeze %dma_wait3A_294 : memref<1x1x84x128xi32, #tpu.memory_space<hbm>> -> memref<84x128xi32, #tpu.memory_space<hbm>>
      %dma_wait3A_296 = arith.constant 0 : i32
      %dma_wait3A_297 = arith.constant 0 : i32
      %dma_wait3A_298 = tpu.memref_slice %arg4[%arg0, %mul3A_2, %dma_wait3A_296, %dma_wait3A_297] : memref<2x32x84x128xi32, #tpu.memory_space<hbm>> -> memref<1x1x84x128xi32, #tpu.memory_space<hbm>>
      %dma_wait3A_299 = tpu.memref_squeeze %dma_wait3A_298 : memref<1x1x84x128xi32, #tpu.memory_space<hbm>> -> memref<84x128xi32, #tpu.memory_space<hbm>>
      tpu.wait_dma2 semaphore(%run_scoped3A : memref<!tpu.dma_semaphore, #tpu.memory_space<semaphore_mem>>) src(%dma_wait3A_299 : memref<84x128xi32, #tpu.memory_space<hbm>>) dst(%arg9 : memref<84x128xi32, #tpu.memory_space<vmem>>)
      tpu.yield
    }) : () -> ()
    "tpu.region"() ({
      %run_scoped3A = tpu.sem_alloc : memref<!tpu.dma_semaphore, #tpu.memory_space<semaphore_mem>>
      %dma_start3A_284 = arith.constant 0 : i32
      %dma_start3A_285 = tpu.memref_slice %arg5[%arg0, %mul3A_2, %dma_start3A_284] : memref<2x32x16xi32, #tpu.memory_space<hbm>> -> memref<1x1x16xi32, #tpu.memory_space<hbm>>
      %dma_start3A_286 = tpu.memref_squeeze %dma_start3A_285 : memref<1x1x16xi32, #tpu.memory_space<hbm>> -> memref<16xi32, #tpu.memory_space<hbm>>
      %dma_start3A_287 = arith.constant 0 : i32
      %dma_start3A_288 = tpu.memref_slice %arg5[%arg0, %mul3A_2, %dma_start3A_287] : memref<2x32x16xi32, #tpu.memory_space<hbm>> -> memref<1x1x16xi32, #tpu.memory_space<hbm>>
      %dma_start3A_289 = tpu.memref_squeeze %dma_start3A_288 : memref<1x1x16xi32, #tpu.memory_space<hbm>> -> memref<16xi32, #tpu.memory_space<hbm>>
      tpu.enqueue_dma source(%dma_start3A_289 : memref<16xi32, #tpu.memory_space<hbm>>) target(%arg10 : memref<16xi32, #tpu.memory_space<vmem>>) target_semaphore(%run_scoped3A : memref<!tpu.dma_semaphore, #tpu.memory_space<semaphore_mem>>)
      %dma_wait3A_290 = arith.constant 0 : i32
      %dma_wait3A_291 = tpu.memref_slice %arg5[%arg0, %mul3A_2, %dma_wait3A_290] : memref<2x32x16xi32, #tpu.memory_space<hbm>> -> memref<1x1x16xi32, #tpu.memory_space<hbm>>
      %dma_wait3A_292 = tpu.memref_squeeze %dma_wait3A_291 : memref<1x1x16xi32, #tpu.memory_space<hbm>> -> memref<16xi32, #tpu.memory_space<hbm>>
      %dma_wait3A_293 = arith.constant 0 : i32
      %dma_wait3A_294 = tpu.memref_slice %arg5[%arg0, %mul3A_2, %dma_wait3A_293] : memref<2x32x16xi32, #tpu.memory_space<hbm>> -> memref<1x1x16xi32, #tpu.memory_space<hbm>>
      %dma_wait3A_295 = tpu.memref_squeeze %dma_wait3A_294 : memref<1x1x16xi32, #tpu.memory_space<hbm>> -> memref<16xi32, #tpu.memory_space<hbm>>
      tpu.wait_dma2 semaphore(%run_scoped3A : memref<!tpu.dma_semaphore, #tpu.memory_space<semaphore_mem>>) src(%dma_wait3A_295 : memref<16xi32, #tpu.memory_space<hbm>>) dst(%arg10 : memref<16xi32, #tpu.memory_space<vmem>>)
      tpu.yield
    }) : () -> ()
    %get3A = arith.constant 0 : index
    %get3A_3 = tpu.vector_load %arg10[%get3A] {strides = array<i32>} : memref<16xi32, #tpu.memory_space<vmem>>, vector<16xi32>,
    %reduce_max3A = arith.constant true
    %reduce_max3A_4 = vector.broadcast %reduce_max3A : i1 to vector<16xi1>
    %reduce_max3A_5 = arith.constant -2147483648 : i32
    %reduce_max3A_6 = vector.broadcast %reduce_max3A_5 : i32 to vector<16xi32>
    %reduce_max3A_7 = arith.xori %get3A_3, %reduce_max3A_6 : vector<16xi32>
    %reduce_max3A_8 = tpu.scan <max>, %reduce_max3A_7 masked %reduce_max3A_4 : vector<16xi32>, vector<16xi1> -> vector<16xi32>
    %reduce_max3A_9 = arith.xori %reduce_max3A_8, %reduce_max3A_6 : vector<16xi32>
    %reduce_max3A_10 = vector.extract %reduce_max3A_9[15] : i32 from vector<16xi32>
    %add3A = arith.constant 127 : i32
    %add3A_11 = arith.addi %reduce_max3A_10, %add3A : i32
    %jit3A = arith.constant 128 : i32
    %div3A = arith.divsi %add3A_11, %jit3A : i32
    %sign3A = arith.constant 0 : i32
    %sign3A_12 = arith.cmpi sgt, %add3A_11, %sign3A : i32
    %sign3A_13 = arith.extui %sign3A_12 : i1 to i32
    %sign3A_14 = arith.constant 0 : i32
    %sign3A_15 = arith.cmpi slt, %add3A_11, %sign3A_14 : i32
    %sign3A_16 = arith.extui %sign3A_15 : i1 to i32
    %sign3A_17 = arith.subi %sign3A_13, %sign3A_16 : i32
    %sign3A_18 = arith.constant 0 : i32
    %sign3A_19 = arith.cmpi sgt, %jit3A, %sign3A_18 : i32
    %sign3A_20 = arith.extui %sign3A_19 : i1 to i32
    %sign3A_21 = arith.constant 0 : i32
    %sign3A_22 = arith.cmpi slt, %jit3A, %sign3A_21 : i32
    %sign3A_23 = arith.extui %sign3A_22 : i1 to i32
    %sign3A_24 = arith.subi %sign3A_20, %sign3A_23 : i32
    %ne3A = arith.cmpi ne, %sign3A_17, %sign3A_24 : i32
    %rem3A = arith.remsi %add3A_11, %jit3A : i32
    %ne3A_25 = arith.constant 0 : i32
    %ne3A_26 = arith.cmpi ne, %rem3A, %ne3A_25 : i32
    %and3A = arith.andi %ne3A, %ne3A_26 : i1
    %sub3A = arith.constant 1 : i32
    %sub3A_27 = arith.subi %div3A, %sub3A : i32
    %select_n3A = arith.select %and3A, %sub3A_27, %div3A : i32
    %add3A_28 = arith.constant 2 : i32
    %add3A_29 = arith.addi %select_n3A, %add3A_28 : i32
    %jit3A_30 = arith.constant 3 : i32
    %div3A_31 = arith.divsi %add3A_29, %jit3A_30 : i32
    %sign3A_32 = arith.constant 0 : i32
    %sign3A_33 = arith.cmpi sgt, %add3A_29, %sign3A_32 : i32
    %sign3A_34 = arith.extui %sign3A_33 : i1 to i32
    %sign3A_35 = arith.constant 0 : i32
    %sign3A_36 = arith.cmpi slt, %add3A_29, %sign3A_35 : i32
    %sign3A_37 = arith.extui %sign3A_36 : i1 to i32
    %sign3A_38 = arith.subi %sign3A_34, %sign3A_37 : i32
    %sign3A_39 = arith.constant 0 : i32
    %sign3A_40 = arith.cmpi sgt, %jit3A_30, %sign3A_39 : i32
    %sign3A_41 = arith.extui %sign3A_40 : i1 to i32
    %sign3A_42 = arith.constant 0 : i32
    %sign3A_43 = arith.cmpi slt, %jit3A_30, %sign3A_42 : i32
    %sign3A_44 = arith.extui %sign3A_43 : i1 to i32
    %sign3A_45 = arith.subi %sign3A_41, %sign3A_44 : i32
    %ne3A_46 = arith.cmpi ne, %sign3A_38, %sign3A_45 : i32
    %rem3A_47 = arith.remsi %add3A_29, %jit3A_30 : i32
    %ne3A_48 = arith.constant 0 : i32
    %ne3A_49 = arith.cmpi ne, %rem3A_47, %ne3A_48 : i32
    %and3A_50 = arith.andi %ne3A_46, %ne3A_49 : i1
    %sub3A_51 = arith.constant 1 : i32
    %sub3A_52 = arith.subi %div3A_31, %sub3A_51 : i32
    %select_n3A_53 = arith.select %and3A_50, %sub3A_52, %div3A_31 : i32
    %mul3A_54 = arith.constant 3 : i32
    %mul3A_55 = arith.muli %select_n3A_53, %mul3A_54 : i32
    %max3A = arith.constant 3 : i32
    %max3A_56 = arith.maxsi %mul3A_55, %max3A : i32
    %min3A = arith.constant 84 : i32
    %min3A_57 = arith.minsi %max3A_56, %min3A : i32
    %dma_start3A = arith.constant 0 : i32
    %dma_start3A_58 = arith.constant 0 : i32
    %dma_start3A_59 = tpu.memref_slice %arg8[%dma_start3A, %dma_start3A_58] : memref<84x128xi32, #tpu.memory_space<vmem>> -> memref<1x128xi32, #tpu.memory_space<vmem>>
    %dma_start3A_60 = tpu.memref_squeeze %dma_start3A_59 : memref<1x128xi32, #tpu.memory_space<vmem>> -> memref<128xi32, #tpu.memory_space<vmem>>
    %dma_start3A_61 = arith.constant 0 : i32
    %dma_start3A_62 = arith.constant 0 : i32
    %dma_start3A_63 = tpu.memref_slice %arg2[%dma_start3A_61, %dma_start3A_62] : memref<10240x128xf32, #tpu.memory_space<hbm>> -> memref<10240x128xf32, #tpu.memory_space<hbm>>
    tpu.enqueue_indirect_dma source(%dma_start3A_63 : memref<10240x128xf32, #tpu.memory_space<hbm>>) target(%arg11 : memref<128x128xf32, #tpu.memory_space<vmem>>) offsets(%dma_start3A_60 : memref<128xi32, #tpu.memory_space<vmem>>) semaphore(%arg15 : memref<!tpu.dma_semaphore, #tpu.memory_space<semaphore_mem>>)
    %dma_start3A_64 = arith.constant 1 : i32
    %dma_start3A_65 = arith.constant 0 : i32
    %dma_start3A_66 = tpu.memref_slice %arg8[%dma_start3A_64, %dma_start3A_65] : memref<84x128xi32, #tpu.memory_space<vmem>> -> memref<1x128xi32, #tpu.memory_space<vmem>>
    %dma_start3A_67 = tpu.memref_squeeze %dma_start3A_66 : memref<1x128xi32, #tpu.memory_space<vmem>> -> memref<128xi32, #tpu.memory_space<vmem>>
    %dma_start3A_68 = arith.constant 0 : i32
    %dma_start3A_69 = arith.constant 0 : i32
    %dma_start3A_70 = tpu.memref_slice %arg2[%dma_start3A_68, %dma_start3A_69] : memref<10240x128xf32, #tpu.memory_space<hbm>> -> memref<10240x128xf32, #tpu.memory_space<hbm>>
    tpu.enqueue_indirect_dma source(%dma_start3A_70 : memref<10240x128xf32, #tpu.memory_space<hbm>>) target(%arg12 : memref<128x128xf32, #tpu.memory_space<vmem>>) offsets(%dma_start3A_67 : memref<128xi32, #tpu.memory_space<vmem>>) semaphore(%arg16 : memref<!tpu.dma_semaphore, #tpu.memory_space<semaphore_mem>>)
    %dma_start3A_71 = arith.constant 2 : i32
    %dma_start3A_72 = arith.constant 0 : i32
    %dma_start3A_73 = tpu.memref_slice %arg8[%dma_start3A_71, %dma_start3A_72] : memref<84x128xi32, #tpu.memory_space<vmem>> -> memref<1x128xi32, #tpu.memory_space<vmem>>
    %dma_start3A_74 = tpu.memref_squeeze %dma_start3A_73 : memref<1x128xi32, #tpu.memory_space<vmem>> -> memref<128xi32, #tpu.memory_space<vmem>>
    %dma_start3A_75 = arith.constant 0 : i32
    %dma_start3A_76 = arith.constant 0 : i32
    %dma_start3A_77 = tpu.memref_slice %arg2[%dma_start3A_75, %dma_start3A_76] : memref<10240x128xf32, #tpu.memory_space<hbm>> -> memref<10240x128xf32, #tpu.memory_space<hbm>>
    tpu.enqueue_indirect_dma source(%dma_start3A_77 : memref<10240x128xf32, #tpu.memory_space<hbm>>) target(%arg13 : memref<128x128xf32, #tpu.memory_space<vmem>>) offsets(%dma_start3A_74 : memref<128xi32, #tpu.memory_space<vmem>>) semaphore(%arg17 : memref<!tpu.dma_semaphore, #tpu.memory_space<semaphore_mem>>)
    %jit3A_78 = arith.constant 3 : i32
    %div3A_79 = arith.divsi %min3A_57, %jit3A_78 : i32
    %sign3A_80 = arith.constant 0 : i32
    %sign3A_81 = arith.cmpi sgt, %min3A_57, %sign3A_80 : i32
    %sign3A_82 = arith.extui %sign3A_81 : i1 to i32
    %sign3A_83 = arith.constant 0 : i32
    %sign3A_84 = arith.cmpi slt, %min3A_57, %sign3A_83 : i32
    %sign3A_85 = arith.extui %sign3A_84 : i1 to i32
    %sign3A_86 = arith.subi %sign3A_82, %sign3A_85 : i32
    %sign3A_87 = arith.constant 0 : i32
    %sign3A_88 = arith.cmpi sgt, %jit3A_78, %sign3A_87 : i32
    %sign3A_89 = arith.extui %sign3A_88 : i1 to i32
    %sign3A_90 = arith.constant 0 : i32
    %sign3A_91 = arith.cmpi slt, %jit3A_78, %sign3A_90 : i32
    %sign3A_92 = arith.extui %sign3A_91 : i1 to i32
    %sign3A_93 = arith.subi %sign3A_89, %sign3A_92 : i32
    %ne3A_94 = arith.cmpi ne, %sign3A_86, %sign3A_93 : i32
    %rem3A_95 = arith.remsi %min3A_57, %jit3A_78 : i32
    %ne3A_96 = arith.constant 0 : i32
    %ne3A_97 = arith.cmpi ne, %rem3A_95, %ne3A_96 : i32
    %and3A_98 = arith.andi %ne3A_94, %ne3A_97 : i1
    %sub3A_99 = arith.constant 1 : i32
    %sub3A_100 = arith.subi %div3A_79, %sub3A_99 : i32
    %select_n3A_101 = arith.select %and3A_98, %sub3A_100, %div3A_79 : i32
    %while3A = arith.constant 0 : i32
    %while3A_102 = arith.constant 0 : i32
    %while3A_103 = arith.subi %select_n3A_101, %while3A : i32
    %while3A_104 = arith.addi %while3A, %while3A_103 : i32
    %while3A_105 = arith.constant 1 : i32
    %while3A_106 = arith.divsi %while3A_103, %while3A_105 : i32
    %while3A_107 = arith.muli %while3A_106, %while3A_105 : i32
    %while3A_108 = arith.addi %while3A, %while3A_107 : i32
    %while3A_109 = arith.constant 1 : i32
    %while3A_110 = scf.for %while3A_284 = %while3A to %while3A_108 step %while3A_109 iter_args(%while3A_285 = %while3A_102) -> (i32)  : i32 {
      %mul3A_286 = arith.constant 3 : i32
      %mul3A_287 = arith.muli %mul3A_286, %while3A_284 : i32
      %add3A_288 = arith.constant 0 : i32
      %add3A_289 = arith.addi %mul3A_287, %add3A_288 : i32
      %dma_wait3A_290 = arith.constant 0 : i32
      %dma_wait3A_291 = tpu.memref_slice %arg8[%add3A_289, %dma_wait3A_290] : memref<84x128xi32, #tpu.memory_space<vmem>> -> memref<1x128xi32, #tpu.memory_space<vmem>>
      %dma_wait3A_292 = tpu.memref_squeeze %dma_wait3A_291 : memref<1x128xi32, #tpu.memory_space<vmem>> -> memref<128xi32, #tpu.memory_space<vmem>>
      %dma_wait3A_293 = arith.constant 0 : i32
      %dma_wait3A_294 = arith.constant 0 : i32
      %dma_wait3A_295 = tpu.memref_slice %arg2[%dma_wait3A_293, %dma_wait3A_294] : memref<10240x128xf32, #tpu.memory_space<hbm>> -> memref<10240x128xf32, #tpu.memory_space<hbm>>
      tpu.wait_indirect_dma semaphore(%arg15 : memref<!tpu.dma_semaphore, #tpu.memory_space<semaphore_mem>>) src(%dma_wait3A_295 : memref<10240x128xf32, #tpu.memory_space<hbm>>) dst(%arg11 : memref<128x128xf32, #tpu.memory_space<vmem>>)
      %dma_start3A_296 = arith.constant 0 : i32
      %dma_start3A_297 = tpu.memref_slice %arg9[%add3A_289, %dma_start3A_296] : memref<84x128xi32, #tpu.memory_space<vmem>> -> memref<1x128xi32, #tpu.memory_space<vmem>>
      %dma_start3A_298 = tpu.memref_squeeze %dma_start3A_297 : memref<1x128xi32, #tpu.memory_space<vmem>> -> memref<128xi32, #tpu.memory_space<vmem>>
      %dma_start3A_299 = arith.constant 0 : i32
      %dma_start3A_300 = arith.constant 0 : i32
      %dma_start3A_301 = tpu.memref_slice %arg14[%dma_start3A_299, %dma_start3A_300] : memref<5128x128xf32, #tpu.memory_space<vmem_shared>> -> memref<5128x128xf32, #tpu.memory_space<vmem_shared>>
      tpu.enqueue_indirect_dma source(%arg11 : memref<128x128xf32, #tpu.memory_space<vmem>>) target(%dma_start3A_301 : memref<5128x128xf32, #tpu.memory_space<vmem_shared>>) offsets(%dma_start3A_298 : memref<128xi32, #tpu.memory_space<vmem>>) semaphore(%arg18 : memref<!tpu.dma_semaphore, #tpu.memory_space<semaphore_mem>>) {add = true}
      %add3A_302 = arith.constant 3 : i32
      %add3A_303 = arith.addi %add3A_289, %add3A_302 : i32
      %lt3A = arith.cmpi slt, %add3A_303, %min3A_57 : i32
      %convert_element_type3A = arith.extui %lt3A : i1 to i32
      %cond3A = arith.constant 0 : i32
      %cond3A_304 = arith.cmpi ne, %convert_element_type3A, %cond3A : i32
      scf.if %cond3A_304 {
        %dma_wait3A_346 = arith.constant 0 : i32
        %dma_wait3A_347 = tpu.memref_slice %arg9[%add3A_289, %dma_wait3A_346] : memref<84x128xi32, #tpu.memory_space<vmem>> -> memref<1x128xi32, #tpu.memory_space<vmem>>
        %dma_wait3A_348 = tpu.memref_squeeze %dma_wait3A_347 : memref<1x128xi32, #tpu.memory_space<vmem>> -> memref<128xi32, #tpu.memory_space<vmem>>
        %dma_wait3A_349 = arith.constant 0 : i32
        %dma_wait3A_350 = arith.constant 0 : i32
        %dma_wait3A_351 = tpu.memref_slice %arg14[%dma_wait3A_349, %dma_wait3A_350] : memref<5128x128xf32, #tpu.memory_space<vmem_shared>> -> memref<5128x128xf32, #tpu.memory_space<vmem_shared>>
        tpu.wait_indirect_dma semaphore(%arg18 : memref<!tpu.dma_semaphore, #tpu.memory_space<semaphore_mem>>) src(%arg11 : memref<128x128xf32, #tpu.memory_space<vmem>>) dst(%dma_wait3A_351 : memref<5128x128xf32, #tpu.memory_space<vmem_shared>>)
        %add3A_352 = arith.constant 3 : i32
        %add3A_353 = arith.addi %add3A_289, %add3A_352 : i32
        %dma_start3A_354 = arith.constant 0 : i32
        %dma_start3A_355 = tpu.memref_slice %arg8[%add3A_353, %dma_start3A_354] : memref<84x128xi32, #tpu.memory_space<vmem>> -> memref<1x128xi32, #tpu.memory_space<vmem>>
        %dma_start3A_356 = tpu.memref_squeeze %dma_start3A_355 : memref<1x128xi32, #tpu.memory_space<vmem>> -> memref<128xi32, #tpu.memory_space<vmem>>
        %dma_start3A_357 = arith.constant 0 : i32
        %dma_start3A_358 = arith.constant 0 : i32
        %dma_start3A_359 = tpu.memref_slice %arg2[%dma_start3A_357, %dma_start3A_358] : memref<10240x128xf32, #tpu.memory_space<hbm>> -> memref<10240x128xf32, #tpu.memory_space<hbm>>
        tpu.enqueue_indirect_dma source(%dma_start3A_359 : memref<10240x128xf32, #tpu.memory_space<hbm>>) target(%arg11 : memref<128x128xf32, #tpu.memory_space<vmem>>) offsets(%dma_start3A_356 : memref<128xi32, #tpu.memory_space<vmem>>) semaphore(%arg15 : memref<!tpu.dma_semaphore, #tpu.memory_space<semaphore_mem>>)
      } else {
      }
      %add3A_305 = arith.constant 1 : i32
      %add3A_306 = arith.addi %mul3A_287, %add3A_305 : i32
      %dma_wait3A_307 = arith.constant 0 : i32
      %dma_wait3A_308 = tpu.memref_slice %arg8[%add3A_306, %dma_wait3A_307] : memref<84x128xi32, #tpu.memory_space<vmem>> -> memref<1x128xi32, #tpu.memory_space<vmem>>
      %dma_wait3A_309 = tpu.memref_squeeze %dma_wait3A_308 : memref<1x128xi32, #tpu.memory_space<vmem>> -> memref<128xi32, #tpu.memory_space<vmem>>
      %dma_wait3A_310 = arith.constant 0 : i32
      %dma_wait3A_311 = arith.constant 0 : i32
      %dma_wait3A_312 = tpu.memref_slice %arg2[%dma_wait3A_310, %dma_wait3A_311] : memref<10240x128xf32, #tpu.memory_space<hbm>> -> memref<10240x128xf32, #tpu.memory_space<hbm>>
      tpu.wait_indirect_dma semaphore(%arg16 : memref<!tpu.dma_semaphore, #tpu.memory_space<semaphore_mem>>) src(%dma_wait3A_312 : memref<10240x128xf32, #tpu.memory_space<hbm>>) dst(%arg12 : memref<128x128xf32, #tpu.memory_space<vmem>>)
      %dma_start3A_313 = arith.constant 0 : i32
      %dma_start3A_314 = tpu.memref_slice %arg9[%add3A_306, %dma_start3A_313] : memref<84x128xi32, #tpu.memory_space<vmem>> -> memref<1x128xi32, #tpu.memory_space<vmem>>
      %dma_start3A_315 = tpu.memref_squeeze %dma_start3A_314 : memref<1x128xi32, #tpu.memory_space<vmem>> -> memref<128xi32, #tpu.memory_space<vmem>>
      %dma_start3A_316 = arith.constant 0 : i32
      %dma_start3A_317 = arith.constant 0 : i32
      %dma_start3A_318 = tpu.memref_slice %arg14[%dma_start3A_316, %dma_start3A_317] : memref<5128x128xf32, #tpu.memory_space<vmem_shared>> -> memref<5128x128xf32, #tpu.memory_space<vmem_shared>>
      tpu.enqueue_indirect_dma source(%arg12 : memref<128x128xf32, #tpu.memory_space<vmem>>) target(%dma_start3A_318 : memref<5128x128xf32, #tpu.memory_space<vmem_shared>>) offsets(%dma_start3A_315 : memref<128xi32, #tpu.memory_space<vmem>>) semaphore(%arg19 : memref<!tpu.dma_semaphore, #tpu.memory_space<semaphore_mem>>) {add = true}
      %add3A_319 = arith.constant 3 : i32
      %add3A_320 = arith.addi %add3A_306, %add3A_319 : i32
      %lt3A_321 = arith.cmpi slt, %add3A_320, %min3A_57 : i32
      %convert_element_type3A_322 = arith.extui %lt3A_321 : i1 to i32
      %cond3A_323 = arith.constant 0 : i32
      %cond3A_324 = arith.cmpi ne, %convert_element_type3A_322, %cond3A_323 : i32
      scf.if %cond3A_324 {
        %dma_wait3A_346 = arith.constant 0 : i32
        %dma_wait3A_347 = tpu.memref_slice %arg9[%add3A_306, %dma_wait3A_346] : memref<84x128xi32, #tpu.memory_space<vmem>> -> memref<1x128xi32, #tpu.memory_space<vmem>>
        %dma_wait3A_348 = tpu.memref_squeeze %dma_wait3A_347 : memref<1x128xi32, #tpu.memory_space<vmem>> -> memref<128xi32, #tpu.memory_space<vmem>>
        %dma_wait3A_349 = arith.constant 0 : i32
        %dma_wait3A_350 = arith.constant 0 : i32
        %dma_wait3A_351 = tpu.memref_slice %arg14[%dma_wait3A_349, %dma_wait3A_350] : memref<5128x128xf32, #tpu.memory_space<vmem_shared>> -> memref<5128x128xf32, #tpu.memory_space<vmem_shared>>
        tpu.wait_indirect_dma semaphore(%arg19 : memref<!tpu.dma_semaphore, #tpu.memory_space<semaphore_mem>>) src(%arg12 : memref<128x128xf32, #tpu.memory_space<vmem>>) dst(%dma_wait3A_351 : memref<5128x128xf32, #tpu.memory_space<vmem_shared>>)
        %add3A_352 = arith.constant 3 : i32
        %add3A_353 = arith.addi %add3A_306, %add3A_352 : i32
        %dma_start3A_354 = arith.constant 0 : i32
        %dma_start3A_355 = tpu.memref_slice %arg8[%add3A_353, %dma_start3A_354] : memref<84x128xi32, #tpu.memory_space<vmem>> -> memref<1x128xi32, #tpu.memory_space<vmem>>
        %dma_start3A_356 = tpu.memref_squeeze %dma_start3A_355 : memref<1x128xi32, #tpu.memory_space<vmem>> -> memref<128xi32, #tpu.memory_space<vmem>>
        %dma_start3A_357 = arith.constant 0 : i32
        %dma_start3A_358 = arith.constant 0 : i32
        %dma_start3A_359 = tpu.memref_slice %arg2[%dma_start3A_357, %dma_start3A_358] : memref<10240x128xf32, #tpu.memory_space<hbm>> -> memref<10240x128xf32, #tpu.memory_space<hbm>>
        tpu.enqueue_indirect_dma source(%dma_start3A_359 : memref<10240x128xf32, #tpu.memory_space<hbm>>) target(%arg12 : memref<128x128xf32, #tpu.memory_space<vmem>>) offsets(%dma_start3A_356 : memref<128xi32, #tpu.memory_space<vmem>>) semaphore(%arg16 : memref<!tpu.dma_semaphore, #tpu.memory_space<semaphore_mem>>)
      } else {
      }
      %add3A_325 = arith.constant 2 : i32
      %add3A_326 = arith.addi %mul3A_287, %add3A_325 : i32
      %dma_wait3A_327 = arith.constant 0 : i32
      %dma_wait3A_328 = tpu.memref_slice %arg8[%add3A_326, %dma_wait3A_327] : memref<84x128xi32, #tpu.memory_space<vmem>> -> memref<1x128xi32, #tpu.memory_space<vmem>>
      %dma_wait3A_329 = tpu.memref_squeeze %dma_wait3A_328 : memref<1x128xi32, #tpu.memory_space<vmem>> -> memref<128xi32, #tpu.memory_space<vmem>>
      %dma_wait3A_330 = arith.constant 0 : i32
      %dma_wait3A_331 = arith.constant 0 : i32
      %dma_wait3A_332 = tpu.memref_slice %arg2[%dma_wait3A_330, %dma_wait3A_331] : memref<10240x128xf32, #tpu.memory_space<hbm>> -> memref<10240x128xf32, #tpu.memory_space<hbm>>
      tpu.wait_indirect_dma semaphore(%arg17 : memref<!tpu.dma_semaphore, #tpu.memory_space<semaphore_mem>>) src(%dma_wait3A_332 : memref<10240x128xf32, #tpu.memory_space<hbm>>) dst(%arg13 : memref<128x128xf32, #tpu.memory_space<vmem>>)
      %dma_start3A_333 = arith.constant 0 : i32
      %dma_start3A_334 = tpu.memref_slice %arg9[%add3A_326, %dma_start3A_333] : memref<84x128xi32, #tpu.memory_space<vmem>> -> memref<1x128xi32, #tpu.memory_space<vmem>>
      %dma_start3A_335 = tpu.memref_squeeze %dma_start3A_334 : memref<1x128xi32, #tpu.memory_space<vmem>> -> memref<128xi32, #tpu.memory_space<vmem>>
      %dma_start3A_336 = arith.constant 0 : i32
      %dma_start3A_337 = arith.constant 0 : i32
      %dma_start3A_338 = tpu.memref_slice %arg14[%dma_start3A_336, %dma_start3A_337] : memref<5128x128xf32, #tpu.memory_space<vmem_shared>> -> memref<5128x128xf32, #tpu.memory_space<vmem_shared>>
      tpu.enqueue_indirect_dma source(%arg13 : memref<128x128xf32, #tpu.memory_space<vmem>>) target(%dma_start3A_338 : memref<5128x128xf32, #tpu.memory_space<vmem_shared>>) offsets(%dma_start3A_335 : memref<128xi32, #tpu.memory_space<vmem>>) semaphore(%arg20 : memref<!tpu.dma_semaphore, #tpu.memory_space<semaphore_mem>>) {add = true}
      %add3A_339 = arith.constant 3 : i32
      %add3A_340 = arith.addi %add3A_326, %add3A_339 : i32
      %lt3A_341 = arith.cmpi slt, %add3A_340, %min3A_57 : i32
      %convert_element_type3A_342 = arith.extui %lt3A_341 : i1 to i32
      %cond3A_343 = arith.constant 0 : i32
      %cond3A_344 = arith.cmpi ne, %convert_element_type3A_342, %cond3A_343 : i32
      scf.if %cond3A_344 {
        %dma_wait3A_346 = arith.constant 0 : i32
        %dma_wait3A_347 = tpu.memref_slice %arg9[%add3A_326, %dma_wait3A_346] : memref<84x128xi32, #tpu.memory_space<vmem>> -> memref<1x128xi32, #tpu.memory_space<vmem>>
        %dma_wait3A_348 = tpu.memref_squeeze %dma_wait3A_347 : memref<1x128xi32, #tpu.memory_space<vmem>> -> memref<128xi32, #tpu.memory_space<vmem>>
        %dma_wait3A_349 = arith.constant 0 : i32
        %dma_wait3A_350 = arith.constant 0 : i32
        %dma_wait3A_351 = tpu.memref_slice %arg14[%dma_wait3A_349, %dma_wait3A_350] : memref<5128x128xf32, #tpu.memory_space<vmem_shared>> -> memref<5128x128xf32, #tpu.memory_space<vmem_shared>>
        tpu.wait_indirect_dma semaphore(%arg20 : memref<!tpu.dma_semaphore, #tpu.memory_space<semaphore_mem>>) src(%arg13 : memref<128x128xf32, #tpu.memory_space<vmem>>) dst(%dma_wait3A_351 : memref<5128x128xf32, #tpu.memory_space<vmem_shared>>)
        %add3A_352 = arith.constant 3 : i32
        %add3A_353 = arith.addi %add3A_326, %add3A_352 : i32
        %dma_start3A_354 = arith.constant 0 : i32
        %dma_start3A_355 = tpu.memref_slice %arg8[%add3A_353, %dma_start3A_354] : memref<84x128xi32, #tpu.memory_space<vmem>> -> memref<1x128xi32, #tpu.memory_space<vmem>>
        %dma_start3A_356 = tpu.memref_squeeze %dma_start3A_355 : memref<1x128xi32, #tpu.memory_space<vmem>> -> memref<128xi32, #tpu.memory_space<vmem>>
        %dma_start3A_357 = arith.constant 0 : i32
        %dma_start3A_358 = arith.constant 0 : i32
        %dma_start3A_359 = tpu.memref_slice %arg2[%dma_start3A_357, %dma_start3A_358] : memref<10240x128xf32, #tpu.memory_space<hbm>> -> memref<10240x128xf32, #tpu.memory_space<hbm>>
        tpu.enqueue_indirect_dma source(%dma_start3A_359 : memref<10240x128xf32, #tpu.memory_space<hbm>>) target(%arg13 : memref<128x128xf32, #tpu.memory_space<vmem>>) offsets(%dma_start3A_356 : memref<128xi32, #tpu.memory_space<vmem>>) semaphore(%arg17 : memref<!tpu.dma_semaphore, #tpu.memory_space<semaphore_mem>>)
      } else {
      }
      %while3A_345 = arith.constant 0 : i32
      scf.yield %while3A_345 : i32
    }
    %while3A_111 = arith.constant 1 : i32
    %while3A_112 = scf.for %while3A_284 = %while3A_108 to %while3A_104 step %while3A_111 iter_args(%while3A_285 = %while3A_110) -> (i32)  : i32 {
      %mul3A_286 = arith.constant 3 : i32
      %mul3A_287 = arith.muli %mul3A_286, %while3A_284 : i32
      %add3A_288 = arith.constant 0 : i32
      %add3A_289 = arith.addi %mul3A_287, %add3A_288 : i32
      %dma_wait3A_290 = arith.constant 0 : i32
      %dma_wait3A_291 = tpu.memref_slice %arg8[%add3A_289, %dma_wait3A_290] : memref<84x128xi32, #tpu.memory_space<vmem>> -> memref<1x128xi32, #tpu.memory_space<vmem>>
      %dma_wait3A_292 = tpu.memref_squeeze %dma_wait3A_291 : memref<1x128xi32, #tpu.memory_space<vmem>> -> memref<128xi32, #tpu.memory_space<vmem>>
      %dma_wait3A_293 = arith.constant 0 : i32
      %dma_wait3A_294 = arith.constant 0 : i32
      %dma_wait3A_295 = tpu.memref_slice %arg2[%dma_wait3A_293, %dma_wait3A_294] : memref<10240x128xf32, #tpu.memory_space<hbm>> -> memref<10240x128xf32, #tpu.memory_space<hbm>>
      tpu.wait_indirect_dma semaphore(%arg15 : memref<!tpu.dma_semaphore, #tpu.memory_space<semaphore_mem>>) src(%dma_wait3A_295 : memref<10240x128xf32, #tpu.memory_space<hbm>>) dst(%arg11 : memref<128x128xf32, #tpu.memory_space<vmem>>)
      %dma_start3A_296 = arith.constant 0 : i32
      %dma_start3A_297 = tpu.memref_slice %arg9[%add3A_289, %dma_start3A_296] : memref<84x128xi32, #tpu.memory_space<vmem>> -> memref<1x128xi32, #tpu.memory_space<vmem>>
      %dma_start3A_298 = tpu.memref_squeeze %dma_start3A_297 : memref<1x128xi32, #tpu.memory_space<vmem>> -> memref<128xi32, #tpu.memory_space<vmem>>
      %dma_start3A_299 = arith.constant 0 : i32
      %dma_start3A_300 = arith.constant 0 : i32
      %dma_start3A_301 = tpu.memref_slice %arg14[%dma_start3A_299, %dma_start3A_300] : memref<5128x128xf32, #tpu.memory_space<vmem_shared>> -> memref<5128x128xf32, #tpu.memory_space<vmem_shared>>
      tpu.enqueue_indirect_dma source(%arg11 : memref<128x128xf32, #tpu.memory_space<vmem>>) target(%dma_start3A_301 : memref<5128x128xf32, #tpu.memory_space<vmem_shared>>) offsets(%dma_start3A_298 : memref<128xi32, #tpu.memory_space<vmem>>) semaphore(%arg18 : memref<!tpu.dma_semaphore, #tpu.memory_space<semaphore_mem>>) {add = true}
      %add3A_302 = arith.constant 3 : i32
      %add3A_303 = arith.addi %add3A_289, %add3A_302 : i32
      %lt3A = arith.cmpi slt, %add3A_303, %min3A_57 : i32
      %convert_element_type3A = arith.extui %lt3A : i1 to i32
      %cond3A = arith.constant 0 : i32
      %cond3A_304 = arith.cmpi ne, %convert_element_type3A, %cond3A : i32
      scf.if %cond3A_304 {
        %dma_wait3A_346 = arith.constant 0 : i32
        %dma_wait3A_347 = tpu.memref_slice %arg9[%add3A_289, %dma_wait3A_346] : memref<84x128xi32, #tpu.memory_space<vmem>> -> memref<1x128xi32, #tpu.memory_space<vmem>>
        %dma_wait3A_348 = tpu.memref_squeeze %dma_wait3A_347 : memref<1x128xi32, #tpu.memory_space<vmem>> -> memref<128xi32, #tpu.memory_space<vmem>>
        %dma_wait3A_349 = arith.constant 0 : i32
        %dma_wait3A_350 = arith.constant 0 : i32
        %dma_wait3A_351 = tpu.memref_slice %arg14[%dma_wait3A_349, %dma_wait3A_350] : memref<5128x128xf32, #tpu.memory_space<vmem_shared>> -> memref<5128x128xf32, #tpu.memory_space<vmem_shared>>
        tpu.wait_indirect_dma semaphore(%arg18 : memref<!tpu.dma_semaphore, #tpu.memory_space<semaphore_mem>>) src(%arg11 : memref<128x128xf32, #tpu.memory_space<vmem>>) dst(%dma_wait3A_351 : memref<5128x128xf32, #tpu.memory_space<vmem_shared>>)
        %add3A_352 = arith.constant 3 : i32
        %add3A_353 = arith.addi %add3A_289, %add3A_352 : i32
        %dma_start3A_354 = arith.constant 0 : i32
        %dma_start3A_355 = tpu.memref_slice %arg8[%add3A_353, %dma_start3A_354] : memref<84x128xi32, #tpu.memory_space<vmem>> -> memref<1x128xi32, #tpu.memory_space<vmem>>
        %dma_start3A_356 = tpu.memref_squeeze %dma_start3A_355 : memref<1x128xi32, #tpu.memory_space<vmem>> -> memref<128xi32, #tpu.memory_space<vmem>>
        %dma_start3A_357 = arith.constant 0 : i32
        %dma_start3A_358 = arith.constant 0 : i32
        %dma_start3A_359 = tpu.memref_slice %arg2[%dma_start3A_357, %dma_start3A_358] : memref<10240x128xf32, #tpu.memory_space<hbm>> -> memref<10240x128xf32, #tpu.memory_space<hbm>>
        tpu.enqueue_indirect_dma source(%dma_start3A_359 : memref<10240x128xf32, #tpu.memory_space<hbm>>) target(%arg11 : memref<128x128xf32, #tpu.memory_space<vmem>>) offsets(%dma_start3A_356 : memref<128xi32, #tpu.memory_space<vmem>>) semaphore(%arg15 : memref<!tpu.dma_semaphore, #tpu.memory_space<semaphore_mem>>)
      } else {
      }
      %add3A_305 = arith.constant 1 : i32
      %add3A_306 = arith.addi %mul3A_287, %add3A_305 : i32
      %dma_wait3A_307 = arith.constant 0 : i32
      %dma_wait3A_308 = tpu.memref_slice %arg8[%add3A_306, %dma_wait3A_307] : memref<84x128xi32, #tpu.memory_space<vmem>> -> memref<1x128xi32, #tpu.memory_space<vmem>>
      %dma_wait3A_309 = tpu.memref_squeeze %dma_wait3A_308 : memref<1x128xi32, #tpu.memory_space<vmem>> -> memref<128xi32, #tpu.memory_space<vmem>>
      %dma_wait3A_310 = arith.constant 0 : i32
      %dma_wait3A_311 = arith.constant 0 : i32
      %dma_wait3A_312 = tpu.memref_slice %arg2[%dma_wait3A_310, %dma_wait3A_311] : memref<10240x128xf32, #tpu.memory_space<hbm>> -> memref<10240x128xf32, #tpu.memory_space<hbm>>
      tpu.wait_indirect_dma semaphore(%arg16 : memref<!tpu.dma_semaphore, #tpu.memory_space<semaphore_mem>>) src(%dma_wait3A_312 : memref<10240x128xf32, #tpu.memory_space<hbm>>) dst(%arg12 : memref<128x128xf32, #tpu.memory_space<vmem>>)
      %dma_start3A_313 = arith.constant 0 : i32
      %dma_start3A_314 = tpu.memref_slice %arg9[%add3A_306, %dma_start3A_313] : memref<84x128xi32, #tpu.memory_space<vmem>> -> memref<1x128xi32, #tpu.memory_space<vmem>>
      %dma_start3A_315 = tpu.memref_squeeze %dma_start3A_314 : memref<1x128xi32, #tpu.memory_space<vmem>> -> memref<128xi32, #tpu.memory_space<vmem>>
      %dma_start3A_316 = arith.constant 0 : i32
      %dma_start3A_317 = arith.constant 0 : i32
      %dma_start3A_318 = tpu.memref_slice %arg14[%dma_start3A_316, %dma_start3A_317] : memref<5128x128xf32, #tpu.memory_space<vmem_shared>> -> memref<5128x128xf32, #tpu.memory_space<vmem_shared>>
      tpu.enqueue_indirect_dma source(%arg12 : memref<128x128xf32, #tpu.memory_space<vmem>>) target(%dma_start3A_318 : memref<5128x128xf32, #tpu.memory_space<vmem_shared>>) offsets(%dma_start3A_315 : memref<128xi32, #tpu.memory_space<vmem>>) semaphore(%arg19 : memref<!tpu.dma_semaphore, #tpu.memory_space<semaphore_mem>>) {add = true}
      %add3A_319 = arith.constant 3 : i32
      %add3A_320 = arith.addi %add3A_306, %add3A_319 : i32
      %lt3A_321 = arith.cmpi slt, %add3A_320, %min3A_57 : i32
      %convert_element_type3A_322 = arith.extui %lt3A_321 : i1 to i32
      %cond3A_323 = arith.constant 0 : i32
      %cond3A_324 = arith.cmpi ne, %convert_element_type3A_322, %cond3A_323 : i32
      scf.if %cond3A_324 {
        %dma_wait3A_346 = arith.constant 0 : i32
        %dma_wait3A_347 = tpu.memref_slice %arg9[%add3A_306, %dma_wait3A_346] : memref<84x128xi32, #tpu.memory_space<vmem>> -> memref<1x128xi32, #tpu.memory_space<vmem>>
        %dma_wait3A_348 = tpu.memref_squeeze %dma_wait3A_347 : memref<1x128xi32, #tpu.memory_space<vmem>> -> memref<128xi32, #tpu.memory_space<vmem>>
        %dma_wait3A_349 = arith.constant 0 : i32
        %dma_wait3A_350 = arith.constant 0 : i32
        %dma_wait3A_351 = tpu.memref_slice %arg14[%dma_wait3A_349, %dma_wait3A_350] : memref<5128x128xf32, #tpu.memory_space<vmem_shared>> -> memref<5128x128xf32, #tpu.memory_space<vmem_shared>>
        tpu.wait_indirect_dma semaphore(%arg19 : memref<!tpu.dma_semaphore, #tpu.memory_space<semaphore_mem>>) src(%arg12 : memref<128x128xf32, #tpu.memory_space<vmem>>) dst(%dma_wait3A_351 : memref<5128x128xf32, #tpu.memory_space<vmem_shared>>)
        %add3A_352 = arith.constant 3 : i32
        %add3A_353 = arith.addi %add3A_306, %add3A_352 : i32
        %dma_start3A_354 = arith.constant 0 : i32
        %dma_start3A_355 = tpu.memref_slice %arg8[%add3A_353, %dma_start3A_354] : memref<84x128xi32, #tpu.memory_space<vmem>> -> memref<1x128xi32, #tpu.memory_space<vmem>>
        %dma_start3A_356 = tpu.memref_squeeze %dma_start3A_355 : memref<1x128xi32, #tpu.memory_space<vmem>> -> memref<128xi32, #tpu.memory_space<vmem>>
        %dma_start3A_357 = arith.constant 0 : i32
        %dma_start3A_358 = arith.constant 0 : i32
        %dma_start3A_359 = tpu.memref_slice %arg2[%dma_start3A_357, %dma_start3A_358] : memref<10240x128xf32, #tpu.memory_space<hbm>> -> memref<10240x128xf32, #tpu.memory_space<hbm>>
        tpu.enqueue_indirect_dma source(%dma_start3A_359 : memref<10240x128xf32, #tpu.memory_space<hbm>>) target(%arg12 : memref<128x128xf32, #tpu.memory_space<vmem>>) offsets(%dma_start3A_356 : memref<128xi32, #tpu.memory_space<vmem>>) semaphore(%arg16 : memref<!tpu.dma_semaphore, #tpu.memory_space<semaphore_mem>>)
      } else {
      }
      %add3A_325 = arith.constant 2 : i32
      %add3A_326 = arith.addi %mul3A_287, %add3A_325 : i32
      %dma_wait3A_327 = arith.constant 0 : i32
      %dma_wait3A_328 = tpu.memref_slice %arg8[%add3A_326, %dma_wait3A_327] : memref<84x128xi32, #tpu.memory_space<vmem>> -> memref<1x128xi32, #tpu.memory_space<vmem>>
      %dma_wait3A_329 = tpu.memref_squeeze %dma_wait3A_328 : memref<1x128xi32, #tpu.memory_space<vmem>> -> memref<128xi32, #tpu.memory_space<vmem>>
      %dma_wait3A_330 = arith.constant 0 : i32
      %dma_wait3A_331 = arith.constant 0 : i32
      %dma_wait3A_332 = tpu.memref_slice %arg2[%dma_wait3A_330, %dma_wait3A_331] : memref<10240x128xf32, #tpu.memory_space<hbm>> -> memref<10240x128xf32, #tpu.memory_space<hbm>>
      tpu.wait_indirect_dma semaphore(%arg17 : memref<!tpu.dma_semaphore, #tpu.memory_space<semaphore_mem>>) src(%dma_wait3A_332 : memref<10240x128xf32, #tpu.memory_space<hbm>>) dst(%arg13 : memref<128x128xf32, #tpu.memory_space<vmem>>)
      %dma_start3A_333 = arith.constant 0 : i32
      %dma_start3A_334 = tpu.memref_slice %arg9[%add3A_326, %dma_start3A_333] : memref<84x128xi32, #tpu.memory_space<vmem>> -> memref<1x128xi32, #tpu.memory_space<vmem>>
      %dma_start3A_335 = tpu.memref_squeeze %dma_start3A_334 : memref<1x128xi32, #tpu.memory_space<vmem>> -> memref<128xi32, #tpu.memory_space<vmem>>
      %dma_start3A_336 = arith.constant 0 : i32
      %dma_start3A_337 = arith.constant 0 : i32
      %dma_start3A_338 = tpu.memref_slice %arg14[%dma_start3A_336, %dma_start3A_337] : memref<5128x128xf32, #tpu.memory_space<vmem_shared>> -> memref<5128x128xf32, #tpu.memory_space<vmem_shared>>
      tpu.enqueue_indirect_dma source(%arg13 : memref<128x128xf32, #tpu.memory_space<vmem>>) target(%dma_start3A_338 : memref<5128x128xf32, #tpu.memory_space<vmem_shared>>) offsets(%dma_start3A_335 : memref<128xi32, #tpu.memory_space<vmem>>) semaphore(%arg20 : memref<!tpu.dma_semaphore, #tpu.memory_space<semaphore_mem>>) {add = true}
      %add3A_339 = arith.constant 3 : i32
      %add3A_340 = arith.addi %add3A_326, %add3A_339 : i32
      %lt3A_341 = arith.cmpi slt, %add3A_340, %min3A_57 : i32
      %convert_element_type3A_342 = arith.extui %lt3A_341 : i1 to i32
      %cond3A_343 = arith.constant 0 : i32
      %cond3A_344 = arith.cmpi ne, %convert_element_type3A_342, %cond3A_343 : i32
      scf.if %cond3A_344 {
        %dma_wait3A_346 = arith.constant 0 : i32
        %dma_wait3A_347 = tpu.memref_slice %arg9[%add3A_326, %dma_wait3A_346] : memref<84x128xi32, #tpu.memory_space<vmem>> -> memref<1x128xi32, #tpu.memory_space<vmem>>
        %dma_wait3A_348 = tpu.memref_squeeze %dma_wait3A_347 : memref<1x128xi32, #tpu.memory_space<vmem>> -> memref<128xi32, #tpu.memory_space<vmem>>
        %dma_wait3A_349 = arith.constant 0 : i32
        %dma_wait3A_350 = arith.constant 0 : i32
        %dma_wait3A_351 = tpu.memref_slice %arg14[%dma_wait3A_349, %dma_wait3A_350] : memref<5128x128xf32, #tpu.memory_space<vmem_shared>> -> memref<5128x128xf32, #tpu.memory_space<vmem_shared>>
        tpu.wait_indirect_dma semaphore(%arg20 : memref<!tpu.dma_semaphore, #tpu.memory_space<semaphore_mem>>) src(%arg13 : memref<128x128xf32, #tpu.memory_space<vmem>>) dst(%dma_wait3A_351 : memref<5128x128xf32, #tpu.memory_space<vmem_shared>>)
        %add3A_352 = arith.constant 3 : i32
        %add3A_353 = arith.addi %add3A_326, %add3A_352 : i32
        %dma_start3A_354 = arith.constant 0 : i32
        %dma_start3A_355 = tpu.memref_slice %arg8[%add3A_353, %dma_start3A_354] : memref<84x128xi32, #tpu.memory_space<vmem>> -> memref<1x128xi32, #tpu.memory_space<vmem>>
        %dma_start3A_356 = tpu.memref_squeeze %dma_start3A_355 : memref<1x128xi32, #tpu.memory_space<vmem>> -> memref<128xi32, #tpu.memory_space<vmem>>
        %dma_start3A_357 = arith.constant 0 : i32
        %dma_start3A_358 = arith.constant 0 : i32
        %dma_start3A_359 = tpu.memref_slice %arg2[%dma_start3A_357, %dma_start3A_358] : memref<10240x128xf32, #tpu.memory_space<hbm>> -> memref<10240x128xf32, #tpu.memory_space<hbm>>
        tpu.enqueue_indirect_dma source(%dma_start3A_359 : memref<10240x128xf32, #tpu.memory_space<hbm>>) target(%arg13 : memref<128x128xf32, #tpu.memory_space<vmem>>) offsets(%dma_start3A_356 : memref<128xi32, #tpu.memory_space<vmem>>) semaphore(%arg17 : memref<!tpu.dma_semaphore, #tpu.memory_space<semaphore_mem>>)
      } else {
      }
      %while3A_345 = arith.constant 0 : i32
      scf.yield %while3A_345 : i32
    }
    %dma_wait3A = arith.constant 0 : i32
    %dma_wait3A_113 = arith.constant 0 : i32
    %dma_wait3A_114 = tpu.memref_slice %arg9[%dma_wait3A, %dma_wait3A_113] : memref<84x128xi32, #tpu.memory_space<vmem>> -> memref<1x128xi32, #tpu.memory_space<vmem>>
    %dma_wait3A_115 = tpu.memref_squeeze %dma_wait3A_114 : memref<1x128xi32, #tpu.memory_space<vmem>> -> memref<128xi32, #tpu.memory_space<vmem>>
    %dma_wait3A_116 = arith.constant 0 : i32
    %dma_wait3A_117 = arith.constant 0 : i32
    %dma_wait3A_118 = tpu.memref_slice %arg14[%dma_wait3A_116, %dma_wait3A_117] : memref<5128x128xf32, #tpu.memory_space<vmem_shared>> -> memref<5128x128xf32, #tpu.memory_space<vmem_shared>>
    tpu.wait_indirect_dma semaphore(%arg18 : memref<!tpu.dma_semaphore, #tpu.memory_space<semaphore_mem>>) src(%arg11 : memref<128x128xf32, #tpu.memory_space<vmem>>) dst(%dma_wait3A_118 : memref<5128x128xf32, #tpu.memory_space<vmem_shared>>)
    %dma_wait3A_119 = arith.constant 1 : i32
    %dma_wait3A_120 = arith.constant 0 : i32
    %dma_wait3A_121 = tpu.memref_slice %arg9[%dma_wait3A_119, %dma_wait3A_120] : memref<84x128xi32, #tpu.memory_space<vmem>> -> memref<1x128xi32, #tpu.memory_space<vmem>>
    %dma_wait3A_122 = tpu.memref_squeeze %dma_wait3A_121 : memref<1x128xi32, #tpu.memory_space<vmem>> -> memref<128xi32, #tpu.memory_space<vmem>>
    %dma_wait3A_123 = arith.constant 0 : i32
    %dma_wait3A_124 = arith.constant 0 : i32
    %dma_wait3A_125 = tpu.memref_slice %arg14[%dma_wait3A_123, %dma_wait3A_124] : memref<5128x128xf32, #tpu.memory_space<vmem_shared>> -> memref<5128x128xf32, #tpu.memory_space<vmem_shared>>
    tpu.wait_indirect_dma semaphore(%arg19 : memref<!tpu.dma_semaphore, #tpu.memory_space<semaphore_mem>>) src(%arg12 : memref<128x128xf32, #tpu.memory_space<vmem>>) dst(%dma_wait3A_125 : memref<5128x128xf32, #tpu.memory_space<vmem_shared>>)
    %dma_wait3A_126 = arith.constant 2 : i32
    %dma_wait3A_127 = arith.constant 0 : i32
    %dma_wait3A_128 = tpu.memref_slice %arg9[%dma_wait3A_126, %dma_wait3A_127] : memref<84x128xi32, #tpu.memory_space<vmem>> -> memref<1x128xi32, #tpu.memory_space<vmem>>
    %dma_wait3A_129 = tpu.memref_squeeze %dma_wait3A_128 : memref<1x128xi32, #tpu.memory_space<vmem>> -> memref<128xi32, #tpu.memory_space<vmem>>
    %dma_wait3A_130 = arith.constant 0 : i32
    %dma_wait3A_131 = arith.constant 0 : i32
    %dma_wait3A_132 = tpu.memref_slice %arg14[%dma_wait3A_130, %dma_wait3A_131] : memref<5128x128xf32, #tpu.memory_space<vmem_shared>> -> memref<5128x128xf32, #tpu.memory_space<vmem_shared>>
    tpu.wait_indirect_dma semaphore(%arg20 : memref<!tpu.dma_semaphore, #tpu.memory_space<semaphore_mem>>) src(%arg13 : memref<128x128xf32, #tpu.memory_space<vmem>>) dst(%dma_wait3A_132 : memref<5128x128xf32, #tpu.memory_space<vmem_shared>>)
    %mul3A_133 = arith.constant 2 : i32
    %mul3A_134 = arith.muli %mul3A_133, %arg1 : i32
    %add3A_135 = arith.constant 1 : i32
    %add3A_136 = arith.addi %mul3A_134, %add3A_135 : i32
    "tpu.region"() ({
      %run_scoped3A = tpu.sem_alloc : memref<!tpu.dma_semaphore, #tpu.memory_space<semaphore_mem>>
      %dma_start3A_284 = arith.constant 0 : i32
      %dma_start3A_285 = arith.constant 0 : i32
      %dma_start3A_286 = tpu.memref_slice %arg3[%arg0, %add3A_136, %dma_start3A_284, %dma_start3A_285] : memref<2x32x84x128xi32, #tpu.memory_space<hbm>> -> memref<1x1x84x128xi32, #tpu.memory_space<hbm>>
      %dma_start3A_287 = tpu.memref_squeeze %dma_start3A_286 : memref<1x1x84x128xi32, #tpu.memory_space<hbm>> -> memref<84x128xi32, #tpu.memory_space<hbm>>
      %dma_start3A_288 = arith.constant 0 : i32
      %dma_start3A_289 = arith.constant 0 : i32
      %dma_start3A_290 = tpu.memref_slice %arg3[%arg0, %add3A_136, %dma_start3A_288, %dma_start3A_289] : memref<2x32x84x128xi32, #tpu.memory_space<hbm>> -> memref<1x1x84x128xi32, #tpu.memory_space<hbm>>
      %dma_start3A_291 = tpu.memref_squeeze %dma_start3A_290 : memref<1x1x84x128xi32, #tpu.memory_space<hbm>> -> memref<84x128xi32, #tpu.memory_space<hbm>>
      tpu.enqueue_dma source(%dma_start3A_291 : memref<84x128xi32, #tpu.memory_space<hbm>>) target(%arg8 : memref<84x128xi32, #tpu.memory_space<vmem>>) target_semaphore(%run_scoped3A : memref<!tpu.dma_semaphore, #tpu.memory_space<semaphore_mem>>)
      %dma_wait3A_292 = arith.constant 0 : i32
      %dma_wait3A_293 = arith.constant 0 : i32
      %dma_wait3A_294 = tpu.memref_slice %arg3[%arg0, %add3A_136, %dma_wait3A_292, %dma_wait3A_293] : memref<2x32x84x128xi32, #tpu.memory_space<hbm>> -> memref<1x1x84x128xi32, #tpu.memory_space<hbm>>
      %dma_wait3A_295 = tpu.memref_squeeze %dma_wait3A_294 : memref<1x1x84x128xi32, #tpu.memory_space<hbm>> -> memref<84x128xi32, #tpu.memory_space<hbm>>
      %dma_wait3A_296 = arith.constant 0 : i32
      %dma_wait3A_297 = arith.constant 0 : i32
      %dma_wait3A_298 = tpu.memref_slice %arg3[%arg0, %add3A_136, %dma_wait3A_296, %dma_wait3A_297] : memref<2x32x84x128xi32, #tpu.memory_space<hbm>> -> memref<1x1x84x128xi32, #tpu.memory_space<hbm>>
      %dma_wait3A_299 = tpu.memref_squeeze %dma_wait3A_298 : memref<1x1x84x128xi32, #tpu.memory_space<hbm>> -> memref<84x128xi32, #tpu.memory_space<hbm>>
      tpu.wait_dma2 semaphore(%run_scoped3A : memref<!tpu.dma_semaphore, #tpu.memory_space<semaphore_mem>>) src(%dma_wait3A_299 : memref<84x128xi32, #tpu.memory_space<hbm>>) dst(%arg8 : memref<84x128xi32, #tpu.memory_space<vmem>>)
      tpu.yield
    }) : () -> ()
    "tpu.region"() ({
      %run_scoped3A = tpu.sem_alloc : memref<!tpu.dma_semaphore, #tpu.memory_space<semaphore_mem>>
      %dma_start3A_284 = arith.constant 0 : i32
      %dma_start3A_285 = arith.constant 0 : i32
      %dma_start3A_286 = tpu.memref_slice %arg4[%arg0, %add3A_136, %dma_start3A_284, %dma_start3A_285] : memref<2x32x84x128xi32, #tpu.memory_space<hbm>> -> memref<1x1x84x128xi32, #tpu.memory_space<hbm>>
      %dma_start3A_287 = tpu.memref_squeeze %dma_start3A_286 : memref<1x1x84x128xi32, #tpu.memory_space<hbm>> -> memref<84x128xi32, #tpu.memory_space<hbm>>
      %dma_start3A_288 = arith.constant 0 : i32
      %dma_start3A_289 = arith.constant 0 : i32
      %dma_start3A_290 = tpu.memref_slice %arg4[%arg0, %add3A_136, %dma_start3A_288, %dma_start3A_289] : memref<2x32x84x128xi32, #tpu.memory_space<hbm>> -> memref<1x1x84x128xi32, #tpu.memory_space<hbm>>
      %dma_start3A_291 = tpu.memref_squeeze %dma_start3A_290 : memref<1x1x84x128xi32, #tpu.memory_space<hbm>> -> memref<84x128xi32, #tpu.memory_space<hbm>>
      tpu.enqueue_dma source(%dma_start3A_291 : memref<84x128xi32, #tpu.memory_space<hbm>>) target(%arg9 : memref<84x128xi32, #tpu.memory_space<vmem>>) target_semaphore(%run_scoped3A : memref<!tpu.dma_semaphore, #tpu.memory_space<semaphore_mem>>)
      %dma_wait3A_292 = arith.constant 0 : i32
      %dma_wait3A_293 = arith.constant 0 : i32
      %dma_wait3A_294 = tpu.memref_slice %arg4[%arg0, %add3A_136, %dma_wait3A_292, %dma_wait3A_293] : memref<2x32x84x128xi32, #tpu.memory_space<hbm>> -> memref<1x1x84x128xi32, #tpu.memory_space<hbm>>
      %dma_wait3A_295 = tpu.memref_squeeze %dma_wait3A_294 : memref<1x1x84x128xi32, #tpu.memory_space<hbm>> -> memref<84x128xi32, #tpu.memory_space<hbm>>
      %dma_wait3A_296 = arith.constant 0 : i32
      %dma_wait3A_297 = arith.constant 0 : i32
      %dma_wait3A_298 = tpu.memref_slice %arg4[%arg0, %add3A_136, %dma_wait3A_296, %dma_wait3A_297] : memref<2x32x84x128xi32, #tpu.memory_space<hbm>> -> memref<1x1x84x128xi32, #tpu.memory_space<hbm>>
      %dma_wait3A_299 = tpu.memref_squeeze %dma_wait3A_298 : memref<1x1x84x128xi32, #tpu.memory_space<hbm>> -> memref<84x128xi32, #tpu.memory_space<hbm>>
      tpu.wait_dma2 semaphore(%run_scoped3A : memref<!tpu.dma_semaphore, #tpu.memory_space<semaphore_mem>>) src(%dma_wait3A_299 : memref<84x128xi32, #tpu.memory_space<hbm>>) dst(%arg9 : memref<84x128xi32, #tpu.memory_space<vmem>>)
      tpu.yield
    }) : () -> ()
    "tpu.region"() ({
      %run_scoped3A = tpu.sem_alloc : memref<!tpu.dma_semaphore, #tpu.memory_space<semaphore_mem>>
      %dma_start3A_284 = arith.constant 0 : i32
      %dma_start3A_285 = tpu.memref_slice %arg5[%arg0, %add3A_136, %dma_start3A_284] : memref<2x32x16xi32, #tpu.memory_space<hbm>> -> memref<1x1x16xi32, #tpu.memory_space<hbm>>
      %dma_start3A_286 = tpu.memref_squeeze %dma_start3A_285 : memref<1x1x16xi32, #tpu.memory_space<hbm>> -> memref<16xi32, #tpu.memory_space<hbm>>
      %dma_start3A_287 = arith.constant 0 : i32
      %dma_start3A_288 = tpu.memref_slice %arg5[%arg0, %add3A_136, %dma_start3A_287] : memref<2x32x16xi32, #tpu.memory_space<hbm>> -> memref<1x1x16xi32, #tpu.memory_space<hbm>>
      %dma_start3A_289 = tpu.memref_squeeze %dma_start3A_288 : memref<1x1x16xi32, #tpu.memory_space<hbm>> -> memref<16xi32, #tpu.memory_space<hbm>>
      tpu.enqueue_dma source(%dma_start3A_289 : memref<16xi32, #tpu.memory_space<hbm>>) target(%arg10 : memref<16xi32, #tpu.memory_space<vmem>>) target_semaphore(%run_scoped3A : memref<!tpu.dma_semaphore, #tpu.memory_space<semaphore_mem>>)
      %dma_wait3A_290 = arith.constant 0 : i32
      %dma_wait3A_291 = tpu.memref_slice %arg5[%arg0, %add3A_136, %dma_wait3A_290] : memref<2x32x16xi32, #tpu.memory_space<hbm>> -> memref<1x1x16xi32, #tpu.memory_space<hbm>>
      %dma_wait3A_292 = tpu.memref_squeeze %dma_wait3A_291 : memref<1x1x16xi32, #tpu.memory_space<hbm>> -> memref<16xi32, #tpu.memory_space<hbm>>
      %dma_wait3A_293 = arith.constant 0 : i32
      %dma_wait3A_294 = tpu.memref_slice %arg5[%arg0, %add3A_136, %dma_wait3A_293] : memref<2x32x16xi32, #tpu.memory_space<hbm>> -> memref<1x1x16xi32, #tpu.memory_space<hbm>>
      %dma_wait3A_295 = tpu.memref_squeeze %dma_wait3A_294 : memref<1x1x16xi32, #tpu.memory_space<hbm>> -> memref<16xi32, #tpu.memory_space<hbm>>
      tpu.wait_dma2 semaphore(%run_scoped3A : memref<!tpu.dma_semaphore, #tpu.memory_space<semaphore_mem>>) src(%dma_wait3A_295 : memref<16xi32, #tpu.memory_space<hbm>>) dst(%arg10 : memref<16xi32, #tpu.memory_space<vmem>>)
      tpu.yield
    }) : () -> ()
    %get3A_137 = arith.constant 0 : index
    %get3A_138 = tpu.vector_load %arg10[%get3A_137] {strides = array<i32>} : memref<16xi32, #tpu.memory_space<vmem>>, vector<16xi32>,
    %reduce_max3A_139 = arith.constant true
    %reduce_max3A_140 = vector.broadcast %reduce_max3A_139 : i1 to vector<16xi1>
    %reduce_max3A_141 = arith.constant -2147483648 : i32
    %reduce_max3A_142 = vector.broadcast %reduce_max3A_141 : i32 to vector<16xi32>
    %reduce_max3A_143 = arith.xori %get3A_138, %reduce_max3A_142 : vector<16xi32>
    %reduce_max3A_144 = tpu.scan <max>, %reduce_max3A_143 masked %reduce_max3A_140 : vector<16xi32>, vector<16xi1> -> vector<16xi32>
    %reduce_max3A_145 = arith.xori %reduce_max3A_144, %reduce_max3A_142 : vector<16xi32>
    %reduce_max3A_146 = vector.extract %reduce_max3A_145[15] : i32 from vector<16xi32>
    %add3A_147 = arith.constant 127 : i32
    %add3A_148 = arith.addi %reduce_max3A_146, %add3A_147 : i32
    %jit3A_149 = arith.constant 128 : i32
    %div3A_150 = arith.divsi %add3A_148, %jit3A_149 : i32
    %sign3A_151 = arith.constant 0 : i32
    %sign3A_152 = arith.cmpi sgt, %add3A_148, %sign3A_151 : i32
    %sign3A_153 = arith.extui %sign3A_152 : i1 to i32
    %sign3A_154 = arith.constant 0 : i32
    %sign3A_155 = arith.cmpi slt, %add3A_148, %sign3A_154 : i32
    %sign3A_156 = arith.extui %sign3A_155 : i1 to i32
    %sign3A_157 = arith.subi %sign3A_153, %sign3A_156 : i32
    %sign3A_158 = arith.constant 0 : i32
    %sign3A_159 = arith.cmpi sgt, %jit3A_149, %sign3A_158 : i32
    %sign3A_160 = arith.extui %sign3A_159 : i1 to i32
    %sign3A_161 = arith.constant 0 : i32
    %sign3A_162 = arith.cmpi slt, %jit3A_149, %sign3A_161 : i32
    %sign3A_163 = arith.extui %sign3A_162 : i1 to i32
    %sign3A_164 = arith.subi %sign3A_160, %sign3A_163 : i32
    %ne3A_165 = arith.cmpi ne, %sign3A_157, %sign3A_164 : i32
    %rem3A_166 = arith.remsi %add3A_148, %jit3A_149 : i32
    %ne3A_167 = arith.constant 0 : i32
    %ne3A_168 = arith.cmpi ne, %rem3A_166, %ne3A_167 : i32
    %and3A_169 = arith.andi %ne3A_165, %ne3A_168 : i1
    %sub3A_170 = arith.constant 1 : i32
    %sub3A_171 = arith.subi %div3A_150, %sub3A_170 : i32
    %select_n3A_172 = arith.select %and3A_169, %sub3A_171, %div3A_150 : i32
    %add3A_173 = arith.constant 2 : i32
    %add3A_174 = arith.addi %select_n3A_172, %add3A_173 : i32
    %jit3A_175 = arith.constant 3 : i32
    %div3A_176 = arith.divsi %add3A_174, %jit3A_175 : i32
    %sign3A_177 = arith.constant 0 : i32
    %sign3A_178 = arith.cmpi sgt, %add3A_174, %sign3A_177 : i32
    %sign3A_179 = arith.extui %sign3A_178 : i1 to i32
    %sign3A_180 = arith.constant 0 : i32
    %sign3A_181 = arith.cmpi slt, %add3A_174, %sign3A_180 : i32
    %sign3A_182 = arith.extui %sign3A_181 : i1 to i32
    %sign3A_183 = arith.subi %sign3A_179, %sign3A_182 : i32
    %sign3A_184 = arith.constant 0 : i32
    %sign3A_185 = arith.cmpi sgt, %jit3A_175, %sign3A_184 : i32
    %sign3A_186 = arith.extui %sign3A_185 : i1 to i32
    %sign3A_187 = arith.constant 0 : i32
    %sign3A_188 = arith.cmpi slt, %jit3A_175, %sign3A_187 : i32
    %sign3A_189 = arith.extui %sign3A_188 : i1 to i32
    %sign3A_190 = arith.subi %sign3A_186, %sign3A_189 : i32
    %ne3A_191 = arith.cmpi ne, %sign3A_183, %sign3A_190 : i32
    %rem3A_192 = arith.remsi %add3A_174, %jit3A_175 : i32
    %ne3A_193 = arith.constant 0 : i32
    %ne3A_194 = arith.cmpi ne, %rem3A_192, %ne3A_193 : i32
    %and3A_195 = arith.andi %ne3A_191, %ne3A_194 : i1
    %sub3A_196 = arith.constant 1 : i32
    %sub3A_197 = arith.subi %div3A_176, %sub3A_196 : i32
    %select_n3A_198 = arith.select %and3A_195, %sub3A_197, %div3A_176 : i32
    %mul3A_199 = arith.constant 3 : i32
    %mul3A_200 = arith.muli %select_n3A_198, %mul3A_199 : i32
    %max3A_201 = arith.constant 3 : i32
    %max3A_202 = arith.maxsi %mul3A_200, %max3A_201 : i32
    %min3A_203 = arith.constant 84 : i32
    %min3A_204 = arith.minsi %max3A_202, %min3A_203 : i32
    %dma_start3A_205 = arith.constant 0 : i32
    %dma_start3A_206 = arith.constant 0 : i32
    %dma_start3A_207 = tpu.memref_slice %arg8[%dma_start3A_205, %dma_start3A_206] : memref<84x128xi32, #tpu.memory_space<vmem>> -> memref<1x128xi32, #tpu.memory_space<vmem>>
    %dma_start3A_208 = tpu.memref_squeeze %dma_start3A_207 : memref<1x128xi32, #tpu.memory_space<vmem>> -> memref<128xi32, #tpu.memory_space<vmem>>
    %dma_start3A_209 = arith.constant 0 : i32
    %dma_start3A_210 = arith.constant 0 : i32
    %dma_start3A_211 = tpu.memref_slice %arg2[%dma_start3A_209, %dma_start3A_210] : memref<10240x128xf32, #tpu.memory_space<hbm>> -> memref<10240x128xf32, #tpu.memory_space<hbm>>
    tpu.enqueue_indirect_dma source(%dma_start3A_211 : memref<10240x128xf32, #tpu.memory_space<hbm>>) target(%arg11 : memref<128x128xf32, #tpu.memory_space<vmem>>) offsets(%dma_start3A_208 : memref<128xi32, #tpu.memory_space<vmem>>) semaphore(%arg15 : memref<!tpu.dma_semaphore, #tpu.memory_space<semaphore_mem>>)
    %dma_start3A_212 = arith.constant 1 : i32
    %dma_start3A_213 = arith.constant 0 : i32
    %dma_start3A_214 = tpu.memref_slice %arg8[%dma_start3A_212, %dma_start3A_213] : memref<84x128xi32, #tpu.memory_space<vmem>> -> memref<1x128xi32, #tpu.memory_space<vmem>>
    %dma_start3A_215 = tpu.memref_squeeze %dma_start3A_214 : memref<1x128xi32, #tpu.memory_space<vmem>> -> memref<128xi32, #tpu.memory_space<vmem>>
    %dma_start3A_216 = arith.constant 0 : i32
    %dma_start3A_217 = arith.constant 0 : i32
    %dma_start3A_218 = tpu.memref_slice %arg2[%dma_start3A_216, %dma_start3A_217] : memref<10240x128xf32, #tpu.memory_space<hbm>> -> memref<10240x128xf32, #tpu.memory_space<hbm>>
    tpu.enqueue_indirect_dma source(%dma_start3A_218 : memref<10240x128xf32, #tpu.memory_space<hbm>>) target(%arg12 : memref<128x128xf32, #tpu.memory_space<vmem>>) offsets(%dma_start3A_215 : memref<128xi32, #tpu.memory_space<vmem>>) semaphore(%arg16 : memref<!tpu.dma_semaphore, #tpu.memory_space<semaphore_mem>>)
    %dma_start3A_219 = arith.constant 2 : i32
    %dma_start3A_220 = arith.constant 0 : i32
    %dma_start3A_221 = tpu.memref_slice %arg8[%dma_start3A_219, %dma_start3A_220] : memref<84x128xi32, #tpu.memory_space<vmem>> -> memref<1x128xi32, #tpu.memory_space<vmem>>
    %dma_start3A_222 = tpu.memref_squeeze %dma_start3A_221 : memref<1x128xi32, #tpu.memory_space<vmem>> -> memref<128xi32, #tpu.memory_space<vmem>>
    %dma_start3A_223 = arith.constant 0 : i32
    %dma_start3A_224 = arith.constant 0 : i32
    %dma_start3A_225 = tpu.memref_slice %arg2[%dma_start3A_223, %dma_start3A_224] : memref<10240x128xf32, #tpu.memory_space<hbm>> -> memref<10240x128xf32, #tpu.memory_space<hbm>>
    tpu.enqueue_indirect_dma source(%dma_start3A_225 : memref<10240x128xf32, #tpu.memory_space<hbm>>) target(%arg13 : memref<128x128xf32, #tpu.memory_space<vmem>>) offsets(%dma_start3A_222 : memref<128xi32, #tpu.memory_space<vmem>>) semaphore(%arg17 : memref<!tpu.dma_semaphore, #tpu.memory_space<semaphore_mem>>)
    %jit3A_226 = arith.constant 3 : i32
    %div3A_227 = arith.divsi %min3A_204, %jit3A_226 : i32
    %sign3A_228 = arith.constant 0 : i32
    %sign3A_229 = arith.cmpi sgt, %min3A_204, %sign3A_228 : i32
    %sign3A_230 = arith.extui %sign3A_229 : i1 to i32
    %sign3A_231 = arith.constant 0 : i32
    %sign3A_232 = arith.cmpi slt, %min3A_204, %sign3A_231 : i32
    %sign3A_233 = arith.extui %sign3A_232 : i1 to i32
    %sign3A_234 = arith.subi %sign3A_230, %sign3A_233 : i32
    %sign3A_235 = arith.constant 0 : i32
    %sign3A_236 = arith.cmpi sgt, %jit3A_226, %sign3A_235 : i32
    %sign3A_237 = arith.extui %sign3A_236 : i1 to i32
    %sign3A_238 = arith.constant 0 : i32
    %sign3A_239 = arith.cmpi slt, %jit3A_226, %sign3A_238 : i32
    %sign3A_240 = arith.extui %sign3A_239 : i1 to i32
    %sign3A_241 = arith.subi %sign3A_237, %sign3A_240 : i32
    %ne3A_242 = arith.cmpi ne, %sign3A_234, %sign3A_241 : i32
    %rem3A_243 = arith.remsi %min3A_204, %jit3A_226 : i32
    %ne3A_244 = arith.constant 0 : i32
    %ne3A_245 = arith.cmpi ne, %rem3A_243, %ne3A_244 : i32
    %and3A_246 = arith.andi %ne3A_242, %ne3A_245 : i1
    %sub3A_247 = arith.constant 1 : i32
    %sub3A_248 = arith.subi %div3A_227, %sub3A_247 : i32
    %select_n3A_249 = arith.select %and3A_246, %sub3A_248, %div3A_227 : i32
    %while3A_250 = arith.constant 0 : i32
    %while3A_251 = arith.constant 0 : i32
    %while3A_252 = arith.subi %select_n3A_249, %while3A_250 : i32
    %while3A_253 = arith.addi %while3A_250, %while3A_252 : i32
    %while3A_254 = arith.constant 1 : i32
    %while3A_255 = arith.divsi %while3A_252, %while3A_254 : i32
    %while3A_256 = arith.muli %while3A_255, %while3A_254 : i32
    %while3A_257 = arith.addi %while3A_250, %while3A_256 : i32
    %while3A_258 = arith.constant 1 : i32
    %while3A_259 = scf.for %while3A_284 = %while3A_250 to %while3A_257 step %while3A_258 iter_args(%while3A_285 = %while3A_251) -> (i32)  : i32 {
      %mul3A_286 = arith.constant 3 : i32
      %mul3A_287 = arith.muli %mul3A_286, %while3A_284 : i32
      %add3A_288 = arith.constant 0 : i32
      %add3A_289 = arith.addi %mul3A_287, %add3A_288 : i32
      %dma_wait3A_290 = arith.constant 0 : i32
      %dma_wait3A_291 = tpu.memref_slice %arg8[%add3A_289, %dma_wait3A_290] : memref<84x128xi32, #tpu.memory_space<vmem>> -> memref<1x128xi32, #tpu.memory_space<vmem>>
      %dma_wait3A_292 = tpu.memref_squeeze %dma_wait3A_291 : memref<1x128xi32, #tpu.memory_space<vmem>> -> memref<128xi32, #tpu.memory_space<vmem>>
      %dma_wait3A_293 = arith.constant 0 : i32
      %dma_wait3A_294 = arith.constant 0 : i32
      %dma_wait3A_295 = tpu.memref_slice %arg2[%dma_wait3A_293, %dma_wait3A_294] : memref<10240x128xf32, #tpu.memory_space<hbm>> -> memref<10240x128xf32, #tpu.memory_space<hbm>>
      tpu.wait_indirect_dma semaphore(%arg15 : memref<!tpu.dma_semaphore, #tpu.memory_space<semaphore_mem>>) src(%dma_wait3A_295 : memref<10240x128xf32, #tpu.memory_space<hbm>>) dst(%arg11 : memref<128x128xf32, #tpu.memory_space<vmem>>)
      %dma_start3A_296 = arith.constant 0 : i32
      %dma_start3A_297 = tpu.memref_slice %arg9[%add3A_289, %dma_start3A_296] : memref<84x128xi32, #tpu.memory_space<vmem>> -> memref<1x128xi32, #tpu.memory_space<vmem>>
      %dma_start3A_298 = tpu.memref_squeeze %dma_start3A_297 : memref<1x128xi32, #tpu.memory_space<vmem>> -> memref<128xi32, #tpu.memory_space<vmem>>
      %dma_start3A_299 = arith.constant 0 : i32
      %dma_start3A_300 = arith.constant 0 : i32
      %dma_start3A_301 = tpu.memref_slice %arg14[%dma_start3A_299, %dma_start3A_300] : memref<5128x128xf32, #tpu.memory_space<vmem_shared>> -> memref<5128x128xf32, #tpu.memory_space<vmem_shared>>
      tpu.enqueue_indirect_dma source(%arg11 : memref<128x128xf32, #tpu.memory_space<vmem>>) target(%dma_start3A_301 : memref<5128x128xf32, #tpu.memory_space<vmem_shared>>) offsets(%dma_start3A_298 : memref<128xi32, #tpu.memory_space<vmem>>) semaphore(%arg18 : memref<!tpu.dma_semaphore, #tpu.memory_space<semaphore_mem>>) {add = true}
      %add3A_302 = arith.constant 3 : i32
      %add3A_303 = arith.addi %add3A_289, %add3A_302 : i32
      %lt3A = arith.cmpi slt, %add3A_303, %min3A_204 : i32
      %convert_element_type3A = arith.extui %lt3A : i1 to i32
      %cond3A = arith.constant 0 : i32
      %cond3A_304 = arith.cmpi ne, %convert_element_type3A, %cond3A : i32
      scf.if %cond3A_304 {
        %dma_wait3A_346 = arith.constant 0 : i32
        %dma_wait3A_347 = tpu.memref_slice %arg9[%add3A_289, %dma_wait3A_346] : memref<84x128xi32, #tpu.memory_space<vmem>> -> memref<1x128xi32, #tpu.memory_space<vmem>>
        %dma_wait3A_348 = tpu.memref_squeeze %dma_wait3A_347 : memref<1x128xi32, #tpu.memory_space<vmem>> -> memref<128xi32, #tpu.memory_space<vmem>>
        %dma_wait3A_349 = arith.constant 0 : i32
        %dma_wait3A_350 = arith.constant 0 : i32
        %dma_wait3A_351 = tpu.memref_slice %arg14[%dma_wait3A_349, %dma_wait3A_350] : memref<5128x128xf32, #tpu.memory_space<vmem_shared>> -> memref<5128x128xf32, #tpu.memory_space<vmem_shared>>
        tpu.wait_indirect_dma semaphore(%arg18 : memref<!tpu.dma_semaphore, #tpu.memory_space<semaphore_mem>>) src(%arg11 : memref<128x128xf32, #tpu.memory_space<vmem>>) dst(%dma_wait3A_351 : memref<5128x128xf32, #tpu.memory_space<vmem_shared>>)
        %add3A_352 = arith.constant 3 : i32
        %add3A_353 = arith.addi %add3A_289, %add3A_352 : i32
        %dma_start3A_354 = arith.constant 0 : i32
        %dma_start3A_355 = tpu.memref_slice %arg8[%add3A_353, %dma_start3A_354] : memref<84x128xi32, #tpu.memory_space<vmem>> -> memref<1x128xi32, #tpu.memory_space<vmem>>
        %dma_start3A_356 = tpu.memref_squeeze %dma_start3A_355 : memref<1x128xi32, #tpu.memory_space<vmem>> -> memref<128xi32, #tpu.memory_space<vmem>>
        %dma_start3A_357 = arith.constant 0 : i32
        %dma_start3A_358 = arith.constant 0 : i32
        %dma_start3A_359 = tpu.memref_slice %arg2[%dma_start3A_357, %dma_start3A_358] : memref<10240x128xf32, #tpu.memory_space<hbm>> -> memref<10240x128xf32, #tpu.memory_space<hbm>>
        tpu.enqueue_indirect_dma source(%dma_start3A_359 : memref<10240x128xf32, #tpu.memory_space<hbm>>) target(%arg11 : memref<128x128xf32, #tpu.memory_space<vmem>>) offsets(%dma_start3A_356 : memref<128xi32, #tpu.memory_space<vmem>>) semaphore(%arg15 : memref<!tpu.dma_semaphore, #tpu.memory_space<semaphore_mem>>)
      } else {
      }
      %add3A_305 = arith.constant 1 : i32
      %add3A_306 = arith.addi %mul3A_287, %add3A_305 : i32
      %dma_wait3A_307 = arith.constant 0 : i32
      %dma_wait3A_308 = tpu.memref_slice %arg8[%add3A_306, %dma_wait3A_307] : memref<84x128xi32, #tpu.memory_space<vmem>> -> memref<1x128xi32, #tpu.memory_space<vmem>>
      %dma_wait3A_309 = tpu.memref_squeeze %dma_wait3A_308 : memref<1x128xi32, #tpu.memory_space<vmem>> -> memref<128xi32, #tpu.memory_space<vmem>>
      %dma_wait3A_310 = arith.constant 0 : i32
      %dma_wait3A_311 = arith.constant 0 : i32
      %dma_wait3A_312 = tpu.memref_slice %arg2[%dma_wait3A_310, %dma_wait3A_311] : memref<10240x128xf32, #tpu.memory_space<hbm>> -> memref<10240x128xf32, #tpu.memory_space<hbm>>
      tpu.wait_indirect_dma semaphore(%arg16 : memref<!tpu.dma_semaphore, #tpu.memory_space<semaphore_mem>>) src(%dma_wait3A_312 : memref<10240x128xf32, #tpu.memory_space<hbm>>) dst(%arg12 : memref<128x128xf32, #tpu.memory_space<vmem>>)
      %dma_start3A_313 = arith.constant 0 : i32
      %dma_start3A_314 = tpu.memref_slice %arg9[%add3A_306, %dma_start3A_313] : memref<84x128xi32, #tpu.memory_space<vmem>> -> memref<1x128xi32, #tpu.memory_space<vmem>>
      %dma_start3A_315 = tpu.memref_squeeze %dma_start3A_314 : memref<1x128xi32, #tpu.memory_space<vmem>> -> memref<128xi32, #tpu.memory_space<vmem>>
      %dma_start3A_316 = arith.constant 0 : i32
      %dma_start3A_317 = arith.constant 0 : i32
      %dma_start3A_318 = tpu.memref_slice %arg14[%dma_start3A_316, %dma_start3A_317] : memref<5128x128xf32, #tpu.memory_space<vmem_shared>> -> memref<5128x128xf32, #tpu.memory_space<vmem_shared>>
      tpu.enqueue_indirect_dma source(%arg12 : memref<128x128xf32, #tpu.memory_space<vmem>>) target(%dma_start3A_318 : memref<5128x128xf32, #tpu.memory_space<vmem_shared>>) offsets(%dma_start3A_315 : memref<128xi32, #tpu.memory_space<vmem>>) semaphore(%arg19 : memref<!tpu.dma_semaphore, #tpu.memory_space<semaphore_mem>>) {add = true}
      %add3A_319 = arith.constant 3 : i32
      %add3A_320 = arith.addi %add3A_306, %add3A_319 : i32
      %lt3A_321 = arith.cmpi slt, %add3A_320, %min3A_204 : i32
      %convert_element_type3A_322 = arith.extui %lt3A_321 : i1 to i32
      %cond3A_323 = arith.constant 0 : i32
      %cond3A_324 = arith.cmpi ne, %convert_element_type3A_322, %cond3A_323 : i32
      scf.if %cond3A_324 {
        %dma_wait3A_346 = arith.constant 0 : i32
        %dma_wait3A_347 = tpu.memref_slice %arg9[%add3A_306, %dma_wait3A_346] : memref<84x128xi32, #tpu.memory_space<vmem>> -> memref<1x128xi32, #tpu.memory_space<vmem>>
        %dma_wait3A_348 = tpu.memref_squeeze %dma_wait3A_347 : memref<1x128xi32, #tpu.memory_space<vmem>> -> memref<128xi32, #tpu.memory_space<vmem>>
        %dma_wait3A_349 = arith.constant 0 : i32
        %dma_wait3A_350 = arith.constant 0 : i32
        %dma_wait3A_351 = tpu.memref_slice %arg14[%dma_wait3A_349, %dma_wait3A_350] : memref<5128x128xf32, #tpu.memory_space<vmem_shared>> -> memref<5128x128xf32, #tpu.memory_space<vmem_shared>>
        tpu.wait_indirect_dma semaphore(%arg19 : memref<!tpu.dma_semaphore, #tpu.memory_space<semaphore_mem>>) src(%arg12 : memref<128x128xf32, #tpu.memory_space<vmem>>) dst(%dma_wait3A_351 : memref<5128x128xf32, #tpu.memory_space<vmem_shared>>)
        %add3A_352 = arith.constant 3 : i32
        %add3A_353 = arith.addi %add3A_306, %add3A_352 : i32
        %dma_start3A_354 = arith.constant 0 : i32
        %dma_start3A_355 = tpu.memref_slice %arg8[%add3A_353, %dma_start3A_354] : memref<84x128xi32, #tpu.memory_space<vmem>> -> memref<1x128xi32, #tpu.memory_space<vmem>>
        %dma_start3A_356 = tpu.memref_squeeze %dma_start3A_355 : memref<1x128xi32, #tpu.memory_space<vmem>> -> memref<128xi32, #tpu.memory_space<vmem>>
        %dma_start3A_357 = arith.constant 0 : i32
        %dma_start3A_358 = arith.constant 0 : i32
        %dma_start3A_359 = tpu.memref_slice %arg2[%dma_start3A_357, %dma_start3A_358] : memref<10240x128xf32, #tpu.memory_space<hbm>> -> memref<10240x128xf32, #tpu.memory_space<hbm>>
        tpu.enqueue_indirect_dma source(%dma_start3A_359 : memref<10240x128xf32, #tpu.memory_space<hbm>>) target(%arg12 : memref<128x128xf32, #tpu.memory_space<vmem>>) offsets(%dma_start3A_356 : memref<128xi32, #tpu.memory_space<vmem>>) semaphore(%arg16 : memref<!tpu.dma_semaphore, #tpu.memory_space<semaphore_mem>>)
      } else {
      }
      %add3A_325 = arith.constant 2 : i32
      %add3A_326 = arith.addi %mul3A_287, %add3A_325 : i32
      %dma_wait3A_327 = arith.constant 0 : i32
      %dma_wait3A_328 = tpu.memref_slice %arg8[%add3A_326, %dma_wait3A_327] : memref<84x128xi32, #tpu.memory_space<vmem>> -> memref<1x128xi32, #tpu.memory_space<vmem>>
      %dma_wait3A_329 = tpu.memref_squeeze %dma_wait3A_328 : memref<1x128xi32, #tpu.memory_space<vmem>> -> memref<128xi32, #tpu.memory_space<vmem>>
      %dma_wait3A_330 = arith.constant 0 : i32
      %dma_wait3A_331 = arith.constant 0 : i32
      %dma_wait3A_332 = tpu.memref_slice %arg2[%dma_wait3A_330, %dma_wait3A_331] : memref<10240x128xf32, #tpu.memory_space<hbm>> -> memref<10240x128xf32, #tpu.memory_space<hbm>>
      tpu.wait_indirect_dma semaphore(%arg17 : memref<!tpu.dma_semaphore, #tpu.memory_space<semaphore_mem>>) src(%dma_wait3A_332 : memref<10240x128xf32, #tpu.memory_space<hbm>>) dst(%arg13 : memref<128x128xf32, #tpu.memory_space<vmem>>)
      %dma_start3A_333 = arith.constant 0 : i32
      %dma_start3A_334 = tpu.memref_slice %arg9[%add3A_326, %dma_start3A_333] : memref<84x128xi32, #tpu.memory_space<vmem>> -> memref<1x128xi32, #tpu.memory_space<vmem>>
      %dma_start3A_335 = tpu.memref_squeeze %dma_start3A_334 : memref<1x128xi32, #tpu.memory_space<vmem>> -> memref<128xi32, #tpu.memory_space<vmem>>
      %dma_start3A_336 = arith.constant 0 : i32
      %dma_start3A_337 = arith.constant 0 : i32
      %dma_start3A_338 = tpu.memref_slice %arg14[%dma_start3A_336, %dma_start3A_337] : memref<5128x128xf32, #tpu.memory_space<vmem_shared>> -> memref<5128x128xf32, #tpu.memory_space<vmem_shared>>
      tpu.enqueue_indirect_dma source(%arg13 : memref<128x128xf32, #tpu.memory_space<vmem>>) target(%dma_start3A_338 : memref<5128x128xf32, #tpu.memory_space<vmem_shared>>) offsets(%dma_start3A_335 : memref<128xi32, #tpu.memory_space<vmem>>) semaphore(%arg20 : memref<!tpu.dma_semaphore, #tpu.memory_space<semaphore_mem>>) {add = true}
      %add3A_339 = arith.constant 3 : i32
      %add3A_340 = arith.addi %add3A_326, %add3A_339 : i32
      %lt3A_341 = arith.cmpi slt, %add3A_340, %min3A_204 : i32
      %convert_element_type3A_342 = arith.extui %lt3A_341 : i1 to i32
      %cond3A_343 = arith.constant 0 : i32
      %cond3A_344 = arith.cmpi ne, %convert_element_type3A_342, %cond3A_343 : i32
      scf.if %cond3A_344 {
        %dma_wait3A_346 = arith.constant 0 : i32
        %dma_wait3A_347 = tpu.memref_slice %arg9[%add3A_326, %dma_wait3A_346] : memref<84x128xi32, #tpu.memory_space<vmem>> -> memref<1x128xi32, #tpu.memory_space<vmem>>
        %dma_wait3A_348 = tpu.memref_squeeze %dma_wait3A_347 : memref<1x128xi32, #tpu.memory_space<vmem>> -> memref<128xi32, #tpu.memory_space<vmem>>
        %dma_wait3A_349 = arith.constant 0 : i32
        %dma_wait3A_350 = arith.constant 0 : i32
        %dma_wait3A_351 = tpu.memref_slice %arg14[%dma_wait3A_349, %dma_wait3A_350] : memref<5128x128xf32, #tpu.memory_space<vmem_shared>> -> memref<5128x128xf32, #tpu.memory_space<vmem_shared>>
        tpu.wait_indirect_dma semaphore(%arg20 : memref<!tpu.dma_semaphore, #tpu.memory_space<semaphore_mem>>) src(%arg13 : memref<128x128xf32, #tpu.memory_space<vmem>>) dst(%dma_wait3A_351 : memref<5128x128xf32, #tpu.memory_space<vmem_shared>>)
        %add3A_352 = arith.constant 3 : i32
        %add3A_353 = arith.addi %add3A_326, %add3A_352 : i32
        %dma_start3A_354 = arith.constant 0 : i32
        %dma_start3A_355 = tpu.memref_slice %arg8[%add3A_353, %dma_start3A_354] : memref<84x128xi32, #tpu.memory_space<vmem>> -> memref<1x128xi32, #tpu.memory_space<vmem>>
        %dma_start3A_356 = tpu.memref_squeeze %dma_start3A_355 : memref<1x128xi32, #tpu.memory_space<vmem>> -> memref<128xi32, #tpu.memory_space<vmem>>
        %dma_start3A_357 = arith.constant 0 : i32
        %dma_start3A_358 = arith.constant 0 : i32
        %dma_start3A_359 = tpu.memref_slice %arg2[%dma_start3A_357, %dma_start3A_358] : memref<10240x128xf32, #tpu.memory_space<hbm>> -> memref<10240x128xf32, #tpu.memory_space<hbm>>
        tpu.enqueue_indirect_dma source(%dma_start3A_359 : memref<10240x128xf32, #tpu.memory_space<hbm>>) target(%arg13 : memref<128x128xf32, #tpu.memory_space<vmem>>) offsets(%dma_start3A_356 : memref<128xi32, #tpu.memory_space<vmem>>) semaphore(%arg17 : memref<!tpu.dma_semaphore, #tpu.memory_space<semaphore_mem>>)
      } else {
      }
      %while3A_345 = arith.constant 0 : i32
      scf.yield %while3A_345 : i32
    }
    %while3A_260 = arith.constant 1 : i32
    %while3A_261 = scf.for %while3A_284 = %while3A_257 to %while3A_253 step %while3A_260 iter_args(%while3A_285 = %while3A_259) -> (i32)  : i32 {
      %mul3A_286 = arith.constant 3 : i32
      %mul3A_287 = arith.muli %mul3A_286, %while3A_284 : i32
      %add3A_288 = arith.constant 0 : i32
      %add3A_289 = arith.addi %mul3A_287, %add3A_288 : i32
      %dma_wait3A_290 = arith.constant 0 : i32
      %dma_wait3A_291 = tpu.memref_slice %arg8[%add3A_289, %dma_wait3A_290] : memref<84x128xi32, #tpu.memory_space<vmem>> -> memref<1x128xi32, #tpu.memory_space<vmem>>
      %dma_wait3A_292 = tpu.memref_squeeze %dma_wait3A_291 : memref<1x128xi32, #tpu.memory_space<vmem>> -> memref<128xi32, #tpu.memory_space<vmem>>
      %dma_wait3A_293 = arith.constant 0 : i32
      %dma_wait3A_294 = arith.constant 0 : i32
      %dma_wait3A_295 = tpu.memref_slice %arg2[%dma_wait3A_293, %dma_wait3A_294] : memref<10240x128xf32, #tpu.memory_space<hbm>> -> memref<10240x128xf32, #tpu.memory_space<hbm>>
      tpu.wait_indirect_dma semaphore(%arg15 : memref<!tpu.dma_semaphore, #tpu.memory_space<semaphore_mem>>) src(%dma_wait3A_295 : memref<10240x128xf32, #tpu.memory_space<hbm>>) dst(%arg11 : memref<128x128xf32, #tpu.memory_space<vmem>>)
      %dma_start3A_296 = arith.constant 0 : i32
      %dma_start3A_297 = tpu.memref_slice %arg9[%add3A_289, %dma_start3A_296] : memref<84x128xi32, #tpu.memory_space<vmem>> -> memref<1x128xi32, #tpu.memory_space<vmem>>
      %dma_start3A_298 = tpu.memref_squeeze %dma_start3A_297 : memref<1x128xi32, #tpu.memory_space<vmem>> -> memref<128xi32, #tpu.memory_space<vmem>>
      %dma_start3A_299 = arith.constant 0 : i32
      %dma_start3A_300 = arith.constant 0 : i32
      %dma_start3A_301 = tpu.memref_slice %arg14[%dma_start3A_299, %dma_start3A_300] : memref<5128x128xf32, #tpu.memory_space<vmem_shared>> -> memref<5128x128xf32, #tpu.memory_space<vmem_shared>>
      tpu.enqueue_indirect_dma source(%arg11 : memref<128x128xf32, #tpu.memory_space<vmem>>) target(%dma_start3A_301 : memref<5128x128xf32, #tpu.memory_space<vmem_shared>>) offsets(%dma_start3A_298 : memref<128xi32, #tpu.memory_space<vmem>>) semaphore(%arg18 : memref<!tpu.dma_semaphore, #tpu.memory_space<semaphore_mem>>) {add = true}
      %add3A_302 = arith.constant 3 : i32
      %add3A_303 = arith.addi %add3A_289, %add3A_302 : i32
      %lt3A = arith.cmpi slt, %add3A_303, %min3A_204 : i32
      %convert_element_type3A = arith.extui %lt3A : i1 to i32
      %cond3A = arith.constant 0 : i32
      %cond3A_304 = arith.cmpi ne, %convert_element_type3A, %cond3A : i32
      scf.if %cond3A_304 {
        %dma_wait3A_346 = arith.constant 0 : i32
        %dma_wait3A_347 = tpu.memref_slice %arg9[%add3A_289, %dma_wait3A_346] : memref<84x128xi32, #tpu.memory_space<vmem>> -> memref<1x128xi32, #tpu.memory_space<vmem>>
        %dma_wait3A_348 = tpu.memref_squeeze %dma_wait3A_347 : memref<1x128xi32, #tpu.memory_space<vmem>> -> memref<128xi32, #tpu.memory_space<vmem>>
        %dma_wait3A_349 = arith.constant 0 : i32
        %dma_wait3A_350 = arith.constant 0 : i32
        %dma_wait3A_351 = tpu.memref_slice %arg14[%dma_wait3A_349, %dma_wait3A_350] : memref<5128x128xf32, #tpu.memory_space<vmem_shared>> -> memref<5128x128xf32, #tpu.memory_space<vmem_shared>>
        tpu.wait_indirect_dma semaphore(%arg18 : memref<!tpu.dma_semaphore, #tpu.memory_space<semaphore_mem>>) src(%arg11 : memref<128x128xf32, #tpu.memory_space<vmem>>) dst(%dma_wait3A_351 : memref<5128x128xf32, #tpu.memory_space<vmem_shared>>)
        %add3A_352 = arith.constant 3 : i32
        %add3A_353 = arith.addi %add3A_289, %add3A_352 : i32
        %dma_start3A_354 = arith.constant 0 : i32
        %dma_start3A_355 = tpu.memref_slice %arg8[%add3A_353, %dma_start3A_354] : memref<84x128xi32, #tpu.memory_space<vmem>> -> memref<1x128xi32, #tpu.memory_space<vmem>>
        %dma_start3A_356 = tpu.memref_squeeze %dma_start3A_355 : memref<1x128xi32, #tpu.memory_space<vmem>> -> memref<128xi32, #tpu.memory_space<vmem>>
        %dma_start3A_357 = arith.constant 0 : i32
        %dma_start3A_358 = arith.constant 0 : i32
        %dma_start3A_359 = tpu.memref_slice %arg2[%dma_start3A_357, %dma_start3A_358] : memref<10240x128xf32, #tpu.memory_space<hbm>> -> memref<10240x128xf32, #tpu.memory_space<hbm>>
        tpu.enqueue_indirect_dma source(%dma_start3A_359 : memref<10240x128xf32, #tpu.memory_space<hbm>>) target(%arg11 : memref<128x128xf32, #tpu.memory_space<vmem>>) offsets(%dma_start3A_356 : memref<128xi32, #tpu.memory_space<vmem>>) semaphore(%arg15 : memref<!tpu.dma_semaphore, #tpu.memory_space<semaphore_mem>>)
      } else {
      }
      %add3A_305 = arith.constant 1 : i32
      %add3A_306 = arith.addi %mul3A_287, %add3A_305 : i32
      %dma_wait3A_307 = arith.constant 0 : i32
      %dma_wait3A_308 = tpu.memref_slice %arg8[%add3A_306, %dma_wait3A_307] : memref<84x128xi32, #tpu.memory_space<vmem>> -> memref<1x128xi32, #tpu.memory_space<vmem>>
      %dma_wait3A_309 = tpu.memref_squeeze %dma_wait3A_308 : memref<1x128xi32, #tpu.memory_space<vmem>> -> memref<128xi32, #tpu.memory_space<vmem>>
      %dma_wait3A_310 = arith.constant 0 : i32
      %dma_wait3A_311 = arith.constant 0 : i32
      %dma_wait3A_312 = tpu.memref_slice %arg2[%dma_wait3A_310, %dma_wait3A_311] : memref<10240x128xf32, #tpu.memory_space<hbm>> -> memref<10240x128xf32, #tpu.memory_space<hbm>>
      tpu.wait_indirect_dma semaphore(%arg16 : memref<!tpu.dma_semaphore, #tpu.memory_space<semaphore_mem>>) src(%dma_wait3A_312 : memref<10240x128xf32, #tpu.memory_space<hbm>>) dst(%arg12 : memref<128x128xf32, #tpu.memory_space<vmem>>)
      %dma_start3A_313 = arith.constant 0 : i32
      %dma_start3A_314 = tpu.memref_slice %arg9[%add3A_306, %dma_start3A_313] : memref<84x128xi32, #tpu.memory_space<vmem>> -> memref<1x128xi32, #tpu.memory_space<vmem>>
      %dma_start3A_315 = tpu.memref_squeeze %dma_start3A_314 : memref<1x128xi32, #tpu.memory_space<vmem>> -> memref<128xi32, #tpu.memory_space<vmem>>
      %dma_start3A_316 = arith.constant 0 : i32
      %dma_start3A_317 = arith.constant 0 : i32
      %dma_start3A_318 = tpu.memref_slice %arg14[%dma_start3A_316, %dma_start3A_317] : memref<5128x128xf32, #tpu.memory_space<vmem_shared>> -> memref<5128x128xf32, #tpu.memory_space<vmem_shared>>
      tpu.enqueue_indirect_dma source(%arg12 : memref<128x128xf32, #tpu.memory_space<vmem>>) target(%dma_start3A_318 : memref<5128x128xf32, #tpu.memory_space<vmem_shared>>) offsets(%dma_start3A_315 : memref<128xi32, #tpu.memory_space<vmem>>) semaphore(%arg19 : memref<!tpu.dma_semaphore, #tpu.memory_space<semaphore_mem>>) {add = true}
      %add3A_319 = arith.constant 3 : i32
      %add3A_320 = arith.addi %add3A_306, %add3A_319 : i32
      %lt3A_321 = arith.cmpi slt, %add3A_320, %min3A_204 : i32
      %convert_element_type3A_322 = arith.extui %lt3A_321 : i1 to i32
      %cond3A_323 = arith.constant 0 : i32
      %cond3A_324 = arith.cmpi ne, %convert_element_type3A_322, %cond3A_323 : i32
      scf.if %cond3A_324 {
        %dma_wait3A_346 = arith.constant 0 : i32
        %dma_wait3A_347 = tpu.memref_slice %arg9[%add3A_306, %dma_wait3A_346] : memref<84x128xi32, #tpu.memory_space<vmem>> -> memref<1x128xi32, #tpu.memory_space<vmem>>
        %dma_wait3A_348 = tpu.memref_squeeze %dma_wait3A_347 : memref<1x128xi32, #tpu.memory_space<vmem>> -> memref<128xi32, #tpu.memory_space<vmem>>
        %dma_wait3A_349 = arith.constant 0 : i32
        %dma_wait3A_350 = arith.constant 0 : i32
        %dma_wait3A_351 = tpu.memref_slice %arg14[%dma_wait3A_349, %dma_wait3A_350] : memref<5128x128xf32, #tpu.memory_space<vmem_shared>> -> memref<5128x128xf32, #tpu.memory_space<vmem_shared>>
        tpu.wait_indirect_dma semaphore(%arg19 : memref<!tpu.dma_semaphore, #tpu.memory_space<semaphore_mem>>) src(%arg12 : memref<128x128xf32, #tpu.memory_space<vmem>>) dst(%dma_wait3A_351 : memref<5128x128xf32, #tpu.memory_space<vmem_shared>>)
        %add3A_352 = arith.constant 3 : i32
        %add3A_353 = arith.addi %add3A_306, %add3A_352 : i32
        %dma_start3A_354 = arith.constant 0 : i32
        %dma_start3A_355 = tpu.memref_slice %arg8[%add3A_353, %dma_start3A_354] : memref<84x128xi32, #tpu.memory_space<vmem>> -> memref<1x128xi32, #tpu.memory_space<vmem>>
        %dma_start3A_356 = tpu.memref_squeeze %dma_start3A_355 : memref<1x128xi32, #tpu.memory_space<vmem>> -> memref<128xi32, #tpu.memory_space<vmem>>
        %dma_start3A_357 = arith.constant 0 : i32
        %dma_start3A_358 = arith.constant 0 : i32
        %dma_start3A_359 = tpu.memref_slice %arg2[%dma_start3A_357, %dma_start3A_358] : memref<10240x128xf32, #tpu.memory_space<hbm>> -> memref<10240x128xf32, #tpu.memory_space<hbm>>
        tpu.enqueue_indirect_dma source(%dma_start3A_359 : memref<10240x128xf32, #tpu.memory_space<hbm>>) target(%arg12 : memref<128x128xf32, #tpu.memory_space<vmem>>) offsets(%dma_start3A_356 : memref<128xi32, #tpu.memory_space<vmem>>) semaphore(%arg16 : memref<!tpu.dma_semaphore, #tpu.memory_space<semaphore_mem>>)
      } else {
      }
      %add3A_325 = arith.constant 2 : i32
      %add3A_326 = arith.addi %mul3A_287, %add3A_325 : i32
      %dma_wait3A_327 = arith.constant 0 : i32
      %dma_wait3A_328 = tpu.memref_slice %arg8[%add3A_326, %dma_wait3A_327] : memref<84x128xi32, #tpu.memory_space<vmem>> -> memref<1x128xi32, #tpu.memory_space<vmem>>
      %dma_wait3A_329 = tpu.memref_squeeze %dma_wait3A_328 : memref<1x128xi32, #tpu.memory_space<vmem>> -> memref<128xi32, #tpu.memory_space<vmem>>
      %dma_wait3A_330 = arith.constant 0 : i32
      %dma_wait3A_331 = arith.constant 0 : i32
      %dma_wait3A_332 = tpu.memref_slice %arg2[%dma_wait3A_330, %dma_wait3A_331] : memref<10240x128xf32, #tpu.memory_space<hbm>> -> memref<10240x128xf32, #tpu.memory_space<hbm>>
      tpu.wait_indirect_dma semaphore(%arg17 : memref<!tpu.dma_semaphore, #tpu.memory_space<semaphore_mem>>) src(%dma_wait3A_332 : memref<10240x128xf32, #tpu.memory_space<hbm>>) dst(%arg13 : memref<128x128xf32, #tpu.memory_space<vmem>>)
      %dma_start3A_333 = arith.constant 0 : i32
      %dma_start3A_334 = tpu.memref_slice %arg9[%add3A_326, %dma_start3A_333] : memref<84x128xi32, #tpu.memory_space<vmem>> -> memref<1x128xi32, #tpu.memory_space<vmem>>
      %dma_start3A_335 = tpu.memref_squeeze %dma_start3A_334 : memref<1x128xi32, #tpu.memory_space<vmem>> -> memref<128xi32, #tpu.memory_space<vmem>>
      %dma_start3A_336 = arith.constant 0 : i32
      %dma_start3A_337 = arith.constant 0 : i32
      %dma_start3A_338 = tpu.memref_slice %arg14[%dma_start3A_336, %dma_start3A_337] : memref<5128x128xf32, #tpu.memory_space<vmem_shared>> -> memref<5128x128xf32, #tpu.memory_space<vmem_shared>>
      tpu.enqueue_indirect_dma source(%arg13 : memref<128x128xf32, #tpu.memory_space<vmem>>) target(%dma_start3A_338 : memref<5128x128xf32, #tpu.memory_space<vmem_shared>>) offsets(%dma_start3A_335 : memref<128xi32, #tpu.memory_space<vmem>>) semaphore(%arg20 : memref<!tpu.dma_semaphore, #tpu.memory_space<semaphore_mem>>) {add = true}
      %add3A_339 = arith.constant 3 : i32
      %add3A_340 = arith.addi %add3A_326, %add3A_339 : i32
      %lt3A_341 = arith.cmpi slt, %add3A_340, %min3A_204 : i32
      %convert_element_type3A_342 = arith.extui %lt3A_341 : i1 to i32
      %cond3A_343 = arith.constant 0 : i32
      %cond3A_344 = arith.cmpi ne, %convert_element_type3A_342, %cond3A_343 : i32
      scf.if %cond3A_344 {
        %dma_wait3A_346 = arith.constant 0 : i32
        %dma_wait3A_347 = tpu.memref_slice %arg9[%add3A_326, %dma_wait3A_346] : memref<84x128xi32, #tpu.memory_space<vmem>> -> memref<1x128xi32, #tpu.memory_space<vmem>>
        %dma_wait3A_348 = tpu.memref_squeeze %dma_wait3A_347 : memref<1x128xi32, #tpu.memory_space<vmem>> -> memref<128xi32, #tpu.memory_space<vmem>>
        %dma_wait3A_349 = arith.constant 0 : i32
        %dma_wait3A_350 = arith.constant 0 : i32
        %dma_wait3A_351 = tpu.memref_slice %arg14[%dma_wait3A_349, %dma_wait3A_350] : memref<5128x128xf32, #tpu.memory_space<vmem_shared>> -> memref<5128x128xf32, #tpu.memory_space<vmem_shared>>
        tpu.wait_indirect_dma semaphore(%arg20 : memref<!tpu.dma_semaphore, #tpu.memory_space<semaphore_mem>>) src(%arg13 : memref<128x128xf32, #tpu.memory_space<vmem>>) dst(%dma_wait3A_351 : memref<5128x128xf32, #tpu.memory_space<vmem_shared>>)
        %add3A_352 = arith.constant 3 : i32
        %add3A_353 = arith.addi %add3A_326, %add3A_352 : i32
        %dma_start3A_354 = arith.constant 0 : i32
        %dma_start3A_355 = tpu.memref_slice %arg8[%add3A_353, %dma_start3A_354] : memref<84x128xi32, #tpu.memory_space<vmem>> -> memref<1x128xi32, #tpu.memory_space<vmem>>
        %dma_start3A_356 = tpu.memref_squeeze %dma_start3A_355 : memref<1x128xi32, #tpu.memory_space<vmem>> -> memref<128xi32, #tpu.memory_space<vmem>>
        %dma_start3A_357 = arith.constant 0 : i32
        %dma_start3A_358 = arith.constant 0 : i32
        %dma_start3A_359 = tpu.memref_slice %arg2[%dma_start3A_357, %dma_start3A_358] : memref<10240x128xf32, #tpu.memory_space<hbm>> -> memref<10240x128xf32, #tpu.memory_space<hbm>>
        tpu.enqueue_indirect_dma source(%dma_start3A_359 : memref<10240x128xf32, #tpu.memory_space<hbm>>) target(%arg13 : memref<128x128xf32, #tpu.memory_space<vmem>>) offsets(%dma_start3A_356 : memref<128xi32, #tpu.memory_space<vmem>>) semaphore(%arg17 : memref<!tpu.dma_semaphore, #tpu.memory_space<semaphore_mem>>)
      } else {
      }
      %while3A_345 = arith.constant 0 : i32
      scf.yield %while3A_345 : i32
    }
    %dma_wait3A_262 = arith.constant 0 : i32
    %dma_wait3A_263 = arith.constant 0 : i32
    %dma_wait3A_264 = tpu.memref_slice %arg9[%dma_wait3A_262, %dma_wait3A_263] : memref<84x128xi32, #tpu.memory_space<vmem>> -> memref<1x128xi32, #tpu.memory_space<vmem>>
    %dma_wait3A_265 = tpu.memref_squeeze %dma_wait3A_264 : memref<1x128xi32, #tpu.memory_space<vmem>> -> memref<128xi32, #tpu.memory_space<vmem>>
    %dma_wait3A_266 = arith.constant 0 : i32
    %dma_wait3A_267 = arith.constant 0 : i32
    %dma_wait3A_268 = tpu.memref_slice %arg14[%dma_wait3A_266, %dma_wait3A_267] : memref<5128x128xf32, #tpu.memory_space<vmem_shared>> -> memref<5128x128xf32, #tpu.memory_space<vmem_shared>>
    tpu.wait_indirect_dma semaphore(%arg18 : memref<!tpu.dma_semaphore, #tpu.memory_space<semaphore_mem>>) src(%arg11 : memref<128x128xf32, #tpu.memory_space<vmem>>) dst(%dma_wait3A_268 : memref<5128x128xf32, #tpu.memory_space<vmem_shared>>)
    %dma_wait3A_269 = arith.constant 1 : i32
    %dma_wait3A_270 = arith.constant 0 : i32
    %dma_wait3A_271 = tpu.memref_slice %arg9[%dma_wait3A_269, %dma_wait3A_270] : memref<84x128xi32, #tpu.memory_space<vmem>> -> memref<1x128xi32, #tpu.memory_space<vmem>>
    %dma_wait3A_272 = tpu.memref_squeeze %dma_wait3A_271 : memref<1x128xi32, #tpu.memory_space<vmem>> -> memref<128xi32, #tpu.memory_space<vmem>>
    %dma_wait3A_273 = arith.constant 0 : i32
    %dma_wait3A_274 = arith.constant 0 : i32
    %dma_wait3A_275 = tpu.memref_slice %arg14[%dma_wait3A_273, %dma_wait3A_274] : memref<5128x128xf32, #tpu.memory_space<vmem_shared>> -> memref<5128x128xf32, #tpu.memory_space<vmem_shared>>
    tpu.wait_indirect_dma semaphore(%arg19 : memref<!tpu.dma_semaphore, #tpu.memory_space<semaphore_mem>>) src(%arg12 : memref<128x128xf32, #tpu.memory_space<vmem>>) dst(%dma_wait3A_275 : memref<5128x128xf32, #tpu.memory_space<vmem_shared>>)
    %dma_wait3A_276 = arith.constant 2 : i32
    %dma_wait3A_277 = arith.constant 0 : i32
    %dma_wait3A_278 = tpu.memref_slice %arg9[%dma_wait3A_276, %dma_wait3A_277] : memref<84x128xi32, #tpu.memory_space<vmem>> -> memref<1x128xi32, #tpu.memory_space<vmem>>
    %dma_wait3A_279 = tpu.memref_squeeze %dma_wait3A_278 : memref<1x128xi32, #tpu.memory_space<vmem>> -> memref<128xi32, #tpu.memory_space<vmem>>
    %dma_wait3A_280 = arith.constant 0 : i32
    %dma_wait3A_281 = arith.constant 0 : i32
    %dma_wait3A_282 = tpu.memref_slice %arg14[%dma_wait3A_280, %dma_wait3A_281] : memref<5128x128xf32, #tpu.memory_space<vmem_shared>> -> memref<5128x128xf32, #tpu.memory_space<vmem_shared>>
    tpu.wait_indirect_dma semaphore(%arg20 : memref<!tpu.dma_semaphore, #tpu.memory_space<semaphore_mem>>) src(%arg13 : memref<128x128xf32, #tpu.memory_space<vmem>>) dst(%dma_wait3A_282 : memref<5128x128xf32, #tpu.memory_space<vmem_shared>>)
    %barrier3A_283 = arith.constant 0 : index
    tpu.barrier barrier_id(%barrier3A_283)
    "tpu.region"() ({
      %run_scoped3A = tpu.sem_alloc : memref<!tpu.dma_semaphore, #tpu.memory_space<semaphore_mem>>
      %dma_start3A_284 = arith.constant 0 : i32
      %dma_start3A_285 = tpu.memref_slice %arg7[%arg0, %mul3A_0, %dma_start3A_284] : memref<2x5120x128xf32, #tpu.memory_space<hbm>> -> memref<1x320x128xf32, #tpu.memory_space<hbm>>
      %dma_start3A_286 = tpu.memref_squeeze %dma_start3A_285 : memref<1x320x128xf32, #tpu.memory_space<hbm>> -> memref<320x128xf32, #tpu.memory_space<hbm>>
      %dma_start3A_287 = arith.constant 0 : i32
      %dma_start3A_288 = tpu.memref_slice %arg14[%mul3A_0, %dma_start3A_287] : memref<5128x128xf32, #tpu.memory_space<vmem_shared>> -> memref<320x128xf32, #tpu.memory_space<vmem_shared>>
      tpu.enqueue_dma source(%dma_start3A_288 : memref<320x128xf32, #tpu.memory_space<vmem_shared>>) target(%dma_start3A_286 : memref<320x128xf32, #tpu.memory_space<hbm>>) target_semaphore(%run_scoped3A : memref<!tpu.dma_semaphore, #tpu.memory_space<semaphore_mem>>)
      %dma_wait3A_289 = arith.constant 0 : i32
      %dma_wait3A_290 = tpu.memref_slice %arg7[%arg0, %mul3A_0, %dma_wait3A_289] : memref<2x5120x128xf32, #tpu.memory_space<hbm>> -> memref<1x320x128xf32, #tpu.memory_space<hbm>>
      %dma_wait3A_291 = tpu.memref_squeeze %dma_wait3A_290 : memref<1x320x128xf32, #tpu.memory_space<hbm>> -> memref<320x128xf32, #tpu.memory_space<hbm>>
      %dma_wait3A_292 = arith.constant 0 : i32
      %dma_wait3A_293 = tpu.memref_slice %arg14[%mul3A_0, %dma_wait3A_292] : memref<5128x128xf32, #tpu.memory_space<vmem_shared>> -> memref<320x128xf32, #tpu.memory_space<vmem_shared>>
      tpu.wait_dma2 semaphore(%run_scoped3A : memref<!tpu.dma_semaphore, #tpu.memory_space<semaphore_mem>>) src(%dma_wait3A_293 : memref<320x128xf32, #tpu.memory_space<vmem_shared>>) dst(%dma_wait3A_291 : memref<320x128xf32, #tpu.memory_space<hbm>>)
      tpu.yield
    }) : () -> ()
    return
  }
}

#map = affine_map<(d0, d1) -> (0, 0)>
#map1 = affine_map<(d0, d1) -> (0, 0, 0, 0)>
#map2 = affine_map<(d0, d1) -> (0, 0, 0)>
module attributes {stable_mosaic.version = 14 : i64} {
  func.func @_sc_aggregate(%arg0: i32, %arg1: i32, %arg2: memref<10240x128xf32, #tpu.memory_space<hbm>>, %arg3: memref<2x32x84x128xi32, #tpu.memory_space<hbm>>, %arg4: memref<2x32x84x128xi32, #tpu.memory_space<hbm>>, %arg5: memref<2x32x16xi32, #tpu.memory_space<hbm>>, %arg6: memref<5120x128xf32, #tpu.memory_space<hbm>>, %arg7: memref<2x5120x128xf32, #tpu.memory_space<hbm>>, %arg8: memref<84x128xi32, #tpu.memory_space<vmem>>, %arg9: memref<84x128xi32, #tpu.memory_space<vmem>>, %arg10: memref<16xi32, #tpu.memory_space<vmem>>, %arg11: memref<128x128xf32, #tpu.memory_space<vmem>>, %arg12: memref<128x128xf32, #tpu.memory_space<vmem>>, %arg13: memref<128x128xf32, #tpu.memory_space<vmem>>, %arg14: memref<5128x128xf32, #tpu.memory_space<vmem_shared>>, %arg15: memref<!tpu.dma_semaphore, #tpu.memory_space<semaphore_mem>>, %arg16: memref<!tpu.dma_semaphore, #tpu.memory_space<semaphore_mem>>, %arg17: memref<!tpu.dma_semaphore, #tpu.memory_space<semaphore_mem>>, %arg18: memref<!tpu.dma_semaphore, #tpu.memory_space<semaphore_mem>>, %arg19: memref<!tpu.dma_semaphore, #tpu.memory_space<semaphore_mem>>, %arg20: memref<!tpu.dma_semaphore, #tpu.memory_space<semaphore_mem>>) attributes {dimension_semantics = [#tpu.dimension_semantics<core_parallel>, #tpu.dimension_semantics<subcore_parallel>], iteration_bounds = array<i64: 2, 16>, scalar_prefetch = 0 : i64, scratch_operands = 13 : i64, tpu.core_type = #tpu.core_type<sc_vector_subcore>, window_params = [{transform_indices = #map}, {transform_indices = #map1}, {transform_indices = #map1}, {transform_indices = #map2}, {transform_indices = #map}, {transform_indices = #map2}]} {
    %mul3A = arith.constant 320 : i32
    %mul3A_0 = arith.muli %arg1, %mul3A : i32
    "tpu.region"() ({
      %run_scoped3A = tpu.sem_alloc : memref<!tpu.dma_semaphore, #tpu.memory_space<semaphore_mem>>
      %dma_start3A_284 = arith.constant 0 : i32
      %dma_start3A_285 = tpu.memref_slice %arg14[%mul3A_0, %dma_start3A_284] : memref<5128x128xf32, #tpu.memory_space<vmem_shared>> -> memref<320x128xf32, #tpu.memory_space<vmem_shared>>
      %dma_start3A_286 = arith.constant 0 : i32
      %dma_start3A_287 = tpu.memref_slice %arg6[%mul3A_0, %dma_start3A_286] : memref<5120x128xf32, #tpu.memory_space<hbm>> -> memref<320x128xf32, #tpu.memory_space<hbm>>
      tpu.enqueue_dma source(%dma_start3A_287 : memref<320x128xf32, #tpu.memory_space<hbm>>) target(%dma_start3A_285 : memref<320x128xf32, #tpu.memory_space<vmem_shared>>) target_semaphore(%run_scoped3A : memref<!tpu.dma_semaphore, #tpu.memory_space<semaphore_mem>>)
      %dma_wait3A_288 = arith.constant 0 : i32
      %dma_wait3A_289 = tpu.memref_slice %arg14[%mul3A_0, %dma_wait3A_288] : memref<5128x128xf32, #tpu.memory_space<vmem_shared>> -> memref<320x128xf32, #tpu.memory_space<vmem_shared>>
      %dma_wait3A_290 = arith.constant 0 : i32
      %dma_wait3A_291 = tpu.memref_slice %arg6[%mul3A_0, %dma_wait3A_290] : memref<5120x128xf32, #tpu.memory_space<hbm>> -> memref<320x128xf32, #tpu.memory_space<hbm>>
      tpu.wait_dma2 semaphore(%run_scoped3A : memref<!tpu.dma_semaphore, #tpu.memory_space<semaphore_mem>>) src(%dma_wait3A_291 : memref<320x128xf32, #tpu.memory_space<hbm>>) dst(%dma_wait3A_289 : memref<320x128xf32, #tpu.memory_space<vmem_shared>>)
      tpu.yield
    }) : () -> ()
    %barrier3A = arith.constant 0 : index
    tpu.barrier barrier_id(%barrier3A)
    %mul3A_1 = arith.constant 2 : i32
    %mul3A_2 = arith.muli %mul3A_1, %arg1 : i32
    "tpu.region"() ({
      %run_scoped3A = tpu.sem_alloc : memref<!tpu.dma_semaphore, #tpu.memory_space<semaphore_mem>>
      %dma_start3A_284 = arith.constant 0 : i32
      %dma_start3A_285 = arith.constant 0 : i32
      %dma_start3A_286 = tpu.memref_slice %arg3[%arg0, %mul3A_2, %dma_start3A_284, %dma_start3A_285] : memref<2x32x84x128xi32, #tpu.memory_space<hbm>> -> memref<1x1x84x128xi32, #tpu.memory_space<hbm>>
      %dma_start3A_287 = tpu.memref_squeeze %dma_start3A_286 : memref<1x1x84x128xi32, #tpu.memory_space<hbm>> -> memref<84x128xi32, #tpu.memory_space<hbm>>
      %dma_start3A_288 = arith.constant 0 : i32
      %dma_start3A_289 = arith.constant 0 : i32
      %dma_start3A_290 = tpu.memref_slice %arg3[%arg0, %mul3A_2, %dma_start3A_288, %dma_start3A_289] : memref<2x32x84x128xi32, #tpu.memory_space<hbm>> -> memref<1x1x84x128xi32, #tpu.memory_space<hbm>>
      %dma_start3A_291 = tpu.memref_squeeze %dma_start3A_290 : memref<1x1x84x128xi32, #tpu.memory_space<hbm>> -> memref<84x128xi32, #tpu.memory_space<hbm>>
      tpu.enqueue_dma source(%dma_start3A_291 : memref<84x128xi32, #tpu.memory_space<hbm>>) target(%arg8 : memref<84x128xi32, #tpu.memory_space<vmem>>) target_semaphore(%run_scoped3A : memref<!tpu.dma_semaphore, #tpu.memory_space<semaphore_mem>>)
      %dma_wait3A_292 = arith.constant 0 : i32
      %dma_wait3A_293 = arith.constant 0 : i32
      %dma_wait3A_294 = tpu.memref_slice %arg3[%arg0, %mul3A_2, %dma_wait3A_292, %dma_wait3A_293] : memref<2x32x84x128xi32, #tpu.memory_space<hbm>> -> memref<1x1x84x128xi32, #tpu.memory_space<hbm>>
      %dma_wait3A_295 = tpu.memref_squeeze %dma_wait3A_294 : memref<1x1x84x128xi32, #tpu.memory_space<hbm>> -> memref<84x128xi32, #tpu.memory_space<hbm>>
      %dma_wait3A_296 = arith.constant 0 : i32
      %dma_wait3A_297 = arith.constant 0 : i32
      %dma_wait3A_298 = tpu.memref_slice %arg3[%arg0, %mul3A_2, %dma_wait3A_296, %dma_wait3A_297] : memref<2x32x84x128xi32, #tpu.memory_space<hbm>> -> memref<1x1x84x128xi32, #tpu.memory_space<hbm>>
      %dma_wait3A_299 = tpu.memref_squeeze %dma_wait3A_298 : memref<1x1x84x128xi32, #tpu.memory_space<hbm>> -> memref<84x128xi32, #tpu.memory_space<hbm>>
      tpu.wait_dma2 semaphore(%run_scoped3A : memref<!tpu.dma_semaphore, #tpu.memory_space<semaphore_mem>>) src(%dma_wait3A_299 : memref<84x128xi32, #tpu.memory_space<hbm>>) dst(%arg8 : memref<84x128xi32, #tpu.memory_space<vmem>>)
      tpu.yield
    }) : () -> ()
    "tpu.region"() ({
      %run_scoped3A = tpu.sem_alloc : memref<!tpu.dma_semaphore, #tpu.memory_space<semaphore_mem>>
      %dma_start3A_284 = arith.constant 0 : i32
      %dma_start3A_285 = arith.constant 0 : i32
      %dma_start3A_286 = tpu.memref_slice %arg4[%arg0, %mul3A_2, %dma_start3A_284, %dma_start3A_285] : memref<2x32x84x128xi32, #tpu.memory_space<hbm>> -> memref<1x1x84x128xi32, #tpu.memory_space<hbm>>
      %dma_start3A_287 = tpu.memref_squeeze %dma_start3A_286 : memref<1x1x84x128xi32, #tpu.memory_space<hbm>> -> memref<84x128xi32, #tpu.memory_space<hbm>>
      %dma_start3A_288 = arith.constant 0 : i32
      %dma_start3A_289 = arith.constant 0 : i32
      %dma_start3A_290 = tpu.memref_slice %arg4[%arg0, %mul3A_2, %dma_start3A_288, %dma_start3A_289] : memref<2x32x84x128xi32, #tpu.memory_space<hbm>> -> memref<1x1x84x128xi32, #tpu.memory_space<hbm>>
      %dma_start3A_291 = tpu.memref_squeeze %dma_start3A_290 : memref<1x1x84x128xi32, #tpu.memory_space<hbm>> -> memref<84x128xi32, #tpu.memory_space<hbm>>
      tpu.enqueue_dma source(%dma_start3A_291 : memref<84x128xi32, #tpu.memory_space<hbm>>) target(%arg9 : memref<84x128xi32, #tpu.memory_space<vmem>>) target_semaphore(%run_scoped3A : memref<!tpu.dma_semaphore, #tpu.memory_space<semaphore_mem>>)
      %dma_wait3A_292 = arith.constant 0 : i32
      %dma_wait3A_293 = arith.constant 0 : i32
      %dma_wait3A_294 = tpu.memref_slice %arg4[%arg0, %mul3A_2, %dma_wait3A_292, %dma_wait3A_293] : memref<2x32x84x128xi32, #tpu.memory_space<hbm>> -> memref<1x1x84x128xi32, #tpu.memory_space<hbm>>
      %dma_wait3A_295 = tpu.memref_squeeze %dma_wait3A_294 : memref<1x1x84x128xi32, #tpu.memory_space<hbm>> -> memref<84x128xi32, #tpu.memory_space<hbm>>
      %dma_wait3A_296 = arith.constant 0 : i32
      %dma_wait3A_297 = arith.constant 0 : i32
      %dma_wait3A_298 = tpu.memref_slice %arg4[%arg0, %mul3A_2, %dma_wait3A_296, %dma_wait3A_297] : memref<2x32x84x128xi32, #tpu.memory_space<hbm>> -> memref<1x1x84x128xi32, #tpu.memory_space<hbm>>
      %dma_wait3A_299 = tpu.memref_squeeze %dma_wait3A_298 : memref<1x1x84x128xi32, #tpu.memory_space<hbm>> -> memref<84x128xi32, #tpu.memory_space<hbm>>
      tpu.wait_dma2 semaphore(%run_scoped3A : memref<!tpu.dma_semaphore, #tpu.memory_space<semaphore_mem>>) src(%dma_wait3A_299 : memref<84x128xi32, #tpu.memory_space<hbm>>) dst(%arg9 : memref<84x128xi32, #tpu.memory_space<vmem>>)
      tpu.yield
    }) : () -> ()
    "tpu.region"() ({
      %run_scoped3A = tpu.sem_alloc : memref<!tpu.dma_semaphore, #tpu.memory_space<semaphore_mem>>
      %dma_start3A_284 = arith.constant 0 : i32
      %dma_start3A_285 = tpu.memref_slice %arg5[%arg0, %mul3A_2, %dma_start3A_284] : memref<2x32x16xi32, #tpu.memory_space<hbm>> -> memref<1x1x16xi32, #tpu.memory_space<hbm>>
      %dma_start3A_286 = tpu.memref_squeeze %dma_start3A_285 : memref<1x1x16xi32, #tpu.memory_space<hbm>> -> memref<16xi32, #tpu.memory_space<hbm>>
      %dma_start3A_287 = arith.constant 0 : i32
      %dma_start3A_288 = tpu.memref_slice %arg5[%arg0, %mul3A_2, %dma_start3A_287] : memref<2x32x16xi32, #tpu.memory_space<hbm>> -> memref<1x1x16xi32, #tpu.memory_space<hbm>>
      %dma_start3A_289 = tpu.memref_squeeze %dma_start3A_288 : memref<1x1x16xi32, #tpu.memory_space<hbm>> -> memref<16xi32, #tpu.memory_space<hbm>>
      tpu.enqueue_dma source(%dma_start3A_289 : memref<16xi32, #tpu.memory_space<hbm>>) target(%arg10 : memref<16xi32, #tpu.memory_space<vmem>>) target_semaphore(%run_scoped3A : memref<!tpu.dma_semaphore, #tpu.memory_space<semaphore_mem>>)
      %dma_wait3A_290 = arith.constant 0 : i32
      %dma_wait3A_291 = tpu.memref_slice %arg5[%arg0, %mul3A_2, %dma_wait3A_290] : memref<2x32x16xi32, #tpu.memory_space<hbm>> -> memref<1x1x16xi32, #tpu.memory_space<hbm>>
      %dma_wait3A_292 = tpu.memref_squeeze %dma_wait3A_291 : memref<1x1x16xi32, #tpu.memory_space<hbm>> -> memref<16xi32, #tpu.memory_space<hbm>>
      %dma_wait3A_293 = arith.constant 0 : i32
      %dma_wait3A_294 = tpu.memref_slice %arg5[%arg0, %mul3A_2, %dma_wait3A_293] : memref<2x32x16xi32, #tpu.memory_space<hbm>> -> memref<1x1x16xi32, #tpu.memory_space<hbm>>
      %dma_wait3A_295 = tpu.memref_squeeze %dma_wait3A_294 : memref<1x1x16xi32, #tpu.memory_space<hbm>> -> memref<16xi32, #tpu.memory_space<hbm>>
      tpu.wait_dma2 semaphore(%run_scoped3A : memref<!tpu.dma_semaphore, #tpu.memory_space<semaphore_mem>>) src(%dma_wait3A_295 : memref<16xi32, #tpu.memory_space<hbm>>) dst(%arg10 : memref<16xi32, #tpu.memory_space<vmem>>)
      tpu.yield
    }) : () -> ()
    %get3A = arith.constant 0 : index
    %get3A_3 = tpu.vector_load %arg10[%get3A] {strides = array<i32>} : memref<16xi32, #tpu.memory_space<vmem>>, vector<16xi32>,
    %reduce_max3A = arith.constant true
    %reduce_max3A_4 = vector.broadcast %reduce_max3A : i1 to vector<16xi1>
    %reduce_max3A_5 = arith.constant -2147483648 : i32
    %reduce_max3A_6 = vector.broadcast %reduce_max3A_5 : i32 to vector<16xi32>
    %reduce_max3A_7 = arith.xori %get3A_3, %reduce_max3A_6 : vector<16xi32>
    %reduce_max3A_8 = tpu.scan <max>, %reduce_max3A_7 masked %reduce_max3A_4 : vector<16xi32>, vector<16xi1> -> vector<16xi32>
    %reduce_max3A_9 = arith.xori %reduce_max3A_8, %reduce_max3A_6 : vector<16xi32>
    %reduce_max3A_10 = vector.extract %reduce_max3A_9[15] : i32 from vector<16xi32>
    %add3A = arith.constant 127 : i32
    %add3A_11 = arith.addi %reduce_max3A_10, %add3A : i32
    %jit3A = arith.constant 128 : i32
    %div3A = arith.divsi %add3A_11, %jit3A : i32
    %sign3A = arith.constant 0 : i32
    %sign3A_12 = arith.cmpi sgt, %add3A_11, %sign3A : i32
    %sign3A_13 = arith.extui %sign3A_12 : i1 to i32
    %sign3A_14 = arith.constant 0 : i32
    %sign3A_15 = arith.cmpi slt, %add3A_11, %sign3A_14 : i32
    %sign3A_16 = arith.extui %sign3A_15 : i1 to i32
    %sign3A_17 = arith.subi %sign3A_13, %sign3A_16 : i32
    %sign3A_18 = arith.constant 0 : i32
    %sign3A_19 = arith.cmpi sgt, %jit3A, %sign3A_18 : i32
    %sign3A_20 = arith.extui %sign3A_19 : i1 to i32
    %sign3A_21 = arith.constant 0 : i32
    %sign3A_22 = arith.cmpi slt, %jit3A, %sign3A_21 : i32
    %sign3A_23 = arith.extui %sign3A_22 : i1 to i32
    %sign3A_24 = arith.subi %sign3A_20, %sign3A_23 : i32
    %ne3A = arith.cmpi ne, %sign3A_17, %sign3A_24 : i32
    %rem3A = arith.remsi %add3A_11, %jit3A : i32
    %ne3A_25 = arith.constant 0 : i32
    %ne3A_26 = arith.cmpi ne, %rem3A, %ne3A_25 : i32
    %and3A = arith.andi %ne3A, %ne3A_26 : i1
    %sub3A = arith.constant 1 : i32
    %sub3A_27 = arith.subi %div3A, %sub3A : i32
    %select_n3A = arith.select %and3A, %sub3A_27, %div3A : i32
    %add3A_28 = arith.constant 2 : i32
    %add3A_29 = arith.addi %select_n3A, %add3A_28 : i32
    %jit3A_30 = arith.constant 3 : i32
    %div3A_31 = arith.divsi %add3A_29, %jit3A_30 : i32
    %sign3A_32 = arith.constant 0 : i32
    %sign3A_33 = arith.cmpi sgt, %add3A_29, %sign3A_32 : i32
    %sign3A_34 = arith.extui %sign3A_33 : i1 to i32
    %sign3A_35 = arith.constant 0 : i32
    %sign3A_36 = arith.cmpi slt, %add3A_29, %sign3A_35 : i32
    %sign3A_37 = arith.extui %sign3A_36 : i1 to i32
    %sign3A_38 = arith.subi %sign3A_34, %sign3A_37 : i32
    %sign3A_39 = arith.constant 0 : i32
    %sign3A_40 = arith.cmpi sgt, %jit3A_30, %sign3A_39 : i32
    %sign3A_41 = arith.extui %sign3A_40 : i1 to i32
    %sign3A_42 = arith.constant 0 : i32
    %sign3A_43 = arith.cmpi slt, %jit3A_30, %sign3A_42 : i32
    %sign3A_44 = arith.extui %sign3A_43 : i1 to i32
    %sign3A_45 = arith.subi %sign3A_41, %sign3A_44 : i32
    %ne3A_46 = arith.cmpi ne, %sign3A_38, %sign3A_45 : i32
    %rem3A_47 = arith.remsi %add3A_29, %jit3A_30 : i32
    %ne3A_48 = arith.constant 0 : i32
    %ne3A_49 = arith.cmpi ne, %rem3A_47, %ne3A_48 : i32
    %and3A_50 = arith.andi %ne3A_46, %ne3A_49 : i1
    %sub3A_51 = arith.constant 1 : i32
    %sub3A_52 = arith.subi %div3A_31, %sub3A_51 : i32
    %select_n3A_53 = arith.select %and3A_50, %sub3A_52, %div3A_31 : i32
    %mul3A_54 = arith.constant 3 : i32
    %mul3A_55 = arith.muli %select_n3A_53, %mul3A_54 : i32
    %max3A = arith.constant 3 : i32
    %max3A_56 = arith.maxsi %mul3A_55, %max3A : i32
    %min3A = arith.constant 84 : i32
    %min3A_57 = arith.minsi %max3A_56, %min3A : i32
    %dma_start3A = arith.constant 0 : i32
    %dma_start3A_58 = arith.constant 0 : i32
    %dma_start3A_59 = tpu.memref_slice %arg8[%dma_start3A, %dma_start3A_58] : memref<84x128xi32, #tpu.memory_space<vmem>> -> memref<1x128xi32, #tpu.memory_space<vmem>>
    %dma_start3A_60 = tpu.memref_squeeze %dma_start3A_59 : memref<1x128xi32, #tpu.memory_space<vmem>> -> memref<128xi32, #tpu.memory_space<vmem>>
    %dma_start3A_61 = arith.constant 0 : i32
    %dma_start3A_62 = arith.constant 0 : i32
    %dma_start3A_63 = tpu.memref_slice %arg2[%dma_start3A_61, %dma_start3A_62] : memref<10240x128xf32, #tpu.memory_space<hbm>> -> memref<10240x128xf32, #tpu.memory_space<hbm>>
    tpu.enqueue_indirect_dma source(%dma_start3A_63 : memref<10240x128xf32, #tpu.memory_space<hbm>>) target(%arg11 : memref<128x128xf32, #tpu.memory_space<vmem>>) offsets(%dma_start3A_60 : memref<128xi32, #tpu.memory_space<vmem>>) semaphore(%arg15 : memref<!tpu.dma_semaphore, #tpu.memory_space<semaphore_mem>>)
    %dma_start3A_64 = arith.constant 1 : i32
    %dma_start3A_65 = arith.constant 0 : i32
    %dma_start3A_66 = tpu.memref_slice %arg8[%dma_start3A_64, %dma_start3A_65] : memref<84x128xi32, #tpu.memory_space<vmem>> -> memref<1x128xi32, #tpu.memory_space<vmem>>
    %dma_start3A_67 = tpu.memref_squeeze %dma_start3A_66 : memref<1x128xi32, #tpu.memory_space<vmem>> -> memref<128xi32, #tpu.memory_space<vmem>>
    %dma_start3A_68 = arith.constant 0 : i32
    %dma_start3A_69 = arith.constant 0 : i32
    %dma_start3A_70 = tpu.memref_slice %arg2[%dma_start3A_68, %dma_start3A_69] : memref<10240x128xf32, #tpu.memory_space<hbm>> -> memref<10240x128xf32, #tpu.memory_space<hbm>>
    tpu.enqueue_indirect_dma source(%dma_start3A_70 : memref<10240x128xf32, #tpu.memory_space<hbm>>) target(%arg12 : memref<128x128xf32, #tpu.memory_space<vmem>>) offsets(%dma_start3A_67 : memref<128xi32, #tpu.memory_space<vmem>>) semaphore(%arg16 : memref<!tpu.dma_semaphore, #tpu.memory_space<semaphore_mem>>)
    %dma_start3A_71 = arith.constant 2 : i32
    %dma_start3A_72 = arith.constant 0 : i32
    %dma_start3A_73 = tpu.memref_slice %arg8[%dma_start3A_71, %dma_start3A_72] : memref<84x128xi32, #tpu.memory_space<vmem>> -> memref<1x128xi32, #tpu.memory_space<vmem>>
    %dma_start3A_74 = tpu.memref_squeeze %dma_start3A_73 : memref<1x128xi32, #tpu.memory_space<vmem>> -> memref<128xi32, #tpu.memory_space<vmem>>
    %dma_start3A_75 = arith.constant 0 : i32
    %dma_start3A_76 = arith.constant 0 : i32
    %dma_start3A_77 = tpu.memref_slice %arg2[%dma_start3A_75, %dma_start3A_76] : memref<10240x128xf32, #tpu.memory_space<hbm>> -> memref<10240x128xf32, #tpu.memory_space<hbm>>
    tpu.enqueue_indirect_dma source(%dma_start3A_77 : memref<10240x128xf32, #tpu.memory_space<hbm>>) target(%arg13 : memref<128x128xf32, #tpu.memory_space<vmem>>) offsets(%dma_start3A_74 : memref<128xi32, #tpu.memory_space<vmem>>) semaphore(%arg17 : memref<!tpu.dma_semaphore, #tpu.memory_space<semaphore_mem>>)
    %jit3A_78 = arith.constant 3 : i32
    %div3A_79 = arith.divsi %min3A_57, %jit3A_78 : i32
    %sign3A_80 = arith.constant 0 : i32
    %sign3A_81 = arith.cmpi sgt, %min3A_57, %sign3A_80 : i32
    %sign3A_82 = arith.extui %sign3A_81 : i1 to i32
    %sign3A_83 = arith.constant 0 : i32
    %sign3A_84 = arith.cmpi slt, %min3A_57, %sign3A_83 : i32
    %sign3A_85 = arith.extui %sign3A_84 : i1 to i32
    %sign3A_86 = arith.subi %sign3A_82, %sign3A_85 : i32
    %sign3A_87 = arith.constant 0 : i32
    %sign3A_88 = arith.cmpi sgt, %jit3A_78, %sign3A_87 : i32
    %sign3A_89 = arith.extui %sign3A_88 : i1 to i32
    %sign3A_90 = arith.constant 0 : i32
    %sign3A_91 = arith.cmpi slt, %jit3A_78, %sign3A_90 : i32
    %sign3A_92 = arith.extui %sign3A_91 : i1 to i32
    %sign3A_93 = arith.subi %sign3A_89, %sign3A_92 : i32
    %ne3A_94 = arith.cmpi ne, %sign3A_86, %sign3A_93 : i32
    %rem3A_95 = arith.remsi %min3A_57, %jit3A_78 : i32
    %ne3A_96 = arith.constant 0 : i32
    %ne3A_97 = arith.cmpi ne, %rem3A_95, %ne3A_96 : i32
    %and3A_98 = arith.andi %ne3A_94, %ne3A_97 : i1
    %sub3A_99 = arith.constant 1 : i32
    %sub3A_100 = arith.subi %div3A_79, %sub3A_99 : i32
    %select_n3A_101 = arith.select %and3A_98, %sub3A_100, %div3A_79 : i32
    %while3A = arith.constant 0 : i32
    %while3A_102 = arith.constant 0 : i32
    %while3A_103 = arith.subi %select_n3A_101, %while3A : i32
    %while3A_104 = arith.addi %while3A, %while3A_103 : i32
    %while3A_105 = arith.constant 1 : i32
    %while3A_106 = arith.divsi %while3A_103, %while3A_105 : i32
    %while3A_107 = arith.muli %while3A_106, %while3A_105 : i32
    %while3A_108 = arith.addi %while3A, %while3A_107 : i32
    %while3A_109 = arith.constant 1 : i32
    %while3A_110 = scf.for %while3A_284 = %while3A to %while3A_108 step %while3A_109 iter_args(%while3A_285 = %while3A_102) -> (i32)  : i32 {
      %mul3A_286 = arith.constant 3 : i32
      %mul3A_287 = arith.muli %mul3A_286, %while3A_284 : i32
      %add3A_288 = arith.constant 0 : i32
      %add3A_289 = arith.addi %mul3A_287, %add3A_288 : i32
      %dma_wait3A_290 = arith.constant 0 : i32
      %dma_wait3A_291 = tpu.memref_slice %arg8[%add3A_289, %dma_wait3A_290] : memref<84x128xi32, #tpu.memory_space<vmem>> -> memref<1x128xi32, #tpu.memory_space<vmem>>
      %dma_wait3A_292 = tpu.memref_squeeze %dma_wait3A_291 : memref<1x128xi32, #tpu.memory_space<vmem>> -> memref<128xi32, #tpu.memory_space<vmem>>
      %dma_wait3A_293 = arith.constant 0 : i32
      %dma_wait3A_294 = arith.constant 0 : i32
      %dma_wait3A_295 = tpu.memref_slice %arg2[%dma_wait3A_293, %dma_wait3A_294] : memref<10240x128xf32, #tpu.memory_space<hbm>> -> memref<10240x128xf32, #tpu.memory_space<hbm>>
      tpu.wait_indirect_dma semaphore(%arg15 : memref<!tpu.dma_semaphore, #tpu.memory_space<semaphore_mem>>) src(%dma_wait3A_295 : memref<10240x128xf32, #tpu.memory_space<hbm>>) dst(%arg11 : memref<128x128xf32, #tpu.memory_space<vmem>>)
      %dma_start3A_296 = arith.constant 0 : i32
      %dma_start3A_297 = tpu.memref_slice %arg9[%add3A_289, %dma_start3A_296] : memref<84x128xi32, #tpu.memory_space<vmem>> -> memref<1x128xi32, #tpu.memory_space<vmem>>
      %dma_start3A_298 = tpu.memref_squeeze %dma_start3A_297 : memref<1x128xi32, #tpu.memory_space<vmem>> -> memref<128xi32, #tpu.memory_space<vmem>>
      %dma_start3A_299 = arith.constant 0 : i32
      %dma_start3A_300 = arith.constant 0 : i32
      %dma_start3A_301 = tpu.memref_slice %arg14[%dma_start3A_299, %dma_start3A_300] : memref<5128x128xf32, #tpu.memory_space<vmem_shared>> -> memref<5128x128xf32, #tpu.memory_space<vmem_shared>>
      tpu.enqueue_indirect_dma source(%arg11 : memref<128x128xf32, #tpu.memory_space<vmem>>) target(%dma_start3A_301 : memref<5128x128xf32, #tpu.memory_space<vmem_shared>>) offsets(%dma_start3A_298 : memref<128xi32, #tpu.memory_space<vmem>>) semaphore(%arg18 : memref<!tpu.dma_semaphore, #tpu.memory_space<semaphore_mem>>) {add = true}
      %add3A_302 = arith.constant 3 : i32
      %add3A_303 = arith.addi %add3A_289, %add3A_302 : i32
      %lt3A = arith.cmpi slt, %add3A_303, %min3A_57 : i32
      %convert_element_type3A = arith.extui %lt3A : i1 to i32
      %cond3A = arith.constant 0 : i32
      %cond3A_304 = arith.cmpi ne, %convert_element_type3A, %cond3A : i32
      scf.if %cond3A_304 {
        %dma_wait3A_346 = arith.constant 0 : i32
        %dma_wait3A_347 = tpu.memref_slice %arg9[%add3A_289, %dma_wait3A_346] : memref<84x128xi32, #tpu.memory_space<vmem>> -> memref<1x128xi32, #tpu.memory_space<vmem>>
        %dma_wait3A_348 = tpu.memref_squeeze %dma_wait3A_347 : memref<1x128xi32, #tpu.memory_space<vmem>> -> memref<128xi32, #tpu.memory_space<vmem>>
        %dma_wait3A_349 = arith.constant 0 : i32
        %dma_wait3A_350 = arith.constant 0 : i32
        %dma_wait3A_351 = tpu.memref_slice %arg14[%dma_wait3A_349, %dma_wait3A_350] : memref<5128x128xf32, #tpu.memory_space<vmem_shared>> -> memref<5128x128xf32, #tpu.memory_space<vmem_shared>>
        tpu.wait_indirect_dma semaphore(%arg18 : memref<!tpu.dma_semaphore, #tpu.memory_space<semaphore_mem>>) src(%arg11 : memref<128x128xf32, #tpu.memory_space<vmem>>) dst(%dma_wait3A_351 : memref<5128x128xf32, #tpu.memory_space<vmem_shared>>)
        %add3A_352 = arith.constant 3 : i32
        %add3A_353 = arith.addi %add3A_289, %add3A_352 : i32
        %dma_start3A_354 = arith.constant 0 : i32
        %dma_start3A_355 = tpu.memref_slice %arg8[%add3A_353, %dma_start3A_354] : memref<84x128xi32, #tpu.memory_space<vmem>> -> memref<1x128xi32, #tpu.memory_space<vmem>>
        %dma_start3A_356 = tpu.memref_squeeze %dma_start3A_355 : memref<1x128xi32, #tpu.memory_space<vmem>> -> memref<128xi32, #tpu.memory_space<vmem>>
        %dma_start3A_357 = arith.constant 0 : i32
        %dma_start3A_358 = arith.constant 0 : i32
        %dma_start3A_359 = tpu.memref_slice %arg2[%dma_start3A_357, %dma_start3A_358] : memref<10240x128xf32, #tpu.memory_space<hbm>> -> memref<10240x128xf32, #tpu.memory_space<hbm>>
        tpu.enqueue_indirect_dma source(%dma_start3A_359 : memref<10240x128xf32, #tpu.memory_space<hbm>>) target(%arg11 : memref<128x128xf32, #tpu.memory_space<vmem>>) offsets(%dma_start3A_356 : memref<128xi32, #tpu.memory_space<vmem>>) semaphore(%arg15 : memref<!tpu.dma_semaphore, #tpu.memory_space<semaphore_mem>>)
      } else {
      }
      %add3A_305 = arith.constant 1 : i32
      %add3A_306 = arith.addi %mul3A_287, %add3A_305 : i32
      %dma_wait3A_307 = arith.constant 0 : i32
      %dma_wait3A_308 = tpu.memref_slice %arg8[%add3A_306, %dma_wait3A_307] : memref<84x128xi32, #tpu.memory_space<vmem>> -> memref<1x128xi32, #tpu.memory_space<vmem>>
      %dma_wait3A_309 = tpu.memref_squeeze %dma_wait3A_308 : memref<1x128xi32, #tpu.memory_space<vmem>> -> memref<128xi32, #tpu.memory_space<vmem>>
      %dma_wait3A_310 = arith.constant 0 : i32
      %dma_wait3A_311 = arith.constant 0 : i32
      %dma_wait3A_312 = tpu.memref_slice %arg2[%dma_wait3A_310, %dma_wait3A_311] : memref<10240x128xf32, #tpu.memory_space<hbm>> -> memref<10240x128xf32, #tpu.memory_space<hbm>>
      tpu.wait_indirect_dma semaphore(%arg16 : memref<!tpu.dma_semaphore, #tpu.memory_space<semaphore_mem>>) src(%dma_wait3A_312 : memref<10240x128xf32, #tpu.memory_space<hbm>>) dst(%arg12 : memref<128x128xf32, #tpu.memory_space<vmem>>)
      %dma_start3A_313 = arith.constant 0 : i32
      %dma_start3A_314 = tpu.memref_slice %arg9[%add3A_306, %dma_start3A_313] : memref<84x128xi32, #tpu.memory_space<vmem>> -> memref<1x128xi32, #tpu.memory_space<vmem>>
      %dma_start3A_315 = tpu.memref_squeeze %dma_start3A_314 : memref<1x128xi32, #tpu.memory_space<vmem>> -> memref<128xi32, #tpu.memory_space<vmem>>
      %dma_start3A_316 = arith.constant 0 : i32
      %dma_start3A_317 = arith.constant 0 : i32
      %dma_start3A_318 = tpu.memref_slice %arg14[%dma_start3A_316, %dma_start3A_317] : memref<5128x128xf32, #tpu.memory_space<vmem_shared>> -> memref<5128x128xf32, #tpu.memory_space<vmem_shared>>
      tpu.enqueue_indirect_dma source(%arg12 : memref<128x128xf32, #tpu.memory_space<vmem>>) target(%dma_start3A_318 : memref<5128x128xf32, #tpu.memory_space<vmem_shared>>) offsets(%dma_start3A_315 : memref<128xi32, #tpu.memory_space<vmem>>) semaphore(%arg19 : memref<!tpu.dma_semaphore, #tpu.memory_space<semaphore_mem>>) {add = true}
      %add3A_319 = arith.constant 3 : i32
      %add3A_320 = arith.addi %add3A_306, %add3A_319 : i32
      %lt3A_321 = arith.cmpi slt, %add3A_320, %min3A_57 : i32
      %convert_element_type3A_322 = arith.extui %lt3A_321 : i1 to i32
      %cond3A_323 = arith.constant 0 : i32
      %cond3A_324 = arith.cmpi ne, %convert_element_type3A_322, %cond3A_323 : i32
      scf.if %cond3A_324 {
        %dma_wait3A_346 = arith.constant 0 : i32
        %dma_wait3A_347 = tpu.memref_slice %arg9[%add3A_306, %dma_wait3A_346] : memref<84x128xi32, #tpu.memory_space<vmem>> -> memref<1x128xi32, #tpu.memory_space<vmem>>
        %dma_wait3A_348 = tpu.memref_squeeze %dma_wait3A_347 : memref<1x128xi32, #tpu.memory_space<vmem>> -> memref<128xi32, #tpu.memory_space<vmem>>
        %dma_wait3A_349 = arith.constant 0 : i32
        %dma_wait3A_350 = arith.constant 0 : i32
        %dma_wait3A_351 = tpu.memref_slice %arg14[%dma_wait3A_349, %dma_wait3A_350] : memref<5128x128xf32, #tpu.memory_space<vmem_shared>> -> memref<5128x128xf32, #tpu.memory_space<vmem_shared>>
        tpu.wait_indirect_dma semaphore(%arg19 : memref<!tpu.dma_semaphore, #tpu.memory_space<semaphore_mem>>) src(%arg12 : memref<128x128xf32, #tpu.memory_space<vmem>>) dst(%dma_wait3A_351 : memref<5128x128xf32, #tpu.memory_space<vmem_shared>>)
        %add3A_352 = arith.constant 3 : i32
        %add3A_353 = arith.addi %add3A_306, %add3A_352 : i32
        %dma_start3A_354 = arith.constant 0 : i32
        %dma_start3A_355 = tpu.memref_slice %arg8[%add3A_353, %dma_start3A_354] : memref<84x128xi32, #tpu.memory_space<vmem>> -> memref<1x128xi32, #tpu.memory_space<vmem>>
        %dma_start3A_356 = tpu.memref_squeeze %dma_start3A_355 : memref<1x128xi32, #tpu.memory_space<vmem>> -> memref<128xi32, #tpu.memory_space<vmem>>
        %dma_start3A_357 = arith.constant 0 : i32
        %dma_start3A_358 = arith.constant 0 : i32
        %dma_start3A_359 = tpu.memref_slice %arg2[%dma_start3A_357, %dma_start3A_358] : memref<10240x128xf32, #tpu.memory_space<hbm>> -> memref<10240x128xf32, #tpu.memory_space<hbm>>
        tpu.enqueue_indirect_dma source(%dma_start3A_359 : memref<10240x128xf32, #tpu.memory_space<hbm>>) target(%arg12 : memref<128x128xf32, #tpu.memory_space<vmem>>) offsets(%dma_start3A_356 : memref<128xi32, #tpu.memory_space<vmem>>) semaphore(%arg16 : memref<!tpu.dma_semaphore, #tpu.memory_space<semaphore_mem>>)
      } else {
      }
      %add3A_325 = arith.constant 2 : i32
      %add3A_326 = arith.addi %mul3A_287, %add3A_325 : i32
      %dma_wait3A_327 = arith.constant 0 : i32
      %dma_wait3A_328 = tpu.memref_slice %arg8[%add3A_326, %dma_wait3A_327] : memref<84x128xi32, #tpu.memory_space<vmem>> -> memref<1x128xi32, #tpu.memory_space<vmem>>
      %dma_wait3A_329 = tpu.memref_squeeze %dma_wait3A_328 : memref<1x128xi32, #tpu.memory_space<vmem>> -> memref<128xi32, #tpu.memory_space<vmem>>
      %dma_wait3A_330 = arith.constant 0 : i32
      %dma_wait3A_331 = arith.constant 0 : i32
      %dma_wait3A_332 = tpu.memref_slice %arg2[%dma_wait3A_330, %dma_wait3A_331] : memref<10240x128xf32, #tpu.memory_space<hbm>> -> memref<10240x128xf32, #tpu.memory_space<hbm>>
      tpu.wait_indirect_dma semaphore(%arg17 : memref<!tpu.dma_semaphore, #tpu.memory_space<semaphore_mem>>) src(%dma_wait3A_332 : memref<10240x128xf32, #tpu.memory_space<hbm>>) dst(%arg13 : memref<128x128xf32, #tpu.memory_space<vmem>>)
      %dma_start3A_333 = arith.constant 0 : i32
      %dma_start3A_334 = tpu.memref_slice %arg9[%add3A_326, %dma_start3A_333] : memref<84x128xi32, #tpu.memory_space<vmem>> -> memref<1x128xi32, #tpu.memory_space<vmem>>
      %dma_start3A_335 = tpu.memref_squeeze %dma_start3A_334 : memref<1x128xi32, #tpu.memory_space<vmem>> -> memref<128xi32, #tpu.memory_space<vmem>>
      %dma_start3A_336 = arith.constant 0 : i32
      %dma_start3A_337 = arith.constant 0 : i32
      %dma_start3A_338 = tpu.memref_slice %arg14[%dma_start3A_336, %dma_start3A_337] : memref<5128x128xf32, #tpu.memory_space<vmem_shared>> -> memref<5128x128xf32, #tpu.memory_space<vmem_shared>>
      tpu.enqueue_indirect_dma source(%arg13 : memref<128x128xf32, #tpu.memory_space<vmem>>) target(%dma_start3A_338 : memref<5128x128xf32, #tpu.memory_space<vmem_shared>>) offsets(%dma_start3A_335 : memref<128xi32, #tpu.memory_space<vmem>>) semaphore(%arg20 : memref<!tpu.dma_semaphore, #tpu.memory_space<semaphore_mem>>) {add = true}
      %add3A_339 = arith.constant 3 : i32
      %add3A_340 = arith.addi %add3A_326, %add3A_339 : i32
      %lt3A_341 = arith.cmpi slt, %add3A_340, %min3A_57 : i32
      %convert_element_type3A_342 = arith.extui %lt3A_341 : i1 to i32
      %cond3A_343 = arith.constant 0 : i32
      %cond3A_344 = arith.cmpi ne, %convert_element_type3A_342, %cond3A_343 : i32
      scf.if %cond3A_344 {
        %dma_wait3A_346 = arith.constant 0 : i32
        %dma_wait3A_347 = tpu.memref_slice %arg9[%add3A_326, %dma_wait3A_346] : memref<84x128xi32, #tpu.memory_space<vmem>> -> memref<1x128xi32, #tpu.memory_space<vmem>>
        %dma_wait3A_348 = tpu.memref_squeeze %dma_wait3A_347 : memref<1x128xi32, #tpu.memory_space<vmem>> -> memref<128xi32, #tpu.memory_space<vmem>>
        %dma_wait3A_349 = arith.constant 0 : i32
        %dma_wait3A_350 = arith.constant 0 : i32
        %dma_wait3A_351 = tpu.memref_slice %arg14[%dma_wait3A_349, %dma_wait3A_350] : memref<5128x128xf32, #tpu.memory_space<vmem_shared>> -> memref<5128x128xf32, #tpu.memory_space<vmem_shared>>
        tpu.wait_indirect_dma semaphore(%arg20 : memref<!tpu.dma_semaphore, #tpu.memory_space<semaphore_mem>>) src(%arg13 : memref<128x128xf32, #tpu.memory_space<vmem>>) dst(%dma_wait3A_351 : memref<5128x128xf32, #tpu.memory_space<vmem_shared>>)
        %add3A_352 = arith.constant 3 : i32
        %add3A_353 = arith.addi %add3A_326, %add3A_352 : i32
        %dma_start3A_354 = arith.constant 0 : i32
        %dma_start3A_355 = tpu.memref_slice %arg8[%add3A_353, %dma_start3A_354] : memref<84x128xi32, #tpu.memory_space<vmem>> -> memref<1x128xi32, #tpu.memory_space<vmem>>
        %dma_start3A_356 = tpu.memref_squeeze %dma_start3A_355 : memref<1x128xi32, #tpu.memory_space<vmem>> -> memref<128xi32, #tpu.memory_space<vmem>>
        %dma_start3A_357 = arith.constant 0 : i32
        %dma_start3A_358 = arith.constant 0 : i32
        %dma_start3A_359 = tpu.memref_slice %arg2[%dma_start3A_357, %dma_start3A_358] : memref<10240x128xf32, #tpu.memory_space<hbm>> -> memref<10240x128xf32, #tpu.memory_space<hbm>>
        tpu.enqueue_indirect_dma source(%dma_start3A_359 : memref<10240x128xf32, #tpu.memory_space<hbm>>) target(%arg13 : memref<128x128xf32, #tpu.memory_space<vmem>>) offsets(%dma_start3A_356 : memref<128xi32, #tpu.memory_space<vmem>>) semaphore(%arg17 : memref<!tpu.dma_semaphore, #tpu.memory_space<semaphore_mem>>)
      } else {
      }
      %while3A_345 = arith.constant 0 : i32
      scf.yield %while3A_345 : i32
    }
    %while3A_111 = arith.constant 1 : i32
    %while3A_112 = scf.for %while3A_284 = %while3A_108 to %while3A_104 step %while3A_111 iter_args(%while3A_285 = %while3A_110) -> (i32)  : i32 {
      %mul3A_286 = arith.constant 3 : i32
      %mul3A_287 = arith.muli %mul3A_286, %while3A_284 : i32
      %add3A_288 = arith.constant 0 : i32
      %add3A_289 = arith.addi %mul3A_287, %add3A_288 : i32
      %dma_wait3A_290 = arith.constant 0 : i32
      %dma_wait3A_291 = tpu.memref_slice %arg8[%add3A_289, %dma_wait3A_290] : memref<84x128xi32, #tpu.memory_space<vmem>> -> memref<1x128xi32, #tpu.memory_space<vmem>>
      %dma_wait3A_292 = tpu.memref_squeeze %dma_wait3A_291 : memref<1x128xi32, #tpu.memory_space<vmem>> -> memref<128xi32, #tpu.memory_space<vmem>>
      %dma_wait3A_293 = arith.constant 0 : i32
      %dma_wait3A_294 = arith.constant 0 : i32
      %dma_wait3A_295 = tpu.memref_slice %arg2[%dma_wait3A_293, %dma_wait3A_294] : memref<10240x128xf32, #tpu.memory_space<hbm>> -> memref<10240x128xf32, #tpu.memory_space<hbm>>
      tpu.wait_indirect_dma semaphore(%arg15 : memref<!tpu.dma_semaphore, #tpu.memory_space<semaphore_mem>>) src(%dma_wait3A_295 : memref<10240x128xf32, #tpu.memory_space<hbm>>) dst(%arg11 : memref<128x128xf32, #tpu.memory_space<vmem>>)
      %dma_start3A_296 = arith.constant 0 : i32
      %dma_start3A_297 = tpu.memref_slice %arg9[%add3A_289, %dma_start3A_296] : memref<84x128xi32, #tpu.memory_space<vmem>> -> memref<1x128xi32, #tpu.memory_space<vmem>>
      %dma_start3A_298 = tpu.memref_squeeze %dma_start3A_297 : memref<1x128xi32, #tpu.memory_space<vmem>> -> memref<128xi32, #tpu.memory_space<vmem>>
      %dma_start3A_299 = arith.constant 0 : i32
      %dma_start3A_300 = arith.constant 0 : i32
      %dma_start3A_301 = tpu.memref_slice %arg14[%dma_start3A_299, %dma_start3A_300] : memref<5128x128xf32, #tpu.memory_space<vmem_shared>> -> memref<5128x128xf32, #tpu.memory_space<vmem_shared>>
      tpu.enqueue_indirect_dma source(%arg11 : memref<128x128xf32, #tpu.memory_space<vmem>>) target(%dma_start3A_301 : memref<5128x128xf32, #tpu.memory_space<vmem_shared>>) offsets(%dma_start3A_298 : memref<128xi32, #tpu.memory_space<vmem>>) semaphore(%arg18 : memref<!tpu.dma_semaphore, #tpu.memory_space<semaphore_mem>>) {add = true}
      %add3A_302 = arith.constant 3 : i32
      %add3A_303 = arith.addi %add3A_289, %add3A_302 : i32
      %lt3A = arith.cmpi slt, %add3A_303, %min3A_57 : i32
      %convert_element_type3A = arith.extui %lt3A : i1 to i32
      %cond3A = arith.constant 0 : i32
      %cond3A_304 = arith.cmpi ne, %convert_element_type3A, %cond3A : i32
      scf.if %cond3A_304 {
        %dma_wait3A_346 = arith.constant 0 : i32
        %dma_wait3A_347 = tpu.memref_slice %arg9[%add3A_289, %dma_wait3A_346] : memref<84x128xi32, #tpu.memory_space<vmem>> -> memref<1x128xi32, #tpu.memory_space<vmem>>
        %dma_wait3A_348 = tpu.memref_squeeze %dma_wait3A_347 : memref<1x128xi32, #tpu.memory_space<vmem>> -> memref<128xi32, #tpu.memory_space<vmem>>
        %dma_wait3A_349 = arith.constant 0 : i32
        %dma_wait3A_350 = arith.constant 0 : i32
        %dma_wait3A_351 = tpu.memref_slice %arg14[%dma_wait3A_349, %dma_wait3A_350] : memref<5128x128xf32, #tpu.memory_space<vmem_shared>> -> memref<5128x128xf32, #tpu.memory_space<vmem_shared>>
        tpu.wait_indirect_dma semaphore(%arg18 : memref<!tpu.dma_semaphore, #tpu.memory_space<semaphore_mem>>) src(%arg11 : memref<128x128xf32, #tpu.memory_space<vmem>>) dst(%dma_wait3A_351 : memref<5128x128xf32, #tpu.memory_space<vmem_shared>>)
        %add3A_352 = arith.constant 3 : i32
        %add3A_353 = arith.addi %add3A_289, %add3A_352 : i32
        %dma_start3A_354 = arith.constant 0 : i32
        %dma_start3A_355 = tpu.memref_slice %arg8[%add3A_353, %dma_start3A_354] : memref<84x128xi32, #tpu.memory_space<vmem>> -> memref<1x128xi32, #tpu.memory_space<vmem>>
        %dma_start3A_356 = tpu.memref_squeeze %dma_start3A_355 : memref<1x128xi32, #tpu.memory_space<vmem>> -> memref<128xi32, #tpu.memory_space<vmem>>
        %dma_start3A_357 = arith.constant 0 : i32
        %dma_start3A_358 = arith.constant 0 : i32
        %dma_start3A_359 = tpu.memref_slice %arg2[%dma_start3A_357, %dma_start3A_358] : memref<10240x128xf32, #tpu.memory_space<hbm>> -> memref<10240x128xf32, #tpu.memory_space<hbm>>
        tpu.enqueue_indirect_dma source(%dma_start3A_359 : memref<10240x128xf32, #tpu.memory_space<hbm>>) target(%arg11 : memref<128x128xf32, #tpu.memory_space<vmem>>) offsets(%dma_start3A_356 : memref<128xi32, #tpu.memory_space<vmem>>) semaphore(%arg15 : memref<!tpu.dma_semaphore, #tpu.memory_space<semaphore_mem>>)
      } else {
      }
      %add3A_305 = arith.constant 1 : i32
      %add3A_306 = arith.addi %mul3A_287, %add3A_305 : i32
      %dma_wait3A_307 = arith.constant 0 : i32
      %dma_wait3A_308 = tpu.memref_slice %arg8[%add3A_306, %dma_wait3A_307] : memref<84x128xi32, #tpu.memory_space<vmem>> -> memref<1x128xi32, #tpu.memory_space<vmem>>
      %dma_wait3A_309 = tpu.memref_squeeze %dma_wait3A_308 : memref<1x128xi32, #tpu.memory_space<vmem>> -> memref<128xi32, #tpu.memory_space<vmem>>
      %dma_wait3A_310 = arith.constant 0 : i32
      %dma_wait3A_311 = arith.constant 0 : i32
      %dma_wait3A_312 = tpu.memref_slice %arg2[%dma_wait3A_310, %dma_wait3A_311] : memref<10240x128xf32, #tpu.memory_space<hbm>> -> memref<10240x128xf32, #tpu.memory_space<hbm>>
      tpu.wait_indirect_dma semaphore(%arg16 : memref<!tpu.dma_semaphore, #tpu.memory_space<semaphore_mem>>) src(%dma_wait3A_312 : memref<10240x128xf32, #tpu.memory_space<hbm>>) dst(%arg12 : memref<128x128xf32, #tpu.memory_space<vmem>>)
      %dma_start3A_313 = arith.constant 0 : i32
      %dma_start3A_314 = tpu.memref_slice %arg9[%add3A_306, %dma_start3A_313] : memref<84x128xi32, #tpu.memory_space<vmem>> -> memref<1x128xi32, #tpu.memory_space<vmem>>
      %dma_start3A_315 = tpu.memref_squeeze %dma_start3A_314 : memref<1x128xi32, #tpu.memory_space<vmem>> -> memref<128xi32, #tpu.memory_space<vmem>>
      %dma_start3A_316 = arith.constant 0 : i32
      %dma_start3A_317 = arith.constant 0 : i32
      %dma_start3A_318 = tpu.memref_slice %arg14[%dma_start3A_316, %dma_start3A_317] : memref<5128x128xf32, #tpu.memory_space<vmem_shared>> -> memref<5128x128xf32, #tpu.memory_space<vmem_shared>>
      tpu.enqueue_indirect_dma source(%arg12 : memref<128x128xf32, #tpu.memory_space<vmem>>) target(%dma_start3A_318 : memref<5128x128xf32, #tpu.memory_space<vmem_shared>>) offsets(%dma_start3A_315 : memref<128xi32, #tpu.memory_space<vmem>>) semaphore(%arg19 : memref<!tpu.dma_semaphore, #tpu.memory_space<semaphore_mem>>) {add = true}
      %add3A_319 = arith.constant 3 : i32
      %add3A_320 = arith.addi %add3A_306, %add3A_319 : i32
      %lt3A_321 = arith.cmpi slt, %add3A_320, %min3A_57 : i32
      %convert_element_type3A_322 = arith.extui %lt3A_321 : i1 to i32
      %cond3A_323 = arith.constant 0 : i32
      %cond3A_324 = arith.cmpi ne, %convert_element_type3A_322, %cond3A_323 : i32
      scf.if %cond3A_324 {
        %dma_wait3A_346 = arith.constant 0 : i32
        %dma_wait3A_347 = tpu.memref_slice %arg9[%add3A_306, %dma_wait3A_346] : memref<84x128xi32, #tpu.memory_space<vmem>> -> memref<1x128xi32, #tpu.memory_space<vmem>>
        %dma_wait3A_348 = tpu.memref_squeeze %dma_wait3A_347 : memref<1x128xi32, #tpu.memory_space<vmem>> -> memref<128xi32, #tpu.memory_space<vmem>>
        %dma_wait3A_349 = arith.constant 0 : i32
        %dma_wait3A_350 = arith.constant 0 : i32
        %dma_wait3A_351 = tpu.memref_slice %arg14[%dma_wait3A_349, %dma_wait3A_350] : memref<5128x128xf32, #tpu.memory_space<vmem_shared>> -> memref<5128x128xf32, #tpu.memory_space<vmem_shared>>
        tpu.wait_indirect_dma semaphore(%arg19 : memref<!tpu.dma_semaphore, #tpu.memory_space<semaphore_mem>>) src(%arg12 : memref<128x128xf32, #tpu.memory_space<vmem>>) dst(%dma_wait3A_351 : memref<5128x128xf32, #tpu.memory_space<vmem_shared>>)
        %add3A_352 = arith.constant 3 : i32
        %add3A_353 = arith.addi %add3A_306, %add3A_352 : i32
        %dma_start3A_354 = arith.constant 0 : i32
        %dma_start3A_355 = tpu.memref_slice %arg8[%add3A_353, %dma_start3A_354] : memref<84x128xi32, #tpu.memory_space<vmem>> -> memref<1x128xi32, #tpu.memory_space<vmem>>
        %dma_start3A_356 = tpu.memref_squeeze %dma_start3A_355 : memref<1x128xi32, #tpu.memory_space<vmem>> -> memref<128xi32, #tpu.memory_space<vmem>>
        %dma_start3A_357 = arith.constant 0 : i32
        %dma_start3A_358 = arith.constant 0 : i32
        %dma_start3A_359 = tpu.memref_slice %arg2[%dma_start3A_357, %dma_start3A_358] : memref<10240x128xf32, #tpu.memory_space<hbm>> -> memref<10240x128xf32, #tpu.memory_space<hbm>>
        tpu.enqueue_indirect_dma source(%dma_start3A_359 : memref<10240x128xf32, #tpu.memory_space<hbm>>) target(%arg12 : memref<128x128xf32, #tpu.memory_space<vmem>>) offsets(%dma_start3A_356 : memref<128xi32, #tpu.memory_space<vmem>>) semaphore(%arg16 : memref<!tpu.dma_semaphore, #tpu.memory_space<semaphore_mem>>)
      } else {
      }
      %add3A_325 = arith.constant 2 : i32
      %add3A_326 = arith.addi %mul3A_287, %add3A_325 : i32
      %dma_wait3A_327 = arith.constant 0 : i32
      %dma_wait3A_328 = tpu.memref_slice %arg8[%add3A_326, %dma_wait3A_327] : memref<84x128xi32, #tpu.memory_space<vmem>> -> memref<1x128xi32, #tpu.memory_space<vmem>>
      %dma_wait3A_329 = tpu.memref_squeeze %dma_wait3A_328 : memref<1x128xi32, #tpu.memory_space<vmem>> -> memref<128xi32, #tpu.memory_space<vmem>>
      %dma_wait3A_330 = arith.constant 0 : i32
      %dma_wait3A_331 = arith.constant 0 : i32
      %dma_wait3A_332 = tpu.memref_slice %arg2[%dma_wait3A_330, %dma_wait3A_331] : memref<10240x128xf32, #tpu.memory_space<hbm>> -> memref<10240x128xf32, #tpu.memory_space<hbm>>
      tpu.wait_indirect_dma semaphore(%arg17 : memref<!tpu.dma_semaphore, #tpu.memory_space<semaphore_mem>>) src(%dma_wait3A_332 : memref<10240x128xf32, #tpu.memory_space<hbm>>) dst(%arg13 : memref<128x128xf32, #tpu.memory_space<vmem>>)
      %dma_start3A_333 = arith.constant 0 : i32
      %dma_start3A_334 = tpu.memref_slice %arg9[%add3A_326, %dma_start3A_333] : memref<84x128xi32, #tpu.memory_space<vmem>> -> memref<1x128xi32, #tpu.memory_space<vmem>>
      %dma_start3A_335 = tpu.memref_squeeze %dma_start3A_334 : memref<1x128xi32, #tpu.memory_space<vmem>> -> memref<128xi32, #tpu.memory_space<vmem>>
      %dma_start3A_336 = arith.constant 0 : i32
      %dma_start3A_337 = arith.constant 0 : i32
      %dma_start3A_338 = tpu.memref_slice %arg14[%dma_start3A_336, %dma_start3A_337] : memref<5128x128xf32, #tpu.memory_space<vmem_shared>> -> memref<5128x128xf32, #tpu.memory_space<vmem_shared>>
      tpu.enqueue_indirect_dma source(%arg13 : memref<128x128xf32, #tpu.memory_space<vmem>>) target(%dma_start3A_338 : memref<5128x128xf32, #tpu.memory_space<vmem_shared>>) offsets(%dma_start3A_335 : memref<128xi32, #tpu.memory_space<vmem>>) semaphore(%arg20 : memref<!tpu.dma_semaphore, #tpu.memory_space<semaphore_mem>>) {add = true}
      %add3A_339 = arith.constant 3 : i32
      %add3A_340 = arith.addi %add3A_326, %add3A_339 : i32
      %lt3A_341 = arith.cmpi slt, %add3A_340, %min3A_57 : i32
      %convert_element_type3A_342 = arith.extui %lt3A_341 : i1 to i32
      %cond3A_343 = arith.constant 0 : i32
      %cond3A_344 = arith.cmpi ne, %convert_element_type3A_342, %cond3A_343 : i32
      scf.if %cond3A_344 {
        %dma_wait3A_346 = arith.constant 0 : i32
        %dma_wait3A_347 = tpu.memref_slice %arg9[%add3A_326, %dma_wait3A_346] : memref<84x128xi32, #tpu.memory_space<vmem>> -> memref<1x128xi32, #tpu.memory_space<vmem>>
        %dma_wait3A_348 = tpu.memref_squeeze %dma_wait3A_347 : memref<1x128xi32, #tpu.memory_space<vmem>> -> memref<128xi32, #tpu.memory_space<vmem>>
        %dma_wait3A_349 = arith.constant 0 : i32
        %dma_wait3A_350 = arith.constant 0 : i32
        %dma_wait3A_351 = tpu.memref_slice %arg14[%dma_wait3A_349, %dma_wait3A_350] : memref<5128x128xf32, #tpu.memory_space<vmem_shared>> -> memref<5128x128xf32, #tpu.memory_space<vmem_shared>>
        tpu.wait_indirect_dma semaphore(%arg20 : memref<!tpu.dma_semaphore, #tpu.memory_space<semaphore_mem>>) src(%arg13 : memref<128x128xf32, #tpu.memory_space<vmem>>) dst(%dma_wait3A_351 : memref<5128x128xf32, #tpu.memory_space<vmem_shared>>)
        %add3A_352 = arith.constant 3 : i32
        %add3A_353 = arith.addi %add3A_326, %add3A_352 : i32
        %dma_start3A_354 = arith.constant 0 : i32
        %dma_start3A_355 = tpu.memref_slice %arg8[%add3A_353, %dma_start3A_354] : memref<84x128xi32, #tpu.memory_space<vmem>> -> memref<1x128xi32, #tpu.memory_space<vmem>>
        %dma_start3A_356 = tpu.memref_squeeze %dma_start3A_355 : memref<1x128xi32, #tpu.memory_space<vmem>> -> memref<128xi32, #tpu.memory_space<vmem>>
        %dma_start3A_357 = arith.constant 0 : i32
        %dma_start3A_358 = arith.constant 0 : i32
        %dma_start3A_359 = tpu.memref_slice %arg2[%dma_start3A_357, %dma_start3A_358] : memref<10240x128xf32, #tpu.memory_space<hbm>> -> memref<10240x128xf32, #tpu.memory_space<hbm>>
        tpu.enqueue_indirect_dma source(%dma_start3A_359 : memref<10240x128xf32, #tpu.memory_space<hbm>>) target(%arg13 : memref<128x128xf32, #tpu.memory_space<vmem>>) offsets(%dma_start3A_356 : memref<128xi32, #tpu.memory_space<vmem>>) semaphore(%arg17 : memref<!tpu.dma_semaphore, #tpu.memory_space<semaphore_mem>>)
      } else {
      }
      %while3A_345 = arith.constant 0 : i32
      scf.yield %while3A_345 : i32
    }
    %dma_wait3A = arith.constant 0 : i32
    %dma_wait3A_113 = arith.constant 0 : i32
    %dma_wait3A_114 = tpu.memref_slice %arg9[%dma_wait3A, %dma_wait3A_113] : memref<84x128xi32, #tpu.memory_space<vmem>> -> memref<1x128xi32, #tpu.memory_space<vmem>>
    %dma_wait3A_115 = tpu.memref_squeeze %dma_wait3A_114 : memref<1x128xi32, #tpu.memory_space<vmem>> -> memref<128xi32, #tpu.memory_space<vmem>>
    %dma_wait3A_116 = arith.constant 0 : i32
    %dma_wait3A_117 = arith.constant 0 : i32
    %dma_wait3A_118 = tpu.memref_slice %arg14[%dma_wait3A_116, %dma_wait3A_117] : memref<5128x128xf32, #tpu.memory_space<vmem_shared>> -> memref<5128x128xf32, #tpu.memory_space<vmem_shared>>
    tpu.wait_indirect_dma semaphore(%arg18 : memref<!tpu.dma_semaphore, #tpu.memory_space<semaphore_mem>>) src(%arg11 : memref<128x128xf32, #tpu.memory_space<vmem>>) dst(%dma_wait3A_118 : memref<5128x128xf32, #tpu.memory_space<vmem_shared>>)
    %dma_wait3A_119 = arith.constant 1 : i32
    %dma_wait3A_120 = arith.constant 0 : i32
    %dma_wait3A_121 = tpu.memref_slice %arg9[%dma_wait3A_119, %dma_wait3A_120] : memref<84x128xi32, #tpu.memory_space<vmem>> -> memref<1x128xi32, #tpu.memory_space<vmem>>
    %dma_wait3A_122 = tpu.memref_squeeze %dma_wait3A_121 : memref<1x128xi32, #tpu.memory_space<vmem>> -> memref<128xi32, #tpu.memory_space<vmem>>
    %dma_wait3A_123 = arith.constant 0 : i32
    %dma_wait3A_124 = arith.constant 0 : i32
    %dma_wait3A_125 = tpu.memref_slice %arg14[%dma_wait3A_123, %dma_wait3A_124] : memref<5128x128xf32, #tpu.memory_space<vmem_shared>> -> memref<5128x128xf32, #tpu.memory_space<vmem_shared>>
    tpu.wait_indirect_dma semaphore(%arg19 : memref<!tpu.dma_semaphore, #tpu.memory_space<semaphore_mem>>) src(%arg12 : memref<128x128xf32, #tpu.memory_space<vmem>>) dst(%dma_wait3A_125 : memref<5128x128xf32, #tpu.memory_space<vmem_shared>>)
    %dma_wait3A_126 = arith.constant 2 : i32
    %dma_wait3A_127 = arith.constant 0 : i32
    %dma_wait3A_128 = tpu.memref_slice %arg9[%dma_wait3A_126, %dma_wait3A_127] : memref<84x128xi32, #tpu.memory_space<vmem>> -> memref<1x128xi32, #tpu.memory_space<vmem>>
    %dma_wait3A_129 = tpu.memref_squeeze %dma_wait3A_128 : memref<1x128xi32, #tpu.memory_space<vmem>> -> memref<128xi32, #tpu.memory_space<vmem>>
    %dma_wait3A_130 = arith.constant 0 : i32
    %dma_wait3A_131 = arith.constant 0 : i32
    %dma_wait3A_132 = tpu.memref_slice %arg14[%dma_wait3A_130, %dma_wait3A_131] : memref<5128x128xf32, #tpu.memory_space<vmem_shared>> -> memref<5128x128xf32, #tpu.memory_space<vmem_shared>>
    tpu.wait_indirect_dma semaphore(%arg20 : memref<!tpu.dma_semaphore, #tpu.memory_space<semaphore_mem>>) src(%arg13 : memref<128x128xf32, #tpu.memory_space<vmem>>) dst(%dma_wait3A_132 : memref<5128x128xf32, #tpu.memory_space<vmem_shared>>)
    %mul3A_133 = arith.constant 2 : i32
    %mul3A_134 = arith.muli %mul3A_133, %arg1 : i32
    %add3A_135 = arith.constant 1 : i32
    %add3A_136 = arith.addi %mul3A_134, %add3A_135 : i32
    "tpu.region"() ({
      %run_scoped3A = tpu.sem_alloc : memref<!tpu.dma_semaphore, #tpu.memory_space<semaphore_mem>>
      %dma_start3A_284 = arith.constant 0 : i32
      %dma_start3A_285 = arith.constant 0 : i32
      %dma_start3A_286 = tpu.memref_slice %arg3[%arg0, %add3A_136, %dma_start3A_284, %dma_start3A_285] : memref<2x32x84x128xi32, #tpu.memory_space<hbm>> -> memref<1x1x84x128xi32, #tpu.memory_space<hbm>>
      %dma_start3A_287 = tpu.memref_squeeze %dma_start3A_286 : memref<1x1x84x128xi32, #tpu.memory_space<hbm>> -> memref<84x128xi32, #tpu.memory_space<hbm>>
      %dma_start3A_288 = arith.constant 0 : i32
      %dma_start3A_289 = arith.constant 0 : i32
      %dma_start3A_290 = tpu.memref_slice %arg3[%arg0, %add3A_136, %dma_start3A_288, %dma_start3A_289] : memref<2x32x84x128xi32, #tpu.memory_space<hbm>> -> memref<1x1x84x128xi32, #tpu.memory_space<hbm>>
      %dma_start3A_291 = tpu.memref_squeeze %dma_start3A_290 : memref<1x1x84x128xi32, #tpu.memory_space<hbm>> -> memref<84x128xi32, #tpu.memory_space<hbm>>
      tpu.enqueue_dma source(%dma_start3A_291 : memref<84x128xi32, #tpu.memory_space<hbm>>) target(%arg8 : memref<84x128xi32, #tpu.memory_space<vmem>>) target_semaphore(%run_scoped3A : memref<!tpu.dma_semaphore, #tpu.memory_space<semaphore_mem>>)
      %dma_wait3A_292 = arith.constant 0 : i32
      %dma_wait3A_293 = arith.constant 0 : i32
      %dma_wait3A_294 = tpu.memref_slice %arg3[%arg0, %add3A_136, %dma_wait3A_292, %dma_wait3A_293] : memref<2x32x84x128xi32, #tpu.memory_space<hbm>> -> memref<1x1x84x128xi32, #tpu.memory_space<hbm>>
      %dma_wait3A_295 = tpu.memref_squeeze %dma_wait3A_294 : memref<1x1x84x128xi32, #tpu.memory_space<hbm>> -> memref<84x128xi32, #tpu.memory_space<hbm>>
      %dma_wait3A_296 = arith.constant 0 : i32
      %dma_wait3A_297 = arith.constant 0 : i32
      %dma_wait3A_298 = tpu.memref_slice %arg3[%arg0, %add3A_136, %dma_wait3A_296, %dma_wait3A_297] : memref<2x32x84x128xi32, #tpu.memory_space<hbm>> -> memref<1x1x84x128xi32, #tpu.memory_space<hbm>>
      %dma_wait3A_299 = tpu.memref_squeeze %dma_wait3A_298 : memref<1x1x84x128xi32, #tpu.memory_space<hbm>> -> memref<84x128xi32, #tpu.memory_space<hbm>>
      tpu.wait_dma2 semaphore(%run_scoped3A : memref<!tpu.dma_semaphore, #tpu.memory_space<semaphore_mem>>) src(%dma_wait3A_299 : memref<84x128xi32, #tpu.memory_space<hbm>>) dst(%arg8 : memref<84x128xi32, #tpu.memory_space<vmem>>)
      tpu.yield
    }) : () -> ()
    "tpu.region"() ({
      %run_scoped3A = tpu.sem_alloc : memref<!tpu.dma_semaphore, #tpu.memory_space<semaphore_mem>>
      %dma_start3A_284 = arith.constant 0 : i32
      %dma_start3A_285 = arith.constant 0 : i32
      %dma_start3A_286 = tpu.memref_slice %arg4[%arg0, %add3A_136, %dma_start3A_284, %dma_start3A_285] : memref<2x32x84x128xi32, #tpu.memory_space<hbm>> -> memref<1x1x84x128xi32, #tpu.memory_space<hbm>>
      %dma_start3A_287 = tpu.memref_squeeze %dma_start3A_286 : memref<1x1x84x128xi32, #tpu.memory_space<hbm>> -> memref<84x128xi32, #tpu.memory_space<hbm>>
      %dma_start3A_288 = arith.constant 0 : i32
      %dma_start3A_289 = arith.constant 0 : i32
      %dma_start3A_290 = tpu.memref_slice %arg4[%arg0, %add3A_136, %dma_start3A_288, %dma_start3A_289] : memref<2x32x84x128xi32, #tpu.memory_space<hbm>> -> memref<1x1x84x128xi32, #tpu.memory_space<hbm>>
      %dma_start3A_291 = tpu.memref_squeeze %dma_start3A_290 : memref<1x1x84x128xi32, #tpu.memory_space<hbm>> -> memref<84x128xi32, #tpu.memory_space<hbm>>
      tpu.enqueue_dma source(%dma_start3A_291 : memref<84x128xi32, #tpu.memory_space<hbm>>) target(%arg9 : memref<84x128xi32, #tpu.memory_space<vmem>>) target_semaphore(%run_scoped3A : memref<!tpu.dma_semaphore, #tpu.memory_space<semaphore_mem>>)
      %dma_wait3A_292 = arith.constant 0 : i32
      %dma_wait3A_293 = arith.constant 0 : i32
      %dma_wait3A_294 = tpu.memref_slice %arg4[%arg0, %add3A_136, %dma_wait3A_292, %dma_wait3A_293] : memref<2x32x84x128xi32, #tpu.memory_space<hbm>> -> memref<1x1x84x128xi32, #tpu.memory_space<hbm>>
      %dma_wait3A_295 = tpu.memref_squeeze %dma_wait3A_294 : memref<1x1x84x128xi32, #tpu.memory_space<hbm>> -> memref<84x128xi32, #tpu.memory_space<hbm>>
      %dma_wait3A_296 = arith.constant 0 : i32
      %dma_wait3A_297 = arith.constant 0 : i32
      %dma_wait3A_298 = tpu.memref_slice %arg4[%arg0, %add3A_136, %dma_wait3A_296, %dma_wait3A_297] : memref<2x32x84x128xi32, #tpu.memory_space<hbm>> -> memref<1x1x84x128xi32, #tpu.memory_space<hbm>>
      %dma_wait3A_299 = tpu.memref_squeeze %dma_wait3A_298 : memref<1x1x84x128xi32, #tpu.memory_space<hbm>> -> memref<84x128xi32, #tpu.memory_space<hbm>>
      tpu.wait_dma2 semaphore(%run_scoped3A : memref<!tpu.dma_semaphore, #tpu.memory_space<semaphore_mem>>) src(%dma_wait3A_299 : memref<84x128xi32, #tpu.memory_space<hbm>>) dst(%arg9 : memref<84x128xi32, #tpu.memory_space<vmem>>)
      tpu.yield
    }) : () -> ()
    "tpu.region"() ({
      %run_scoped3A = tpu.sem_alloc : memref<!tpu.dma_semaphore, #tpu.memory_space<semaphore_mem>>
      %dma_start3A_284 = arith.constant 0 : i32
      %dma_start3A_285 = tpu.memref_slice %arg5[%arg0, %add3A_136, %dma_start3A_284] : memref<2x32x16xi32, #tpu.memory_space<hbm>> -> memref<1x1x16xi32, #tpu.memory_space<hbm>>
      %dma_start3A_286 = tpu.memref_squeeze %dma_start3A_285 : memref<1x1x16xi32, #tpu.memory_space<hbm>> -> memref<16xi32, #tpu.memory_space<hbm>>
      %dma_start3A_287 = arith.constant 0 : i32
      %dma_start3A_288 = tpu.memref_slice %arg5[%arg0, %add3A_136, %dma_start3A_287] : memref<2x32x16xi32, #tpu.memory_space<hbm>> -> memref<1x1x16xi32, #tpu.memory_space<hbm>>
      %dma_start3A_289 = tpu.memref_squeeze %dma_start3A_288 : memref<1x1x16xi32, #tpu.memory_space<hbm>> -> memref<16xi32, #tpu.memory_space<hbm>>
      tpu.enqueue_dma source(%dma_start3A_289 : memref<16xi32, #tpu.memory_space<hbm>>) target(%arg10 : memref<16xi32, #tpu.memory_space<vmem>>) target_semaphore(%run_scoped3A : memref<!tpu.dma_semaphore, #tpu.memory_space<semaphore_mem>>)
      %dma_wait3A_290 = arith.constant 0 : i32
      %dma_wait3A_291 = tpu.memref_slice %arg5[%arg0, %add3A_136, %dma_wait3A_290] : memref<2x32x16xi32, #tpu.memory_space<hbm>> -> memref<1x1x16xi32, #tpu.memory_space<hbm>>
      %dma_wait3A_292 = tpu.memref_squeeze %dma_wait3A_291 : memref<1x1x16xi32, #tpu.memory_space<hbm>> -> memref<16xi32, #tpu.memory_space<hbm>>
      %dma_wait3A_293 = arith.constant 0 : i32
      %dma_wait3A_294 = tpu.memref_slice %arg5[%arg0, %add3A_136, %dma_wait3A_293] : memref<2x32x16xi32, #tpu.memory_space<hbm>> -> memref<1x1x16xi32, #tpu.memory_space<hbm>>
      %dma_wait3A_295 = tpu.memref_squeeze %dma_wait3A_294 : memref<1x1x16xi32, #tpu.memory_space<hbm>> -> memref<16xi32, #tpu.memory_space<hbm>>
      tpu.wait_dma2 semaphore(%run_scoped3A : memref<!tpu.dma_semaphore, #tpu.memory_space<semaphore_mem>>) src(%dma_wait3A_295 : memref<16xi32, #tpu.memory_space<hbm>>) dst(%arg10 : memref<16xi32, #tpu.memory_space<vmem>>)
      tpu.yield
    }) : () -> ()
    %get3A_137 = arith.constant 0 : index
    %get3A_138 = tpu.vector_load %arg10[%get3A_137] {strides = array<i32>} : memref<16xi32, #tpu.memory_space<vmem>>, vector<16xi32>,
    %reduce_max3A_139 = arith.constant true
    %reduce_max3A_140 = vector.broadcast %reduce_max3A_139 : i1 to vector<16xi1>
    %reduce_max3A_141 = arith.constant -2147483648 : i32
    %reduce_max3A_142 = vector.broadcast %reduce_max3A_141 : i32 to vector<16xi32>
    %reduce_max3A_143 = arith.xori %get3A_138, %reduce_max3A_142 : vector<16xi32>
    %reduce_max3A_144 = tpu.scan <max>, %reduce_max3A_143 masked %reduce_max3A_140 : vector<16xi32>, vector<16xi1> -> vector<16xi32>
    %reduce_max3A_145 = arith.xori %reduce_max3A_144, %reduce_max3A_142 : vector<16xi32>
    %reduce_max3A_146 = vector.extract %reduce_max3A_145[15] : i32 from vector<16xi32>
    %add3A_147 = arith.constant 127 : i32
    %add3A_148 = arith.addi %reduce_max3A_146, %add3A_147 : i32
    %jit3A_149 = arith.constant 128 : i32
    %div3A_150 = arith.divsi %add3A_148, %jit3A_149 : i32
    %sign3A_151 = arith.constant 0 : i32
    %sign3A_152 = arith.cmpi sgt, %add3A_148, %sign3A_151 : i32
    %sign3A_153 = arith.extui %sign3A_152 : i1 to i32
    %sign3A_154 = arith.constant 0 : i32
    %sign3A_155 = arith.cmpi slt, %add3A_148, %sign3A_154 : i32
    %sign3A_156 = arith.extui %sign3A_155 : i1 to i32
    %sign3A_157 = arith.subi %sign3A_153, %sign3A_156 : i32
    %sign3A_158 = arith.constant 0 : i32
    %sign3A_159 = arith.cmpi sgt, %jit3A_149, %sign3A_158 : i32
    %sign3A_160 = arith.extui %sign3A_159 : i1 to i32
    %sign3A_161 = arith.constant 0 : i32
    %sign3A_162 = arith.cmpi slt, %jit3A_149, %sign3A_161 : i32
    %sign3A_163 = arith.extui %sign3A_162 : i1 to i32
    %sign3A_164 = arith.subi %sign3A_160, %sign3A_163 : i32
    %ne3A_165 = arith.cmpi ne, %sign3A_157, %sign3A_164 : i32
    %rem3A_166 = arith.remsi %add3A_148, %jit3A_149 : i32
    %ne3A_167 = arith.constant 0 : i32
    %ne3A_168 = arith.cmpi ne, %rem3A_166, %ne3A_167 : i32
    %and3A_169 = arith.andi %ne3A_165, %ne3A_168 : i1
    %sub3A_170 = arith.constant 1 : i32
    %sub3A_171 = arith.subi %div3A_150, %sub3A_170 : i32
    %select_n3A_172 = arith.select %and3A_169, %sub3A_171, %div3A_150 : i32
    %add3A_173 = arith.constant 2 : i32
    %add3A_174 = arith.addi %select_n3A_172, %add3A_173 : i32
    %jit3A_175 = arith.constant 3 : i32
    %div3A_176 = arith.divsi %add3A_174, %jit3A_175 : i32
    %sign3A_177 = arith.constant 0 : i32
    %sign3A_178 = arith.cmpi sgt, %add3A_174, %sign3A_177 : i32
    %sign3A_179 = arith.extui %sign3A_178 : i1 to i32
    %sign3A_180 = arith.constant 0 : i32
    %sign3A_181 = arith.cmpi slt, %add3A_174, %sign3A_180 : i32
    %sign3A_182 = arith.extui %sign3A_181 : i1 to i32
    %sign3A_183 = arith.subi %sign3A_179, %sign3A_182 : i32
    %sign3A_184 = arith.constant 0 : i32
    %sign3A_185 = arith.cmpi sgt, %jit3A_175, %sign3A_184 : i32
    %sign3A_186 = arith.extui %sign3A_185 : i1 to i32
    %sign3A_187 = arith.constant 0 : i32
    %sign3A_188 = arith.cmpi slt, %jit3A_175, %sign3A_187 : i32
    %sign3A_189 = arith.extui %sign3A_188 : i1 to i32
    %sign3A_190 = arith.subi %sign3A_186, %sign3A_189 : i32
    %ne3A_191 = arith.cmpi ne, %sign3A_183, %sign3A_190 : i32
    %rem3A_192 = arith.remsi %add3A_174, %jit3A_175 : i32
    %ne3A_193 = arith.constant 0 : i32
    %ne3A_194 = arith.cmpi ne, %rem3A_192, %ne3A_193 : i32
    %and3A_195 = arith.andi %ne3A_191, %ne3A_194 : i1
    %sub3A_196 = arith.constant 1 : i32
    %sub3A_197 = arith.subi %div3A_176, %sub3A_196 : i32
    %select_n3A_198 = arith.select %and3A_195, %sub3A_197, %div3A_176 : i32
    %mul3A_199 = arith.constant 3 : i32
    %mul3A_200 = arith.muli %select_n3A_198, %mul3A_199 : i32
    %max3A_201 = arith.constant 3 : i32
    %max3A_202 = arith.maxsi %mul3A_200, %max3A_201 : i32
    %min3A_203 = arith.constant 84 : i32
    %min3A_204 = arith.minsi %max3A_202, %min3A_203 : i32
    %dma_start3A_205 = arith.constant 0 : i32
    %dma_start3A_206 = arith.constant 0 : i32
    %dma_start3A_207 = tpu.memref_slice %arg8[%dma_start3A_205, %dma_start3A_206] : memref<84x128xi32, #tpu.memory_space<vmem>> -> memref<1x128xi32, #tpu.memory_space<vmem>>
    %dma_start3A_208 = tpu.memref_squeeze %dma_start3A_207 : memref<1x128xi32, #tpu.memory_space<vmem>> -> memref<128xi32, #tpu.memory_space<vmem>>
    %dma_start3A_209 = arith.constant 0 : i32
    %dma_start3A_210 = arith.constant 0 : i32
    %dma_start3A_211 = tpu.memref_slice %arg2[%dma_start3A_209, %dma_start3A_210] : memref<10240x128xf32, #tpu.memory_space<hbm>> -> memref<10240x128xf32, #tpu.memory_space<hbm>>
    tpu.enqueue_indirect_dma source(%dma_start3A_211 : memref<10240x128xf32, #tpu.memory_space<hbm>>) target(%arg11 : memref<128x128xf32, #tpu.memory_space<vmem>>) offsets(%dma_start3A_208 : memref<128xi32, #tpu.memory_space<vmem>>) semaphore(%arg15 : memref<!tpu.dma_semaphore, #tpu.memory_space<semaphore_mem>>)
    %dma_start3A_212 = arith.constant 1 : i32
    %dma_start3A_213 = arith.constant 0 : i32
    %dma_start3A_214 = tpu.memref_slice %arg8[%dma_start3A_212, %dma_start3A_213] : memref<84x128xi32, #tpu.memory_space<vmem>> -> memref<1x128xi32, #tpu.memory_space<vmem>>
    %dma_start3A_215 = tpu.memref_squeeze %dma_start3A_214 : memref<1x128xi32, #tpu.memory_space<vmem>> -> memref<128xi32, #tpu.memory_space<vmem>>
    %dma_start3A_216 = arith.constant 0 : i32
    %dma_start3A_217 = arith.constant 0 : i32
    %dma_start3A_218 = tpu.memref_slice %arg2[%dma_start3A_216, %dma_start3A_217] : memref<10240x128xf32, #tpu.memory_space<hbm>> -> memref<10240x128xf32, #tpu.memory_space<hbm>>
    tpu.enqueue_indirect_dma source(%dma_start3A_218 : memref<10240x128xf32, #tpu.memory_space<hbm>>) target(%arg12 : memref<128x128xf32, #tpu.memory_space<vmem>>) offsets(%dma_start3A_215 : memref<128xi32, #tpu.memory_space<vmem>>) semaphore(%arg16 : memref<!tpu.dma_semaphore, #tpu.memory_space<semaphore_mem>>)
    %dma_start3A_219 = arith.constant 2 : i32
    %dma_start3A_220 = arith.constant 0 : i32
    %dma_start3A_221 = tpu.memref_slice %arg8[%dma_start3A_219, %dma_start3A_220] : memref<84x128xi32, #tpu.memory_space<vmem>> -> memref<1x128xi32, #tpu.memory_space<vmem>>
    %dma_start3A_222 = tpu.memref_squeeze %dma_start3A_221 : memref<1x128xi32, #tpu.memory_space<vmem>> -> memref<128xi32, #tpu.memory_space<vmem>>
    %dma_start3A_223 = arith.constant 0 : i32
    %dma_start3A_224 = arith.constant 0 : i32
    %dma_start3A_225 = tpu.memref_slice %arg2[%dma_start3A_223, %dma_start3A_224] : memref<10240x128xf32, #tpu.memory_space<hbm>> -> memref<10240x128xf32, #tpu.memory_space<hbm>>
    tpu.enqueue_indirect_dma source(%dma_start3A_225 : memref<10240x128xf32, #tpu.memory_space<hbm>>) target(%arg13 : memref<128x128xf32, #tpu.memory_space<vmem>>) offsets(%dma_start3A_222 : memref<128xi32, #tpu.memory_space<vmem>>) semaphore(%arg17 : memref<!tpu.dma_semaphore, #tpu.memory_space<semaphore_mem>>)
    %jit3A_226 = arith.constant 3 : i32
    %div3A_227 = arith.divsi %min3A_204, %jit3A_226 : i32
    %sign3A_228 = arith.constant 0 : i32
    %sign3A_229 = arith.cmpi sgt, %min3A_204, %sign3A_228 : i32
    %sign3A_230 = arith.extui %sign3A_229 : i1 to i32
    %sign3A_231 = arith.constant 0 : i32
    %sign3A_232 = arith.cmpi slt, %min3A_204, %sign3A_231 : i32
    %sign3A_233 = arith.extui %sign3A_232 : i1 to i32
    %sign3A_234 = arith.subi %sign3A_230, %sign3A_233 : i32
    %sign3A_235 = arith.constant 0 : i32
    %sign3A_236 = arith.cmpi sgt, %jit3A_226, %sign3A_235 : i32
    %sign3A_237 = arith.extui %sign3A_236 : i1 to i32
    %sign3A_238 = arith.constant 0 : i32
    %sign3A_239 = arith.cmpi slt, %jit3A_226, %sign3A_238 : i32
    %sign3A_240 = arith.extui %sign3A_239 : i1 to i32
    %sign3A_241 = arith.subi %sign3A_237, %sign3A_240 : i32
    %ne3A_242 = arith.cmpi ne, %sign3A_234, %sign3A_241 : i32
    %rem3A_243 = arith.remsi %min3A_204, %jit3A_226 : i32
    %ne3A_244 = arith.constant 0 : i32
    %ne3A_245 = arith.cmpi ne, %rem3A_243, %ne3A_244 : i32
    %and3A_246 = arith.andi %ne3A_242, %ne3A_245 : i1
    %sub3A_247 = arith.constant 1 : i32
    %sub3A_248 = arith.subi %div3A_227, %sub3A_247 : i32
    %select_n3A_249 = arith.select %and3A_246, %sub3A_248, %div3A_227 : i32
    %while3A_250 = arith.constant 0 : i32
    %while3A_251 = arith.constant 0 : i32
    %while3A_252 = arith.subi %select_n3A_249, %while3A_250 : i32
    %while3A_253 = arith.addi %while3A_250, %while3A_252 : i32
    %while3A_254 = arith.constant 1 : i32
    %while3A_255 = arith.divsi %while3A_252, %while3A_254 : i32
    %while3A_256 = arith.muli %while3A_255, %while3A_254 : i32
    %while3A_257 = arith.addi %while3A_250, %while3A_256 : i32
    %while3A_258 = arith.constant 1 : i32
    %while3A_259 = scf.for %while3A_284 = %while3A_250 to %while3A_257 step %while3A_258 iter_args(%while3A_285 = %while3A_251) -> (i32)  : i32 {
      %mul3A_286 = arith.constant 3 : i32
      %mul3A_287 = arith.muli %mul3A_286, %while3A_284 : i32
      %add3A_288 = arith.constant 0 : i32
      %add3A_289 = arith.addi %mul3A_287, %add3A_288 : i32
      %dma_wait3A_290 = arith.constant 0 : i32
      %dma_wait3A_291 = tpu.memref_slice %arg8[%add3A_289, %dma_wait3A_290] : memref<84x128xi32, #tpu.memory_space<vmem>> -> memref<1x128xi32, #tpu.memory_space<vmem>>
      %dma_wait3A_292 = tpu.memref_squeeze %dma_wait3A_291 : memref<1x128xi32, #tpu.memory_space<vmem>> -> memref<128xi32, #tpu.memory_space<vmem>>
      %dma_wait3A_293 = arith.constant 0 : i32
      %dma_wait3A_294 = arith.constant 0 : i32
      %dma_wait3A_295 = tpu.memref_slice %arg2[%dma_wait3A_293, %dma_wait3A_294] : memref<10240x128xf32, #tpu.memory_space<hbm>> -> memref<10240x128xf32, #tpu.memory_space<hbm>>
      tpu.wait_indirect_dma semaphore(%arg15 : memref<!tpu.dma_semaphore, #tpu.memory_space<semaphore_mem>>) src(%dma_wait3A_295 : memref<10240x128xf32, #tpu.memory_space<hbm>>) dst(%arg11 : memref<128x128xf32, #tpu.memory_space<vmem>>)
      %dma_start3A_296 = arith.constant 0 : i32
      %dma_start3A_297 = tpu.memref_slice %arg9[%add3A_289, %dma_start3A_296] : memref<84x128xi32, #tpu.memory_space<vmem>> -> memref<1x128xi32, #tpu.memory_space<vmem>>
      %dma_start3A_298 = tpu.memref_squeeze %dma_start3A_297 : memref<1x128xi32, #tpu.memory_space<vmem>> -> memref<128xi32, #tpu.memory_space<vmem>>
      %dma_start3A_299 = arith.constant 0 : i32
      %dma_start3A_300 = arith.constant 0 : i32
      %dma_start3A_301 = tpu.memref_slice %arg14[%dma_start3A_299, %dma_start3A_300] : memref<5128x128xf32, #tpu.memory_space<vmem_shared>> -> memref<5128x128xf32, #tpu.memory_space<vmem_shared>>
      tpu.enqueue_indirect_dma source(%arg11 : memref<128x128xf32, #tpu.memory_space<vmem>>) target(%dma_start3A_301 : memref<5128x128xf32, #tpu.memory_space<vmem_shared>>) offsets(%dma_start3A_298 : memref<128xi32, #tpu.memory_space<vmem>>) semaphore(%arg18 : memref<!tpu.dma_semaphore, #tpu.memory_space<semaphore_mem>>) {add = true}
      %add3A_302 = arith.constant 3 : i32
      %add3A_303 = arith.addi %add3A_289, %add3A_302 : i32
      %lt3A = arith.cmpi slt, %add3A_303, %min3A_204 : i32
      %convert_element_type3A = arith.extui %lt3A : i1 to i32
      %cond3A = arith.constant 0 : i32
      %cond3A_304 = arith.cmpi ne, %convert_element_type3A, %cond3A : i32
      scf.if %cond3A_304 {
        %dma_wait3A_346 = arith.constant 0 : i32
        %dma_wait3A_347 = tpu.memref_slice %arg9[%add3A_289, %dma_wait3A_346] : memref<84x128xi32, #tpu.memory_space<vmem>> -> memref<1x128xi32, #tpu.memory_space<vmem>>
        %dma_wait3A_348 = tpu.memref_squeeze %dma_wait3A_347 : memref<1x128xi32, #tpu.memory_space<vmem>> -> memref<128xi32, #tpu.memory_space<vmem>>
        %dma_wait3A_349 = arith.constant 0 : i32
        %dma_wait3A_350 = arith.constant 0 : i32
        %dma_wait3A_351 = tpu.memref_slice %arg14[%dma_wait3A_349, %dma_wait3A_350] : memref<5128x128xf32, #tpu.memory_space<vmem_shared>> -> memref<5128x128xf32, #tpu.memory_space<vmem_shared>>
        tpu.wait_indirect_dma semaphore(%arg18 : memref<!tpu.dma_semaphore, #tpu.memory_space<semaphore_mem>>) src(%arg11 : memref<128x128xf32, #tpu.memory_space<vmem>>) dst(%dma_wait3A_351 : memref<5128x128xf32, #tpu.memory_space<vmem_shared>>)
        %add3A_352 = arith.constant 3 : i32
        %add3A_353 = arith.addi %add3A_289, %add3A_352 : i32
        %dma_start3A_354 = arith.constant 0 : i32
        %dma_start3A_355 = tpu.memref_slice %arg8[%add3A_353, %dma_start3A_354] : memref<84x128xi32, #tpu.memory_space<vmem>> -> memref<1x128xi32, #tpu.memory_space<vmem>>
        %dma_start3A_356 = tpu.memref_squeeze %dma_start3A_355 : memref<1x128xi32, #tpu.memory_space<vmem>> -> memref<128xi32, #tpu.memory_space<vmem>>
        %dma_start3A_357 = arith.constant 0 : i32
        %dma_start3A_358 = arith.constant 0 : i32
        %dma_start3A_359 = tpu.memref_slice %arg2[%dma_start3A_357, %dma_start3A_358] : memref<10240x128xf32, #tpu.memory_space<hbm>> -> memref<10240x128xf32, #tpu.memory_space<hbm>>
        tpu.enqueue_indirect_dma source(%dma_start3A_359 : memref<10240x128xf32, #tpu.memory_space<hbm>>) target(%arg11 : memref<128x128xf32, #tpu.memory_space<vmem>>) offsets(%dma_start3A_356 : memref<128xi32, #tpu.memory_space<vmem>>) semaphore(%arg15 : memref<!tpu.dma_semaphore, #tpu.memory_space<semaphore_mem>>)
      } else {
      }
      %add3A_305 = arith.constant 1 : i32
      %add3A_306 = arith.addi %mul3A_287, %add3A_305 : i32
      %dma_wait3A_307 = arith.constant 0 : i32
      %dma_wait3A_308 = tpu.memref_slice %arg8[%add3A_306, %dma_wait3A_307] : memref<84x128xi32, #tpu.memory_space<vmem>> -> memref<1x128xi32, #tpu.memory_space<vmem>>
      %dma_wait3A_309 = tpu.memref_squeeze %dma_wait3A_308 : memref<1x128xi32, #tpu.memory_space<vmem>> -> memref<128xi32, #tpu.memory_space<vmem>>
      %dma_wait3A_310 = arith.constant 0 : i32
      %dma_wait3A_311 = arith.constant 0 : i32
      %dma_wait3A_312 = tpu.memref_slice %arg2[%dma_wait3A_310, %dma_wait3A_311] : memref<10240x128xf32, #tpu.memory_space<hbm>> -> memref<10240x128xf32, #tpu.memory_space<hbm>>
      tpu.wait_indirect_dma semaphore(%arg16 : memref<!tpu.dma_semaphore, #tpu.memory_space<semaphore_mem>>) src(%dma_wait3A_312 : memref<10240x128xf32, #tpu.memory_space<hbm>>) dst(%arg12 : memref<128x128xf32, #tpu.memory_space<vmem>>)
      %dma_start3A_313 = arith.constant 0 : i32
      %dma_start3A_314 = tpu.memref_slice %arg9[%add3A_306, %dma_start3A_313] : memref<84x128xi32, #tpu.memory_space<vmem>> -> memref<1x128xi32, #tpu.memory_space<vmem>>
      %dma_start3A_315 = tpu.memref_squeeze %dma_start3A_314 : memref<1x128xi32, #tpu.memory_space<vmem>> -> memref<128xi32, #tpu.memory_space<vmem>>
      %dma_start3A_316 = arith.constant 0 : i32
      %dma_start3A_317 = arith.constant 0 : i32
      %dma_start3A_318 = tpu.memref_slice %arg14[%dma_start3A_316, %dma_start3A_317] : memref<5128x128xf32, #tpu.memory_space<vmem_shared>> -> memref<5128x128xf32, #tpu.memory_space<vmem_shared>>
      tpu.enqueue_indirect_dma source(%arg12 : memref<128x128xf32, #tpu.memory_space<vmem>>) target(%dma_start3A_318 : memref<5128x128xf32, #tpu.memory_space<vmem_shared>>) offsets(%dma_start3A_315 : memref<128xi32, #tpu.memory_space<vmem>>) semaphore(%arg19 : memref<!tpu.dma_semaphore, #tpu.memory_space<semaphore_mem>>) {add = true}
      %add3A_319 = arith.constant 3 : i32
      %add3A_320 = arith.addi %add3A_306, %add3A_319 : i32
      %lt3A_321 = arith.cmpi slt, %add3A_320, %min3A_204 : i32
      %convert_element_type3A_322 = arith.extui %lt3A_321 : i1 to i32
      %cond3A_323 = arith.constant 0 : i32
      %cond3A_324 = arith.cmpi ne, %convert_element_type3A_322, %cond3A_323 : i32
      scf.if %cond3A_324 {
        %dma_wait3A_346 = arith.constant 0 : i32
        %dma_wait3A_347 = tpu.memref_slice %arg9[%add3A_306, %dma_wait3A_346] : memref<84x128xi32, #tpu.memory_space<vmem>> -> memref<1x128xi32, #tpu.memory_space<vmem>>
        %dma_wait3A_348 = tpu.memref_squeeze %dma_wait3A_347 : memref<1x128xi32, #tpu.memory_space<vmem>> -> memref<128xi32, #tpu.memory_space<vmem>>
        %dma_wait3A_349 = arith.constant 0 : i32
        %dma_wait3A_350 = arith.constant 0 : i32
        %dma_wait3A_351 = tpu.memref_slice %arg14[%dma_wait3A_349, %dma_wait3A_350] : memref<5128x128xf32, #tpu.memory_space<vmem_shared>> -> memref<5128x128xf32, #tpu.memory_space<vmem_shared>>
        tpu.wait_indirect_dma semaphore(%arg19 : memref<!tpu.dma_semaphore, #tpu.memory_space<semaphore_mem>>) src(%arg12 : memref<128x128xf32, #tpu.memory_space<vmem>>) dst(%dma_wait3A_351 : memref<5128x128xf32, #tpu.memory_space<vmem_shared>>)
        %add3A_352 = arith.constant 3 : i32
        %add3A_353 = arith.addi %add3A_306, %add3A_352 : i32
        %dma_start3A_354 = arith.constant 0 : i32
        %dma_start3A_355 = tpu.memref_slice %arg8[%add3A_353, %dma_start3A_354] : memref<84x128xi32, #tpu.memory_space<vmem>> -> memref<1x128xi32, #tpu.memory_space<vmem>>
        %dma_start3A_356 = tpu.memref_squeeze %dma_start3A_355 : memref<1x128xi32, #tpu.memory_space<vmem>> -> memref<128xi32, #tpu.memory_space<vmem>>
        %dma_start3A_357 = arith.constant 0 : i32
        %dma_start3A_358 = arith.constant 0 : i32
        %dma_start3A_359 = tpu.memref_slice %arg2[%dma_start3A_357, %dma_start3A_358] : memref<10240x128xf32, #tpu.memory_space<hbm>> -> memref<10240x128xf32, #tpu.memory_space<hbm>>
        tpu.enqueue_indirect_dma source(%dma_start3A_359 : memref<10240x128xf32, #tpu.memory_space<hbm>>) target(%arg12 : memref<128x128xf32, #tpu.memory_space<vmem>>) offsets(%dma_start3A_356 : memref<128xi32, #tpu.memory_space<vmem>>) semaphore(%arg16 : memref<!tpu.dma_semaphore, #tpu.memory_space<semaphore_mem>>)
      } else {
      }
      %add3A_325 = arith.constant 2 : i32
      %add3A_326 = arith.addi %mul3A_287, %add3A_325 : i32
      %dma_wait3A_327 = arith.constant 0 : i32
      %dma_wait3A_328 = tpu.memref_slice %arg8[%add3A_326, %dma_wait3A_327] : memref<84x128xi32, #tpu.memory_space<vmem>> -> memref<1x128xi32, #tpu.memory_space<vmem>>
      %dma_wait3A_329 = tpu.memref_squeeze %dma_wait3A_328 : memref<1x128xi32, #tpu.memory_space<vmem>> -> memref<128xi32, #tpu.memory_space<vmem>>
      %dma_wait3A_330 = arith.constant 0 : i32
      %dma_wait3A_331 = arith.constant 0 : i32
      %dma_wait3A_332 = tpu.memref_slice %arg2[%dma_wait3A_330, %dma_wait3A_331] : memref<10240x128xf32, #tpu.memory_space<hbm>> -> memref<10240x128xf32, #tpu.memory_space<hbm>>
      tpu.wait_indirect_dma semaphore(%arg17 : memref<!tpu.dma_semaphore, #tpu.memory_space<semaphore_mem>>) src(%dma_wait3A_332 : memref<10240x128xf32, #tpu.memory_space<hbm>>) dst(%arg13 : memref<128x128xf32, #tpu.memory_space<vmem>>)
      %dma_start3A_333 = arith.constant 0 : i32
      %dma_start3A_334 = tpu.memref_slice %arg9[%add3A_326, %dma_start3A_333] : memref<84x128xi32, #tpu.memory_space<vmem>> -> memref<1x128xi32, #tpu.memory_space<vmem>>
      %dma_start3A_335 = tpu.memref_squeeze %dma_start3A_334 : memref<1x128xi32, #tpu.memory_space<vmem>> -> memref<128xi32, #tpu.memory_space<vmem>>
      %dma_start3A_336 = arith.constant 0 : i32
      %dma_start3A_337 = arith.constant 0 : i32
      %dma_start3A_338 = tpu.memref_slice %arg14[%dma_start3A_336, %dma_start3A_337] : memref<5128x128xf32, #tpu.memory_space<vmem_shared>> -> memref<5128x128xf32, #tpu.memory_space<vmem_shared>>
      tpu.enqueue_indirect_dma source(%arg13 : memref<128x128xf32, #tpu.memory_space<vmem>>) target(%dma_start3A_338 : memref<5128x128xf32, #tpu.memory_space<vmem_shared>>) offsets(%dma_start3A_335 : memref<128xi32, #tpu.memory_space<vmem>>) semaphore(%arg20 : memref<!tpu.dma_semaphore, #tpu.memory_space<semaphore_mem>>) {add = true}
      %add3A_339 = arith.constant 3 : i32
      %add3A_340 = arith.addi %add3A_326, %add3A_339 : i32
      %lt3A_341 = arith.cmpi slt, %add3A_340, %min3A_204 : i32
      %convert_element_type3A_342 = arith.extui %lt3A_341 : i1 to i32
      %cond3A_343 = arith.constant 0 : i32
      %cond3A_344 = arith.cmpi ne, %convert_element_type3A_342, %cond3A_343 : i32
      scf.if %cond3A_344 {
        %dma_wait3A_346 = arith.constant 0 : i32
        %dma_wait3A_347 = tpu.memref_slice %arg9[%add3A_326, %dma_wait3A_346] : memref<84x128xi32, #tpu.memory_space<vmem>> -> memref<1x128xi32, #tpu.memory_space<vmem>>
        %dma_wait3A_348 = tpu.memref_squeeze %dma_wait3A_347 : memref<1x128xi32, #tpu.memory_space<vmem>> -> memref<128xi32, #tpu.memory_space<vmem>>
        %dma_wait3A_349 = arith.constant 0 : i32
        %dma_wait3A_350 = arith.constant 0 : i32
        %dma_wait3A_351 = tpu.memref_slice %arg14[%dma_wait3A_349, %dma_wait3A_350] : memref<5128x128xf32, #tpu.memory_space<vmem_shared>> -> memref<5128x128xf32, #tpu.memory_space<vmem_shared>>
        tpu.wait_indirect_dma semaphore(%arg20 : memref<!tpu.dma_semaphore, #tpu.memory_space<semaphore_mem>>) src(%arg13 : memref<128x128xf32, #tpu.memory_space<vmem>>) dst(%dma_wait3A_351 : memref<5128x128xf32, #tpu.memory_space<vmem_shared>>)
        %add3A_352 = arith.constant 3 : i32
        %add3A_353 = arith.addi %add3A_326, %add3A_352 : i32
        %dma_start3A_354 = arith.constant 0 : i32
        %dma_start3A_355 = tpu.memref_slice %arg8[%add3A_353, %dma_start3A_354] : memref<84x128xi32, #tpu.memory_space<vmem>> -> memref<1x128xi32, #tpu.memory_space<vmem>>
        %dma_start3A_356 = tpu.memref_squeeze %dma_start3A_355 : memref<1x128xi32, #tpu.memory_space<vmem>> -> memref<128xi32, #tpu.memory_space<vmem>>
        %dma_start3A_357 = arith.constant 0 : i32
        %dma_start3A_358 = arith.constant 0 : i32
        %dma_start3A_359 = tpu.memref_slice %arg2[%dma_start3A_357, %dma_start3A_358] : memref<10240x128xf32, #tpu.memory_space<hbm>> -> memref<10240x128xf32, #tpu.memory_space<hbm>>
        tpu.enqueue_indirect_dma source(%dma_start3A_359 : memref<10240x128xf32, #tpu.memory_space<hbm>>) target(%arg13 : memref<128x128xf32, #tpu.memory_space<vmem>>) offsets(%dma_start3A_356 : memref<128xi32, #tpu.memory_space<vmem>>) semaphore(%arg17 : memref<!tpu.dma_semaphore, #tpu.memory_space<semaphore_mem>>)
      } else {
      }
      %while3A_345 = arith.constant 0 : i32
      scf.yield %while3A_345 : i32
    }
    %while3A_260 = arith.constant 1 : i32
    %while3A_261 = scf.for %while3A_284 = %while3A_257 to %while3A_253 step %while3A_260 iter_args(%while3A_285 = %while3A_259) -> (i32)  : i32 {
      %mul3A_286 = arith.constant 3 : i32
      %mul3A_287 = arith.muli %mul3A_286, %while3A_284 : i32
      %add3A_288 = arith.constant 0 : i32
      %add3A_289 = arith.addi %mul3A_287, %add3A_288 : i32
      %dma_wait3A_290 = arith.constant 0 : i32
      %dma_wait3A_291 = tpu.memref_slice %arg8[%add3A_289, %dma_wait3A_290] : memref<84x128xi32, #tpu.memory_space<vmem>> -> memref<1x128xi32, #tpu.memory_space<vmem>>
      %dma_wait3A_292 = tpu.memref_squeeze %dma_wait3A_291 : memref<1x128xi32, #tpu.memory_space<vmem>> -> memref<128xi32, #tpu.memory_space<vmem>>
      %dma_wait3A_293 = arith.constant 0 : i32
      %dma_wait3A_294 = arith.constant 0 : i32
      %dma_wait3A_295 = tpu.memref_slice %arg2[%dma_wait3A_293, %dma_wait3A_294] : memref<10240x128xf32, #tpu.memory_space<hbm>> -> memref<10240x128xf32, #tpu.memory_space<hbm>>
      tpu.wait_indirect_dma semaphore(%arg15 : memref<!tpu.dma_semaphore, #tpu.memory_space<semaphore_mem>>) src(%dma_wait3A_295 : memref<10240x128xf32, #tpu.memory_space<hbm>>) dst(%arg11 : memref<128x128xf32, #tpu.memory_space<vmem>>)
      %dma_start3A_296 = arith.constant 0 : i32
      %dma_start3A_297 = tpu.memref_slice %arg9[%add3A_289, %dma_start3A_296] : memref<84x128xi32, #tpu.memory_space<vmem>> -> memref<1x128xi32, #tpu.memory_space<vmem>>
      %dma_start3A_298 = tpu.memref_squeeze %dma_start3A_297 : memref<1x128xi32, #tpu.memory_space<vmem>> -> memref<128xi32, #tpu.memory_space<vmem>>
      %dma_start3A_299 = arith.constant 0 : i32
      %dma_start3A_300 = arith.constant 0 : i32
      %dma_start3A_301 = tpu.memref_slice %arg14[%dma_start3A_299, %dma_start3A_300] : memref<5128x128xf32, #tpu.memory_space<vmem_shared>> -> memref<5128x128xf32, #tpu.memory_space<vmem_shared>>
      tpu.enqueue_indirect_dma source(%arg11 : memref<128x128xf32, #tpu.memory_space<vmem>>) target(%dma_start3A_301 : memref<5128x128xf32, #tpu.memory_space<vmem_shared>>) offsets(%dma_start3A_298 : memref<128xi32, #tpu.memory_space<vmem>>) semaphore(%arg18 : memref<!tpu.dma_semaphore, #tpu.memory_space<semaphore_mem>>) {add = true}
      %add3A_302 = arith.constant 3 : i32
      %add3A_303 = arith.addi %add3A_289, %add3A_302 : i32
      %lt3A = arith.cmpi slt, %add3A_303, %min3A_204 : i32
      %convert_element_type3A = arith.extui %lt3A : i1 to i32
      %cond3A = arith.constant 0 : i32
      %cond3A_304 = arith.cmpi ne, %convert_element_type3A, %cond3A : i32
      scf.if %cond3A_304 {
        %dma_wait3A_346 = arith.constant 0 : i32
        %dma_wait3A_347 = tpu.memref_slice %arg9[%add3A_289, %dma_wait3A_346] : memref<84x128xi32, #tpu.memory_space<vmem>> -> memref<1x128xi32, #tpu.memory_space<vmem>>
        %dma_wait3A_348 = tpu.memref_squeeze %dma_wait3A_347 : memref<1x128xi32, #tpu.memory_space<vmem>> -> memref<128xi32, #tpu.memory_space<vmem>>
        %dma_wait3A_349 = arith.constant 0 : i32
        %dma_wait3A_350 = arith.constant 0 : i32
        %dma_wait3A_351 = tpu.memref_slice %arg14[%dma_wait3A_349, %dma_wait3A_350] : memref<5128x128xf32, #tpu.memory_space<vmem_shared>> -> memref<5128x128xf32, #tpu.memory_space<vmem_shared>>
        tpu.wait_indirect_dma semaphore(%arg18 : memref<!tpu.dma_semaphore, #tpu.memory_space<semaphore_mem>>) src(%arg11 : memref<128x128xf32, #tpu.memory_space<vmem>>) dst(%dma_wait3A_351 : memref<5128x128xf32, #tpu.memory_space<vmem_shared>>)
        %add3A_352 = arith.constant 3 : i32
        %add3A_353 = arith.addi %add3A_289, %add3A_352 : i32
        %dma_start3A_354 = arith.constant 0 : i32
        %dma_start3A_355 = tpu.memref_slice %arg8[%add3A_353, %dma_start3A_354] : memref<84x128xi32, #tpu.memory_space<vmem>> -> memref<1x128xi32, #tpu.memory_space<vmem>>
        %dma_start3A_356 = tpu.memref_squeeze %dma_start3A_355 : memref<1x128xi32, #tpu.memory_space<vmem>> -> memref<128xi32, #tpu.memory_space<vmem>>
        %dma_start3A_357 = arith.constant 0 : i32
        %dma_start3A_358 = arith.constant 0 : i32
        %dma_start3A_359 = tpu.memref_slice %arg2[%dma_start3A_357, %dma_start3A_358] : memref<10240x128xf32, #tpu.memory_space<hbm>> -> memref<10240x128xf32, #tpu.memory_space<hbm>>
        tpu.enqueue_indirect_dma source(%dma_start3A_359 : memref<10240x128xf32, #tpu.memory_space<hbm>>) target(%arg11 : memref<128x128xf32, #tpu.memory_space<vmem>>) offsets(%dma_start3A_356 : memref<128xi32, #tpu.memory_space<vmem>>) semaphore(%arg15 : memref<!tpu.dma_semaphore, #tpu.memory_space<semaphore_mem>>)
      } else {
      }
      %add3A_305 = arith.constant 1 : i32
      %add3A_306 = arith.addi %mul3A_287, %add3A_305 : i32
      %dma_wait3A_307 = arith.constant 0 : i32
      %dma_wait3A_308 = tpu.memref_slice %arg8[%add3A_306, %dma_wait3A_307] : memref<84x128xi32, #tpu.memory_space<vmem>> -> memref<1x128xi32, #tpu.memory_space<vmem>>
      %dma_wait3A_309 = tpu.memref_squeeze %dma_wait3A_308 : memref<1x128xi32, #tpu.memory_space<vmem>> -> memref<128xi32, #tpu.memory_space<vmem>>
      %dma_wait3A_310 = arith.constant 0 : i32
      %dma_wait3A_311 = arith.constant 0 : i32
      %dma_wait3A_312 = tpu.memref_slice %arg2[%dma_wait3A_310, %dma_wait3A_311] : memref<10240x128xf32, #tpu.memory_space<hbm>> -> memref<10240x128xf32, #tpu.memory_space<hbm>>
      tpu.wait_indirect_dma semaphore(%arg16 : memref<!tpu.dma_semaphore, #tpu.memory_space<semaphore_mem>>) src(%dma_wait3A_312 : memref<10240x128xf32, #tpu.memory_space<hbm>>) dst(%arg12 : memref<128x128xf32, #tpu.memory_space<vmem>>)
      %dma_start3A_313 = arith.constant 0 : i32
      %dma_start3A_314 = tpu.memref_slice %arg9[%add3A_306, %dma_start3A_313] : memref<84x128xi32, #tpu.memory_space<vmem>> -> memref<1x128xi32, #tpu.memory_space<vmem>>
      %dma_start3A_315 = tpu.memref_squeeze %dma_start3A_314 : memref<1x128xi32, #tpu.memory_space<vmem>> -> memref<128xi32, #tpu.memory_space<vmem>>
      %dma_start3A_316 = arith.constant 0 : i32
      %dma_start3A_317 = arith.constant 0 : i32
      %dma_start3A_318 = tpu.memref_slice %arg14[%dma_start3A_316, %dma_start3A_317] : memref<5128x128xf32, #tpu.memory_space<vmem_shared>> -> memref<5128x128xf32, #tpu.memory_space<vmem_shared>>
      tpu.enqueue_indirect_dma source(%arg12 : memref<128x128xf32, #tpu.memory_space<vmem>>) target(%dma_start3A_318 : memref<5128x128xf32, #tpu.memory_space<vmem_shared>>) offsets(%dma_start3A_315 : memref<128xi32, #tpu.memory_space<vmem>>) semaphore(%arg19 : memref<!tpu.dma_semaphore, #tpu.memory_space<semaphore_mem>>) {add = true}
      %add3A_319 = arith.constant 3 : i32
      %add3A_320 = arith.addi %add3A_306, %add3A_319 : i32
      %lt3A_321 = arith.cmpi slt, %add3A_320, %min3A_204 : i32
      %convert_element_type3A_322 = arith.extui %lt3A_321 : i1 to i32
      %cond3A_323 = arith.constant 0 : i32
      %cond3A_324 = arith.cmpi ne, %convert_element_type3A_322, %cond3A_323 : i32
      scf.if %cond3A_324 {
        %dma_wait3A_346 = arith.constant 0 : i32
        %dma_wait3A_347 = tpu.memref_slice %arg9[%add3A_306, %dma_wait3A_346] : memref<84x128xi32, #tpu.memory_space<vmem>> -> memref<1x128xi32, #tpu.memory_space<vmem>>
        %dma_wait3A_348 = tpu.memref_squeeze %dma_wait3A_347 : memref<1x128xi32, #tpu.memory_space<vmem>> -> memref<128xi32, #tpu.memory_space<vmem>>
        %dma_wait3A_349 = arith.constant 0 : i32
        %dma_wait3A_350 = arith.constant 0 : i32
        %dma_wait3A_351 = tpu.memref_slice %arg14[%dma_wait3A_349, %dma_wait3A_350] : memref<5128x128xf32, #tpu.memory_space<vmem_shared>> -> memref<5128x128xf32, #tpu.memory_space<vmem_shared>>
        tpu.wait_indirect_dma semaphore(%arg19 : memref<!tpu.dma_semaphore, #tpu.memory_space<semaphore_mem>>) src(%arg12 : memref<128x128xf32, #tpu.memory_space<vmem>>) dst(%dma_wait3A_351 : memref<5128x128xf32, #tpu.memory_space<vmem_shared>>)
        %add3A_352 = arith.constant 3 : i32
        %add3A_353 = arith.addi %add3A_306, %add3A_352 : i32
        %dma_start3A_354 = arith.constant 0 : i32
        %dma_start3A_355 = tpu.memref_slice %arg8[%add3A_353, %dma_start3A_354] : memref<84x128xi32, #tpu.memory_space<vmem>> -> memref<1x128xi32, #tpu.memory_space<vmem>>
        %dma_start3A_356 = tpu.memref_squeeze %dma_start3A_355 : memref<1x128xi32, #tpu.memory_space<vmem>> -> memref<128xi32, #tpu.memory_space<vmem>>
        %dma_start3A_357 = arith.constant 0 : i32
        %dma_start3A_358 = arith.constant 0 : i32
        %dma_start3A_359 = tpu.memref_slice %arg2[%dma_start3A_357, %dma_start3A_358] : memref<10240x128xf32, #tpu.memory_space<hbm>> -> memref<10240x128xf32, #tpu.memory_space<hbm>>
        tpu.enqueue_indirect_dma source(%dma_start3A_359 : memref<10240x128xf32, #tpu.memory_space<hbm>>) target(%arg12 : memref<128x128xf32, #tpu.memory_space<vmem>>) offsets(%dma_start3A_356 : memref<128xi32, #tpu.memory_space<vmem>>) semaphore(%arg16 : memref<!tpu.dma_semaphore, #tpu.memory_space<semaphore_mem>>)
      } else {
      }
      %add3A_325 = arith.constant 2 : i32
      %add3A_326 = arith.addi %mul3A_287, %add3A_325 : i32
      %dma_wait3A_327 = arith.constant 0 : i32
      %dma_wait3A_328 = tpu.memref_slice %arg8[%add3A_326, %dma_wait3A_327] : memref<84x128xi32, #tpu.memory_space<vmem>> -> memref<1x128xi32, #tpu.memory_space<vmem>>
      %dma_wait3A_329 = tpu.memref_squeeze %dma_wait3A_328 : memref<1x128xi32, #tpu.memory_space<vmem>> -> memref<128xi32, #tpu.memory_space<vmem>>
      %dma_wait3A_330 = arith.constant 0 : i32
      %dma_wait3A_331 = arith.constant 0 : i32
      %dma_wait3A_332 = tpu.memref_slice %arg2[%dma_wait3A_330, %dma_wait3A_331] : memref<10240x128xf32, #tpu.memory_space<hbm>> -> memref<10240x128xf32, #tpu.memory_space<hbm>>
      tpu.wait_indirect_dma semaphore(%arg17 : memref<!tpu.dma_semaphore, #tpu.memory_space<semaphore_mem>>) src(%dma_wait3A_332 : memref<10240x128xf32, #tpu.memory_space<hbm>>) dst(%arg13 : memref<128x128xf32, #tpu.memory_space<vmem>>)
      %dma_start3A_333 = arith.constant 0 : i32
      %dma_start3A_334 = tpu.memref_slice %arg9[%add3A_326, %dma_start3A_333] : memref<84x128xi32, #tpu.memory_space<vmem>> -> memref<1x128xi32, #tpu.memory_space<vmem>>
      %dma_start3A_335 = tpu.memref_squeeze %dma_start3A_334 : memref<1x128xi32, #tpu.memory_space<vmem>> -> memref<128xi32, #tpu.memory_space<vmem>>
      %dma_start3A_336 = arith.constant 0 : i32
      %dma_start3A_337 = arith.constant 0 : i32
      %dma_start3A_338 = tpu.memref_slice %arg14[%dma_start3A_336, %dma_start3A_337] : memref<5128x128xf32, #tpu.memory_space<vmem_shared>> -> memref<5128x128xf32, #tpu.memory_space<vmem_shared>>
      tpu.enqueue_indirect_dma source(%arg13 : memref<128x128xf32, #tpu.memory_space<vmem>>) target(%dma_start3A_338 : memref<5128x128xf32, #tpu.memory_space<vmem_shared>>) offsets(%dma_start3A_335 : memref<128xi32, #tpu.memory_space<vmem>>) semaphore(%arg20 : memref<!tpu.dma_semaphore, #tpu.memory_space<semaphore_mem>>) {add = true}
      %add3A_339 = arith.constant 3 : i32
      %add3A_340 = arith.addi %add3A_326, %add3A_339 : i32
      %lt3A_341 = arith.cmpi slt, %add3A_340, %min3A_204 : i32
      %convert_element_type3A_342 = arith.extui %lt3A_341 : i1 to i32
      %cond3A_343 = arith.constant 0 : i32
      %cond3A_344 = arith.cmpi ne, %convert_element_type3A_342, %cond3A_343 : i32
      scf.if %cond3A_344 {
        %dma_wait3A_346 = arith.constant 0 : i32
        %dma_wait3A_347 = tpu.memref_slice %arg9[%add3A_326, %dma_wait3A_346] : memref<84x128xi32, #tpu.memory_space<vmem>> -> memref<1x128xi32, #tpu.memory_space<vmem>>
        %dma_wait3A_348 = tpu.memref_squeeze %dma_wait3A_347 : memref<1x128xi32, #tpu.memory_space<vmem>> -> memref<128xi32, #tpu.memory_space<vmem>>
        %dma_wait3A_349 = arith.constant 0 : i32
        %dma_wait3A_350 = arith.constant 0 : i32
        %dma_wait3A_351 = tpu.memref_slice %arg14[%dma_wait3A_349, %dma_wait3A_350] : memref<5128x128xf32, #tpu.memory_space<vmem_shared>> -> memref<5128x128xf32, #tpu.memory_space<vmem_shared>>
        tpu.wait_indirect_dma semaphore(%arg20 : memref<!tpu.dma_semaphore, #tpu.memory_space<semaphore_mem>>) src(%arg13 : memref<128x128xf32, #tpu.memory_space<vmem>>) dst(%dma_wait3A_351 : memref<5128x128xf32, #tpu.memory_space<vmem_shared>>)
        %add3A_352 = arith.constant 3 : i32
        %add3A_353 = arith.addi %add3A_326, %add3A_352 : i32
        %dma_start3A_354 = arith.constant 0 : i32
        %dma_start3A_355 = tpu.memref_slice %arg8[%add3A_353, %dma_start3A_354] : memref<84x128xi32, #tpu.memory_space<vmem>> -> memref<1x128xi32, #tpu.memory_space<vmem>>
        %dma_start3A_356 = tpu.memref_squeeze %dma_start3A_355 : memref<1x128xi32, #tpu.memory_space<vmem>> -> memref<128xi32, #tpu.memory_space<vmem>>
        %dma_start3A_357 = arith.constant 0 : i32
        %dma_start3A_358 = arith.constant 0 : i32
        %dma_start3A_359 = tpu.memref_slice %arg2[%dma_start3A_357, %dma_start3A_358] : memref<10240x128xf32, #tpu.memory_space<hbm>> -> memref<10240x128xf32, #tpu.memory_space<hbm>>
        tpu.enqueue_indirect_dma source(%dma_start3A_359 : memref<10240x128xf32, #tpu.memory_space<hbm>>) target(%arg13 : memref<128x128xf32, #tpu.memory_space<vmem>>) offsets(%dma_start3A_356 : memref<128xi32, #tpu.memory_space<vmem>>) semaphore(%arg17 : memref<!tpu.dma_semaphore, #tpu.memory_space<semaphore_mem>>)
      } else {
      }
      %while3A_345 = arith.constant 0 : i32
      scf.yield %while3A_345 : i32
    }
    %dma_wait3A_262 = arith.constant 0 : i32
    %dma_wait3A_263 = arith.constant 0 : i32
    %dma_wait3A_264 = tpu.memref_slice %arg9[%dma_wait3A_262, %dma_wait3A_263] : memref<84x128xi32, #tpu.memory_space<vmem>> -> memref<1x128xi32, #tpu.memory_space<vmem>>
    %dma_wait3A_265 = tpu.memref_squeeze %dma_wait3A_264 : memref<1x128xi32, #tpu.memory_space<vmem>> -> memref<128xi32, #tpu.memory_space<vmem>>
    %dma_wait3A_266 = arith.constant 0 : i32
    %dma_wait3A_267 = arith.constant 0 : i32
    %dma_wait3A_268 = tpu.memref_slice %arg14[%dma_wait3A_266, %dma_wait3A_267] : memref<5128x128xf32, #tpu.memory_space<vmem_shared>> -> memref<5128x128xf32, #tpu.memory_space<vmem_shared>>
    tpu.wait_indirect_dma semaphore(%arg18 : memref<!tpu.dma_semaphore, #tpu.memory_space<semaphore_mem>>) src(%arg11 : memref<128x128xf32, #tpu.memory_space<vmem>>) dst(%dma_wait3A_268 : memref<5128x128xf32, #tpu.memory_space<vmem_shared>>)
    %dma_wait3A_269 = arith.constant 1 : i32
    %dma_wait3A_270 = arith.constant 0 : i32
    %dma_wait3A_271 = tpu.memref_slice %arg9[%dma_wait3A_269, %dma_wait3A_270] : memref<84x128xi32, #tpu.memory_space<vmem>> -> memref<1x128xi32, #tpu.memory_space<vmem>>
    %dma_wait3A_272 = tpu.memref_squeeze %dma_wait3A_271 : memref<1x128xi32, #tpu.memory_space<vmem>> -> memref<128xi32, #tpu.memory_space<vmem>>
    %dma_wait3A_273 = arith.constant 0 : i32
    %dma_wait3A_274 = arith.constant 0 : i32
    %dma_wait3A_275 = tpu.memref_slice %arg14[%dma_wait3A_273, %dma_wait3A_274] : memref<5128x128xf32, #tpu.memory_space<vmem_shared>> -> memref<5128x128xf32, #tpu.memory_space<vmem_shared>>
    tpu.wait_indirect_dma semaphore(%arg19 : memref<!tpu.dma_semaphore, #tpu.memory_space<semaphore_mem>>) src(%arg12 : memref<128x128xf32, #tpu.memory_space<vmem>>) dst(%dma_wait3A_275 : memref<5128x128xf32, #tpu.memory_space<vmem_shared>>)
    %dma_wait3A_276 = arith.constant 2 : i32
    %dma_wait3A_277 = arith.constant 0 : i32
    %dma_wait3A_278 = tpu.memref_slice %arg9[%dma_wait3A_276, %dma_wait3A_277] : memref<84x128xi32, #tpu.memory_space<vmem>> -> memref<1x128xi32, #tpu.memory_space<vmem>>
    %dma_wait3A_279 = tpu.memref_squeeze %dma_wait3A_278 : memref<1x128xi32, #tpu.memory_space<vmem>> -> memref<128xi32, #tpu.memory_space<vmem>>
    %dma_wait3A_280 = arith.constant 0 : i32
    %dma_wait3A_281 = arith.constant 0 : i32
    %dma_wait3A_282 = tpu.memref_slice %arg14[%dma_wait3A_280, %dma_wait3A_281] : memref<5128x128xf32, #tpu.memory_space<vmem_shared>> -> memref<5128x128xf32, #tpu.memory_space<vmem_shared>>
    tpu.wait_indirect_dma semaphore(%arg20 : memref<!tpu.dma_semaphore, #tpu.memory_space<semaphore_mem>>) src(%arg13 : memref<128x128xf32, #tpu.memory_space<vmem>>) dst(%dma_wait3A_282 : memref<5128x128xf32, #tpu.memory_space<vmem_shared>>)
    %barrier3A_283 = arith.constant 0 : index
    tpu.barrier barrier_id(%barrier3A_283)
    "tpu.region"() ({
      %run_scoped3A = tpu.sem_alloc : memref<!tpu.dma_semaphore, #tpu.memory_space<semaphore_mem>>
      %dma_start3A_284 = arith.constant 0 : i32
      %dma_start3A_285 = tpu.memref_slice %arg7[%arg0, %mul3A_0, %dma_start3A_284] : memref<2x5120x128xf32, #tpu.memory_space<hbm>> -> memref<1x320x128xf32, #tpu.memory_space<hbm>>
      %dma_start3A_286 = tpu.memref_squeeze %dma_start3A_285 : memref<1x320x128xf32, #tpu.memory_space<hbm>> -> memref<320x128xf32, #tpu.memory_space<hbm>>
      %dma_start3A_287 = arith.constant 0 : i32
      %dma_start3A_288 = tpu.memref_slice %arg14[%mul3A_0, %dma_start3A_287] : memref<5128x128xf32, #tpu.memory_space<vmem_shared>> -> memref<320x128xf32, #tpu.memory_space<vmem_shared>>
      tpu.enqueue_dma source(%dma_start3A_288 : memref<320x128xf32, #tpu.memory_space<vmem_shared>>) target(%dma_start3A_286 : memref<320x128xf32, #tpu.memory_space<hbm>>) target_semaphore(%run_scoped3A : memref<!tpu.dma_semaphore, #tpu.memory_space<semaphore_mem>>)
      %dma_wait3A_289 = arith.constant 0 : i32
      %dma_wait3A_290 = tpu.memref_slice %arg7[%arg0, %mul3A_0, %dma_wait3A_289] : memref<2x5120x128xf32, #tpu.memory_space<hbm>> -> memref<1x320x128xf32, #tpu.memory_space<hbm>>
      %dma_wait3A_291 = tpu.memref_squeeze %dma_wait3A_290 : memref<1x320x128xf32, #tpu.memory_space<hbm>> -> memref<320x128xf32, #tpu.memory_space<hbm>>
      %dma_wait3A_292 = arith.constant 0 : i32
      %dma_wait3A_293 = tpu.memref_slice %arg14[%mul3A_0, %dma_wait3A_292] : memref<5128x128xf32, #tpu.memory_space<vmem_shared>> -> memref<320x128xf32, #tpu.memory_space<vmem_shared>>
      tpu.wait_dma2 semaphore(%run_scoped3A : memref<!tpu.dma_semaphore, #tpu.memory_space<semaphore_mem>>) src(%dma_wait3A_293 : memref<320x128xf32, #tpu.memory_space<vmem_shared>>) dst(%dma_wait3A_291 : memref<320x128xf32, #tpu.memory_space<hbm>>)
      tpu.yield
    }) : () -> ()
    return
  }
}

#map = affine_map<(d0, d1) -> (0, 0)>
#map1 = affine_map<(d0, d1) -> (0, 0, 0, 0)>
#map2 = affine_map<(d0, d1) -> (0, 0, 0)>
module attributes {stable_mosaic.version = 14 : i64} {
  func.func @_sc_aggregate(%arg0: i32, %arg1: i32, %arg2: memref<10240x128xf32, #tpu.memory_space<hbm>>, %arg3: memref<2x32x84x128xi32, #tpu.memory_space<hbm>>, %arg4: memref<2x32x84x128xi32, #tpu.memory_space<hbm>>, %arg5: memref<2x32x16xi32, #tpu.memory_space<hbm>>, %arg6: memref<5120x128xf32, #tpu.memory_space<hbm>>, %arg7: memref<2x5120x128xf32, #tpu.memory_space<hbm>>, %arg8: memref<84x128xi32, #tpu.memory_space<vmem>>, %arg9: memref<84x128xi32, #tpu.memory_space<vmem>>, %arg10: memref<16xi32, #tpu.memory_space<vmem>>, %arg11: memref<128x128xf32, #tpu.memory_space<vmem>>, %arg12: memref<128x128xf32, #tpu.memory_space<vmem>>, %arg13: memref<128x128xf32, #tpu.memory_space<vmem>>, %arg14: memref<5128x128xf32, #tpu.memory_space<vmem_shared>>, %arg15: memref<!tpu.dma_semaphore, #tpu.memory_space<semaphore_mem>>, %arg16: memref<!tpu.dma_semaphore, #tpu.memory_space<semaphore_mem>>, %arg17: memref<!tpu.dma_semaphore, #tpu.memory_space<semaphore_mem>>, %arg18: memref<!tpu.dma_semaphore, #tpu.memory_space<semaphore_mem>>, %arg19: memref<!tpu.dma_semaphore, #tpu.memory_space<semaphore_mem>>, %arg20: memref<!tpu.dma_semaphore, #tpu.memory_space<semaphore_mem>>) attributes {dimension_semantics = [#tpu.dimension_semantics<core_parallel>, #tpu.dimension_semantics<subcore_parallel>], iteration_bounds = array<i64: 2, 16>, scalar_prefetch = 0 : i64, scratch_operands = 13 : i64, tpu.core_type = #tpu.core_type<sc_vector_subcore>, window_params = [{transform_indices = #map}, {transform_indices = #map1}, {transform_indices = #map1}, {transform_indices = #map2}, {transform_indices = #map}, {transform_indices = #map2}]} {
    %mul3A = arith.constant 320 : i32
    %mul3A_0 = arith.muli %arg1, %mul3A : i32
    "tpu.region"() ({
      %run_scoped3A = tpu.sem_alloc : memref<!tpu.dma_semaphore, #tpu.memory_space<semaphore_mem>>
      %dma_start3A_284 = arith.constant 0 : i32
      %dma_start3A_285 = tpu.memref_slice %arg14[%mul3A_0, %dma_start3A_284] : memref<5128x128xf32, #tpu.memory_space<vmem_shared>> -> memref<320x128xf32, #tpu.memory_space<vmem_shared>>
      %dma_start3A_286 = arith.constant 0 : i32
      %dma_start3A_287 = tpu.memref_slice %arg6[%mul3A_0, %dma_start3A_286] : memref<5120x128xf32, #tpu.memory_space<hbm>> -> memref<320x128xf32, #tpu.memory_space<hbm>>
      tpu.enqueue_dma source(%dma_start3A_287 : memref<320x128xf32, #tpu.memory_space<hbm>>) target(%dma_start3A_285 : memref<320x128xf32, #tpu.memory_space<vmem_shared>>) target_semaphore(%run_scoped3A : memref<!tpu.dma_semaphore, #tpu.memory_space<semaphore_mem>>)
      %dma_wait3A_288 = arith.constant 0 : i32
      %dma_wait3A_289 = tpu.memref_slice %arg14[%mul3A_0, %dma_wait3A_288] : memref<5128x128xf32, #tpu.memory_space<vmem_shared>> -> memref<320x128xf32, #tpu.memory_space<vmem_shared>>
      %dma_wait3A_290 = arith.constant 0 : i32
      %dma_wait3A_291 = tpu.memref_slice %arg6[%mul3A_0, %dma_wait3A_290] : memref<5120x128xf32, #tpu.memory_space<hbm>> -> memref<320x128xf32, #tpu.memory_space<hbm>>
      tpu.wait_dma2 semaphore(%run_scoped3A : memref<!tpu.dma_semaphore, #tpu.memory_space<semaphore_mem>>) src(%dma_wait3A_291 : memref<320x128xf32, #tpu.memory_space<hbm>>) dst(%dma_wait3A_289 : memref<320x128xf32, #tpu.memory_space<vmem_shared>>)
      tpu.yield
    }) : () -> ()
    %barrier3A = arith.constant 0 : index
    tpu.barrier barrier_id(%barrier3A)
    %mul3A_1 = arith.constant 2 : i32
    %mul3A_2 = arith.muli %mul3A_1, %arg1 : i32
    "tpu.region"() ({
      %run_scoped3A = tpu.sem_alloc : memref<!tpu.dma_semaphore, #tpu.memory_space<semaphore_mem>>
      %dma_start3A_284 = arith.constant 0 : i32
      %dma_start3A_285 = arith.constant 0 : i32
      %dma_start3A_286 = tpu.memref_slice %arg3[%arg0, %mul3A_2, %dma_start3A_284, %dma_start3A_285] : memref<2x32x84x128xi32, #tpu.memory_space<hbm>> -> memref<1x1x84x128xi32, #tpu.memory_space<hbm>>
      %dma_start3A_287 = tpu.memref_squeeze %dma_start3A_286 : memref<1x1x84x128xi32, #tpu.memory_space<hbm>> -> memref<84x128xi32, #tpu.memory_space<hbm>>
      %dma_start3A_288 = arith.constant 0 : i32
      %dma_start3A_289 = arith.constant 0 : i32
      %dma_start3A_290 = tpu.memref_slice %arg3[%arg0, %mul3A_2, %dma_start3A_288, %dma_start3A_289] : memref<2x32x84x128xi32, #tpu.memory_space<hbm>> -> memref<1x1x84x128xi32, #tpu.memory_space<hbm>>
      %dma_start3A_291 = tpu.memref_squeeze %dma_start3A_290 : memref<1x1x84x128xi32, #tpu.memory_space<hbm>> -> memref<84x128xi32, #tpu.memory_space<hbm>>
      tpu.enqueue_dma source(%dma_start3A_291 : memref<84x128xi32, #tpu.memory_space<hbm>>) target(%arg8 : memref<84x128xi32, #tpu.memory_space<vmem>>) target_semaphore(%run_scoped3A : memref<!tpu.dma_semaphore, #tpu.memory_space<semaphore_mem>>)
      %dma_wait3A_292 = arith.constant 0 : i32
      %dma_wait3A_293 = arith.constant 0 : i32
      %dma_wait3A_294 = tpu.memref_slice %arg3[%arg0, %mul3A_2, %dma_wait3A_292, %dma_wait3A_293] : memref<2x32x84x128xi32, #tpu.memory_space<hbm>> -> memref<1x1x84x128xi32, #tpu.memory_space<hbm>>
      %dma_wait3A_295 = tpu.memref_squeeze %dma_wait3A_294 : memref<1x1x84x128xi32, #tpu.memory_space<hbm>> -> memref<84x128xi32, #tpu.memory_space<hbm>>
      %dma_wait3A_296 = arith.constant 0 : i32
      %dma_wait3A_297 = arith.constant 0 : i32
      %dma_wait3A_298 = tpu.memref_slice %arg3[%arg0, %mul3A_2, %dma_wait3A_296, %dma_wait3A_297] : memref<2x32x84x128xi32, #tpu.memory_space<hbm>> -> memref<1x1x84x128xi32, #tpu.memory_space<hbm>>
      %dma_wait3A_299 = tpu.memref_squeeze %dma_wait3A_298 : memref<1x1x84x128xi32, #tpu.memory_space<hbm>> -> memref<84x128xi32, #tpu.memory_space<hbm>>
      tpu.wait_dma2 semaphore(%run_scoped3A : memref<!tpu.dma_semaphore, #tpu.memory_space<semaphore_mem>>) src(%dma_wait3A_299 : memref<84x128xi32, #tpu.memory_space<hbm>>) dst(%arg8 : memref<84x128xi32, #tpu.memory_space<vmem>>)
      tpu.yield
    }) : () -> ()
    "tpu.region"() ({
      %run_scoped3A = tpu.sem_alloc : memref<!tpu.dma_semaphore, #tpu.memory_space<semaphore_mem>>
      %dma_start3A_284 = arith.constant 0 : i32
      %dma_start3A_285 = arith.constant 0 : i32
      %dma_start3A_286 = tpu.memref_slice %arg4[%arg0, %mul3A_2, %dma_start3A_284, %dma_start3A_285] : memref<2x32x84x128xi32, #tpu.memory_space<hbm>> -> memref<1x1x84x128xi32, #tpu.memory_space<hbm>>
      %dma_start3A_287 = tpu.memref_squeeze %dma_start3A_286 : memref<1x1x84x128xi32, #tpu.memory_space<hbm>> -> memref<84x128xi32, #tpu.memory_space<hbm>>
      %dma_start3A_288 = arith.constant 0 : i32
      %dma_start3A_289 = arith.constant 0 : i32
      %dma_start3A_290 = tpu.memref_slice %arg4[%arg0, %mul3A_2, %dma_start3A_288, %dma_start3A_289] : memref<2x32x84x128xi32, #tpu.memory_space<hbm>> -> memref<1x1x84x128xi32, #tpu.memory_space<hbm>>
      %dma_start3A_291 = tpu.memref_squeeze %dma_start3A_290 : memref<1x1x84x128xi32, #tpu.memory_space<hbm>> -> memref<84x128xi32, #tpu.memory_space<hbm>>
      tpu.enqueue_dma source(%dma_start3A_291 : memref<84x128xi32, #tpu.memory_space<hbm>>) target(%arg9 : memref<84x128xi32, #tpu.memory_space<vmem>>) target_semaphore(%run_scoped3A : memref<!tpu.dma_semaphore, #tpu.memory_space<semaphore_mem>>)
      %dma_wait3A_292 = arith.constant 0 : i32
      %dma_wait3A_293 = arith.constant 0 : i32
      %dma_wait3A_294 = tpu.memref_slice %arg4[%arg0, %mul3A_2, %dma_wait3A_292, %dma_wait3A_293] : memref<2x32x84x128xi32, #tpu.memory_space<hbm>> -> memref<1x1x84x128xi32, #tpu.memory_space<hbm>>
      %dma_wait3A_295 = tpu.memref_squeeze %dma_wait3A_294 : memref<1x1x84x128xi32, #tpu.memory_space<hbm>> -> memref<84x128xi32, #tpu.memory_space<hbm>>
      %dma_wait3A_296 = arith.constant 0 : i32
      %dma_wait3A_297 = arith.constant 0 : i32
      %dma_wait3A_298 = tpu.memref_slice %arg4[%arg0, %mul3A_2, %dma_wait3A_296, %dma_wait3A_297] : memref<2x32x84x128xi32, #tpu.memory_space<hbm>> -> memref<1x1x84x128xi32, #tpu.memory_space<hbm>>
      %dma_wait3A_299 = tpu.memref_squeeze %dma_wait3A_298 : memref<1x1x84x128xi32, #tpu.memory_space<hbm>> -> memref<84x128xi32, #tpu.memory_space<hbm>>
      tpu.wait_dma2 semaphore(%run_scoped3A : memref<!tpu.dma_semaphore, #tpu.memory_space<semaphore_mem>>) src(%dma_wait3A_299 : memref<84x128xi32, #tpu.memory_space<hbm>>) dst(%arg9 : memref<84x128xi32, #tpu.memory_space<vmem>>)
      tpu.yield
    }) : () -> ()
    "tpu.region"() ({
      %run_scoped3A = tpu.sem_alloc : memref<!tpu.dma_semaphore, #tpu.memory_space<semaphore_mem>>
      %dma_start3A_284 = arith.constant 0 : i32
      %dma_start3A_285 = tpu.memref_slice %arg5[%arg0, %mul3A_2, %dma_start3A_284] : memref<2x32x16xi32, #tpu.memory_space<hbm>> -> memref<1x1x16xi32, #tpu.memory_space<hbm>>
      %dma_start3A_286 = tpu.memref_squeeze %dma_start3A_285 : memref<1x1x16xi32, #tpu.memory_space<hbm>> -> memref<16xi32, #tpu.memory_space<hbm>>
      %dma_start3A_287 = arith.constant 0 : i32
      %dma_start3A_288 = tpu.memref_slice %arg5[%arg0, %mul3A_2, %dma_start3A_287] : memref<2x32x16xi32, #tpu.memory_space<hbm>> -> memref<1x1x16xi32, #tpu.memory_space<hbm>>
      %dma_start3A_289 = tpu.memref_squeeze %dma_start3A_288 : memref<1x1x16xi32, #tpu.memory_space<hbm>> -> memref<16xi32, #tpu.memory_space<hbm>>
      tpu.enqueue_dma source(%dma_start3A_289 : memref<16xi32, #tpu.memory_space<hbm>>) target(%arg10 : memref<16xi32, #tpu.memory_space<vmem>>) target_semaphore(%run_scoped3A : memref<!tpu.dma_semaphore, #tpu.memory_space<semaphore_mem>>)
      %dma_wait3A_290 = arith.constant 0 : i32
      %dma_wait3A_291 = tpu.memref_slice %arg5[%arg0, %mul3A_2, %dma_wait3A_290] : memref<2x32x16xi32, #tpu.memory_space<hbm>> -> memref<1x1x16xi32, #tpu.memory_space<hbm>>
      %dma_wait3A_292 = tpu.memref_squeeze %dma_wait3A_291 : memref<1x1x16xi32, #tpu.memory_space<hbm>> -> memref<16xi32, #tpu.memory_space<hbm>>
      %dma_wait3A_293 = arith.constant 0 : i32
      %dma_wait3A_294 = tpu.memref_slice %arg5[%arg0, %mul3A_2, %dma_wait3A_293] : memref<2x32x16xi32, #tpu.memory_space<hbm>> -> memref<1x1x16xi32, #tpu.memory_space<hbm>>
      %dma_wait3A_295 = tpu.memref_squeeze %dma_wait3A_294 : memref<1x1x16xi32, #tpu.memory_space<hbm>> -> memref<16xi32, #tpu.memory_space<hbm>>
      tpu.wait_dma2 semaphore(%run_scoped3A : memref<!tpu.dma_semaphore, #tpu.memory_space<semaphore_mem>>) src(%dma_wait3A_295 : memref<16xi32, #tpu.memory_space<hbm>>) dst(%arg10 : memref<16xi32, #tpu.memory_space<vmem>>)
      tpu.yield
    }) : () -> ()
    %get3A = arith.constant 0 : index
    %get3A_3 = tpu.vector_load %arg10[%get3A] {strides = array<i32>} : memref<16xi32, #tpu.memory_space<vmem>>, vector<16xi32>,
    %reduce_max3A = arith.constant true
    %reduce_max3A_4 = vector.broadcast %reduce_max3A : i1 to vector<16xi1>
    %reduce_max3A_5 = arith.constant -2147483648 : i32
    %reduce_max3A_6 = vector.broadcast %reduce_max3A_5 : i32 to vector<16xi32>
    %reduce_max3A_7 = arith.xori %get3A_3, %reduce_max3A_6 : vector<16xi32>
    %reduce_max3A_8 = tpu.scan <max>, %reduce_max3A_7 masked %reduce_max3A_4 : vector<16xi32>, vector<16xi1> -> vector<16xi32>
    %reduce_max3A_9 = arith.xori %reduce_max3A_8, %reduce_max3A_6 : vector<16xi32>
    %reduce_max3A_10 = vector.extract %reduce_max3A_9[15] : i32 from vector<16xi32>
    %add3A = arith.constant 127 : i32
    %add3A_11 = arith.addi %reduce_max3A_10, %add3A : i32
    %jit3A = arith.constant 128 : i32
    %div3A = arith.divsi %add3A_11, %jit3A : i32
    %sign3A = arith.constant 0 : i32
    %sign3A_12 = arith.cmpi sgt, %add3A_11, %sign3A : i32
    %sign3A_13 = arith.extui %sign3A_12 : i1 to i32
    %sign3A_14 = arith.constant 0 : i32
    %sign3A_15 = arith.cmpi slt, %add3A_11, %sign3A_14 : i32
    %sign3A_16 = arith.extui %sign3A_15 : i1 to i32
    %sign3A_17 = arith.subi %sign3A_13, %sign3A_16 : i32
    %sign3A_18 = arith.constant 0 : i32
    %sign3A_19 = arith.cmpi sgt, %jit3A, %sign3A_18 : i32
    %sign3A_20 = arith.extui %sign3A_19 : i1 to i32
    %sign3A_21 = arith.constant 0 : i32
    %sign3A_22 = arith.cmpi slt, %jit3A, %sign3A_21 : i32
    %sign3A_23 = arith.extui %sign3A_22 : i1 to i32
    %sign3A_24 = arith.subi %sign3A_20, %sign3A_23 : i32
    %ne3A = arith.cmpi ne, %sign3A_17, %sign3A_24 : i32
    %rem3A = arith.remsi %add3A_11, %jit3A : i32
    %ne3A_25 = arith.constant 0 : i32
    %ne3A_26 = arith.cmpi ne, %rem3A, %ne3A_25 : i32
    %and3A = arith.andi %ne3A, %ne3A_26 : i1
    %sub3A = arith.constant 1 : i32
    %sub3A_27 = arith.subi %div3A, %sub3A : i32
    %select_n3A = arith.select %and3A, %sub3A_27, %div3A : i32
    %add3A_28 = arith.constant 2 : i32
    %add3A_29 = arith.addi %select_n3A, %add3A_28 : i32
    %jit3A_30 = arith.constant 3 : i32
    %div3A_31 = arith.divsi %add3A_29, %jit3A_30 : i32
    %sign3A_32 = arith.constant 0 : i32
    %sign3A_33 = arith.cmpi sgt, %add3A_29, %sign3A_32 : i32
    %sign3A_34 = arith.extui %sign3A_33 : i1 to i32
    %sign3A_35 = arith.constant 0 : i32
    %sign3A_36 = arith.cmpi slt, %add3A_29, %sign3A_35 : i32
    %sign3A_37 = arith.extui %sign3A_36 : i1 to i32
    %sign3A_38 = arith.subi %sign3A_34, %sign3A_37 : i32
    %sign3A_39 = arith.constant 0 : i32
    %sign3A_40 = arith.cmpi sgt, %jit3A_30, %sign3A_39 : i32
    %sign3A_41 = arith.extui %sign3A_40 : i1 to i32
    %sign3A_42 = arith.constant 0 : i32
    %sign3A_43 = arith.cmpi slt, %jit3A_30, %sign3A_42 : i32
    %sign3A_44 = arith.extui %sign3A_43 : i1 to i32
    %sign3A_45 = arith.subi %sign3A_41, %sign3A_44 : i32
    %ne3A_46 = arith.cmpi ne, %sign3A_38, %sign3A_45 : i32
    %rem3A_47 = arith.remsi %add3A_29, %jit3A_30 : i32
    %ne3A_48 = arith.constant 0 : i32
    %ne3A_49 = arith.cmpi ne, %rem3A_47, %ne3A_48 : i32
    %and3A_50 = arith.andi %ne3A_46, %ne3A_49 : i1
    %sub3A_51 = arith.constant 1 : i32
    %sub3A_52 = arith.subi %div3A_31, %sub3A_51 : i32
    %select_n3A_53 = arith.select %and3A_50, %sub3A_52, %div3A_31 : i32
    %mul3A_54 = arith.constant 3 : i32
    %mul3A_55 = arith.muli %select_n3A_53, %mul3A_54 : i32
    %max3A = arith.constant 3 : i32
    %max3A_56 = arith.maxsi %mul3A_55, %max3A : i32
    %min3A = arith.constant 84 : i32
    %min3A_57 = arith.minsi %max3A_56, %min3A : i32
    %dma_start3A = arith.constant 0 : i32
    %dma_start3A_58 = arith.constant 0 : i32
    %dma_start3A_59 = tpu.memref_slice %arg8[%dma_start3A, %dma_start3A_58] : memref<84x128xi32, #tpu.memory_space<vmem>> -> memref<1x128xi32, #tpu.memory_space<vmem>>
    %dma_start3A_60 = tpu.memref_squeeze %dma_start3A_59 : memref<1x128xi32, #tpu.memory_space<vmem>> -> memref<128xi32, #tpu.memory_space<vmem>>
    %dma_start3A_61 = arith.constant 0 : i32
    %dma_start3A_62 = arith.constant 0 : i32
    %dma_start3A_63 = tpu.memref_slice %arg2[%dma_start3A_61, %dma_start3A_62] : memref<10240x128xf32, #tpu.memory_space<hbm>> -> memref<10240x128xf32, #tpu.memory_space<hbm>>
    tpu.enqueue_indirect_dma source(%dma_start3A_63 : memref<10240x128xf32, #tpu.memory_space<hbm>>) target(%arg11 : memref<128x128xf32, #tpu.memory_space<vmem>>) offsets(%dma_start3A_60 : memref<128xi32, #tpu.memory_space<vmem>>) semaphore(%arg15 : memref<!tpu.dma_semaphore, #tpu.memory_space<semaphore_mem>>)
    %dma_start3A_64 = arith.constant 1 : i32
    %dma_start3A_65 = arith.constant 0 : i32
    %dma_start3A_66 = tpu.memref_slice %arg8[%dma_start3A_64, %dma_start3A_65] : memref<84x128xi32, #tpu.memory_space<vmem>> -> memref<1x128xi32, #tpu.memory_space<vmem>>
    %dma_start3A_67 = tpu.memref_squeeze %dma_start3A_66 : memref<1x128xi32, #tpu.memory_space<vmem>> -> memref<128xi32, #tpu.memory_space<vmem>>
    %dma_start3A_68 = arith.constant 0 : i32
    %dma_start3A_69 = arith.constant 0 : i32
    %dma_start3A_70 = tpu.memref_slice %arg2[%dma_start3A_68, %dma_start3A_69] : memref<10240x128xf32, #tpu.memory_space<hbm>> -> memref<10240x128xf32, #tpu.memory_space<hbm>>
    tpu.enqueue_indirect_dma source(%dma_start3A_70 : memref<10240x128xf32, #tpu.memory_space<hbm>>) target(%arg12 : memref<128x128xf32, #tpu.memory_space<vmem>>) offsets(%dma_start3A_67 : memref<128xi32, #tpu.memory_space<vmem>>) semaphore(%arg16 : memref<!tpu.dma_semaphore, #tpu.memory_space<semaphore_mem>>)
    %dma_start3A_71 = arith.constant 2 : i32
    %dma_start3A_72 = arith.constant 0 : i32
    %dma_start3A_73 = tpu.memref_slice %arg8[%dma_start3A_71, %dma_start3A_72] : memref<84x128xi32, #tpu.memory_space<vmem>> -> memref<1x128xi32, #tpu.memory_space<vmem>>
    %dma_start3A_74 = tpu.memref_squeeze %dma_start3A_73 : memref<1x128xi32, #tpu.memory_space<vmem>> -> memref<128xi32, #tpu.memory_space<vmem>>
    %dma_start3A_75 = arith.constant 0 : i32
    %dma_start3A_76 = arith.constant 0 : i32
    %dma_start3A_77 = tpu.memref_slice %arg2[%dma_start3A_75, %dma_start3A_76] : memref<10240x128xf32, #tpu.memory_space<hbm>> -> memref<10240x128xf32, #tpu.memory_space<hbm>>
    tpu.enqueue_indirect_dma source(%dma_start3A_77 : memref<10240x128xf32, #tpu.memory_space<hbm>>) target(%arg13 : memref<128x128xf32, #tpu.memory_space<vmem>>) offsets(%dma_start3A_74 : memref<128xi32, #tpu.memory_space<vmem>>) semaphore(%arg17 : memref<!tpu.dma_semaphore, #tpu.memory_space<semaphore_mem>>)
    %jit3A_78 = arith.constant 3 : i32
    %div3A_79 = arith.divsi %min3A_57, %jit3A_78 : i32
    %sign3A_80 = arith.constant 0 : i32
    %sign3A_81 = arith.cmpi sgt, %min3A_57, %sign3A_80 : i32
    %sign3A_82 = arith.extui %sign3A_81 : i1 to i32
    %sign3A_83 = arith.constant 0 : i32
    %sign3A_84 = arith.cmpi slt, %min3A_57, %sign3A_83 : i32
    %sign3A_85 = arith.extui %sign3A_84 : i1 to i32
    %sign3A_86 = arith.subi %sign3A_82, %sign3A_85 : i32
    %sign3A_87 = arith.constant 0 : i32
    %sign3A_88 = arith.cmpi sgt, %jit3A_78, %sign3A_87 : i32
    %sign3A_89 = arith.extui %sign3A_88 : i1 to i32
    %sign3A_90 = arith.constant 0 : i32
    %sign3A_91 = arith.cmpi slt, %jit3A_78, %sign3A_90 : i32
    %sign3A_92 = arith.extui %sign3A_91 : i1 to i32
    %sign3A_93 = arith.subi %sign3A_89, %sign3A_92 : i32
    %ne3A_94 = arith.cmpi ne, %sign3A_86, %sign3A_93 : i32
    %rem3A_95 = arith.remsi %min3A_57, %jit3A_78 : i32
    %ne3A_96 = arith.constant 0 : i32
    %ne3A_97 = arith.cmpi ne, %rem3A_95, %ne3A_96 : i32
    %and3A_98 = arith.andi %ne3A_94, %ne3A_97 : i1
    %sub3A_99 = arith.constant 1 : i32
    %sub3A_100 = arith.subi %div3A_79, %sub3A_99 : i32
    %select_n3A_101 = arith.select %and3A_98, %sub3A_100, %div3A_79 : i32
    %while3A = arith.constant 0 : i32
    %while3A_102 = arith.constant 0 : i32
    %while3A_103 = arith.subi %select_n3A_101, %while3A : i32
    %while3A_104 = arith.addi %while3A, %while3A_103 : i32
    %while3A_105 = arith.constant 1 : i32
    %while3A_106 = arith.divsi %while3A_103, %while3A_105 : i32
    %while3A_107 = arith.muli %while3A_106, %while3A_105 : i32
    %while3A_108 = arith.addi %while3A, %while3A_107 : i32
    %while3A_109 = arith.constant 1 : i32
    %while3A_110 = scf.for %while3A_284 = %while3A to %while3A_108 step %while3A_109 iter_args(%while3A_285 = %while3A_102) -> (i32)  : i32 {
      %mul3A_286 = arith.constant 3 : i32
      %mul3A_287 = arith.muli %mul3A_286, %while3A_284 : i32
      %add3A_288 = arith.constant 0 : i32
      %add3A_289 = arith.addi %mul3A_287, %add3A_288 : i32
      %dma_wait3A_290 = arith.constant 0 : i32
      %dma_wait3A_291 = tpu.memref_slice %arg8[%add3A_289, %dma_wait3A_290] : memref<84x128xi32, #tpu.memory_space<vmem>> -> memref<1x128xi32, #tpu.memory_space<vmem>>
      %dma_wait3A_292 = tpu.memref_squeeze %dma_wait3A_291 : memref<1x128xi32, #tpu.memory_space<vmem>> -> memref<128xi32, #tpu.memory_space<vmem>>
      %dma_wait3A_293 = arith.constant 0 : i32
      %dma_wait3A_294 = arith.constant 0 : i32
      %dma_wait3A_295 = tpu.memref_slice %arg2[%dma_wait3A_293, %dma_wait3A_294] : memref<10240x128xf32, #tpu.memory_space<hbm>> -> memref<10240x128xf32, #tpu.memory_space<hbm>>
      tpu.wait_indirect_dma semaphore(%arg15 : memref<!tpu.dma_semaphore, #tpu.memory_space<semaphore_mem>>) src(%dma_wait3A_295 : memref<10240x128xf32, #tpu.memory_space<hbm>>) dst(%arg11 : memref<128x128xf32, #tpu.memory_space<vmem>>)
      %dma_start3A_296 = arith.constant 0 : i32
      %dma_start3A_297 = tpu.memref_slice %arg9[%add3A_289, %dma_start3A_296] : memref<84x128xi32, #tpu.memory_space<vmem>> -> memref<1x128xi32, #tpu.memory_space<vmem>>
      %dma_start3A_298 = tpu.memref_squeeze %dma_start3A_297 : memref<1x128xi32, #tpu.memory_space<vmem>> -> memref<128xi32, #tpu.memory_space<vmem>>
      %dma_start3A_299 = arith.constant 0 : i32
      %dma_start3A_300 = arith.constant 0 : i32
      %dma_start3A_301 = tpu.memref_slice %arg14[%dma_start3A_299, %dma_start3A_300] : memref<5128x128xf32, #tpu.memory_space<vmem_shared>> -> memref<5128x128xf32, #tpu.memory_space<vmem_shared>>
      tpu.enqueue_indirect_dma source(%arg11 : memref<128x128xf32, #tpu.memory_space<vmem>>) target(%dma_start3A_301 : memref<5128x128xf32, #tpu.memory_space<vmem_shared>>) offsets(%dma_start3A_298 : memref<128xi32, #tpu.memory_space<vmem>>) semaphore(%arg18 : memref<!tpu.dma_semaphore, #tpu.memory_space<semaphore_mem>>) {add = true}
      %add3A_302 = arith.constant 3 : i32
      %add3A_303 = arith.addi %add3A_289, %add3A_302 : i32
      %lt3A = arith.cmpi slt, %add3A_303, %min3A_57 : i32
      %convert_element_type3A = arith.extui %lt3A : i1 to i32
      %cond3A = arith.constant 0 : i32
      %cond3A_304 = arith.cmpi ne, %convert_element_type3A, %cond3A : i32
      scf.if %cond3A_304 {
        %dma_wait3A_346 = arith.constant 0 : i32
        %dma_wait3A_347 = tpu.memref_slice %arg9[%add3A_289, %dma_wait3A_346] : memref<84x128xi32, #tpu.memory_space<vmem>> -> memref<1x128xi32, #tpu.memory_space<vmem>>
        %dma_wait3A_348 = tpu.memref_squeeze %dma_wait3A_347 : memref<1x128xi32, #tpu.memory_space<vmem>> -> memref<128xi32, #tpu.memory_space<vmem>>
        %dma_wait3A_349 = arith.constant 0 : i32
        %dma_wait3A_350 = arith.constant 0 : i32
        %dma_wait3A_351 = tpu.memref_slice %arg14[%dma_wait3A_349, %dma_wait3A_350] : memref<5128x128xf32, #tpu.memory_space<vmem_shared>> -> memref<5128x128xf32, #tpu.memory_space<vmem_shared>>
        tpu.wait_indirect_dma semaphore(%arg18 : memref<!tpu.dma_semaphore, #tpu.memory_space<semaphore_mem>>) src(%arg11 : memref<128x128xf32, #tpu.memory_space<vmem>>) dst(%dma_wait3A_351 : memref<5128x128xf32, #tpu.memory_space<vmem_shared>>)
        %add3A_352 = arith.constant 3 : i32
        %add3A_353 = arith.addi %add3A_289, %add3A_352 : i32
        %dma_start3A_354 = arith.constant 0 : i32
        %dma_start3A_355 = tpu.memref_slice %arg8[%add3A_353, %dma_start3A_354] : memref<84x128xi32, #tpu.memory_space<vmem>> -> memref<1x128xi32, #tpu.memory_space<vmem>>
        %dma_start3A_356 = tpu.memref_squeeze %dma_start3A_355 : memref<1x128xi32, #tpu.memory_space<vmem>> -> memref<128xi32, #tpu.memory_space<vmem>>
        %dma_start3A_357 = arith.constant 0 : i32
        %dma_start3A_358 = arith.constant 0 : i32
        %dma_start3A_359 = tpu.memref_slice %arg2[%dma_start3A_357, %dma_start3A_358] : memref<10240x128xf32, #tpu.memory_space<hbm>> -> memref<10240x128xf32, #tpu.memory_space<hbm>>
        tpu.enqueue_indirect_dma source(%dma_start3A_359 : memref<10240x128xf32, #tpu.memory_space<hbm>>) target(%arg11 : memref<128x128xf32, #tpu.memory_space<vmem>>) offsets(%dma_start3A_356 : memref<128xi32, #tpu.memory_space<vmem>>) semaphore(%arg15 : memref<!tpu.dma_semaphore, #tpu.memory_space<semaphore_mem>>)
      } else {
      }
      %add3A_305 = arith.constant 1 : i32
      %add3A_306 = arith.addi %mul3A_287, %add3A_305 : i32
      %dma_wait3A_307 = arith.constant 0 : i32
      %dma_wait3A_308 = tpu.memref_slice %arg8[%add3A_306, %dma_wait3A_307] : memref<84x128xi32, #tpu.memory_space<vmem>> -> memref<1x128xi32, #tpu.memory_space<vmem>>
      %dma_wait3A_309 = tpu.memref_squeeze %dma_wait3A_308 : memref<1x128xi32, #tpu.memory_space<vmem>> -> memref<128xi32, #tpu.memory_space<vmem>>
      %dma_wait3A_310 = arith.constant 0 : i32
      %dma_wait3A_311 = arith.constant 0 : i32
      %dma_wait3A_312 = tpu.memref_slice %arg2[%dma_wait3A_310, %dma_wait3A_311] : memref<10240x128xf32, #tpu.memory_space<hbm>> -> memref<10240x128xf32, #tpu.memory_space<hbm>>
      tpu.wait_indirect_dma semaphore(%arg16 : memref<!tpu.dma_semaphore, #tpu.memory_space<semaphore_mem>>) src(%dma_wait3A_312 : memref<10240x128xf32, #tpu.memory_space<hbm>>) dst(%arg12 : memref<128x128xf32, #tpu.memory_space<vmem>>)
      %dma_start3A_313 = arith.constant 0 : i32
      %dma_start3A_314 = tpu.memref_slice %arg9[%add3A_306, %dma_start3A_313] : memref<84x128xi32, #tpu.memory_space<vmem>> -> memref<1x128xi32, #tpu.memory_space<vmem>>
      %dma_start3A_315 = tpu.memref_squeeze %dma_start3A_314 : memref<1x128xi32, #tpu.memory_space<vmem>> -> memref<128xi32, #tpu.memory_space<vmem>>
      %dma_start3A_316 = arith.constant 0 : i32
      %dma_start3A_317 = arith.constant 0 : i32
      %dma_start3A_318 = tpu.memref_slice %arg14[%dma_start3A_316, %dma_start3A_317] : memref<5128x128xf32, #tpu.memory_space<vmem_shared>> -> memref<5128x128xf32, #tpu.memory_space<vmem_shared>>
      tpu.enqueue_indirect_dma source(%arg12 : memref<128x128xf32, #tpu.memory_space<vmem>>) target(%dma_start3A_318 : memref<5128x128xf32, #tpu.memory_space<vmem_shared>>) offsets(%dma_start3A_315 : memref<128xi32, #tpu.memory_space<vmem>>) semaphore(%arg19 : memref<!tpu.dma_semaphore, #tpu.memory_space<semaphore_mem>>) {add = true}
      %add3A_319 = arith.constant 3 : i32
      %add3A_320 = arith.addi %add3A_306, %add3A_319 : i32
      %lt3A_321 = arith.cmpi slt, %add3A_320, %min3A_57 : i32
      %convert_element_type3A_322 = arith.extui %lt3A_321 : i1 to i32
      %cond3A_323 = arith.constant 0 : i32
      %cond3A_324 = arith.cmpi ne, %convert_element_type3A_322, %cond3A_323 : i32
      scf.if %cond3A_324 {
        %dma_wait3A_346 = arith.constant 0 : i32
        %dma_wait3A_347 = tpu.memref_slice %arg9[%add3A_306, %dma_wait3A_346] : memref<84x128xi32, #tpu.memory_space<vmem>> -> memref<1x128xi32, #tpu.memory_space<vmem>>
        %dma_wait3A_348 = tpu.memref_squeeze %dma_wait3A_347 : memref<1x128xi32, #tpu.memory_space<vmem>> -> memref<128xi32, #tpu.memory_space<vmem>>
        %dma_wait3A_349 = arith.constant 0 : i32
        %dma_wait3A_350 = arith.constant 0 : i32
        %dma_wait3A_351 = tpu.memref_slice %arg14[%dma_wait3A_349, %dma_wait3A_350] : memref<5128x128xf32, #tpu.memory_space<vmem_shared>> -> memref<5128x128xf32, #tpu.memory_space<vmem_shared>>
        tpu.wait_indirect_dma semaphore(%arg19 : memref<!tpu.dma_semaphore, #tpu.memory_space<semaphore_mem>>) src(%arg12 : memref<128x128xf32, #tpu.memory_space<vmem>>) dst(%dma_wait3A_351 : memref<5128x128xf32, #tpu.memory_space<vmem_shared>>)
        %add3A_352 = arith.constant 3 : i32
        %add3A_353 = arith.addi %add3A_306, %add3A_352 : i32
        %dma_start3A_354 = arith.constant 0 : i32
        %dma_start3A_355 = tpu.memref_slice %arg8[%add3A_353, %dma_start3A_354] : memref<84x128xi32, #tpu.memory_space<vmem>> -> memref<1x128xi32, #tpu.memory_space<vmem>>
        %dma_start3A_356 = tpu.memref_squeeze %dma_start3A_355 : memref<1x128xi32, #tpu.memory_space<vmem>> -> memref<128xi32, #tpu.memory_space<vmem>>
        %dma_start3A_357 = arith.constant 0 : i32
        %dma_start3A_358 = arith.constant 0 : i32
        %dma_start3A_359 = tpu.memref_slice %arg2[%dma_start3A_357, %dma_start3A_358] : memref<10240x128xf32, #tpu.memory_space<hbm>> -> memref<10240x128xf32, #tpu.memory_space<hbm>>
        tpu.enqueue_indirect_dma source(%dma_start3A_359 : memref<10240x128xf32, #tpu.memory_space<hbm>>) target(%arg12 : memref<128x128xf32, #tpu.memory_space<vmem>>) offsets(%dma_start3A_356 : memref<128xi32, #tpu.memory_space<vmem>>) semaphore(%arg16 : memref<!tpu.dma_semaphore, #tpu.memory_space<semaphore_mem>>)
      } else {
      }
      %add3A_325 = arith.constant 2 : i32
      %add3A_326 = arith.addi %mul3A_287, %add3A_325 : i32
      %dma_wait3A_327 = arith.constant 0 : i32
      %dma_wait3A_328 = tpu.memref_slice %arg8[%add3A_326, %dma_wait3A_327] : memref<84x128xi32, #tpu.memory_space<vmem>> -> memref<1x128xi32, #tpu.memory_space<vmem>>
      %dma_wait3A_329 = tpu.memref_squeeze %dma_wait3A_328 : memref<1x128xi32, #tpu.memory_space<vmem>> -> memref<128xi32, #tpu.memory_space<vmem>>
      %dma_wait3A_330 = arith.constant 0 : i32
      %dma_wait3A_331 = arith.constant 0 : i32
      %dma_wait3A_332 = tpu.memref_slice %arg2[%dma_wait3A_330, %dma_wait3A_331] : memref<10240x128xf32, #tpu.memory_space<hbm>> -> memref<10240x128xf32, #tpu.memory_space<hbm>>
      tpu.wait_indirect_dma semaphore(%arg17 : memref<!tpu.dma_semaphore, #tpu.memory_space<semaphore_mem>>) src(%dma_wait3A_332 : memref<10240x128xf32, #tpu.memory_space<hbm>>) dst(%arg13 : memref<128x128xf32, #tpu.memory_space<vmem>>)
      %dma_start3A_333 = arith.constant 0 : i32
      %dma_start3A_334 = tpu.memref_slice %arg9[%add3A_326, %dma_start3A_333] : memref<84x128xi32, #tpu.memory_space<vmem>> -> memref<1x128xi32, #tpu.memory_space<vmem>>
      %dma_start3A_335 = tpu.memref_squeeze %dma_start3A_334 : memref<1x128xi32, #tpu.memory_space<vmem>> -> memref<128xi32, #tpu.memory_space<vmem>>
      %dma_start3A_336 = arith.constant 0 : i32
      %dma_start3A_337 = arith.constant 0 : i32
      %dma_start3A_338 = tpu.memref_slice %arg14[%dma_start3A_336, %dma_start3A_337] : memref<5128x128xf32, #tpu.memory_space<vmem_shared>> -> memref<5128x128xf32, #tpu.memory_space<vmem_shared>>
      tpu.enqueue_indirect_dma source(%arg13 : memref<128x128xf32, #tpu.memory_space<vmem>>) target(%dma_start3A_338 : memref<5128x128xf32, #tpu.memory_space<vmem_shared>>) offsets(%dma_start3A_335 : memref<128xi32, #tpu.memory_space<vmem>>) semaphore(%arg20 : memref<!tpu.dma_semaphore, #tpu.memory_space<semaphore_mem>>) {add = true}
      %add3A_339 = arith.constant 3 : i32
      %add3A_340 = arith.addi %add3A_326, %add3A_339 : i32
      %lt3A_341 = arith.cmpi slt, %add3A_340, %min3A_57 : i32
      %convert_element_type3A_342 = arith.extui %lt3A_341 : i1 to i32
      %cond3A_343 = arith.constant 0 : i32
      %cond3A_344 = arith.cmpi ne, %convert_element_type3A_342, %cond3A_343 : i32
      scf.if %cond3A_344 {
        %dma_wait3A_346 = arith.constant 0 : i32
        %dma_wait3A_347 = tpu.memref_slice %arg9[%add3A_326, %dma_wait3A_346] : memref<84x128xi32, #tpu.memory_space<vmem>> -> memref<1x128xi32, #tpu.memory_space<vmem>>
        %dma_wait3A_348 = tpu.memref_squeeze %dma_wait3A_347 : memref<1x128xi32, #tpu.memory_space<vmem>> -> memref<128xi32, #tpu.memory_space<vmem>>
        %dma_wait3A_349 = arith.constant 0 : i32
        %dma_wait3A_350 = arith.constant 0 : i32
        %dma_wait3A_351 = tpu.memref_slice %arg14[%dma_wait3A_349, %dma_wait3A_350] : memref<5128x128xf32, #tpu.memory_space<vmem_shared>> -> memref<5128x128xf32, #tpu.memory_space<vmem_shared>>
        tpu.wait_indirect_dma semaphore(%arg20 : memref<!tpu.dma_semaphore, #tpu.memory_space<semaphore_mem>>) src(%arg13 : memref<128x128xf32, #tpu.memory_space<vmem>>) dst(%dma_wait3A_351 : memref<5128x128xf32, #tpu.memory_space<vmem_shared>>)
        %add3A_352 = arith.constant 3 : i32
        %add3A_353 = arith.addi %add3A_326, %add3A_352 : i32
        %dma_start3A_354 = arith.constant 0 : i32
        %dma_start3A_355 = tpu.memref_slice %arg8[%add3A_353, %dma_start3A_354] : memref<84x128xi32, #tpu.memory_space<vmem>> -> memref<1x128xi32, #tpu.memory_space<vmem>>
        %dma_start3A_356 = tpu.memref_squeeze %dma_start3A_355 : memref<1x128xi32, #tpu.memory_space<vmem>> -> memref<128xi32, #tpu.memory_space<vmem>>
        %dma_start3A_357 = arith.constant 0 : i32
        %dma_start3A_358 = arith.constant 0 : i32
        %dma_start3A_359 = tpu.memref_slice %arg2[%dma_start3A_357, %dma_start3A_358] : memref<10240x128xf32, #tpu.memory_space<hbm>> -> memref<10240x128xf32, #tpu.memory_space<hbm>>
        tpu.enqueue_indirect_dma source(%dma_start3A_359 : memref<10240x128xf32, #tpu.memory_space<hbm>>) target(%arg13 : memref<128x128xf32, #tpu.memory_space<vmem>>) offsets(%dma_start3A_356 : memref<128xi32, #tpu.memory_space<vmem>>) semaphore(%arg17 : memref<!tpu.dma_semaphore, #tpu.memory_space<semaphore_mem>>)
      } else {
      }
      %while3A_345 = arith.constant 0 : i32
      scf.yield %while3A_345 : i32
    }
    %while3A_111 = arith.constant 1 : i32
    %while3A_112 = scf.for %while3A_284 = %while3A_108 to %while3A_104 step %while3A_111 iter_args(%while3A_285 = %while3A_110) -> (i32)  : i32 {
      %mul3A_286 = arith.constant 3 : i32
      %mul3A_287 = arith.muli %mul3A_286, %while3A_284 : i32
      %add3A_288 = arith.constant 0 : i32
      %add3A_289 = arith.addi %mul3A_287, %add3A_288 : i32
      %dma_wait3A_290 = arith.constant 0 : i32
      %dma_wait3A_291 = tpu.memref_slice %arg8[%add3A_289, %dma_wait3A_290] : memref<84x128xi32, #tpu.memory_space<vmem>> -> memref<1x128xi32, #tpu.memory_space<vmem>>
      %dma_wait3A_292 = tpu.memref_squeeze %dma_wait3A_291 : memref<1x128xi32, #tpu.memory_space<vmem>> -> memref<128xi32, #tpu.memory_space<vmem>>
      %dma_wait3A_293 = arith.constant 0 : i32
      %dma_wait3A_294 = arith.constant 0 : i32
      %dma_wait3A_295 = tpu.memref_slice %arg2[%dma_wait3A_293, %dma_wait3A_294] : memref<10240x128xf32, #tpu.memory_space<hbm>> -> memref<10240x128xf32, #tpu.memory_space<hbm>>
      tpu.wait_indirect_dma semaphore(%arg15 : memref<!tpu.dma_semaphore, #tpu.memory_space<semaphore_mem>>) src(%dma_wait3A_295 : memref<10240x128xf32, #tpu.memory_space<hbm>>) dst(%arg11 : memref<128x128xf32, #tpu.memory_space<vmem>>)
      %dma_start3A_296 = arith.constant 0 : i32
      %dma_start3A_297 = tpu.memref_slice %arg9[%add3A_289, %dma_start3A_296] : memref<84x128xi32, #tpu.memory_space<vmem>> -> memref<1x128xi32, #tpu.memory_space<vmem>>
      %dma_start3A_298 = tpu.memref_squeeze %dma_start3A_297 : memref<1x128xi32, #tpu.memory_space<vmem>> -> memref<128xi32, #tpu.memory_space<vmem>>
      %dma_start3A_299 = arith.constant 0 : i32
      %dma_start3A_300 = arith.constant 0 : i32
      %dma_start3A_301 = tpu.memref_slice %arg14[%dma_start3A_299, %dma_start3A_300] : memref<5128x128xf32, #tpu.memory_space<vmem_shared>> -> memref<5128x128xf32, #tpu.memory_space<vmem_shared>>
      tpu.enqueue_indirect_dma source(%arg11 : memref<128x128xf32, #tpu.memory_space<vmem>>) target(%dma_start3A_301 : memref<5128x128xf32, #tpu.memory_space<vmem_shared>>) offsets(%dma_start3A_298 : memref<128xi32, #tpu.memory_space<vmem>>) semaphore(%arg18 : memref<!tpu.dma_semaphore, #tpu.memory_space<semaphore_mem>>) {add = true}
      %add3A_302 = arith.constant 3 : i32
      %add3A_303 = arith.addi %add3A_289, %add3A_302 : i32
      %lt3A = arith.cmpi slt, %add3A_303, %min3A_57 : i32
      %convert_element_type3A = arith.extui %lt3A : i1 to i32
      %cond3A = arith.constant 0 : i32
      %cond3A_304 = arith.cmpi ne, %convert_element_type3A, %cond3A : i32
      scf.if %cond3A_304 {
        %dma_wait3A_346 = arith.constant 0 : i32
        %dma_wait3A_347 = tpu.memref_slice %arg9[%add3A_289, %dma_wait3A_346] : memref<84x128xi32, #tpu.memory_space<vmem>> -> memref<1x128xi32, #tpu.memory_space<vmem>>
        %dma_wait3A_348 = tpu.memref_squeeze %dma_wait3A_347 : memref<1x128xi32, #tpu.memory_space<vmem>> -> memref<128xi32, #tpu.memory_space<vmem>>
        %dma_wait3A_349 = arith.constant 0 : i32
        %dma_wait3A_350 = arith.constant 0 : i32
        %dma_wait3A_351 = tpu.memref_slice %arg14[%dma_wait3A_349, %dma_wait3A_350] : memref<5128x128xf32, #tpu.memory_space<vmem_shared>> -> memref<5128x128xf32, #tpu.memory_space<vmem_shared>>
        tpu.wait_indirect_dma semaphore(%arg18 : memref<!tpu.dma_semaphore, #tpu.memory_space<semaphore_mem>>) src(%arg11 : memref<128x128xf32, #tpu.memory_space<vmem>>) dst(%dma_wait3A_351 : memref<5128x128xf32, #tpu.memory_space<vmem_shared>>)
        %add3A_352 = arith.constant 3 : i32
        %add3A_353 = arith.addi %add3A_289, %add3A_352 : i32
        %dma_start3A_354 = arith.constant 0 : i32
        %dma_start3A_355 = tpu.memref_slice %arg8[%add3A_353, %dma_start3A_354] : memref<84x128xi32, #tpu.memory_space<vmem>> -> memref<1x128xi32, #tpu.memory_space<vmem>>
        %dma_start3A_356 = tpu.memref_squeeze %dma_start3A_355 : memref<1x128xi32, #tpu.memory_space<vmem>> -> memref<128xi32, #tpu.memory_space<vmem>>
        %dma_start3A_357 = arith.constant 0 : i32
        %dma_start3A_358 = arith.constant 0 : i32
        %dma_start3A_359 = tpu.memref_slice %arg2[%dma_start3A_357, %dma_start3A_358] : memref<10240x128xf32, #tpu.memory_space<hbm>> -> memref<10240x128xf32, #tpu.memory_space<hbm>>
        tpu.enqueue_indirect_dma source(%dma_start3A_359 : memref<10240x128xf32, #tpu.memory_space<hbm>>) target(%arg11 : memref<128x128xf32, #tpu.memory_space<vmem>>) offsets(%dma_start3A_356 : memref<128xi32, #tpu.memory_space<vmem>>) semaphore(%arg15 : memref<!tpu.dma_semaphore, #tpu.memory_space<semaphore_mem>>)
      } else {
      }
      %add3A_305 = arith.constant 1 : i32
      %add3A_306 = arith.addi %mul3A_287, %add3A_305 : i32
      %dma_wait3A_307 = arith.constant 0 : i32
      %dma_wait3A_308 = tpu.memref_slice %arg8[%add3A_306, %dma_wait3A_307] : memref<84x128xi32, #tpu.memory_space<vmem>> -> memref<1x128xi32, #tpu.memory_space<vmem>>
      %dma_wait3A_309 = tpu.memref_squeeze %dma_wait3A_308 : memref<1x128xi32, #tpu.memory_space<vmem>> -> memref<128xi32, #tpu.memory_space<vmem>>
      %dma_wait3A_310 = arith.constant 0 : i32
      %dma_wait3A_311 = arith.constant 0 : i32
      %dma_wait3A_312 = tpu.memref_slice %arg2[%dma_wait3A_310, %dma_wait3A_311] : memref<10240x128xf32, #tpu.memory_space<hbm>> -> memref<10240x128xf32, #tpu.memory_space<hbm>>
      tpu.wait_indirect_dma semaphore(%arg16 : memref<!tpu.dma_semaphore, #tpu.memory_space<semaphore_mem>>) src(%dma_wait3A_312 : memref<10240x128xf32, #tpu.memory_space<hbm>>) dst(%arg12 : memref<128x128xf32, #tpu.memory_space<vmem>>)
      %dma_start3A_313 = arith.constant 0 : i32
      %dma_start3A_314 = tpu.memref_slice %arg9[%add3A_306, %dma_start3A_313] : memref<84x128xi32, #tpu.memory_space<vmem>> -> memref<1x128xi32, #tpu.memory_space<vmem>>
      %dma_start3A_315 = tpu.memref_squeeze %dma_start3A_314 : memref<1x128xi32, #tpu.memory_space<vmem>> -> memref<128xi32, #tpu.memory_space<vmem>>
      %dma_start3A_316 = arith.constant 0 : i32
      %dma_start3A_317 = arith.constant 0 : i32
      %dma_start3A_318 = tpu.memref_slice %arg14[%dma_start3A_316, %dma_start3A_317] : memref<5128x128xf32, #tpu.memory_space<vmem_shared>> -> memref<5128x128xf32, #tpu.memory_space<vmem_shared>>
      tpu.enqueue_indirect_dma source(%arg12 : memref<128x128xf32, #tpu.memory_space<vmem>>) target(%dma_start3A_318 : memref<5128x128xf32, #tpu.memory_space<vmem_shared>>) offsets(%dma_start3A_315 : memref<128xi32, #tpu.memory_space<vmem>>) semaphore(%arg19 : memref<!tpu.dma_semaphore, #tpu.memory_space<semaphore_mem>>) {add = true}
      %add3A_319 = arith.constant 3 : i32
      %add3A_320 = arith.addi %add3A_306, %add3A_319 : i32
      %lt3A_321 = arith.cmpi slt, %add3A_320, %min3A_57 : i32
      %convert_element_type3A_322 = arith.extui %lt3A_321 : i1 to i32
      %cond3A_323 = arith.constant 0 : i32
      %cond3A_324 = arith.cmpi ne, %convert_element_type3A_322, %cond3A_323 : i32
      scf.if %cond3A_324 {
        %dma_wait3A_346 = arith.constant 0 : i32
        %dma_wait3A_347 = tpu.memref_slice %arg9[%add3A_306, %dma_wait3A_346] : memref<84x128xi32, #tpu.memory_space<vmem>> -> memref<1x128xi32, #tpu.memory_space<vmem>>
        %dma_wait3A_348 = tpu.memref_squeeze %dma_wait3A_347 : memref<1x128xi32, #tpu.memory_space<vmem>> -> memref<128xi32, #tpu.memory_space<vmem>>
        %dma_wait3A_349 = arith.constant 0 : i32
        %dma_wait3A_350 = arith.constant 0 : i32
        %dma_wait3A_351 = tpu.memref_slice %arg14[%dma_wait3A_349, %dma_wait3A_350] : memref<5128x128xf32, #tpu.memory_space<vmem_shared>> -> memref<5128x128xf32, #tpu.memory_space<vmem_shared>>
        tpu.wait_indirect_dma semaphore(%arg19 : memref<!tpu.dma_semaphore, #tpu.memory_space<semaphore_mem>>) src(%arg12 : memref<128x128xf32, #tpu.memory_space<vmem>>) dst(%dma_wait3A_351 : memref<5128x128xf32, #tpu.memory_space<vmem_shared>>)
        %add3A_352 = arith.constant 3 : i32
        %add3A_353 = arith.addi %add3A_306, %add3A_352 : i32
        %dma_start3A_354 = arith.constant 0 : i32
        %dma_start3A_355 = tpu.memref_slice %arg8[%add3A_353, %dma_start3A_354] : memref<84x128xi32, #tpu.memory_space<vmem>> -> memref<1x128xi32, #tpu.memory_space<vmem>>
        %dma_start3A_356 = tpu.memref_squeeze %dma_start3A_355 : memref<1x128xi32, #tpu.memory_space<vmem>> -> memref<128xi32, #tpu.memory_space<vmem>>
        %dma_start3A_357 = arith.constant 0 : i32
        %dma_start3A_358 = arith.constant 0 : i32
        %dma_start3A_359 = tpu.memref_slice %arg2[%dma_start3A_357, %dma_start3A_358] : memref<10240x128xf32, #tpu.memory_space<hbm>> -> memref<10240x128xf32, #tpu.memory_space<hbm>>
        tpu.enqueue_indirect_dma source(%dma_start3A_359 : memref<10240x128xf32, #tpu.memory_space<hbm>>) target(%arg12 : memref<128x128xf32, #tpu.memory_space<vmem>>) offsets(%dma_start3A_356 : memref<128xi32, #tpu.memory_space<vmem>>) semaphore(%arg16 : memref<!tpu.dma_semaphore, #tpu.memory_space<semaphore_mem>>)
      } else {
      }
      %add3A_325 = arith.constant 2 : i32
      %add3A_326 = arith.addi %mul3A_287, %add3A_325 : i32
      %dma_wait3A_327 = arith.constant 0 : i32
      %dma_wait3A_328 = tpu.memref_slice %arg8[%add3A_326, %dma_wait3A_327] : memref<84x128xi32, #tpu.memory_space<vmem>> -> memref<1x128xi32, #tpu.memory_space<vmem>>
      %dma_wait3A_329 = tpu.memref_squeeze %dma_wait3A_328 : memref<1x128xi32, #tpu.memory_space<vmem>> -> memref<128xi32, #tpu.memory_space<vmem>>
      %dma_wait3A_330 = arith.constant 0 : i32
      %dma_wait3A_331 = arith.constant 0 : i32
      %dma_wait3A_332 = tpu.memref_slice %arg2[%dma_wait3A_330, %dma_wait3A_331] : memref<10240x128xf32, #tpu.memory_space<hbm>> -> memref<10240x128xf32, #tpu.memory_space<hbm>>
      tpu.wait_indirect_dma semaphore(%arg17 : memref<!tpu.dma_semaphore, #tpu.memory_space<semaphore_mem>>) src(%dma_wait3A_332 : memref<10240x128xf32, #tpu.memory_space<hbm>>) dst(%arg13 : memref<128x128xf32, #tpu.memory_space<vmem>>)
      %dma_start3A_333 = arith.constant 0 : i32
      %dma_start3A_334 = tpu.memref_slice %arg9[%add3A_326, %dma_start3A_333] : memref<84x128xi32, #tpu.memory_space<vmem>> -> memref<1x128xi32, #tpu.memory_space<vmem>>
      %dma_start3A_335 = tpu.memref_squeeze %dma_start3A_334 : memref<1x128xi32, #tpu.memory_space<vmem>> -> memref<128xi32, #tpu.memory_space<vmem>>
      %dma_start3A_336 = arith.constant 0 : i32
      %dma_start3A_337 = arith.constant 0 : i32
      %dma_start3A_338 = tpu.memref_slice %arg14[%dma_start3A_336, %dma_start3A_337] : memref<5128x128xf32, #tpu.memory_space<vmem_shared>> -> memref<5128x128xf32, #tpu.memory_space<vmem_shared>>
      tpu.enqueue_indirect_dma source(%arg13 : memref<128x128xf32, #tpu.memory_space<vmem>>) target(%dma_start3A_338 : memref<5128x128xf32, #tpu.memory_space<vmem_shared>>) offsets(%dma_start3A_335 : memref<128xi32, #tpu.memory_space<vmem>>) semaphore(%arg20 : memref<!tpu.dma_semaphore, #tpu.memory_space<semaphore_mem>>) {add = true}
      %add3A_339 = arith.constant 3 : i32
      %add3A_340 = arith.addi %add3A_326, %add3A_339 : i32
      %lt3A_341 = arith.cmpi slt, %add3A_340, %min3A_57 : i32
      %convert_element_type3A_342 = arith.extui %lt3A_341 : i1 to i32
      %cond3A_343 = arith.constant 0 : i32
      %cond3A_344 = arith.cmpi ne, %convert_element_type3A_342, %cond3A_343 : i32
      scf.if %cond3A_344 {
        %dma_wait3A_346 = arith.constant 0 : i32
        %dma_wait3A_347 = tpu.memref_slice %arg9[%add3A_326, %dma_wait3A_346] : memref<84x128xi32, #tpu.memory_space<vmem>> -> memref<1x128xi32, #tpu.memory_space<vmem>>
        %dma_wait3A_348 = tpu.memref_squeeze %dma_wait3A_347 : memref<1x128xi32, #tpu.memory_space<vmem>> -> memref<128xi32, #tpu.memory_space<vmem>>
        %dma_wait3A_349 = arith.constant 0 : i32
        %dma_wait3A_350 = arith.constant 0 : i32
        %dma_wait3A_351 = tpu.memref_slice %arg14[%dma_wait3A_349, %dma_wait3A_350] : memref<5128x128xf32, #tpu.memory_space<vmem_shared>> -> memref<5128x128xf32, #tpu.memory_space<vmem_shared>>
        tpu.wait_indirect_dma semaphore(%arg20 : memref<!tpu.dma_semaphore, #tpu.memory_space<semaphore_mem>>) src(%arg13 : memref<128x128xf32, #tpu.memory_space<vmem>>) dst(%dma_wait3A_351 : memref<5128x128xf32, #tpu.memory_space<vmem_shared>>)
        %add3A_352 = arith.constant 3 : i32
        %add3A_353 = arith.addi %add3A_326, %add3A_352 : i32
        %dma_start3A_354 = arith.constant 0 : i32
        %dma_start3A_355 = tpu.memref_slice %arg8[%add3A_353, %dma_start3A_354] : memref<84x128xi32, #tpu.memory_space<vmem>> -> memref<1x128xi32, #tpu.memory_space<vmem>>
        %dma_start3A_356 = tpu.memref_squeeze %dma_start3A_355 : memref<1x128xi32, #tpu.memory_space<vmem>> -> memref<128xi32, #tpu.memory_space<vmem>>
        %dma_start3A_357 = arith.constant 0 : i32
        %dma_start3A_358 = arith.constant 0 : i32
        %dma_start3A_359 = tpu.memref_slice %arg2[%dma_start3A_357, %dma_start3A_358] : memref<10240x128xf32, #tpu.memory_space<hbm>> -> memref<10240x128xf32, #tpu.memory_space<hbm>>
        tpu.enqueue_indirect_dma source(%dma_start3A_359 : memref<10240x128xf32, #tpu.memory_space<hbm>>) target(%arg13 : memref<128x128xf32, #tpu.memory_space<vmem>>) offsets(%dma_start3A_356 : memref<128xi32, #tpu.memory_space<vmem>>) semaphore(%arg17 : memref<!tpu.dma_semaphore, #tpu.memory_space<semaphore_mem>>)
      } else {
      }
      %while3A_345 = arith.constant 0 : i32
      scf.yield %while3A_345 : i32
    }
    %dma_wait3A = arith.constant 0 : i32
    %dma_wait3A_113 = arith.constant 0 : i32
    %dma_wait3A_114 = tpu.memref_slice %arg9[%dma_wait3A, %dma_wait3A_113] : memref<84x128xi32, #tpu.memory_space<vmem>> -> memref<1x128xi32, #tpu.memory_space<vmem>>
    %dma_wait3A_115 = tpu.memref_squeeze %dma_wait3A_114 : memref<1x128xi32, #tpu.memory_space<vmem>> -> memref<128xi32, #tpu.memory_space<vmem>>
    %dma_wait3A_116 = arith.constant 0 : i32
    %dma_wait3A_117 = arith.constant 0 : i32
    %dma_wait3A_118 = tpu.memref_slice %arg14[%dma_wait3A_116, %dma_wait3A_117] : memref<5128x128xf32, #tpu.memory_space<vmem_shared>> -> memref<5128x128xf32, #tpu.memory_space<vmem_shared>>
    tpu.wait_indirect_dma semaphore(%arg18 : memref<!tpu.dma_semaphore, #tpu.memory_space<semaphore_mem>>) src(%arg11 : memref<128x128xf32, #tpu.memory_space<vmem>>) dst(%dma_wait3A_118 : memref<5128x128xf32, #tpu.memory_space<vmem_shared>>)
    %dma_wait3A_119 = arith.constant 1 : i32
    %dma_wait3A_120 = arith.constant 0 : i32
    %dma_wait3A_121 = tpu.memref_slice %arg9[%dma_wait3A_119, %dma_wait3A_120] : memref<84x128xi32, #tpu.memory_space<vmem>> -> memref<1x128xi32, #tpu.memory_space<vmem>>
    %dma_wait3A_122 = tpu.memref_squeeze %dma_wait3A_121 : memref<1x128xi32, #tpu.memory_space<vmem>> -> memref<128xi32, #tpu.memory_space<vmem>>
    %dma_wait3A_123 = arith.constant 0 : i32
    %dma_wait3A_124 = arith.constant 0 : i32
    %dma_wait3A_125 = tpu.memref_slice %arg14[%dma_wait3A_123, %dma_wait3A_124] : memref<5128x128xf32, #tpu.memory_space<vmem_shared>> -> memref<5128x128xf32, #tpu.memory_space<vmem_shared>>
    tpu.wait_indirect_dma semaphore(%arg19 : memref<!tpu.dma_semaphore, #tpu.memory_space<semaphore_mem>>) src(%arg12 : memref<128x128xf32, #tpu.memory_space<vmem>>) dst(%dma_wait3A_125 : memref<5128x128xf32, #tpu.memory_space<vmem_shared>>)
    %dma_wait3A_126 = arith.constant 2 : i32
    %dma_wait3A_127 = arith.constant 0 : i32
    %dma_wait3A_128 = tpu.memref_slice %arg9[%dma_wait3A_126, %dma_wait3A_127] : memref<84x128xi32, #tpu.memory_space<vmem>> -> memref<1x128xi32, #tpu.memory_space<vmem>>
    %dma_wait3A_129 = tpu.memref_squeeze %dma_wait3A_128 : memref<1x128xi32, #tpu.memory_space<vmem>> -> memref<128xi32, #tpu.memory_space<vmem>>
    %dma_wait3A_130 = arith.constant 0 : i32
    %dma_wait3A_131 = arith.constant 0 : i32
    %dma_wait3A_132 = tpu.memref_slice %arg14[%dma_wait3A_130, %dma_wait3A_131] : memref<5128x128xf32, #tpu.memory_space<vmem_shared>> -> memref<5128x128xf32, #tpu.memory_space<vmem_shared>>
    tpu.wait_indirect_dma semaphore(%arg20 : memref<!tpu.dma_semaphore, #tpu.memory_space<semaphore_mem>>) src(%arg13 : memref<128x128xf32, #tpu.memory_space<vmem>>) dst(%dma_wait3A_132 : memref<5128x128xf32, #tpu.memory_space<vmem_shared>>)
    %mul3A_133 = arith.constant 2 : i32
    %mul3A_134 = arith.muli %mul3A_133, %arg1 : i32
    %add3A_135 = arith.constant 1 : i32
    %add3A_136 = arith.addi %mul3A_134, %add3A_135 : i32
    "tpu.region"() ({
      %run_scoped3A = tpu.sem_alloc : memref<!tpu.dma_semaphore, #tpu.memory_space<semaphore_mem>>
      %dma_start3A_284 = arith.constant 0 : i32
      %dma_start3A_285 = arith.constant 0 : i32
      %dma_start3A_286 = tpu.memref_slice %arg3[%arg0, %add3A_136, %dma_start3A_284, %dma_start3A_285] : memref<2x32x84x128xi32, #tpu.memory_space<hbm>> -> memref<1x1x84x128xi32, #tpu.memory_space<hbm>>
      %dma_start3A_287 = tpu.memref_squeeze %dma_start3A_286 : memref<1x1x84x128xi32, #tpu.memory_space<hbm>> -> memref<84x128xi32, #tpu.memory_space<hbm>>
      %dma_start3A_288 = arith.constant 0 : i32
      %dma_start3A_289 = arith.constant 0 : i32
      %dma_start3A_290 = tpu.memref_slice %arg3[%arg0, %add3A_136, %dma_start3A_288, %dma_start3A_289] : memref<2x32x84x128xi32, #tpu.memory_space<hbm>> -> memref<1x1x84x128xi32, #tpu.memory_space<hbm>>
      %dma_start3A_291 = tpu.memref_squeeze %dma_start3A_290 : memref<1x1x84x128xi32, #tpu.memory_space<hbm>> -> memref<84x128xi32, #tpu.memory_space<hbm>>
      tpu.enqueue_dma source(%dma_start3A_291 : memref<84x128xi32, #tpu.memory_space<hbm>>) target(%arg8 : memref<84x128xi32, #tpu.memory_space<vmem>>) target_semaphore(%run_scoped3A : memref<!tpu.dma_semaphore, #tpu.memory_space<semaphore_mem>>)
      %dma_wait3A_292 = arith.constant 0 : i32
      %dma_wait3A_293 = arith.constant 0 : i32
      %dma_wait3A_294 = tpu.memref_slice %arg3[%arg0, %add3A_136, %dma_wait3A_292, %dma_wait3A_293] : memref<2x32x84x128xi32, #tpu.memory_space<hbm>> -> memref<1x1x84x128xi32, #tpu.memory_space<hbm>>
      %dma_wait3A_295 = tpu.memref_squeeze %dma_wait3A_294 : memref<1x1x84x128xi32, #tpu.memory_space<hbm>> -> memref<84x128xi32, #tpu.memory_space<hbm>>
      %dma_wait3A_296 = arith.constant 0 : i32
      %dma_wait3A_297 = arith.constant 0 : i32
      %dma_wait3A_298 = tpu.memref_slice %arg3[%arg0, %add3A_136, %dma_wait3A_296, %dma_wait3A_297] : memref<2x32x84x128xi32, #tpu.memory_space<hbm>> -> memref<1x1x84x128xi32, #tpu.memory_space<hbm>>
      %dma_wait3A_299 = tpu.memref_squeeze %dma_wait3A_298 : memref<1x1x84x128xi32, #tpu.memory_space<hbm>> -> memref<84x128xi32, #tpu.memory_space<hbm>>
      tpu.wait_dma2 semaphore(%run_scoped3A : memref<!tpu.dma_semaphore, #tpu.memory_space<semaphore_mem>>) src(%dma_wait3A_299 : memref<84x128xi32, #tpu.memory_space<hbm>>) dst(%arg8 : memref<84x128xi32, #tpu.memory_space<vmem>>)
      tpu.yield
    }) : () -> ()
    "tpu.region"() ({
      %run_scoped3A = tpu.sem_alloc : memref<!tpu.dma_semaphore, #tpu.memory_space<semaphore_mem>>
      %dma_start3A_284 = arith.constant 0 : i32
      %dma_start3A_285 = arith.constant 0 : i32
      %dma_start3A_286 = tpu.memref_slice %arg4[%arg0, %add3A_136, %dma_start3A_284, %dma_start3A_285] : memref<2x32x84x128xi32, #tpu.memory_space<hbm>> -> memref<1x1x84x128xi32, #tpu.memory_space<hbm>>
      %dma_start3A_287 = tpu.memref_squeeze %dma_start3A_286 : memref<1x1x84x128xi32, #tpu.memory_space<hbm>> -> memref<84x128xi32, #tpu.memory_space<hbm>>
      %dma_start3A_288 = arith.constant 0 : i32
      %dma_start3A_289 = arith.constant 0 : i32
      %dma_start3A_290 = tpu.memref_slice %arg4[%arg0, %add3A_136, %dma_start3A_288, %dma_start3A_289] : memref<2x32x84x128xi32, #tpu.memory_space<hbm>> -> memref<1x1x84x128xi32, #tpu.memory_space<hbm>>
      %dma_start3A_291 = tpu.memref_squeeze %dma_start3A_290 : memref<1x1x84x128xi32, #tpu.memory_space<hbm>> -> memref<84x128xi32, #tpu.memory_space<hbm>>
      tpu.enqueue_dma source(%dma_start3A_291 : memref<84x128xi32, #tpu.memory_space<hbm>>) target(%arg9 : memref<84x128xi32, #tpu.memory_space<vmem>>) target_semaphore(%run_scoped3A : memref<!tpu.dma_semaphore, #tpu.memory_space<semaphore_mem>>)
      %dma_wait3A_292 = arith.constant 0 : i32
      %dma_wait3A_293 = arith.constant 0 : i32
      %dma_wait3A_294 = tpu.memref_slice %arg4[%arg0, %add3A_136, %dma_wait3A_292, %dma_wait3A_293] : memref<2x32x84x128xi32, #tpu.memory_space<hbm>> -> memref<1x1x84x128xi32, #tpu.memory_space<hbm>>
      %dma_wait3A_295 = tpu.memref_squeeze %dma_wait3A_294 : memref<1x1x84x128xi32, #tpu.memory_space<hbm>> -> memref<84x128xi32, #tpu.memory_space<hbm>>
      %dma_wait3A_296 = arith.constant 0 : i32
      %dma_wait3A_297 = arith.constant 0 : i32
      %dma_wait3A_298 = tpu.memref_slice %arg4[%arg0, %add3A_136, %dma_wait3A_296, %dma_wait3A_297] : memref<2x32x84x128xi32, #tpu.memory_space<hbm>> -> memref<1x1x84x128xi32, #tpu.memory_space<hbm>>
      %dma_wait3A_299 = tpu.memref_squeeze %dma_wait3A_298 : memref<1x1x84x128xi32, #tpu.memory_space<hbm>> -> memref<84x128xi32, #tpu.memory_space<hbm>>
      tpu.wait_dma2 semaphore(%run_scoped3A : memref<!tpu.dma_semaphore, #tpu.memory_space<semaphore_mem>>) src(%dma_wait3A_299 : memref<84x128xi32, #tpu.memory_space<hbm>>) dst(%arg9 : memref<84x128xi32, #tpu.memory_space<vmem>>)
      tpu.yield
    }) : () -> ()
    "tpu.region"() ({
      %run_scoped3A = tpu.sem_alloc : memref<!tpu.dma_semaphore, #tpu.memory_space<semaphore_mem>>
      %dma_start3A_284 = arith.constant 0 : i32
      %dma_start3A_285 = tpu.memref_slice %arg5[%arg0, %add3A_136, %dma_start3A_284] : memref<2x32x16xi32, #tpu.memory_space<hbm>> -> memref<1x1x16xi32, #tpu.memory_space<hbm>>
      %dma_start3A_286 = tpu.memref_squeeze %dma_start3A_285 : memref<1x1x16xi32, #tpu.memory_space<hbm>> -> memref<16xi32, #tpu.memory_space<hbm>>
      %dma_start3A_287 = arith.constant 0 : i32
      %dma_start3A_288 = tpu.memref_slice %arg5[%arg0, %add3A_136, %dma_start3A_287] : memref<2x32x16xi32, #tpu.memory_space<hbm>> -> memref<1x1x16xi32, #tpu.memory_space<hbm>>
      %dma_start3A_289 = tpu.memref_squeeze %dma_start3A_288 : memref<1x1x16xi32, #tpu.memory_space<hbm>> -> memref<16xi32, #tpu.memory_space<hbm>>
      tpu.enqueue_dma source(%dma_start3A_289 : memref<16xi32, #tpu.memory_space<hbm>>) target(%arg10 : memref<16xi32, #tpu.memory_space<vmem>>) target_semaphore(%run_scoped3A : memref<!tpu.dma_semaphore, #tpu.memory_space<semaphore_mem>>)
      %dma_wait3A_290 = arith.constant 0 : i32
      %dma_wait3A_291 = tpu.memref_slice %arg5[%arg0, %add3A_136, %dma_wait3A_290] : memref<2x32x16xi32, #tpu.memory_space<hbm>> -> memref<1x1x16xi32, #tpu.memory_space<hbm>>
      %dma_wait3A_292 = tpu.memref_squeeze %dma_wait3A_291 : memref<1x1x16xi32, #tpu.memory_space<hbm>> -> memref<16xi32, #tpu.memory_space<hbm>>
      %dma_wait3A_293 = arith.constant 0 : i32
      %dma_wait3A_294 = tpu.memref_slice %arg5[%arg0, %add3A_136, %dma_wait3A_293] : memref<2x32x16xi32, #tpu.memory_space<hbm>> -> memref<1x1x16xi32, #tpu.memory_space<hbm>>
      %dma_wait3A_295 = tpu.memref_squeeze %dma_wait3A_294 : memref<1x1x16xi32, #tpu.memory_space<hbm>> -> memref<16xi32, #tpu.memory_space<hbm>>
      tpu.wait_dma2 semaphore(%run_scoped3A : memref<!tpu.dma_semaphore, #tpu.memory_space<semaphore_mem>>) src(%dma_wait3A_295 : memref<16xi32, #tpu.memory_space<hbm>>) dst(%arg10 : memref<16xi32, #tpu.memory_space<vmem>>)
      tpu.yield
    }) : () -> ()
    %get3A_137 = arith.constant 0 : index
    %get3A_138 = tpu.vector_load %arg10[%get3A_137] {strides = array<i32>} : memref<16xi32, #tpu.memory_space<vmem>>, vector<16xi32>,
    %reduce_max3A_139 = arith.constant true
    %reduce_max3A_140 = vector.broadcast %reduce_max3A_139 : i1 to vector<16xi1>
    %reduce_max3A_141 = arith.constant -2147483648 : i32
    %reduce_max3A_142 = vector.broadcast %reduce_max3A_141 : i32 to vector<16xi32>
    %reduce_max3A_143 = arith.xori %get3A_138, %reduce_max3A_142 : vector<16xi32>
    %reduce_max3A_144 = tpu.scan <max>, %reduce_max3A_143 masked %reduce_max3A_140 : vector<16xi32>, vector<16xi1> -> vector<16xi32>
    %reduce_max3A_145 = arith.xori %reduce_max3A_144, %reduce_max3A_142 : vector<16xi32>
    %reduce_max3A_146 = vector.extract %reduce_max3A_145[15] : i32 from vector<16xi32>
    %add3A_147 = arith.constant 127 : i32
    %add3A_148 = arith.addi %reduce_max3A_146, %add3A_147 : i32
    %jit3A_149 = arith.constant 128 : i32
    %div3A_150 = arith.divsi %add3A_148, %jit3A_149 : i32
    %sign3A_151 = arith.constant 0 : i32
    %sign3A_152 = arith.cmpi sgt, %add3A_148, %sign3A_151 : i32
    %sign3A_153 = arith.extui %sign3A_152 : i1 to i32
    %sign3A_154 = arith.constant 0 : i32
    %sign3A_155 = arith.cmpi slt, %add3A_148, %sign3A_154 : i32
    %sign3A_156 = arith.extui %sign3A_155 : i1 to i32
    %sign3A_157 = arith.subi %sign3A_153, %sign3A_156 : i32
    %sign3A_158 = arith.constant 0 : i32
    %sign3A_159 = arith.cmpi sgt, %jit3A_149, %sign3A_158 : i32
    %sign3A_160 = arith.extui %sign3A_159 : i1 to i32
    %sign3A_161 = arith.constant 0 : i32
    %sign3A_162 = arith.cmpi slt, %jit3A_149, %sign3A_161 : i32
    %sign3A_163 = arith.extui %sign3A_162 : i1 to i32
    %sign3A_164 = arith.subi %sign3A_160, %sign3A_163 : i32
    %ne3A_165 = arith.cmpi ne, %sign3A_157, %sign3A_164 : i32
    %rem3A_166 = arith.remsi %add3A_148, %jit3A_149 : i32
    %ne3A_167 = arith.constant 0 : i32
    %ne3A_168 = arith.cmpi ne, %rem3A_166, %ne3A_167 : i32
    %and3A_169 = arith.andi %ne3A_165, %ne3A_168 : i1
    %sub3A_170 = arith.constant 1 : i32
    %sub3A_171 = arith.subi %div3A_150, %sub3A_170 : i32
    %select_n3A_172 = arith.select %and3A_169, %sub3A_171, %div3A_150 : i32
    %add3A_173 = arith.constant 2 : i32
    %add3A_174 = arith.addi %select_n3A_172, %add3A_173 : i32
    %jit3A_175 = arith.constant 3 : i32
    %div3A_176 = arith.divsi %add3A_174, %jit3A_175 : i32
    %sign3A_177 = arith.constant 0 : i32
    %sign3A_178 = arith.cmpi sgt, %add3A_174, %sign3A_177 : i32
    %sign3A_179 = arith.extui %sign3A_178 : i1 to i32
    %sign3A_180 = arith.constant 0 : i32
    %sign3A_181 = arith.cmpi slt, %add3A_174, %sign3A_180 : i32
    %sign3A_182 = arith.extui %sign3A_181 : i1 to i32
    %sign3A_183 = arith.subi %sign3A_179, %sign3A_182 : i32
    %sign3A_184 = arith.constant 0 : i32
    %sign3A_185 = arith.cmpi sgt, %jit3A_175, %sign3A_184 : i32
    %sign3A_186 = arith.extui %sign3A_185 : i1 to i32
    %sign3A_187 = arith.constant 0 : i32
    %sign3A_188 = arith.cmpi slt, %jit3A_175, %sign3A_187 : i32
    %sign3A_189 = arith.extui %sign3A_188 : i1 to i32
    %sign3A_190 = arith.subi %sign3A_186, %sign3A_189 : i32
    %ne3A_191 = arith.cmpi ne, %sign3A_183, %sign3A_190 : i32
    %rem3A_192 = arith.remsi %add3A_174, %jit3A_175 : i32
    %ne3A_193 = arith.constant 0 : i32
    %ne3A_194 = arith.cmpi ne, %rem3A_192, %ne3A_193 : i32
    %and3A_195 = arith.andi %ne3A_191, %ne3A_194 : i1
    %sub3A_196 = arith.constant 1 : i32
    %sub3A_197 = arith.subi %div3A_176, %sub3A_196 : i32
    %select_n3A_198 = arith.select %and3A_195, %sub3A_197, %div3A_176 : i32
    %mul3A_199 = arith.constant 3 : i32
    %mul3A_200 = arith.muli %select_n3A_198, %mul3A_199 : i32
    %max3A_201 = arith.constant 3 : i32
    %max3A_202 = arith.maxsi %mul3A_200, %max3A_201 : i32
    %min3A_203 = arith.constant 84 : i32
    %min3A_204 = arith.minsi %max3A_202, %min3A_203 : i32
    %dma_start3A_205 = arith.constant 0 : i32
    %dma_start3A_206 = arith.constant 0 : i32
    %dma_start3A_207 = tpu.memref_slice %arg8[%dma_start3A_205, %dma_start3A_206] : memref<84x128xi32, #tpu.memory_space<vmem>> -> memref<1x128xi32, #tpu.memory_space<vmem>>
    %dma_start3A_208 = tpu.memref_squeeze %dma_start3A_207 : memref<1x128xi32, #tpu.memory_space<vmem>> -> memref<128xi32, #tpu.memory_space<vmem>>
    %dma_start3A_209 = arith.constant 0 : i32
    %dma_start3A_210 = arith.constant 0 : i32
    %dma_start3A_211 = tpu.memref_slice %arg2[%dma_start3A_209, %dma_start3A_210] : memref<10240x128xf32, #tpu.memory_space<hbm>> -> memref<10240x128xf32, #tpu.memory_space<hbm>>
    tpu.enqueue_indirect_dma source(%dma_start3A_211 : memref<10240x128xf32, #tpu.memory_space<hbm>>) target(%arg11 : memref<128x128xf32, #tpu.memory_space<vmem>>) offsets(%dma_start3A_208 : memref<128xi32, #tpu.memory_space<vmem>>) semaphore(%arg15 : memref<!tpu.dma_semaphore, #tpu.memory_space<semaphore_mem>>)
    %dma_start3A_212 = arith.constant 1 : i32
    %dma_start3A_213 = arith.constant 0 : i32
    %dma_start3A_214 = tpu.memref_slice %arg8[%dma_start3A_212, %dma_start3A_213] : memref<84x128xi32, #tpu.memory_space<vmem>> -> memref<1x128xi32, #tpu.memory_space<vmem>>
    %dma_start3A_215 = tpu.memref_squeeze %dma_start3A_214 : memref<1x128xi32, #tpu.memory_space<vmem>> -> memref<128xi32, #tpu.memory_space<vmem>>
    %dma_start3A_216 = arith.constant 0 : i32
    %dma_start3A_217 = arith.constant 0 : i32
    %dma_start3A_218 = tpu.memref_slice %arg2[%dma_start3A_216, %dma_start3A_217] : memref<10240x128xf32, #tpu.memory_space<hbm>> -> memref<10240x128xf32, #tpu.memory_space<hbm>>
    tpu.enqueue_indirect_dma source(%dma_start3A_218 : memref<10240x128xf32, #tpu.memory_space<hbm>>) target(%arg12 : memref<128x128xf32, #tpu.memory_space<vmem>>) offsets(%dma_start3A_215 : memref<128xi32, #tpu.memory_space<vmem>>) semaphore(%arg16 : memref<!tpu.dma_semaphore, #tpu.memory_space<semaphore_mem>>)
    %dma_start3A_219 = arith.constant 2 : i32
    %dma_start3A_220 = arith.constant 0 : i32
    %dma_start3A_221 = tpu.memref_slice %arg8[%dma_start3A_219, %dma_start3A_220] : memref<84x128xi32, #tpu.memory_space<vmem>> -> memref<1x128xi32, #tpu.memory_space<vmem>>
    %dma_start3A_222 = tpu.memref_squeeze %dma_start3A_221 : memref<1x128xi32, #tpu.memory_space<vmem>> -> memref<128xi32, #tpu.memory_space<vmem>>
    %dma_start3A_223 = arith.constant 0 : i32
    %dma_start3A_224 = arith.constant 0 : i32
    %dma_start3A_225 = tpu.memref_slice %arg2[%dma_start3A_223, %dma_start3A_224] : memref<10240x128xf32, #tpu.memory_space<hbm>> -> memref<10240x128xf32, #tpu.memory_space<hbm>>
    tpu.enqueue_indirect_dma source(%dma_start3A_225 : memref<10240x128xf32, #tpu.memory_space<hbm>>) target(%arg13 : memref<128x128xf32, #tpu.memory_space<vmem>>) offsets(%dma_start3A_222 : memref<128xi32, #tpu.memory_space<vmem>>) semaphore(%arg17 : memref<!tpu.dma_semaphore, #tpu.memory_space<semaphore_mem>>)
    %jit3A_226 = arith.constant 3 : i32
    %div3A_227 = arith.divsi %min3A_204, %jit3A_226 : i32
    %sign3A_228 = arith.constant 0 : i32
    %sign3A_229 = arith.cmpi sgt, %min3A_204, %sign3A_228 : i32
    %sign3A_230 = arith.extui %sign3A_229 : i1 to i32
    %sign3A_231 = arith.constant 0 : i32
    %sign3A_232 = arith.cmpi slt, %min3A_204, %sign3A_231 : i32
    %sign3A_233 = arith.extui %sign3A_232 : i1 to i32
    %sign3A_234 = arith.subi %sign3A_230, %sign3A_233 : i32
    %sign3A_235 = arith.constant 0 : i32
    %sign3A_236 = arith.cmpi sgt, %jit3A_226, %sign3A_235 : i32
    %sign3A_237 = arith.extui %sign3A_236 : i1 to i32
    %sign3A_238 = arith.constant 0 : i32
    %sign3A_239 = arith.cmpi slt, %jit3A_226, %sign3A_238 : i32
    %sign3A_240 = arith.extui %sign3A_239 : i1 to i32
    %sign3A_241 = arith.subi %sign3A_237, %sign3A_240 : i32
    %ne3A_242 = arith.cmpi ne, %sign3A_234, %sign3A_241 : i32
    %rem3A_243 = arith.remsi %min3A_204, %jit3A_226 : i32
    %ne3A_244 = arith.constant 0 : i32
    %ne3A_245 = arith.cmpi ne, %rem3A_243, %ne3A_244 : i32
    %and3A_246 = arith.andi %ne3A_242, %ne3A_245 : i1
    %sub3A_247 = arith.constant 1 : i32
    %sub3A_248 = arith.subi %div3A_227, %sub3A_247 : i32
    %select_n3A_249 = arith.select %and3A_246, %sub3A_248, %div3A_227 : i32
    %while3A_250 = arith.constant 0 : i32
    %while3A_251 = arith.constant 0 : i32
    %while3A_252 = arith.subi %select_n3A_249, %while3A_250 : i32
    %while3A_253 = arith.addi %while3A_250, %while3A_252 : i32
    %while3A_254 = arith.constant 1 : i32
    %while3A_255 = arith.divsi %while3A_252, %while3A_254 : i32
    %while3A_256 = arith.muli %while3A_255, %while3A_254 : i32
    %while3A_257 = arith.addi %while3A_250, %while3A_256 : i32
    %while3A_258 = arith.constant 1 : i32
    %while3A_259 = scf.for %while3A_284 = %while3A_250 to %while3A_257 step %while3A_258 iter_args(%while3A_285 = %while3A_251) -> (i32)  : i32 {
      %mul3A_286 = arith.constant 3 : i32
      %mul3A_287 = arith.muli %mul3A_286, %while3A_284 : i32
      %add3A_288 = arith.constant 0 : i32
      %add3A_289 = arith.addi %mul3A_287, %add3A_288 : i32
      %dma_wait3A_290 = arith.constant 0 : i32
      %dma_wait3A_291 = tpu.memref_slice %arg8[%add3A_289, %dma_wait3A_290] : memref<84x128xi32, #tpu.memory_space<vmem>> -> memref<1x128xi32, #tpu.memory_space<vmem>>
      %dma_wait3A_292 = tpu.memref_squeeze %dma_wait3A_291 : memref<1x128xi32, #tpu.memory_space<vmem>> -> memref<128xi32, #tpu.memory_space<vmem>>
      %dma_wait3A_293 = arith.constant 0 : i32
      %dma_wait3A_294 = arith.constant 0 : i32
      %dma_wait3A_295 = tpu.memref_slice %arg2[%dma_wait3A_293, %dma_wait3A_294] : memref<10240x128xf32, #tpu.memory_space<hbm>> -> memref<10240x128xf32, #tpu.memory_space<hbm>>
      tpu.wait_indirect_dma semaphore(%arg15 : memref<!tpu.dma_semaphore, #tpu.memory_space<semaphore_mem>>) src(%dma_wait3A_295 : memref<10240x128xf32, #tpu.memory_space<hbm>>) dst(%arg11 : memref<128x128xf32, #tpu.memory_space<vmem>>)
      %dma_start3A_296 = arith.constant 0 : i32
      %dma_start3A_297 = tpu.memref_slice %arg9[%add3A_289, %dma_start3A_296] : memref<84x128xi32, #tpu.memory_space<vmem>> -> memref<1x128xi32, #tpu.memory_space<vmem>>
      %dma_start3A_298 = tpu.memref_squeeze %dma_start3A_297 : memref<1x128xi32, #tpu.memory_space<vmem>> -> memref<128xi32, #tpu.memory_space<vmem>>
      %dma_start3A_299 = arith.constant 0 : i32
      %dma_start3A_300 = arith.constant 0 : i32
      %dma_start3A_301 = tpu.memref_slice %arg14[%dma_start3A_299, %dma_start3A_300] : memref<5128x128xf32, #tpu.memory_space<vmem_shared>> -> memref<5128x128xf32, #tpu.memory_space<vmem_shared>>
      tpu.enqueue_indirect_dma source(%arg11 : memref<128x128xf32, #tpu.memory_space<vmem>>) target(%dma_start3A_301 : memref<5128x128xf32, #tpu.memory_space<vmem_shared>>) offsets(%dma_start3A_298 : memref<128xi32, #tpu.memory_space<vmem>>) semaphore(%arg18 : memref<!tpu.dma_semaphore, #tpu.memory_space<semaphore_mem>>) {add = true}
      %add3A_302 = arith.constant 3 : i32
      %add3A_303 = arith.addi %add3A_289, %add3A_302 : i32
      %lt3A = arith.cmpi slt, %add3A_303, %min3A_204 : i32
      %convert_element_type3A = arith.extui %lt3A : i1 to i32
      %cond3A = arith.constant 0 : i32
      %cond3A_304 = arith.cmpi ne, %convert_element_type3A, %cond3A : i32
      scf.if %cond3A_304 {
        %dma_wait3A_346 = arith.constant 0 : i32
        %dma_wait3A_347 = tpu.memref_slice %arg9[%add3A_289, %dma_wait3A_346] : memref<84x128xi32, #tpu.memory_space<vmem>> -> memref<1x128xi32, #tpu.memory_space<vmem>>
        %dma_wait3A_348 = tpu.memref_squeeze %dma_wait3A_347 : memref<1x128xi32, #tpu.memory_space<vmem>> -> memref<128xi32, #tpu.memory_space<vmem>>
        %dma_wait3A_349 = arith.constant 0 : i32
        %dma_wait3A_350 = arith.constant 0 : i32
        %dma_wait3A_351 = tpu.memref_slice %arg14[%dma_wait3A_349, %dma_wait3A_350] : memref<5128x128xf32, #tpu.memory_space<vmem_shared>> -> memref<5128x128xf32, #tpu.memory_space<vmem_shared>>
        tpu.wait_indirect_dma semaphore(%arg18 : memref<!tpu.dma_semaphore, #tpu.memory_space<semaphore_mem>>) src(%arg11 : memref<128x128xf32, #tpu.memory_space<vmem>>) dst(%dma_wait3A_351 : memref<5128x128xf32, #tpu.memory_space<vmem_shared>>)
        %add3A_352 = arith.constant 3 : i32
        %add3A_353 = arith.addi %add3A_289, %add3A_352 : i32
        %dma_start3A_354 = arith.constant 0 : i32
        %dma_start3A_355 = tpu.memref_slice %arg8[%add3A_353, %dma_start3A_354] : memref<84x128xi32, #tpu.memory_space<vmem>> -> memref<1x128xi32, #tpu.memory_space<vmem>>
        %dma_start3A_356 = tpu.memref_squeeze %dma_start3A_355 : memref<1x128xi32, #tpu.memory_space<vmem>> -> memref<128xi32, #tpu.memory_space<vmem>>
        %dma_start3A_357 = arith.constant 0 : i32
        %dma_start3A_358 = arith.constant 0 : i32
        %dma_start3A_359 = tpu.memref_slice %arg2[%dma_start3A_357, %dma_start3A_358] : memref<10240x128xf32, #tpu.memory_space<hbm>> -> memref<10240x128xf32, #tpu.memory_space<hbm>>
        tpu.enqueue_indirect_dma source(%dma_start3A_359 : memref<10240x128xf32, #tpu.memory_space<hbm>>) target(%arg11 : memref<128x128xf32, #tpu.memory_space<vmem>>) offsets(%dma_start3A_356 : memref<128xi32, #tpu.memory_space<vmem>>) semaphore(%arg15 : memref<!tpu.dma_semaphore, #tpu.memory_space<semaphore_mem>>)
      } else {
      }
      %add3A_305 = arith.constant 1 : i32
      %add3A_306 = arith.addi %mul3A_287, %add3A_305 : i32
      %dma_wait3A_307 = arith.constant 0 : i32
      %dma_wait3A_308 = tpu.memref_slice %arg8[%add3A_306, %dma_wait3A_307] : memref<84x128xi32, #tpu.memory_space<vmem>> -> memref<1x128xi32, #tpu.memory_space<vmem>>
      %dma_wait3A_309 = tpu.memref_squeeze %dma_wait3A_308 : memref<1x128xi32, #tpu.memory_space<vmem>> -> memref<128xi32, #tpu.memory_space<vmem>>
      %dma_wait3A_310 = arith.constant 0 : i32
      %dma_wait3A_311 = arith.constant 0 : i32
      %dma_wait3A_312 = tpu.memref_slice %arg2[%dma_wait3A_310, %dma_wait3A_311] : memref<10240x128xf32, #tpu.memory_space<hbm>> -> memref<10240x128xf32, #tpu.memory_space<hbm>>
      tpu.wait_indirect_dma semaphore(%arg16 : memref<!tpu.dma_semaphore, #tpu.memory_space<semaphore_mem>>) src(%dma_wait3A_312 : memref<10240x128xf32, #tpu.memory_space<hbm>>) dst(%arg12 : memref<128x128xf32, #tpu.memory_space<vmem>>)
      %dma_start3A_313 = arith.constant 0 : i32
      %dma_start3A_314 = tpu.memref_slice %arg9[%add3A_306, %dma_start3A_313] : memref<84x128xi32, #tpu.memory_space<vmem>> -> memref<1x128xi32, #tpu.memory_space<vmem>>
      %dma_start3A_315 = tpu.memref_squeeze %dma_start3A_314 : memref<1x128xi32, #tpu.memory_space<vmem>> -> memref<128xi32, #tpu.memory_space<vmem>>
      %dma_start3A_316 = arith.constant 0 : i32
      %dma_start3A_317 = arith.constant 0 : i32
      %dma_start3A_318 = tpu.memref_slice %arg14[%dma_start3A_316, %dma_start3A_317] : memref<5128x128xf32, #tpu.memory_space<vmem_shared>> -> memref<5128x128xf32, #tpu.memory_space<vmem_shared>>
      tpu.enqueue_indirect_dma source(%arg12 : memref<128x128xf32, #tpu.memory_space<vmem>>) target(%dma_start3A_318 : memref<5128x128xf32, #tpu.memory_space<vmem_shared>>) offsets(%dma_start3A_315 : memref<128xi32, #tpu.memory_space<vmem>>) semaphore(%arg19 : memref<!tpu.dma_semaphore, #tpu.memory_space<semaphore_mem>>) {add = true}
      %add3A_319 = arith.constant 3 : i32
      %add3A_320 = arith.addi %add3A_306, %add3A_319 : i32
      %lt3A_321 = arith.cmpi slt, %add3A_320, %min3A_204 : i32
      %convert_element_type3A_322 = arith.extui %lt3A_321 : i1 to i32
      %cond3A_323 = arith.constant 0 : i32
      %cond3A_324 = arith.cmpi ne, %convert_element_type3A_322, %cond3A_323 : i32
      scf.if %cond3A_324 {
        %dma_wait3A_346 = arith.constant 0 : i32
        %dma_wait3A_347 = tpu.memref_slice %arg9[%add3A_306, %dma_wait3A_346] : memref<84x128xi32, #tpu.memory_space<vmem>> -> memref<1x128xi32, #tpu.memory_space<vmem>>
        %dma_wait3A_348 = tpu.memref_squeeze %dma_wait3A_347 : memref<1x128xi32, #tpu.memory_space<vmem>> -> memref<128xi32, #tpu.memory_space<vmem>>
        %dma_wait3A_349 = arith.constant 0 : i32
        %dma_wait3A_350 = arith.constant 0 : i32
        %dma_wait3A_351 = tpu.memref_slice %arg14[%dma_wait3A_349, %dma_wait3A_350] : memref<5128x128xf32, #tpu.memory_space<vmem_shared>> -> memref<5128x128xf32, #tpu.memory_space<vmem_shared>>
        tpu.wait_indirect_dma semaphore(%arg19 : memref<!tpu.dma_semaphore, #tpu.memory_space<semaphore_mem>>) src(%arg12 : memref<128x128xf32, #tpu.memory_space<vmem>>) dst(%dma_wait3A_351 : memref<5128x128xf32, #tpu.memory_space<vmem_shared>>)
        %add3A_352 = arith.constant 3 : i32
        %add3A_353 = arith.addi %add3A_306, %add3A_352 : i32
        %dma_start3A_354 = arith.constant 0 : i32
        %dma_start3A_355 = tpu.memref_slice %arg8[%add3A_353, %dma_start3A_354] : memref<84x128xi32, #tpu.memory_space<vmem>> -> memref<1x128xi32, #tpu.memory_space<vmem>>
        %dma_start3A_356 = tpu.memref_squeeze %dma_start3A_355 : memref<1x128xi32, #tpu.memory_space<vmem>> -> memref<128xi32, #tpu.memory_space<vmem>>
        %dma_start3A_357 = arith.constant 0 : i32
        %dma_start3A_358 = arith.constant 0 : i32
        %dma_start3A_359 = tpu.memref_slice %arg2[%dma_start3A_357, %dma_start3A_358] : memref<10240x128xf32, #tpu.memory_space<hbm>> -> memref<10240x128xf32, #tpu.memory_space<hbm>>
        tpu.enqueue_indirect_dma source(%dma_start3A_359 : memref<10240x128xf32, #tpu.memory_space<hbm>>) target(%arg12 : memref<128x128xf32, #tpu.memory_space<vmem>>) offsets(%dma_start3A_356 : memref<128xi32, #tpu.memory_space<vmem>>) semaphore(%arg16 : memref<!tpu.dma_semaphore, #tpu.memory_space<semaphore_mem>>)
      } else {
      }
      %add3A_325 = arith.constant 2 : i32
      %add3A_326 = arith.addi %mul3A_287, %add3A_325 : i32
      %dma_wait3A_327 = arith.constant 0 : i32
      %dma_wait3A_328 = tpu.memref_slice %arg8[%add3A_326, %dma_wait3A_327] : memref<84x128xi32, #tpu.memory_space<vmem>> -> memref<1x128xi32, #tpu.memory_space<vmem>>
      %dma_wait3A_329 = tpu.memref_squeeze %dma_wait3A_328 : memref<1x128xi32, #tpu.memory_space<vmem>> -> memref<128xi32, #tpu.memory_space<vmem>>
      %dma_wait3A_330 = arith.constant 0 : i32
      %dma_wait3A_331 = arith.constant 0 : i32
      %dma_wait3A_332 = tpu.memref_slice %arg2[%dma_wait3A_330, %dma_wait3A_331] : memref<10240x128xf32, #tpu.memory_space<hbm>> -> memref<10240x128xf32, #tpu.memory_space<hbm>>
      tpu.wait_indirect_dma semaphore(%arg17 : memref<!tpu.dma_semaphore, #tpu.memory_space<semaphore_mem>>) src(%dma_wait3A_332 : memref<10240x128xf32, #tpu.memory_space<hbm>>) dst(%arg13 : memref<128x128xf32, #tpu.memory_space<vmem>>)
      %dma_start3A_333 = arith.constant 0 : i32
      %dma_start3A_334 = tpu.memref_slice %arg9[%add3A_326, %dma_start3A_333] : memref<84x128xi32, #tpu.memory_space<vmem>> -> memref<1x128xi32, #tpu.memory_space<vmem>>
      %dma_start3A_335 = tpu.memref_squeeze %dma_start3A_334 : memref<1x128xi32, #tpu.memory_space<vmem>> -> memref<128xi32, #tpu.memory_space<vmem>>
      %dma_start3A_336 = arith.constant 0 : i32
      %dma_start3A_337 = arith.constant 0 : i32
      %dma_start3A_338 = tpu.memref_slice %arg14[%dma_start3A_336, %dma_start3A_337] : memref<5128x128xf32, #tpu.memory_space<vmem_shared>> -> memref<5128x128xf32, #tpu.memory_space<vmem_shared>>
      tpu.enqueue_indirect_dma source(%arg13 : memref<128x128xf32, #tpu.memory_space<vmem>>) target(%dma_start3A_338 : memref<5128x128xf32, #tpu.memory_space<vmem_shared>>) offsets(%dma_start3A_335 : memref<128xi32, #tpu.memory_space<vmem>>) semaphore(%arg20 : memref<!tpu.dma_semaphore, #tpu.memory_space<semaphore_mem>>) {add = true}
      %add3A_339 = arith.constant 3 : i32
      %add3A_340 = arith.addi %add3A_326, %add3A_339 : i32
      %lt3A_341 = arith.cmpi slt, %add3A_340, %min3A_204 : i32
      %convert_element_type3A_342 = arith.extui %lt3A_341 : i1 to i32
      %cond3A_343 = arith.constant 0 : i32
      %cond3A_344 = arith.cmpi ne, %convert_element_type3A_342, %cond3A_343 : i32
      scf.if %cond3A_344 {
        %dma_wait3A_346 = arith.constant 0 : i32
        %dma_wait3A_347 = tpu.memref_slice %arg9[%add3A_326, %dma_wait3A_346] : memref<84x128xi32, #tpu.memory_space<vmem>> -> memref<1x128xi32, #tpu.memory_space<vmem>>
        %dma_wait3A_348 = tpu.memref_squeeze %dma_wait3A_347 : memref<1x128xi32, #tpu.memory_space<vmem>> -> memref<128xi32, #tpu.memory_space<vmem>>
        %dma_wait3A_349 = arith.constant 0 : i32
        %dma_wait3A_350 = arith.constant 0 : i32
        %dma_wait3A_351 = tpu.memref_slice %arg14[%dma_wait3A_349, %dma_wait3A_350] : memref<5128x128xf32, #tpu.memory_space<vmem_shared>> -> memref<5128x128xf32, #tpu.memory_space<vmem_shared>>
        tpu.wait_indirect_dma semaphore(%arg20 : memref<!tpu.dma_semaphore, #tpu.memory_space<semaphore_mem>>) src(%arg13 : memref<128x128xf32, #tpu.memory_space<vmem>>) dst(%dma_wait3A_351 : memref<5128x128xf32, #tpu.memory_space<vmem_shared>>)
        %add3A_352 = arith.constant 3 : i32
        %add3A_353 = arith.addi %add3A_326, %add3A_352 : i32
        %dma_start3A_354 = arith.constant 0 : i32
        %dma_start3A_355 = tpu.memref_slice %arg8[%add3A_353, %dma_start3A_354] : memref<84x128xi32, #tpu.memory_space<vmem>> -> memref<1x128xi32, #tpu.memory_space<vmem>>
        %dma_start3A_356 = tpu.memref_squeeze %dma_start3A_355 : memref<1x128xi32, #tpu.memory_space<vmem>> -> memref<128xi32, #tpu.memory_space<vmem>>
        %dma_start3A_357 = arith.constant 0 : i32
        %dma_start3A_358 = arith.constant 0 : i32
        %dma_start3A_359 = tpu.memref_slice %arg2[%dma_start3A_357, %dma_start3A_358] : memref<10240x128xf32, #tpu.memory_space<hbm>> -> memref<10240x128xf32, #tpu.memory_space<hbm>>
        tpu.enqueue_indirect_dma source(%dma_start3A_359 : memref<10240x128xf32, #tpu.memory_space<hbm>>) target(%arg13 : memref<128x128xf32, #tpu.memory_space<vmem>>) offsets(%dma_start3A_356 : memref<128xi32, #tpu.memory_space<vmem>>) semaphore(%arg17 : memref<!tpu.dma_semaphore, #tpu.memory_space<semaphore_mem>>)
      } else {
      }
      %while3A_345 = arith.constant 0 : i32
      scf.yield %while3A_345 : i32
    }
    %while3A_260 = arith.constant 1 : i32
    %while3A_261 = scf.for %while3A_284 = %while3A_257 to %while3A_253 step %while3A_260 iter_args(%while3A_285 = %while3A_259) -> (i32)  : i32 {
      %mul3A_286 = arith.constant 3 : i32
      %mul3A_287 = arith.muli %mul3A_286, %while3A_284 : i32
      %add3A_288 = arith.constant 0 : i32
      %add3A_289 = arith.addi %mul3A_287, %add3A_288 : i32
      %dma_wait3A_290 = arith.constant 0 : i32
      %dma_wait3A_291 = tpu.memref_slice %arg8[%add3A_289, %dma_wait3A_290] : memref<84x128xi32, #tpu.memory_space<vmem>> -> memref<1x128xi32, #tpu.memory_space<vmem>>
      %dma_wait3A_292 = tpu.memref_squeeze %dma_wait3A_291 : memref<1x128xi32, #tpu.memory_space<vmem>> -> memref<128xi32, #tpu.memory_space<vmem>>
      %dma_wait3A_293 = arith.constant 0 : i32
      %dma_wait3A_294 = arith.constant 0 : i32
      %dma_wait3A_295 = tpu.memref_slice %arg2[%dma_wait3A_293, %dma_wait3A_294] : memref<10240x128xf32, #tpu.memory_space<hbm>> -> memref<10240x128xf32, #tpu.memory_space<hbm>>
      tpu.wait_indirect_dma semaphore(%arg15 : memref<!tpu.dma_semaphore, #tpu.memory_space<semaphore_mem>>) src(%dma_wait3A_295 : memref<10240x128xf32, #tpu.memory_space<hbm>>) dst(%arg11 : memref<128x128xf32, #tpu.memory_space<vmem>>)
      %dma_start3A_296 = arith.constant 0 : i32
      %dma_start3A_297 = tpu.memref_slice %arg9[%add3A_289, %dma_start3A_296] : memref<84x128xi32, #tpu.memory_space<vmem>> -> memref<1x128xi32, #tpu.memory_space<vmem>>
      %dma_start3A_298 = tpu.memref_squeeze %dma_start3A_297 : memref<1x128xi32, #tpu.memory_space<vmem>> -> memref<128xi32, #tpu.memory_space<vmem>>
      %dma_start3A_299 = arith.constant 0 : i32
      %dma_start3A_300 = arith.constant 0 : i32
      %dma_start3A_301 = tpu.memref_slice %arg14[%dma_start3A_299, %dma_start3A_300] : memref<5128x128xf32, #tpu.memory_space<vmem_shared>> -> memref<5128x128xf32, #tpu.memory_space<vmem_shared>>
      tpu.enqueue_indirect_dma source(%arg11 : memref<128x128xf32, #tpu.memory_space<vmem>>) target(%dma_start3A_301 : memref<5128x128xf32, #tpu.memory_space<vmem_shared>>) offsets(%dma_start3A_298 : memref<128xi32, #tpu.memory_space<vmem>>) semaphore(%arg18 : memref<!tpu.dma_semaphore, #tpu.memory_space<semaphore_mem>>) {add = true}
      %add3A_302 = arith.constant 3 : i32
      %add3A_303 = arith.addi %add3A_289, %add3A_302 : i32
      %lt3A = arith.cmpi slt, %add3A_303, %min3A_204 : i32
      %convert_element_type3A = arith.extui %lt3A : i1 to i32
      %cond3A = arith.constant 0 : i32
      %cond3A_304 = arith.cmpi ne, %convert_element_type3A, %cond3A : i32
      scf.if %cond3A_304 {
        %dma_wait3A_346 = arith.constant 0 : i32
        %dma_wait3A_347 = tpu.memref_slice %arg9[%add3A_289, %dma_wait3A_346] : memref<84x128xi32, #tpu.memory_space<vmem>> -> memref<1x128xi32, #tpu.memory_space<vmem>>
        %dma_wait3A_348 = tpu.memref_squeeze %dma_wait3A_347 : memref<1x128xi32, #tpu.memory_space<vmem>> -> memref<128xi32, #tpu.memory_space<vmem>>
        %dma_wait3A_349 = arith.constant 0 : i32
        %dma_wait3A_350 = arith.constant 0 : i32
        %dma_wait3A_351 = tpu.memref_slice %arg14[%dma_wait3A_349, %dma_wait3A_350] : memref<5128x128xf32, #tpu.memory_space<vmem_shared>> -> memref<5128x128xf32, #tpu.memory_space<vmem_shared>>
        tpu.wait_indirect_dma semaphore(%arg18 : memref<!tpu.dma_semaphore, #tpu.memory_space<semaphore_mem>>) src(%arg11 : memref<128x128xf32, #tpu.memory_space<vmem>>) dst(%dma_wait3A_351 : memref<5128x128xf32, #tpu.memory_space<vmem_shared>>)
        %add3A_352 = arith.constant 3 : i32
        %add3A_353 = arith.addi %add3A_289, %add3A_352 : i32
        %dma_start3A_354 = arith.constant 0 : i32
        %dma_start3A_355 = tpu.memref_slice %arg8[%add3A_353, %dma_start3A_354] : memref<84x128xi32, #tpu.memory_space<vmem>> -> memref<1x128xi32, #tpu.memory_space<vmem>>
        %dma_start3A_356 = tpu.memref_squeeze %dma_start3A_355 : memref<1x128xi32, #tpu.memory_space<vmem>> -> memref<128xi32, #tpu.memory_space<vmem>>
        %dma_start3A_357 = arith.constant 0 : i32
        %dma_start3A_358 = arith.constant 0 : i32
        %dma_start3A_359 = tpu.memref_slice %arg2[%dma_start3A_357, %dma_start3A_358] : memref<10240x128xf32, #tpu.memory_space<hbm>> -> memref<10240x128xf32, #tpu.memory_space<hbm>>
        tpu.enqueue_indirect_dma source(%dma_start3A_359 : memref<10240x128xf32, #tpu.memory_space<hbm>>) target(%arg11 : memref<128x128xf32, #tpu.memory_space<vmem>>) offsets(%dma_start3A_356 : memref<128xi32, #tpu.memory_space<vmem>>) semaphore(%arg15 : memref<!tpu.dma_semaphore, #tpu.memory_space<semaphore_mem>>)
      } else {
      }
      %add3A_305 = arith.constant 1 : i32
      %add3A_306 = arith.addi %mul3A_287, %add3A_305 : i32
      %dma_wait3A_307 = arith.constant 0 : i32
      %dma_wait3A_308 = tpu.memref_slice %arg8[%add3A_306, %dma_wait3A_307] : memref<84x128xi32, #tpu.memory_space<vmem>> -> memref<1x128xi32, #tpu.memory_space<vmem>>
      %dma_wait3A_309 = tpu.memref_squeeze %dma_wait3A_308 : memref<1x128xi32, #tpu.memory_space<vmem>> -> memref<128xi32, #tpu.memory_space<vmem>>
      %dma_wait3A_310 = arith.constant 0 : i32
      %dma_wait3A_311 = arith.constant 0 : i32
      %dma_wait3A_312 = tpu.memref_slice %arg2[%dma_wait3A_310, %dma_wait3A_311] : memref<10240x128xf32, #tpu.memory_space<hbm>> -> memref<10240x128xf32, #tpu.memory_space<hbm>>
      tpu.wait_indirect_dma semaphore(%arg16 : memref<!tpu.dma_semaphore, #tpu.memory_space<semaphore_mem>>) src(%dma_wait3A_312 : memref<10240x128xf32, #tpu.memory_space<hbm>>) dst(%arg12 : memref<128x128xf32, #tpu.memory_space<vmem>>)
      %dma_start3A_313 = arith.constant 0 : i32
      %dma_start3A_314 = tpu.memref_slice %arg9[%add3A_306, %dma_start3A_313] : memref<84x128xi32, #tpu.memory_space<vmem>> -> memref<1x128xi32, #tpu.memory_space<vmem>>
      %dma_start3A_315 = tpu.memref_squeeze %dma_start3A_314 : memref<1x128xi32, #tpu.memory_space<vmem>> -> memref<128xi32, #tpu.memory_space<vmem>>
      %dma_start3A_316 = arith.constant 0 : i32
      %dma_start3A_317 = arith.constant 0 : i32
      %dma_start3A_318 = tpu.memref_slice %arg14[%dma_start3A_316, %dma_start3A_317] : memref<5128x128xf32, #tpu.memory_space<vmem_shared>> -> memref<5128x128xf32, #tpu.memory_space<vmem_shared>>
      tpu.enqueue_indirect_dma source(%arg12 : memref<128x128xf32, #tpu.memory_space<vmem>>) target(%dma_start3A_318 : memref<5128x128xf32, #tpu.memory_space<vmem_shared>>) offsets(%dma_start3A_315 : memref<128xi32, #tpu.memory_space<vmem>>) semaphore(%arg19 : memref<!tpu.dma_semaphore, #tpu.memory_space<semaphore_mem>>) {add = true}
      %add3A_319 = arith.constant 3 : i32
      %add3A_320 = arith.addi %add3A_306, %add3A_319 : i32
      %lt3A_321 = arith.cmpi slt, %add3A_320, %min3A_204 : i32
      %convert_element_type3A_322 = arith.extui %lt3A_321 : i1 to i32
      %cond3A_323 = arith.constant 0 : i32
      %cond3A_324 = arith.cmpi ne, %convert_element_type3A_322, %cond3A_323 : i32
      scf.if %cond3A_324 {
        %dma_wait3A_346 = arith.constant 0 : i32
        %dma_wait3A_347 = tpu.memref_slice %arg9[%add3A_306, %dma_wait3A_346] : memref<84x128xi32, #tpu.memory_space<vmem>> -> memref<1x128xi32, #tpu.memory_space<vmem>>
        %dma_wait3A_348 = tpu.memref_squeeze %dma_wait3A_347 : memref<1x128xi32, #tpu.memory_space<vmem>> -> memref<128xi32, #tpu.memory_space<vmem>>
        %dma_wait3A_349 = arith.constant 0 : i32
        %dma_wait3A_350 = arith.constant 0 : i32
        %dma_wait3A_351 = tpu.memref_slice %arg14[%dma_wait3A_349, %dma_wait3A_350] : memref<5128x128xf32, #tpu.memory_space<vmem_shared>> -> memref<5128x128xf32, #tpu.memory_space<vmem_shared>>
        tpu.wait_indirect_dma semaphore(%arg19 : memref<!tpu.dma_semaphore, #tpu.memory_space<semaphore_mem>>) src(%arg12 : memref<128x128xf32, #tpu.memory_space<vmem>>) dst(%dma_wait3A_351 : memref<5128x128xf32, #tpu.memory_space<vmem_shared>>)
        %add3A_352 = arith.constant 3 : i32
        %add3A_353 = arith.addi %add3A_306, %add3A_352 : i32
        %dma_start3A_354 = arith.constant 0 : i32
        %dma_start3A_355 = tpu.memref_slice %arg8[%add3A_353, %dma_start3A_354] : memref<84x128xi32, #tpu.memory_space<vmem>> -> memref<1x128xi32, #tpu.memory_space<vmem>>
        %dma_start3A_356 = tpu.memref_squeeze %dma_start3A_355 : memref<1x128xi32, #tpu.memory_space<vmem>> -> memref<128xi32, #tpu.memory_space<vmem>>
        %dma_start3A_357 = arith.constant 0 : i32
        %dma_start3A_358 = arith.constant 0 : i32
        %dma_start3A_359 = tpu.memref_slice %arg2[%dma_start3A_357, %dma_start3A_358] : memref<10240x128xf32, #tpu.memory_space<hbm>> -> memref<10240x128xf32, #tpu.memory_space<hbm>>
        tpu.enqueue_indirect_dma source(%dma_start3A_359 : memref<10240x128xf32, #tpu.memory_space<hbm>>) target(%arg12 : memref<128x128xf32, #tpu.memory_space<vmem>>) offsets(%dma_start3A_356 : memref<128xi32, #tpu.memory_space<vmem>>) semaphore(%arg16 : memref<!tpu.dma_semaphore, #tpu.memory_space<semaphore_mem>>)
      } else {
      }
      %add3A_325 = arith.constant 2 : i32
      %add3A_326 = arith.addi %mul3A_287, %add3A_325 : i32
      %dma_wait3A_327 = arith.constant 0 : i32
      %dma_wait3A_328 = tpu.memref_slice %arg8[%add3A_326, %dma_wait3A_327] : memref<84x128xi32, #tpu.memory_space<vmem>> -> memref<1x128xi32, #tpu.memory_space<vmem>>
      %dma_wait3A_329 = tpu.memref_squeeze %dma_wait3A_328 : memref<1x128xi32, #tpu.memory_space<vmem>> -> memref<128xi32, #tpu.memory_space<vmem>>
      %dma_wait3A_330 = arith.constant 0 : i32
      %dma_wait3A_331 = arith.constant 0 : i32
      %dma_wait3A_332 = tpu.memref_slice %arg2[%dma_wait3A_330, %dma_wait3A_331] : memref<10240x128xf32, #tpu.memory_space<hbm>> -> memref<10240x128xf32, #tpu.memory_space<hbm>>
      tpu.wait_indirect_dma semaphore(%arg17 : memref<!tpu.dma_semaphore, #tpu.memory_space<semaphore_mem>>) src(%dma_wait3A_332 : memref<10240x128xf32, #tpu.memory_space<hbm>>) dst(%arg13 : memref<128x128xf32, #tpu.memory_space<vmem>>)
      %dma_start3A_333 = arith.constant 0 : i32
      %dma_start3A_334 = tpu.memref_slice %arg9[%add3A_326, %dma_start3A_333] : memref<84x128xi32, #tpu.memory_space<vmem>> -> memref<1x128xi32, #tpu.memory_space<vmem>>
      %dma_start3A_335 = tpu.memref_squeeze %dma_start3A_334 : memref<1x128xi32, #tpu.memory_space<vmem>> -> memref<128xi32, #tpu.memory_space<vmem>>
      %dma_start3A_336 = arith.constant 0 : i32
      %dma_start3A_337 = arith.constant 0 : i32
      %dma_start3A_338 = tpu.memref_slice %arg14[%dma_start3A_336, %dma_start3A_337] : memref<5128x128xf32, #tpu.memory_space<vmem_shared>> -> memref<5128x128xf32, #tpu.memory_space<vmem_shared>>
      tpu.enqueue_indirect_dma source(%arg13 : memref<128x128xf32, #tpu.memory_space<vmem>>) target(%dma_start3A_338 : memref<5128x128xf32, #tpu.memory_space<vmem_shared>>) offsets(%dma_start3A_335 : memref<128xi32, #tpu.memory_space<vmem>>) semaphore(%arg20 : memref<!tpu.dma_semaphore, #tpu.memory_space<semaphore_mem>>) {add = true}
      %add3A_339 = arith.constant 3 : i32
      %add3A_340 = arith.addi %add3A_326, %add3A_339 : i32
      %lt3A_341 = arith.cmpi slt, %add3A_340, %min3A_204 : i32
      %convert_element_type3A_342 = arith.extui %lt3A_341 : i1 to i32
      %cond3A_343 = arith.constant 0 : i32
      %cond3A_344 = arith.cmpi ne, %convert_element_type3A_342, %cond3A_343 : i32
      scf.if %cond3A_344 {
        %dma_wait3A_346 = arith.constant 0 : i32
        %dma_wait3A_347 = tpu.memref_slice %arg9[%add3A_326, %dma_wait3A_346] : memref<84x128xi32, #tpu.memory_space<vmem>> -> memref<1x128xi32, #tpu.memory_space<vmem>>
        %dma_wait3A_348 = tpu.memref_squeeze %dma_wait3A_347 : memref<1x128xi32, #tpu.memory_space<vmem>> -> memref<128xi32, #tpu.memory_space<vmem>>
        %dma_wait3A_349 = arith.constant 0 : i32
        %dma_wait3A_350 = arith.constant 0 : i32
        %dma_wait3A_351 = tpu.memref_slice %arg14[%dma_wait3A_349, %dma_wait3A_350] : memref<5128x128xf32, #tpu.memory_space<vmem_shared>> -> memref<5128x128xf32, #tpu.memory_space<vmem_shared>>
        tpu.wait_indirect_dma semaphore(%arg20 : memref<!tpu.dma_semaphore, #tpu.memory_space<semaphore_mem>>) src(%arg13 : memref<128x128xf32, #tpu.memory_space<vmem>>) dst(%dma_wait3A_351 : memref<5128x128xf32, #tpu.memory_space<vmem_shared>>)
        %add3A_352 = arith.constant 3 : i32
        %add3A_353 = arith.addi %add3A_326, %add3A_352 : i32
        %dma_start3A_354 = arith.constant 0 : i32
        %dma_start3A_355 = tpu.memref_slice %arg8[%add3A_353, %dma_start3A_354] : memref<84x128xi32, #tpu.memory_space<vmem>> -> memref<1x128xi32, #tpu.memory_space<vmem>>
        %dma_start3A_356 = tpu.memref_squeeze %dma_start3A_355 : memref<1x128xi32, #tpu.memory_space<vmem>> -> memref<128xi32, #tpu.memory_space<vmem>>
        %dma_start3A_357 = arith.constant 0 : i32
        %dma_start3A_358 = arith.constant 0 : i32
        %dma_start3A_359 = tpu.memref_slice %arg2[%dma_start3A_357, %dma_start3A_358] : memref<10240x128xf32, #tpu.memory_space<hbm>> -> memref<10240x128xf32, #tpu.memory_space<hbm>>
        tpu.enqueue_indirect_dma source(%dma_start3A_359 : memref<10240x128xf32, #tpu.memory_space<hbm>>) target(%arg13 : memref<128x128xf32, #tpu.memory_space<vmem>>) offsets(%dma_start3A_356 : memref<128xi32, #tpu.memory_space<vmem>>) semaphore(%arg17 : memref<!tpu.dma_semaphore, #tpu.memory_space<semaphore_mem>>)
      } else {
      }
      %while3A_345 = arith.constant 0 : i32
      scf.yield %while3A_345 : i32
    }
    %dma_wait3A_262 = arith.constant 0 : i32
    %dma_wait3A_263 = arith.constant 0 : i32
    %dma_wait3A_264 = tpu.memref_slice %arg9[%dma_wait3A_262, %dma_wait3A_263] : memref<84x128xi32, #tpu.memory_space<vmem>> -> memref<1x128xi32, #tpu.memory_space<vmem>>
    %dma_wait3A_265 = tpu.memref_squeeze %dma_wait3A_264 : memref<1x128xi32, #tpu.memory_space<vmem>> -> memref<128xi32, #tpu.memory_space<vmem>>
    %dma_wait3A_266 = arith.constant 0 : i32
    %dma_wait3A_267 = arith.constant 0 : i32
    %dma_wait3A_268 = tpu.memref_slice %arg14[%dma_wait3A_266, %dma_wait3A_267] : memref<5128x128xf32, #tpu.memory_space<vmem_shared>> -> memref<5128x128xf32, #tpu.memory_space<vmem_shared>>
    tpu.wait_indirect_dma semaphore(%arg18 : memref<!tpu.dma_semaphore, #tpu.memory_space<semaphore_mem>>) src(%arg11 : memref<128x128xf32, #tpu.memory_space<vmem>>) dst(%dma_wait3A_268 : memref<5128x128xf32, #tpu.memory_space<vmem_shared>>)
    %dma_wait3A_269 = arith.constant 1 : i32
    %dma_wait3A_270 = arith.constant 0 : i32
    %dma_wait3A_271 = tpu.memref_slice %arg9[%dma_wait3A_269, %dma_wait3A_270] : memref<84x128xi32, #tpu.memory_space<vmem>> -> memref<1x128xi32, #tpu.memory_space<vmem>>
    %dma_wait3A_272 = tpu.memref_squeeze %dma_wait3A_271 : memref<1x128xi32, #tpu.memory_space<vmem>> -> memref<128xi32, #tpu.memory_space<vmem>>
    %dma_wait3A_273 = arith.constant 0 : i32
    %dma_wait3A_274 = arith.constant 0 : i32
    %dma_wait3A_275 = tpu.memref_slice %arg14[%dma_wait3A_273, %dma_wait3A_274] : memref<5128x128xf32, #tpu.memory_space<vmem_shared>> -> memref<5128x128xf32, #tpu.memory_space<vmem_shared>>
    tpu.wait_indirect_dma semaphore(%arg19 : memref<!tpu.dma_semaphore, #tpu.memory_space<semaphore_mem>>) src(%arg12 : memref<128x128xf32, #tpu.memory_space<vmem>>) dst(%dma_wait3A_275 : memref<5128x128xf32, #tpu.memory_space<vmem_shared>>)
    %dma_wait3A_276 = arith.constant 2 : i32
    %dma_wait3A_277 = arith.constant 0 : i32
    %dma_wait3A_278 = tpu.memref_slice %arg9[%dma_wait3A_276, %dma_wait3A_277] : memref<84x128xi32, #tpu.memory_space<vmem>> -> memref<1x128xi32, #tpu.memory_space<vmem>>
    %dma_wait3A_279 = tpu.memref_squeeze %dma_wait3A_278 : memref<1x128xi32, #tpu.memory_space<vmem>> -> memref<128xi32, #tpu.memory_space<vmem>>
    %dma_wait3A_280 = arith.constant 0 : i32
    %dma_wait3A_281 = arith.constant 0 : i32
    %dma_wait3A_282 = tpu.memref_slice %arg14[%dma_wait3A_280, %dma_wait3A_281] : memref<5128x128xf32, #tpu.memory_space<vmem_shared>> -> memref<5128x128xf32, #tpu.memory_space<vmem_shared>>
    tpu.wait_indirect_dma semaphore(%arg20 : memref<!tpu.dma_semaphore, #tpu.memory_space<semaphore_mem>>) src(%arg13 : memref<128x128xf32, #tpu.memory_space<vmem>>) dst(%dma_wait3A_282 : memref<5128x128xf32, #tpu.memory_space<vmem_shared>>)
    %barrier3A_283 = arith.constant 0 : index
    tpu.barrier barrier_id(%barrier3A_283)
    "tpu.region"() ({
      %run_scoped3A = tpu.sem_alloc : memref<!tpu.dma_semaphore, #tpu.memory_space<semaphore_mem>>
      %dma_start3A_284 = arith.constant 0 : i32
      %dma_start3A_285 = tpu.memref_slice %arg7[%arg0, %mul3A_0, %dma_start3A_284] : memref<2x5120x128xf32, #tpu.memory_space<hbm>> -> memref<1x320x128xf32, #tpu.memory_space<hbm>>
      %dma_start3A_286 = tpu.memref_squeeze %dma_start3A_285 : memref<1x320x128xf32, #tpu.memory_space<hbm>> -> memref<320x128xf32, #tpu.memory_space<hbm>>
      %dma_start3A_287 = arith.constant 0 : i32
      %dma_start3A_288 = tpu.memref_slice %arg14[%mul3A_0, %dma_start3A_287] : memref<5128x128xf32, #tpu.memory_space<vmem_shared>> -> memref<320x128xf32, #tpu.memory_space<vmem_shared>>
      tpu.enqueue_dma source(%dma_start3A_288 : memref<320x128xf32, #tpu.memory_space<vmem_shared>>) target(%dma_start3A_286 : memref<320x128xf32, #tpu.memory_space<hbm>>) target_semaphore(%run_scoped3A : memref<!tpu.dma_semaphore, #tpu.memory_space<semaphore_mem>>)
      %dma_wait3A_289 = arith.constant 0 : i32
      %dma_wait3A_290 = tpu.memref_slice %arg7[%arg0, %mul3A_0, %dma_wait3A_289] : memref<2x5120x128xf32, #tpu.memory_space<hbm>> -> memref<1x320x128xf32, #tpu.memory_space<hbm>>
      %dma_wait3A_291 = tpu.memref_squeeze %dma_wait3A_290 : memref<1x320x128xf32, #tpu.memory_space<hbm>> -> memref<320x128xf32, #tpu.memory_space<hbm>>
      %dma_wait3A_292 = arith.constant 0 : i32
      %dma_wait3A_293 = tpu.memref_slice %arg14[%mul3A_0, %dma_wait3A_292] : memref<5128x128xf32, #tpu.memory_space<vmem_shared>> -> memref<320x128xf32, #tpu.memory_space<vmem_shared>>
      tpu.wait_dma2 semaphore(%run_scoped3A : memref<!tpu.dma_semaphore, #tpu.memory_space<semaphore_mem>>) src(%dma_wait3A_293 : memref<320x128xf32, #tpu.memory_space<vmem_shared>>) dst(%dma_wait3A_291 : memref<320x128xf32, #tpu.memory_space<hbm>>)
      tpu.yield
    }) : () -> ()
    return
  }
}

module attributes {stable_mosaic.version = 14 : i64} {
  func.func @body(%arg0: i32, %arg1: memref<1280x128xf32, #tpu.memory_space<vmem>>, %arg2: memref<128x128xf32, #tpu.memory_space<vmem>>, %arg3: memref<1280x128xf32, #tpu.memory_space<vmem>>) attributes {dimension_semantics = [#tpu.dimension_semantics<arbitrary>], iteration_bounds = array<i64: 8>, scalar_prefetch = 0 : i64, scratch_operands = 0 : i64, tpu.core_type = #tpu.core_type<tc>, window_params = [{transform_indices = @transform_0, window_bounds = array<i64: 1280, 128>}, {pipeline_mode = #tpu.pipeline_mode<synchronous>, transform_indices = @transform_1, window_bounds = array<i64: 128, 128>}, {transform_indices = @transform_2, window_bounds = array<i64: 1280, 128>}]} {
    %get3A = arith.constant 0 : index
    %get3A_0 = arith.constant 0 : index
    %get3A_1 = vector.load %arg1[%get3A, %get3A_0] : memref<1280x128xf32, #tpu.memory_space<vmem>>, vector<1280x128xf32>
    %get3A_2 = arith.constant 0 : index
    %get3A_3 = arith.constant 0 : index
    %get3A_4 = vector.load %arg2[%get3A_2, %get3A_3] : memref<128x128xf32, #tpu.memory_space<vmem>>, vector<128x128xf32>
    %dot_general3A = arith.constant dense<0.000000e+00> : vector<1280x128xf32>
    %dot_general3A_5 = tpu.matmul %get3A_1, %get3A_4, %dot_general3A {dimension_numbers = #tpu.dot_dimension_numbers<[1], [0], [0], [1], [0, 0, 1, 1], [], []>, transpose_lhs_hint = false} : vector<1280x128xf32>, vector<128x128xf32>, vector<1280x128xf32> -> vector<1280x128xf32>
    %swap3A = arith.constant 0 : index
    %swap3A_6 = arith.constant 0 : index
    %swap3A_7 = vector.load %arg3[%swap3A, %swap3A_6] : memref<1280x128xf32, #tpu.memory_space<vmem>>, vector<1280x128xf32>
    tpu.vector_store %arg3[%swap3A, %swap3A_6], %dot_general3A_5 {strides = array<i32>} : memref<1280x128xf32, #tpu.memory_space<vmem>>, vector<1280x128xf32>,
    return
  }
  func.func @transform_0(%arg0: i32) -> (i32, i32) {
    %c0_i32 = arith.constant 0 : i32
    %c0_i32_0 = arith.constant 0 : i32
    return %arg0, %c0_i32 : i32, i32
  }
  func.func @transform_1(%arg0: i32) -> (i32, i32) {
    %c0_i32 = arith.constant 0 : i32
    %c0_i32_0 = arith.constant 0 : i32
    %c0_i32_1 = arith.constant 0 : i32
    return %c0_i32, %c0_i32_0 : i32, i32
  }
  func.func @transform_2(%arg0: i32) -> (i32, i32) {
    %c0_i32 = arith.constant 0 : i32
    %c0_i32_0 = arith.constant 0 : i32
    return %arg0, %c0_i32 : i32, i32
  }
}

module attributes {stable_mosaic.version = 14 : i64} {
  func.func @body(%arg0: i32, %arg1: memref<2x1280x16xf32, #tpu.memory_space<vmem>>, %arg2: memref<1280x128xf32, #tpu.memory_space<vmem>>, %arg3: memref<1280x128xf32, #tpu.memory_space<vmem>>, %arg4: memref<1280x128xf32, #tpu.memory_space<vmem>>) attributes {dimension_semantics = [#tpu.dimension_semantics<arbitrary>], iteration_bounds = array<i64: 8>, scalar_prefetch = 0 : i64, scratch_operands = 0 : i64, tpu.core_type = #tpu.core_type<tc>, window_params = [{transform_indices = @transform_0, window_bounds = array<i64: 2, 1280, 16>}, {transform_indices = @transform_1, window_bounds = array<i64: 1280, 128>}, {transform_indices = @transform_2, window_bounds = array<i64: 1280, 128>}, {transform_indices = @transform_3, window_bounds = array<i64: 1280, 128>}]} {
    %get3A = arith.constant 0 : index
    %get3A_0 = arith.constant 0 : index
    %get3A_1 = arith.constant 0 : index
    %get3A_2 = vector.load %arg1[%get3A, %get3A_0, %get3A_1] : memref<2x1280x16xf32, #tpu.memory_space<vmem>>, vector<1x1280x16xf32>
    %get3A_3 = vector.shape_cast %get3A_2 : vector<1x1280x16xf32> to vector<1280x16xf32>
    %get3A_4 = arith.constant 1 : index
    %get3A_5 = arith.constant 0 : index
    %get3A_6 = arith.constant 0 : index
    %get3A_7 = vector.load %arg1[%get3A_4, %get3A_5, %get3A_6] : memref<2x1280x16xf32, #tpu.memory_space<vmem>>, vector<1x1280x16xf32>
    %get3A_8 = vector.shape_cast %get3A_7 : vector<1x1280x16xf32> to vector<1280x16xf32>
    %add3A = arith.addf %get3A_3, %get3A_8 : vector<1280x16xf32>
    %slice3A = vector.extract_strided_slice %add3A {offsets = [0, 0], sizes = [1280, 1], strides = [1, 1]} : vector<1280x16xf32> to vector<1280x1xf32>
    %add3A_9 = arith.constant 1.000000e+00 : f32
    %add3A_10 = vector.broadcast %add3A_9 : f32 to vector<1280x1xf32>
    %add3A_11 = arith.addf %slice3A, %add3A_10 : vector<1280x1xf32>
    %sqrt3A = math.sqrt %add3A_11 : vector<1280x1xf32>
    %div3A = arith.constant 1.000000e+00 : f32
    %div3A_12 = vector.broadcast %div3A : f32 to vector<1280x1xf32>
    %div3A_13 = arith.divf %div3A_12, %sqrt3A : vector<1280x1xf32>
    %broadcast_in_dim3A = vector.shape_cast %div3A_13 : vector<1280x1xf32> to vector<1280x1xf32>
    %broadcast_in_dim3A_14 = vector.broadcast %broadcast_in_dim3A : vector<1280x1xf32> to vector<1280x128xf32>
    %swap3A = arith.constant 0 : index
    %swap3A_15 = arith.constant 0 : index
    %swap3A_16 = vector.load %arg3[%swap3A, %swap3A_15] : memref<1280x128xf32, #tpu.memory_space<vmem>>, vector<1280x128xf32>
    tpu.vector_store %arg3[%swap3A, %swap3A_15], %broadcast_in_dim3A_14 {strides = array<i32>} : memref<1280x128xf32, #tpu.memory_space<vmem>>, vector<1280x128xf32>,
    %get3A_17 = arith.constant 0 : index
    %get3A_18 = arith.constant 0 : index
    %get3A_19 = vector.load %arg2[%get3A_17, %get3A_18] : memref<1280x128xf32, #tpu.memory_space<vmem>>, vector<1280x128xf32>
    %mul3A = arith.mulf %broadcast_in_dim3A_14, %get3A_19 : vector<1280x128xf32>
    %swap3A_20 = arith.constant 0 : index
    %swap3A_21 = arith.constant 0 : index
    %swap3A_22 = vector.load %arg4[%swap3A_20, %swap3A_21] : memref<1280x128xf32, #tpu.memory_space<vmem>>, vector<1280x128xf32>
    tpu.vector_store %arg4[%swap3A_20, %swap3A_21], %mul3A {strides = array<i32>} : memref<1280x128xf32, #tpu.memory_space<vmem>>, vector<1280x128xf32>,
    return
  }
  func.func @transform_0(%arg0: i32) -> (i32, i32, i32) {
    %c0_i32 = arith.constant 0 : i32
    %c0_i32_0 = arith.constant 0 : i32
    %c0_i32_1 = arith.constant 0 : i32
    return %c0_i32, %arg0, %c0_i32_0 : i32, i32, i32
  }
  func.func @transform_1(%arg0: i32) -> (i32, i32) {
    %c0_i32 = arith.constant 0 : i32
    %c0_i32_0 = arith.constant 0 : i32
    return %arg0, %c0_i32 : i32, i32
  }
  func.func @transform_2(%arg0: i32) -> (i32, i32) {
    %c0_i32 = arith.constant 0 : i32
    %c0_i32_0 = arith.constant 0 : i32
    return %arg0, %c0_i32 : i32, i32
  }
  func.func @transform_3(%arg0: i32) -> (i32, i32) {
    %c0_i32 = arith.constant 0 : i32
    %c0_i32_0 = arith.constant 0 : i32
    return %arg0, %c0_i32 : i32, i32
  }
}

module attributes {stable_mosaic.version = 14 : i64} {
  func.func @body(%arg0: i32, %arg1: memref<1x1280x128xf32, #tpu.memory_space<vmem>>, %arg2: memref<1280x128xf32, #tpu.memory_space<vmem>>, %arg3: memref<1280x128xf32, #tpu.memory_space<vmem>>, %arg4: memref<1x128xf32, #tpu.memory_space<vmem>>, %arg5: memref<128x128xf32, #tpu.memory_space<vmem>>, %arg6: memref<1280x128xf32, #tpu.memory_space<vmem>>) attributes {dimension_semantics = [#tpu.dimension_semantics<arbitrary>], iteration_bounds = array<i64: 8>, scalar_prefetch = 0 : i64, scratch_operands = 0 : i64, tpu.core_type = #tpu.core_type<tc>, window_params = [{transform_indices = @transform_0, window_bounds = array<i64: 1, 1280, 128>}, {transform_indices = @transform_1, window_bounds = array<i64: 1280, 128>}, {transform_indices = @transform_2, window_bounds = array<i64: 1280, 128>}, {pipeline_mode = #tpu.pipeline_mode<synchronous>, transform_indices = @transform_3, window_bounds = array<i64: 1, 128>}, {pipeline_mode = #tpu.pipeline_mode<synchronous>, transform_indices = @transform_4, window_bounds = array<i64: 128, 128>}, {transform_indices = @transform_5, window_bounds = array<i64: 1280, 128>}]} {
    %get3A = arith.constant 0 : index
    %get3A_0 = arith.constant 0 : index
    %get3A_1 = vector.load %arg3[%get3A, %get3A_0] : memref<1280x128xf32, #tpu.memory_space<vmem>>, vector<1280x128xf32>
    %get3A_2 = arith.constant 0 : index
    %get3A_3 = arith.constant 0 : index
    %get3A_4 = arith.constant 0 : index
    %get3A_5 = vector.load %arg1[%get3A_2, %get3A_3, %get3A_4] : memref<1x1280x128xf32, #tpu.memory_space<vmem>>, vector<1x1280x128xf32>
    %get3A_6 = vector.shape_cast %get3A_5 : vector<1x1280x128xf32> to vector<1280x128xf32>
    %get3A_7 = arith.constant 0 : index
    %get3A_8 = arith.constant 0 : index
    %get3A_9 = vector.load %arg2[%get3A_7, %get3A_8] : memref<1280x128xf32, #tpu.memory_space<vmem>>, vector<1280x128xf32>
    %add3A = arith.addf %get3A_6, %get3A_9 : vector<1280x128xf32>
    %mul3A = arith.mulf %get3A_1, %add3A : vector<1280x128xf32>
    %get3A_10 = arith.constant 0 : index
    %get3A_11 = arith.constant 0 : index
    %get3A_12 = vector.load %arg4[%get3A_10, %get3A_11] : memref<1x128xf32, #tpu.memory_space<vmem>>, vector<1x128xf32>
    %add3A_13 = vector.broadcast %get3A_12 : vector<1x128xf32> to vector<1280x128xf32>
    %add3A_14 = arith.addf %mul3A, %add3A_13 : vector<1280x128xf32>
    %ge3A = arith.constant 0.000000e+00 : f32
    %ge3A_15 = vector.broadcast %ge3A : f32 to vector<1280x128xf32>
    %ge3A_16 = arith.cmpf oge, %add3A_14, %ge3A_15 : vector<1280x128xf32>
    %mul3A_17 = arith.constant 0.00999999977 : f32
    %mul3A_18 = vector.broadcast %mul3A_17 : f32 to vector<1280x128xf32>
    %mul3A_19 = arith.mulf %mul3A_18, %add3A_14 : vector<1280x128xf32>
    %select_n3A = arith.select %ge3A_16, %add3A_14, %mul3A_19 : vector<1280x128xi1>, vector<1280x128xf32>
    %get3A_20 = arith.constant 0 : index
    %get3A_21 = arith.constant 0 : index
    %get3A_22 = vector.load %arg3[%get3A_20, %get3A_21] : memref<1280x128xf32, #tpu.memory_space<vmem>>, vector<1280x128xf32>
    %get3A_23 = arith.constant 0 : index
    %get3A_24 = arith.constant 0 : index
    %get3A_25 = vector.load %arg5[%get3A_23, %get3A_24] : memref<128x128xf32, #tpu.memory_space<vmem>>, vector<128x128xf32>
    %dot_general3A = arith.constant dense<0.000000e+00> : vector<1280x128xf32>
    %dot_general3A_26 = tpu.matmul %select_n3A, %get3A_25, %dot_general3A {dimension_numbers = #tpu.dot_dimension_numbers<[1], [0], [0], [1], [0, 0, 1, 1], [], []>, transpose_lhs_hint = false} : vector<1280x128xf32>, vector<128x128xf32>, vector<1280x128xf32> -> vector<1280x128xf32>
    %mul3A_27 = arith.mulf %get3A_22, %dot_general3A_26 : vector<1280x128xf32>
    %swap3A = arith.constant 0 : index
    %swap3A_28 = arith.constant 0 : index
    %swap3A_29 = vector.load %arg6[%swap3A, %swap3A_28] : memref<1280x128xf32, #tpu.memory_space<vmem>>, vector<1280x128xf32>
    tpu.vector_store %arg6[%swap3A, %swap3A_28], %mul3A_27 {strides = array<i32>} : memref<1280x128xf32, #tpu.memory_space<vmem>>, vector<1280x128xf32>,
    return
  }
  func.func @transform_0(%arg0: i32) -> (i32, i32, i32) {
    %jit3A = arith.constant 4 : i32
    %div3A = arith.divsi %arg0, %jit3A : i32
    %sign3A = arith.constant 0 : i32
    %sign3A_0 = arith.cmpi sgt, %arg0, %sign3A : i32
    %sign3A_1 = arith.extui %sign3A_0 : i1 to i32
    %sign3A_2 = arith.constant 0 : i32
    %sign3A_3 = arith.cmpi slt, %arg0, %sign3A_2 : i32
    %sign3A_4 = arith.extui %sign3A_3 : i1 to i32
    %sign3A_5 = arith.subi %sign3A_1, %sign3A_4 : i32
    %sign3A_6 = arith.constant 0 : i32
    %sign3A_7 = arith.cmpi sgt, %jit3A, %sign3A_6 : i32
    %sign3A_8 = arith.extui %sign3A_7 : i1 to i32
    %sign3A_9 = arith.constant 0 : i32
    %sign3A_10 = arith.cmpi slt, %jit3A, %sign3A_9 : i32
    %sign3A_11 = arith.extui %sign3A_10 : i1 to i32
    %sign3A_12 = arith.subi %sign3A_8, %sign3A_11 : i32
    %ne3A = arith.cmpi ne, %sign3A_5, %sign3A_12 : i32
    %rem3A = arith.remsi %arg0, %jit3A : i32
    %ne3A_13 = arith.constant 0 : i32
    %ne3A_14 = arith.cmpi ne, %rem3A, %ne3A_13 : i32
    %and3A = arith.andi %ne3A, %ne3A_14 : i1
    %sub3A = arith.constant 1 : i32
    %sub3A_15 = arith.subi %div3A, %sub3A : i32
    %select_n3A = arith.select %and3A, %sub3A_15, %div3A : i32
    %jit3A_16 = arith.constant 4 : i32
    %eq3A = arith.constant 0 : i32
    %eq3A_17 = arith.cmpi eq, %jit3A_16, %eq3A : i32
    %jit3A_18 = arith.constant 1 : i32
    %select_n3A_19 = arith.select %eq3A_17, %jit3A_18, %jit3A_16 : i32
    %rem3A_20 = arith.remsi %arg0, %select_n3A_19 : i32
    %ne3A_21 = arith.constant 0 : i32
    %ne3A_22 = arith.cmpi ne, %rem3A_20, %ne3A_21 : i32
    %lt3A = arith.constant 0 : i32
    %lt3A_23 = arith.cmpi slt, %rem3A_20, %lt3A : i32
    %lt3A_24 = arith.constant 0 : i32
    %lt3A_25 = arith.cmpi slt, %select_n3A_19, %lt3A_24 : i32
    %ne3A_26 = arith.xori %lt3A_23, %lt3A_25 : i1
    %and3A_27 = arith.andi %ne3A_26, %ne3A_22 : i1
    %add3A = arith.addi %rem3A_20, %select_n3A_19 : i32
    %select_n3A_28 = arith.select %and3A_27, %add3A, %rem3A_20 : i32
    %c0_i32 = arith.constant 0 : i32
    %c0_i32_29 = arith.constant 0 : i32
    return %select_n3A, %select_n3A_28, %c0_i32 : i32, i32, i32
  }
  func.func @transform_1(%arg0: i32) -> (i32, i32) {
    %c0_i32 = arith.constant 0 : i32
    %c0_i32_0 = arith.constant 0 : i32
    return %arg0, %c0_i32 : i32, i32
  }
  func.func @transform_2(%arg0: i32) -> (i32, i32) {
    %c0_i32 = arith.constant 0 : i32
    %c0_i32_0 = arith.constant 0 : i32
    return %arg0, %c0_i32 : i32, i32
  }
  func.func @transform_3(%arg0: i32) -> (i32, i32) {
    %c0_i32 = arith.constant 0 : i32
    %c0_i32_0 = arith.constant 0 : i32
    %c0_i32_1 = arith.constant 0 : i32
    return %c0_i32, %c0_i32_0 : i32, i32
  }
  func.func @transform_4(%arg0: i32) -> (i32, i32) {
    %c0_i32 = arith.constant 0 : i32
    %c0_i32_0 = arith.constant 0 : i32
    %c0_i32_1 = arith.constant 0 : i32
    return %c0_i32, %c0_i32_0 : i32, i32
  }
  func.func @transform_5(%arg0: i32) -> (i32, i32) {
    %c0_i32 = arith.constant 0 : i32
    %c0_i32_0 = arith.constant 0 : i32
    return %arg0, %c0_i32 : i32, i32
  }
}

module attributes {stable_mosaic.version = 14 : i64} {
  func.func @body(%arg0: i32, %arg1: memref<1x1280x128xf32, #tpu.memory_space<vmem>>, %arg2: memref<1280x128xf32, #tpu.memory_space<vmem>>, %arg3: memref<1280x128xf32, #tpu.memory_space<vmem>>, %arg4: memref<1x128xf32, #tpu.memory_space<vmem>>, %arg5: memref<1280x128xf32, #tpu.memory_space<vmem>>) attributes {dimension_semantics = [#tpu.dimension_semantics<arbitrary>], iteration_bounds = array<i64: 8>, scalar_prefetch = 0 : i64, scratch_operands = 0 : i64, tpu.core_type = #tpu.core_type<tc>, window_params = [{transform_indices = @transform_0, window_bounds = array<i64: 1, 1280, 128>}, {transform_indices = @transform_1, window_bounds = array<i64: 1280, 128>}, {transform_indices = @transform_2, window_bounds = array<i64: 1280, 128>}, {pipeline_mode = #tpu.pipeline_mode<synchronous>, transform_indices = @transform_3, window_bounds = array<i64: 1, 128>}, {transform_indices = @transform_4, window_bounds = array<i64: 1280, 128>}]} {
    %get3A = arith.constant 0 : index
    %get3A_0 = arith.constant 0 : index
    %get3A_1 = vector.load %arg3[%get3A, %get3A_0] : memref<1280x128xf32, #tpu.memory_space<vmem>>, vector<1280x128xf32>
    %get3A_2 = arith.constant 0 : index
    %get3A_3 = arith.constant 0 : index
    %get3A_4 = arith.constant 0 : index
    %get3A_5 = vector.load %arg1[%get3A_2, %get3A_3, %get3A_4] : memref<1x1280x128xf32, #tpu.memory_space<vmem>>, vector<1x1280x128xf32>
    %get3A_6 = vector.shape_cast %get3A_5 : vector<1x1280x128xf32> to vector<1280x128xf32>
    %get3A_7 = arith.constant 0 : index
    %get3A_8 = arith.constant 0 : index
    %get3A_9 = vector.load %arg2[%get3A_7, %get3A_8] : memref<1280x128xf32, #tpu.memory_space<vmem>>, vector<1280x128xf32>
    %add3A = arith.addf %get3A_6, %get3A_9 : vector<1280x128xf32>
    %mul3A = arith.mulf %get3A_1, %add3A : vector<1280x128xf32>
    %get3A_10 = arith.constant 0 : index
    %get3A_11 = arith.constant 0 : index
    %get3A_12 = vector.load %arg4[%get3A_10, %get3A_11] : memref<1x128xf32, #tpu.memory_space<vmem>>, vector<1x128xf32>
    %add3A_13 = vector.broadcast %get3A_12 : vector<1x128xf32> to vector<1280x128xf32>
    %add3A_14 = arith.addf %mul3A, %add3A_13 : vector<1280x128xf32>
    %swap3A = arith.constant 0 : index
    %swap3A_15 = arith.constant 0 : index
    %swap3A_16 = vector.load %arg5[%swap3A, %swap3A_15] : memref<1280x128xf32, #tpu.memory_space<vmem>>, vector<1280x128xf32>
    tpu.vector_store %arg5[%swap3A, %swap3A_15], %add3A_14 {strides = array<i32>} : memref<1280x128xf32, #tpu.memory_space<vmem>>, vector<1280x128xf32>,
    return
  }
  func.func @transform_0(%arg0: i32) -> (i32, i32, i32) {
    %jit3A = arith.constant 4 : i32
    %div3A = arith.divsi %arg0, %jit3A : i32
    %sign3A = arith.constant 0 : i32
    %sign3A_0 = arith.cmpi sgt, %arg0, %sign3A : i32
    %sign3A_1 = arith.extui %sign3A_0 : i1 to i32
    %sign3A_2 = arith.constant 0 : i32
    %sign3A_3 = arith.cmpi slt, %arg0, %sign3A_2 : i32
    %sign3A_4 = arith.extui %sign3A_3 : i1 to i32
    %sign3A_5 = arith.subi %sign3A_1, %sign3A_4 : i32
    %sign3A_6 = arith.constant 0 : i32
    %sign3A_7 = arith.cmpi sgt, %jit3A, %sign3A_6 : i32
    %sign3A_8 = arith.extui %sign3A_7 : i1 to i32
    %sign3A_9 = arith.constant 0 : i32
    %sign3A_10 = arith.cmpi slt, %jit3A, %sign3A_9 : i32
    %sign3A_11 = arith.extui %sign3A_10 : i1 to i32
    %sign3A_12 = arith.subi %sign3A_8, %sign3A_11 : i32
    %ne3A = arith.cmpi ne, %sign3A_5, %sign3A_12 : i32
    %rem3A = arith.remsi %arg0, %jit3A : i32
    %ne3A_13 = arith.constant 0 : i32
    %ne3A_14 = arith.cmpi ne, %rem3A, %ne3A_13 : i32
    %and3A = arith.andi %ne3A, %ne3A_14 : i1
    %sub3A = arith.constant 1 : i32
    %sub3A_15 = arith.subi %div3A, %sub3A : i32
    %select_n3A = arith.select %and3A, %sub3A_15, %div3A : i32
    %jit3A_16 = arith.constant 4 : i32
    %eq3A = arith.constant 0 : i32
    %eq3A_17 = arith.cmpi eq, %jit3A_16, %eq3A : i32
    %jit3A_18 = arith.constant 1 : i32
    %select_n3A_19 = arith.select %eq3A_17, %jit3A_18, %jit3A_16 : i32
    %rem3A_20 = arith.remsi %arg0, %select_n3A_19 : i32
    %ne3A_21 = arith.constant 0 : i32
    %ne3A_22 = arith.cmpi ne, %rem3A_20, %ne3A_21 : i32
    %lt3A = arith.constant 0 : i32
    %lt3A_23 = arith.cmpi slt, %rem3A_20, %lt3A : i32
    %lt3A_24 = arith.constant 0 : i32
    %lt3A_25 = arith.cmpi slt, %select_n3A_19, %lt3A_24 : i32
    %ne3A_26 = arith.xori %lt3A_23, %lt3A_25 : i1
    %and3A_27 = arith.andi %ne3A_26, %ne3A_22 : i1
    %add3A = arith.addi %rem3A_20, %select_n3A_19 : i32
    %select_n3A_28 = arith.select %and3A_27, %add3A, %rem3A_20 : i32
    %c0_i32 = arith.constant 0 : i32
    %c0_i32_29 = arith.constant 0 : i32
    return %select_n3A, %select_n3A_28, %c0_i32 : i32, i32, i32
  }
  func.func @transform_1(%arg0: i32) -> (i32, i32) {
    %c0_i32 = arith.constant 0 : i32
    %c0_i32_0 = arith.constant 0 : i32
    return %arg0, %c0_i32 : i32, i32
  }
  func.func @transform_2(%arg0: i32) -> (i32, i32) {
    %c0_i32 = arith.constant 0 : i32
    %c0_i32_0 = arith.constant 0 : i32
    return %arg0, %c0_i32 : i32, i32
  }
  func.func @transform_3(%arg0: i32) -> (i32, i32) {
    %c0_i32 = arith.constant 0 : i32
    %c0_i32_0 = arith.constant 0 : i32
    %c0_i32_1 = arith.constant 0 : i32
    return %c0_i32, %c0_i32_0 : i32, i32
  }
  func.func @transform_4(%arg0: i32) -> (i32, i32) {
    %c0_i32 = arith.constant 0 : i32
    %c0_i32_0 = arith.constant 0 : i32
    return %arg0, %c0_i32 : i32, i32
  }
}

</mosaic_0001>

<sc_bundles>
// kernel: kernel.11.cloned.1.call-start
scs
__scs_entry_jumppad:
0x0: {  	(pc) =	sbr.rel $0x88, $3  }
0x1: {  	(tag) =	ssettag $0x0;
	lr =	simm.s32 $0x1  }
0x2: {  	[smem:$0x3F99] =	sst lr;
	_ =	strace $0xD0000000  }
0x3: {  	_ = 	snop  }
0x4: {  	_ = 	snop  }
0x5: {  	_ = 	snop  }
0x6: {  	_ = 	snop  }
0x7: {  	_ = 	snop  }
__scs_overlays_trampoline_lowered:
0x8: {  	[smem:$0x3FA8] =	sst s0  }
0x9: {  	[smem:$0x3FA9] =	sst s1  }
0xa: {  	[smem:$0x3FAA] =	sst s2  }
0xb: {  	[smem:$0x3FAB] =	sst s3  }
0xc: {  	[smem:$0x3FAC] =	sst s4  }
0xd: {  	[smem:$0x3FAD] =	sst s5  }
0xe: {  	[smem:$0x3FAE] =	sst s6  }
0xf: {  	[smem:$0x3FAF] =	sst s7  }
0x10: {  	[smem:$0x3FB0] =	sst s8  }
0x11: {  	[smem:$0x3FB1] =	sst s9;
	s0 =	simm.s32 @!p0 $0x0  }
0x12: {  	s1 =	sld [smem:$0x3F97];
	s0 =	simm.s32 @p0 $0x1  }
0x13: {  	[smem:$0x3FB2] =	sst s0;
	s0 =	simm.s32 @!p1 $0x0  }
0x14: {  	s2 =	sld [smem:$0x3F96];
	s0 =	simm.s32 @p1 $0x1  }
0x15: {  	[smem:$0x3FB3] =	sst s0;
	s0 =	simm.s32 @!p2 $0x0  }
0x16: {  	s3 =	sld [smem:$0x3FDB];
	s0 =	simm.s32 @p2 $0x1  }
0x17: {  	s4 =	simm.s32 $0x1BF5;
	[smem:$0x3FB5] =	sst s0  }
0x18: {  	s0 =	sld [smem:$0x3F98];
	_ =	swait.ge [sflag:s4], $0x0  }
0x19: {  	s7 =	sld [smem:$0x3F99]  }
0x1a: {  	s8 =	sadd.s32 $0xFFFFE003, lr  }
0x1b: {  	s9 =	sadd.s32 $0xFFFFFEF7, lr;
	s5 =	simm.s32 $0xFFFFFFFF;
	p2 =	slt.u32 s8, $0xFFFFF086  }
0x1c: {  	p1 =	slt.u32 s9, $0xF7A;
	s5 =	simm.s32 @!p2 $0x0  }
0x1d: {  	s5 =	simm.s32 @p1 $0x1;
	p0 =	seq.s32 s7, s2  }
0x1e: {  	s7 =	smul.u32 @!p0 $0xF7A, s2;
	p2 =	seq.s32 @!p0 s5, $0x0  }
0x1f: {  	s9 =	smul.u32 $0xF7A, s1;
	s8 =	simm.s32 @!p0 $0x1BF5;
	p2 =	por !p2, p0  }
0x20: {  	[sflag:s8] =	ssyncset.s32 @!p0 $0xFFFFF086;
	s6 =	sadd.s32 @!p0 s3, s7;
	s7 =	simm.s32 @!p0 $0x108  }
0x21: {  	s3 =	sadd.s32 s3, s9;
	s6 =	sadd.s32 @!p0 $0x88, s6;
	s7 =	simm.s32 @p2 $0x1082  }
0x22: {  	[simem:s7], [sflag:s8] =	dma.local @!p0 [hbm:s6], $0xF7A  }
0x23: {  	s9 =	sor.u32 $0xD0000000, s2;
	s6 =	simm.s32 $0x108;
	_ =	swait.ge @!p0 [sflag:s8], $0x0  }
0x24: {  	s3 =	sadd.s32 $0x88, s3;
	s6 =	simm.s32 @!p1 $0x1082;
	[sflag:s4] =	ssyncset.s32 $0xFFFFF086  }
0x25: {  	[simem:s6], [sflag:s4] =	dma.local [hbm:s3], $0xF7A  }
0x26: {  	[smem:$0x3F99] =	sst s1;
	(tag) =	ssettag s2;
	_ =	strace s9  }
0x27: {  	s1 =	sld [smem:$0x3FA9]  }
0x28: {  	s2 =	sld [smem:$0x3FAA]  }
0x29: {  	s4 =	sld [smem:$0x3FAC]  }
0x2a: {  	p0 =	seq.s32 s5, $0x0;
	s5 =	sld [smem:$0x3FAD]  }
0x2b: {  	s6 =	sld [smem:$0x3FAE]  }
0x2c: {  	s7 =	sld [smem:$0x3FAF]  }
0x2d: {  	s3 =	simm.s32 $0x108;
	s8 =	sld [smem:$0x3FB0]  }
0x2e: {  	s3 =	simm.s32 @!p0 $0x1082;
	s9 =	sld [smem:$0x3FB1]  }
0x2f: {  	lr =	sadd.s32 s0, s3;
	s0 =	sld [smem:$0x3FA8]  }
0x30: {  	s3 =	sld [smem:$0x3FAB]  }
0x31: {  	[smem:$0x3FB4] =	sst s10  }
0x32: {  	s10 =	sld [smem:$0x3FB2];
	_ =	sdelay $0x3  }
0x33: {  	p0 =	seq.s32 s10, $0x1;
	s10 =	sld [smem:$0x3FB4];
	_ =	sdelay $0x3  }
0x34: {  	[smem:$0x3FB4] =	sst s10  }
0x35: {  	s10 =	sld [smem:$0x3FB3];
	_ =	sdelay $0x3  }
0x36: {  	p1 =	seq.s32 s10, $0x1;
	s10 =	sld [smem:$0x3FB4];
	_ =	sdelay $0x3  }
0x37: {  	[smem:$0x3FB4] =	sst s10  }
0x38: {  	s10 =	sld [smem:$0x3FB5]  }
0x39: {  	_ = 	snop;
	(pc) =	sbr.ind lr, $3  }
0x3a: {  	_ = 	snop  }
0x3b: {  	_ = 	snop  }
0x3c: {  	p2 =	seq.s32 s10, $0x1;
	s10 =	sld [smem:$0x3FB4]  }
0x3d: {  	_ =	shalt  }
0x3e: {  	_ =	shalt  }
0x3f: {  	_ =	shalt  }
0x40: {  	_ =	shalt  }
0x41: {  	_ =	shalt  }
0x42: {  	_ =	shalt  }
0x43: {  	_ =	shalt  }
0x44: {  	_ =	shalt  }
0x45: {  	_ =	shalt  }
0x46: {  	_ =	shalt  }
0x47: {  	_ =	shalt  }
0x48: {  	_ =	shalt  }
0x49: {  	_ =	shalt  }
0x4a: {  	_ =	shalt  }
0x4b: {  	_ =	shalt  }
0x4c: {  	_ =	shalt  }
0x4d: {  	_ =	shalt  }
0x4e: {  	_ =	shalt  }
0x4f: {  	_ =	shalt  }
0x50: {  	_ =	shalt  }
0x51: {  	_ =	shalt  }
0x52: {  	_ =	shalt  }
0x53: {  	_ =	shalt  }
0x54: {  	_ =	shalt  }
0x55: {  	_ =	shalt  }
0x56: {  	_ =	shalt  }
0x57: {  	_ =	shalt  }
0x58: {  	_ =	shalt  }
0x59: {  	_ =	shalt  }
0x5a: {  	_ =	shalt  }
0x5b: {  	_ =	shalt  }
0x5c: {  	_ =	shalt  }
0x5d: {  	_ =	shalt  }
0x5e: {  	_ =	shalt  }
0x5f: {  	_ =	shalt  }
0x60: {  	_ =	shalt  }
0x61: {  	_ =	shalt  }
0x62: {  	_ =	shalt  }
0x63: {  	_ =	shalt  }
0x64: {  	_ =	shalt  }
0x65: {  	_ =	shalt  }
0x66: {  	_ =	shalt  }
0x67: {  	_ =	shalt  }
0x68: {  	_ =	shalt  }
0x69: {  	_ =	shalt  }
0x6a: {  	_ =	shalt  }
0x6b: {  	_ =	shalt  }
0x6c: {  	_ =	shalt  }
0x6d: {  	_ =	shalt  }
0x6e: {  	_ =	shalt  }
0x6f: {  	_ =	shalt  }
0x70: {  	_ =	shalt  }
0x71: {  	_ =	shalt  }
0x72: {  	_ =	shalt  }
0x73: {  	_ =	shalt  }
0x74: {  	_ =	shalt  }
0x75: {  	_ =	shalt  }
0x76: {  	_ =	shalt  }
0x77: {  	_ =	shalt  }
0x78: {  	_ =	shalt  }
0x79: {  	_ =	shalt  }
0x7a: {  	_ =	shalt  }
0x7b: {  	_ =	shalt  }
0x7c: {  	_ =	shalt  }
0x7d: {  	_ =	shalt  }
0x7e: {  	_ =	shalt  }
0x7f: {  	_ =	shalt  }
0x80: {  	_ =	shalt  }
0x81: {  	_ =	shalt  }
0x82: {  	_ =	shalt  }
0x83: {  	_ =	shalt  }
0x84: {  	_ =	shalt  }
0x85: {  	_ =	shalt  }
0x86: {  	_ =	shalt  }
0x87: {  	_ =	shalt  }
.Lfunc_end0:
.L_simem_size_0:
called_computation_lowered:
.L_overlay_start_0:
0x88: {  	s2 =	sld [smem:$0x3FD9]  }
0x89: {  	s3 =	sld [smem:$0x3FFE];
	_ =	sdelay $0x1  }
0x8a: {  	s1 =	srdreg.scid  }
0x8b: {  	s0 =	sand.u32 $0x1, s1  }
0x8c: {  	s17 =	sshll.u32 s0, $0xA;
	s2 =	sadd.s32 s3, s2  }
0x8d: {  	s2 =	sadd.s32 s2, s17  }
0x8e: {  	[smem:$0x3FC0] =	sst s2  }
0x8f: {  	_ = 	snop  }
0x90: {  	s2 =	sld [smem:$0x3FD0];
	(tm) =	ssettm $0x1  }
0x91: {  	s18 =	sld [smem:$0x3FFB];
	_ =	sdelay $0x3  }
0x92: {  	_ =	strace s18  }
0x93: {  	s3 =	sld [smem:$0x3FFC];
	_ =	sdelay $0x3  }
0x94: {  	_ =	strace s3  }
0x95: {  	s3 =	sld [smem:$0x3FFD];
	_ =	sdelay $0x3  }
0x96: {  	_ =	strace s3  }
0x97: {  	_ =	strace $0x8FFFFFFF  }
0x98: {  	s19 =	sld [smem:$0x3FDB];
	_ =	sdelay $0x1  }
0x99: {  	s4 =	simm.s32 $_scs_section_size  }
0x9a: {  	s5 =	simm.s32 $_size__tile_overlayer_lowered;
	s6 =	simm.s32 $_tile_overlayer_lowered  }
0x9b: {  	s22 =	simm.s32 $0x1BFF;
	s21 =	sshll.u32 s6, $0x1;
	s3 =	sadd.s32 s4, s19  }
0x9c: {  	s7 =	simm.s32 $0x0;
	s20 =	sshll.u32 s5, $0x1;
	s5 =	sadd.s32 s21, s3  }
0x9d: {  	[timem:s7], [sflag:s22] =	dma.local [hbm:s5], s20  }
0x9e: {  	_ =	swait.ge [sflag:s22], s20  }
0x9f: {  	s4 =	ssub.s32 $0x0, s20;
	[sflag:s22] =	ssyncset.done $0x0  }
0xa0: {  	[sflag:s22] =	ssyncadd.s32 s4;
	_ =	sdelay $0x1  }
0xa1: {  	s23 =	simm.s32 $0x1B8B  }
0xa2: {  	_ =	swait.ge [sflag:s23], $0x1  }
0xa3: {  	[sflag:s23] =	ssyncset.done $0x0  }
0xa4: {  	s25 =	simm.s32 $0x1B8E;
	s24 =	sld [smem:$0x3FFE];
	[sflag:s23] =	ssyncadd.s32 $0xFFFFFFFF  }
0xa5: {  	s26 =	simm.s32 $execute0_lowered;
	[smem:$0x3FD2] =	sst s25  }
0xa6: {  	s5 =	sshll.u32 s26, $0x1;
	_ =	strace $0x80000046;
	[dreg:$0x1] =	wrdreg $0xFFFFFFFF  }
0xa7: {  	s28 =	simm.s32 $_size_execute0_lowered;
	s3 =	sadd.s32 s3, s5;
	[dreg:$0x0] =	wrdreg $0x0  }
0xa8: {  	s5 =	sshll.u32 s28, $0x1;
	[dreg:$0x2] =	wrdreg s3  }
0xa9: {  	[dreg:$0x3] =	wrdreg s5  }
0xaa: {  	[dreg:$0x4] =	wrdreg $0xC0  }
0xab: {  	_ =	task [dreg:s7], $0x5FFFF  }
0xac: {  	[dreg:$0x1] =	wrdreg $0xFFFFFFFF  }
0xad: {  	[dreg:$0x0] =	wrdreg $0x60  }
0xae: {  	[dreg:$0x2] =	wrdreg s2  }
0xaf: {  	[dreg:$0x3] =	wrdreg s24  }
0xb0: {  	[dreg:$0x4] =	wrdreg $0x121000  }
0xb1: {  	[dreg:$0x5] =	wrdreg $0x9  }
0xb2: {  	_ =	task.clear_ibuf [dreg:s7], $0x6FFFF;
	_ =	strace $0x90000046  }
0xb3: {  	s29 =	simm.s32 $0x9;
	_ =	strace $0x80000048  }
0xb4: {  	_ =	swait.ge [sflag:s29], $0x1  }
0xb5: {  	[sflag:s29] =	ssyncadd.s32 $0xFFFFFFFF  }
0xb6: {  	_ =	strace $0x90000048  }
0xb7: {  	_ =	sfence  }
0xb8: {  	s30 =	sld [smem:$0x0];
	_ =	sdelay $0x2  }
0xb9: {  	s31 =	sshll.u32 s1, $0xD;
	s1 =	sshrl.u32 s1, $0x2  }
0xba: {  	s3 =	sand.u32 $0x4000, s31;
	s1 =	sadd.s32 s1, s30  }
0xbb: {  	s0 =	sor.u32 s3, s0;
	s1 =	sshll.u32 s1, $0x11  }
0xbc: {  	s0 =	sor.u32 s1, s0  }
0xbd: {  	s0 =	sadd.s32 $0x8F2B, s0  }
0xbe: {  	[sflag:s0] =	ssyncadd.remote.s32 $0x1  }
0xbf: {  	_ =	sfence.sel $0xFFFF  }
0xc0: {  	[dreg:$0x0] =	wrdreg $0xFFFFFFFF;
	(pc) =	sbr.abs _section_cstart, $3  }
0xc1: {  	[dreg:$0x1] =	wrdreg $0xFFFFFFFF  }
0xc2: {  	_ =	task.clear_ibuf [dreg:s7], $0x2FFFF;
	_ =	strace $0x9FFFFFFF  }
0xc3: {  	(tm) =	ssettm $0x7FFFFFFF  }
tec
execute0_lowered:
.L_overlay_start_1:
0x0: {  	(tag) =	ssettag $0x1  }
0x1: {  	s0 =	rddreg [dreg:$0x0]  }
0x2: {  	s1 =	srdreg.scid;
	s2 =	rddreg [dreg:$0x1]  }
0x3: {  	s13 =	rddreg [dreg:$0x2];
	s20 =	stileid.u32  }
0x4: {  	s3 =	simm.s32 $0x0;
	s28 =	simm.s32 $0x12080;
	s29 =	simm.s32 $0x80  }
0x5: {  	s30 =	simm.s32 $0x400;
	s31 =	simm.s32 $0xF800;
	s1 =	sand.u32 $0x1, s1  }
0x6: {  	[smem:$0x7FF] =	sst s3;
	s5 =	sadd.s32 $0xE400, s2;
	s16 =	sadd.s32 $0xEA00, s2  }
0x7: {  	s10 =	sshll.u32 s20, $0xA;
	s11 =	sadd.s32 $0xE200, s2;
	s14 =	sadd.s32 $0xFA00, s2  }
0x8: {  	s15 =	sadd.s32 $0x24A00, s2;
	s17 =	sadd.s32 $0x39A00, s2;
	s19 =	sshll.u32 s20, $0x7  }
0x9: {  	p0 =	sgt.u32 s20, $0x9;
	s4 =	sshll.u32 s1, $0x4;
	_ =	strace $0x80000047  }
0xa: {  	s8 =	smul.u32 $0x2800, s1;
	[dreg:$0x4] =	wrdreg s11;
	s1 =	ssub.s32 $0x2, s1  }
0xb: {  	s21 =	sand.u32 $0x380, s19;
	s11 =	sadd.s32 s16, s19;
	s6 =	sor.u32 s20, s4  }
0xc: {  	s4 =	sadd.s32 $0x3C00, s2;
	s18 =	sshrl.u32 s1, $0x1;
	s20 =	simm.s32 $0x1  }
0xd: {  	s7 =	smul.u32 $0x500, s6;
	s8 =	sadd.s32 s10, s8;
	s6 =	sshrl.u32 s6, $0x3  }
0xe: {  	s1 =	ssub.s32 s1, s18;
	s10 =	sadd.s32 s10, s13;
	s8 =	sshrl.u32 s8, $0x3  }
0xf: {  	s12 =	smul.u32 $0x15000, s6;
	s6 =	sshll.u32 s6, $0xA;
	s19 =	smax.u32 s1, $0x1  }
0x10: {  	s9 =	sadd.s32 s7, s2;
	s2 =	sadd.s32 s8, s2;
	s0 =	sadd.s32 s0, s7  }
0x11: {  	[dreg:$0x5] =	wrdreg s0;
	s22 =	sadd.s32 $0x4200, s9;
	s23 =	sor.u32 s21, s12  }
0x12: {  	s9 =	smov.u32 s16;
	s0 =	sor.u32 s21, s6;
	s18 =	sadd.s32 $0xF000, s2  }
0x13: {  	s2 =	simm.s32 $0x0;
	[dreg:$0x6] =	wrdreg s22;
	s24 =	sshrl.u32 s23, $0x3  }
0x14: {  	s7 =	sadd.s32 $0x54000, s23;
	s0 =	sshrl.u32 s0, $0x3;
	s22 =	simm.s32 $0x5000  }
0x15: {  	s23 =	simm.s32 $0xA400;
	s12 =	sadd.s32 s14, s24;
	s13 =	sadd.s32 s15, s24  }
0x16: {  	s25 =	sshrl.u32 s7, $0x3;
	s26 =	sor.u32 $0x200, s0;
	s16 =	sadd.s32 s17, s0  }
0x17: {  	s24 =	simm.s32 $0x7A00;
	s14 =	sadd.s32 s14, s25;
	s15 =	sadd.s32 s15, s25  }
0x18: {  	v0 =	vimm.f32 $1.000000000e+00;
	v1 =	vimm.s32 $0x0;
	s17 =	sadd.s32 s17, s26;
	s25 =	simm.s32 $0xCE00;
	s26 =	simm.s32 $0xF880  }
.LBB2_1:
0x19: {  	s0 =	rddreg [dreg:$0x5]  }
0x1a: {  	[tilespmem:s3], [sflag:$0x1] =	stream.linear.gather [hbm4b:s0+s3], $0x2800, $0x38;
	[tilespmem:$0x12380] =	vst v63  }
0x1b: {  	_ =	swait.ge [sflag:s20], $0x2800  }
0x1c: {  	[sflag:s20] =	ssyncset.done $0x0  }
0x1d: {  	s1 =	simm.s32 $0x2800;
	s21 =	rddreg [dreg:$0x6];
	[sflag:s20] =	ssyncadd.s32 $0xFFFFD800  }
0x1e: {  	[tilespmem:s1], [sflag:$0x1] =	stream.linear.gather [hbm4b:s21+s3], $0x2800, $0x38;
	[tilespmem:$0x12380] =	vst v63  }
0x1f: {  	_ =	swait.ge [sflag:s20], $0x2800  }
0x20: {  	[sflag:s20] =	ssyncset.done $0x0  }
0x21: {  	[sflag:s20] =	ssyncadd.s32 $0xFFFFD800  }
0x22: {  	[tilespmem:s22], [sflag:$0x1] =	stream.linear.gather [hbm4b:s4+s3], $0x2A00, $0x38;
	[tilespmem:$0x12380] =	vst v63  }
0x23: {  	_ =	swait.ge [sflag:s20], $0x2A00  }
0x24: {  	[sflag:s20] =	ssyncset.done $0x0  }
0x25: {  	[sflag:s20] =	ssyncadd.s32 $0xFFFFD600  }
0x26: {  	[tilespmem:s23], [sflag:$0x1] =	stream.linear.gather [hbm4b:s4+s3], $0x2A00, $0x38;
	[tilespmem:$0x12380] =	vst v63  }
0x27: {  	_ =	swait.ge [sflag:s20], $0x2A00  }
0x28: {  	[sflag:s20] =	ssyncset.done $0x0  }
0x29: {  	[sflag:s20] =	ssyncadd.s32 $0xFFFFD600  }
0x2a: {  	[tilespmem:s24], [sflag:$0x1] =	stream.linear.gather [hbm4b:s5+s3], $0x2A00, $0x38;
	[tilespmem:$0x12380] =	vst v63  }
0x2b: {  	_ =	swait.ge [sflag:s20], $0x2A00  }
0x2c: {  	[sflag:s20] =	ssyncset.done $0x0  }
0x2d: {  	[sflag:s20] =	ssyncadd.s32 $0xFFFFD600  }
0x2e: {  	[tilespmem:s25], [sflag:$0x1] =	stream.linear.gather [hbm4b:s5+s3], $0x2A00, $0x38;
	[tilespmem:$0x12380] =	vst v63  }
0x2f: {  	_ =	swait.ge [sflag:s20], $0x2A00  }
0x30: {  	[sflag:s20] =	ssyncset.done $0x0  }
0x31: {  	[sflag:s20] =	ssyncadd.s32 $0xFFFFD600  }
0x32: {  	[tilespmem:s26], [sflag:$0x1] =	stream.linear.gather [hbm4b:s9+s3], $0x2800, $0x38;
	[tilespmem:$0x12380] =	vst v63  }
0x33: {  	_ =	swait.ge [sflag:s20], $0x2800  }
0x34: {  	[sflag:s20] =	ssyncset.done $0x0  }
0x35: {  	s0 =	stileid.u32;
	s6 =	rddreg [dreg:$0x4];
	[sflag:s20] =	ssyncadd.s32 $0xFFFFD800  }
0x36: {  	[tilespmem:s28], [sflag:$0x1] =	stream.linear.gather [hbm4b:s6+s3], $0x80, $0x38;
	[tilespmem:$0x12380] =	vst v63  }
0x37: {  	s0 =	sshll.u32 @!p0 s0, $0x6;
	_ =	swait.ge [sflag:s20], $0x80  }
0x38: {  	s1 =	sor.u32 @!p0 $0x1C01, s0;
	[sflag:s20] =	ssyncset.done $0x0  }
0x39: {  	s21 =	sshrl.u32 @!p0 s10, $0x3;
	s0 =	simm.s32 @!p0 $0x1;
	[sflag:s20] =	ssyncadd.s32 $0xFFFFFF80  }
0x3a: {  	[spmem:s21], [sflag:s1] =	dma.local @!p0 [hbm:s11], $0x80  }
0x3b: {  	_ =	swait.ge @!p0 [sflag:s0], $0x80  }
0x3c: {  	[sflag:s0] =	ssyncset.done @!p0 $0x0  }
0x3d: {  	[sflag:s0] =	ssyncadd.s32 @!p0 $0xFFFFFF80  }
0x3e: {  	s7 =	simm.s32 $0x0;
	[bflag:$0x0] =	sbarrier.arrive $0xFFFF  }
0x3f: {  	v2 =	vld [tilespmem:s7+$0x2800];
	_ =	sdelay $0x4  }
0x40: {  	vm0 =	vlt.s32 v2, $0x1400  }
0x41: {  	v3 =	vsel vm0, $0x1, v1  }
0x42: {  	(xrf0) =	vadd.scan.msk.s32 $0xffff, v3;
	_ =	sdelay $0x2  }
0x43: {  	v3 =	vld [tilespmem:s7+$0x0];
	_ =	sdelay $0x2  }
0x44: {  	v4, _, _ =	vpop (xrf0)  }
0x45: {  	[tilespmem:v2+s26+$0x0] =	vst.idx.add.f32.msk $0xffff, v0;
	(v2sf) =	vpush v4, $0xF  }
0x46: {  	[tilespmem:s3+$0x5000] =	vst.msk vm0, v3  }
0x47: {  	vm1 =	vge.s32 v2, $0x1400;
	[tilespmem:s3+$0x7A00] =	vst.msk vm0, v2  }
0x48: {  	v2 =	vadd.s32 $0xFFFFEC00, v2;
	[tilespmem:s3+$0xA400] =	vst.msk vm1, v3  }
0x49: {  	s8 =	simm.s32 $0x10;
	[tilespmem:s3+$0xCE00] =	vst.msk vm1, v2  }
0x4a: {  	v2 =	vld [tilespmem:s8+$0x2800];
	_ =	sdelay $0x4  }
0x4b: {  	vm0 =	vlt.s32 v2, $0x1400  }
0x4c: {  	v4 =	vsel vm0, $0x1, v1  }
0x4d: {  	(xrf0) =	vadd.scan.msk.s32 $0xffff, v4;
	_ =	sdelay $0x1  }
0x4e: {  	v3 =	vld [tilespmem:s8+$0x0]  }
0x4f: {  	s6 =	spop (v2sf)  }
0x50: {  	s7 =	simm.s32 $0x80;
	[tilespmem:v2+s26+$0x0] =	vst.idx.add.f32.msk $0xffff, v0;
	s0 =	sadd.s32 $0x0, s6;
	s6 =	ssub.s32 $0x0, s6  }
.LBB2_2:
0x51: {  	p1 =	sne.s32 s7, $0x9FC0  }
0x52: {  	v4, _, _ =	vpop (xrf0);
	s6 =	sadd.s32 $0x10, s6;
	s8 =	smov.u32 s7;
	s7 =	sadd.s32 $0x40, s7  }
0x53: {  	[tilespmem:s0+$0x5000] =	vst.msk vm0, v3;
	(v2sf) =	vpush v4, $0xF  }
0x54: {  	vm1 =	vge.s32 v2, $0x1400;
	[tilespmem:s0+$0x7A00] =	vst.msk vm0, v2  }
0x55: {  	v2 =	vadd.s32 $0xFFFFEC00, v2;
	[tilespmem:s6+$0xA400] =	vst.msk vm1, v3  }
0x56: {  	s8 =	sshra.s32 s8, $0x2;
	[tilespmem:s6+$0xCE00] =	vst.msk vm1, v2  }
0x57: {  	v2 =	vld [tilespmem:s8+$0x2800];
	_ =	sdelay $0x4  }
0x58: {  	vm0 =	vlt.s32 v2, $0x1400  }
0x59: {  	v4 =	vsel vm0, $0x1, v1  }
0x5a: {  	v3 =	vld [tilespmem:s8+$0x0];
	(xrf0) =	vadd.scan.msk.s32 $0xffff, v4  }
.Ltmp0:
0x5b: {  	[tilespmem:v2+s26+$0x0] =	vst.idx.add.f32.msk $0xffff, v0;
	(pc) =	sbr.rel @p1 .LBB2_2-.Ltmp0, $3  }
0x5c: {  	_ =	sdelay $0x1  }
0x5d: {  	s8 =	spop (v2sf)  }
0x5e: {  	s0 =	sadd.s32 s0, s8;
	s6 =	ssub.s32 s6, s8  }
0x5f: {  	v4, _, _ =	vpop (xrf0)  }
0x60: {  	(v2sf) =	vpush v4, $0xF;
	_ =	sdelay $0xb  }
0x61: {  	[tilespmem:s0+$0x5000] =	vst.msk vm0, v3  }
0x62: {  	s6 =	sadd.s32 $0x10, s6;
	vm1 =	vge.s32 v2, $0x1400;
	[tilespmem:s0+$0x7A00] =	vst.msk vm0, v2  }
0x63: {  	v2 =	vadd.s32 $0xFFFFEC00, v2;
	[tilespmem:s6+$0xA400] =	vst.msk vm1, v3  }
0x64: {  	[tilespmem:s6+$0xCE00] =	vst.msk vm1, v2;
	s7 =	spop (v2sf)  }
0x65: {  	[bflag:$0x0] =	sbarrier.arrive $0xFFFF  }
0x66: {  	[hbm4b:s12+s29] =	stream.strided.scatter [tilespmem:s22], [sflag:$0x1], $0x2A00, s30, s29, $0x38;
	[tilespmem:$0x12380] =	vst v63  }
0x67: {  	_ =	swait.ge [sflag:s20], $0x2A00  }
0x68: {  	[sflag:s20] =	ssyncset.done $0x0  }
0x69: {  	[sflag:s20] =	ssyncadd.s32 $0xFFFFD600  }
0x6a: {  	[hbm4b:s13+s29] =	stream.strided.scatter [tilespmem:s24], [sflag:$0x1], $0x2A00, s30, s29, $0x38;
	[tilespmem:$0x12380] =	vst v63  }
0x6b: {  	_ =	swait.ge [sflag:s20], $0x2A00  }
0x6c: {  	[sflag:s20] =	ssyncset.done $0x0  }
0x6d: {  	[sflag:s20] =	ssyncadd.s32 $0xFFFFD600  }
0x6e: {  	[hbm4b:s14+s29] =	stream.strided.scatter [tilespmem:s23], [sflag:$0x1], $0x2A00, s30, s29, $0x38;
	[tilespmem:$0x12380] =	vst v63  }
0x6f: {  	_ =	swait.ge [sflag:s20], $0x2A00  }
0x70: {  	[sflag:s20] =	ssyncset.done $0x0  }
0x71: {  	[sflag:s20] =	ssyncadd.s32 $0xFFFFD600  }
0x72: {  	[hbm4b:s15+s29] =	stream.strided.scatter [tilespmem:s25], [sflag:$0x1], $0x2A00, s30, s29, $0x38;
	[tilespmem:$0x12380] =	vst v63  }
0x73: {  	_ =	swait.ge [sflag:s20], $0x2A00  }
0x74: {  	s8 =	sadd.s32 s0, s7;
	[sflag:s20] =	ssyncset.done $0x0  }
0x75: {  	v2 =	vmov s8;
	[sflag:s20] =	ssyncadd.s32 $0xFFFFD600  }
0x76: {  	[tilespmem:$0xF800] =	vst v2  }
0x77: {  	[bflag:$0x0] =	sbarrier.arrive $0xFFFF  }
0x78: {  	[hbm4b:s16+s3] =	stream.linear.scatter [tilespmem:s31], [sflag:$0x1], $0x80, $0x38;
	[tilespmem:$0x12380] =	vst v63  }
0x79: {  	s6 =	ssub.s32 s6, s7;
	_ =	swait.ge [sflag:s20], $0x80  }
0x7a: {  	s0 =	sadd.s32 $0x10, s6;
	[sflag:s20] =	ssyncset.done $0x0  }
0x7b: {  	v2 =	vmov s0;
	[sflag:s20] =	ssyncadd.s32 $0xFFFFFF80  }
0x7c: {  	[tilespmem:$0xF800] =	vst v2  }
0x7d: {  	[bflag:$0x0] =	sbarrier.arrive $0xFFFF  }
0x7e: {  	[hbm4b:s17+s3] =	stream.linear.scatter [tilespmem:s31], [sflag:$0x1], $0x80, $0x38;
	[tilespmem:$0x12380] =	vst v63  }
0x7f: {  	_ =	swait.ge [sflag:s20], $0x80  }
0x80: {  	[sflag:s20] =	ssyncset.done $0x0  }
0x81: {  	[sflag:s20] =	ssyncadd.s32 $0xFFFFFF80  }
0x82: {  	s8 =	simm.s32 $0x50;
	s7 =	rddreg [dreg:$0x2]  }
0x83: {  	[spmem:s7] =	stream.indirect.scatter.add.f32 [tilespmem:s26], [sflag:$0x1], $0x80, s28, s8, $0xb8;
	[tilespmem:$0x12380] =	vst v63  }
0x84: {  	_ =	swait.ge [sflag:s20], $0x2800  }
0x85: {  	s2 =	sadd.s32 $0x1, s2;
	[sflag:s20] =	ssyncset.done $0x0  }
0x86: {  	p1 =	sne.s32 s2, s19;
	[sflag:s20] =	ssyncadd.s32 $0xFFFFD800  }
.Ltmp1:
0x87: {  	s0 =	simm.s32 @!p0 $0x1;
	[bflag:$0x0] =	sbarrier.arrive $0xFFFF;
	(pc) =	sbr.rel @p1 .LBB2_1-.Ltmp1, $4  }
0x88: {  	[hbm:s18], [sflag:s1] =	dma.local @!p0 [spmem:s21], $0x80  }
0x89: {  	_ =	swait.ge @!p0 [sflag:s0], $0x80  }
0x8a: {  	[sflag:s0] =	ssyncset.done @!p0 $0x0  }
0x8b: {  	[sflag:s0] =	ssyncadd.s32 @!p0 $0xFFFFFF80  }
0x8c: {  	_ =	sfence.sel $0x180000  }
0x8d: {  	[bflag:$0x0] =	sbarrier.arrive $0xFFFF  }
0x8e: {  	_ =	strace $0x90000047  }
0x8f: {  	s0 =	stileid.u32;
	[bflag:$0x2] =	sbarrier.arrive $0xFFFF  }
0x90: {  	p0 =	sne.s32 s0, $0x0;
	s0 =	rddreg [dreg:$0x3]  }
0x91: {  	s0 =	sadd.s32 @!p0 $0x100000, s0  }
0x92: {  	[sflag:s0] =	ssyncadd.tile.s32 @!p0 $0x1;
	_ =	shalt  }
.Lfunc_end2:
_tile_overlayer_lowered:
.L_overlay_start_2:
0x93: {  	(tag) =	ssettag $0x2  }
0x94: {  	s0 =	rddreg [dreg:$0x0];
	s2 =	stileid.u32  }
0x95: {  	s1 =	rddreg [dreg:$0x1];
	p0 =	sne.s32 s2, $0x0  }
0x96: {  	s3 =	rddreg [dreg:$0x2];
	[bflag:$0x3] =	sbarrier.arrive $0xFFFF;
	s2 =	simm.s32 @!p0 $0x1C01  }
0x97: {  	[timem:s3], [sflag:s2] =	dma.local @!p0 [hbm:s0], s1  }
0x98: {  	s0 =	simm.s32 @!p0 $0x1  }
0x99: {  	_ =	swait.ge @!p0 [sflag:s0], s1  }
0x9a: {  	s1 =	ssub.s32 @!p0 $0x0, s1;
	[sflag:s0] =	ssyncset.done @!p0 $0x0  }
0x9b: {  	[sflag:s0] =	ssyncadd.s32 @!p0 s1  }
0x9c: {  	[bflag:$0x3] =	sbarrier.arrive $0xFFFF  }
0x9d: {  	_ =	shalt  }

// kernel: kernel.14.cloned.1.call-start
scs
__scs_entry_jumppad:
0x0: {  	(pc) =	sbr.rel $0x88, $3  }
0x1: {  	(tag) =	ssettag $0x0;
	lr =	simm.s32 $0x1  }
0x2: {  	[smem:$0x3F99] =	sst lr;
	_ =	strace $0xD0000000  }
0x3: {  	_ = 	snop  }
0x4: {  	_ = 	snop  }
0x5: {  	_ = 	snop  }
0x6: {  	_ = 	snop  }
0x7: {  	_ = 	snop  }
__scs_overlays_trampoline_lowered:
0x8: {  	[smem:$0x3FA8] =	sst s0  }
0x9: {  	[smem:$0x3FA9] =	sst s1  }
0xa: {  	[smem:$0x3FAA] =	sst s2  }
0xb: {  	[smem:$0x3FAB] =	sst s3  }
0xc: {  	[smem:$0x3FAC] =	sst s4  }
0xd: {  	[smem:$0x3FAD] =	sst s5  }
0xe: {  	[smem:$0x3FAE] =	sst s6  }
0xf: {  	[smem:$0x3FAF] =	sst s7  }
0x10: {  	[smem:$0x3FB0] =	sst s8  }
0x11: {  	[smem:$0x3FB1] =	sst s9;
	s0 =	simm.s32 @!p0 $0x0  }
0x12: {  	s1 =	sld [smem:$0x3F97];
	s0 =	simm.s32 @p0 $0x1  }
0x13: {  	[smem:$0x3FB2] =	sst s0;
	s0 =	simm.s32 @!p1 $0x0  }
0x14: {  	s2 =	sld [smem:$0x3F96];
	s0 =	simm.s32 @p1 $0x1  }
0x15: {  	[smem:$0x3FB3] =	sst s0;
	s0 =	simm.s32 @!p2 $0x0  }
0x16: {  	s3 =	sld [smem:$0x3FDB];
	s0 =	simm.s32 @p2 $0x1  }
0x17: {  	s4 =	simm.s32 $0x1BF5;
	[smem:$0x3FB5] =	sst s0  }
0x18: {  	s0 =	sld [smem:$0x3F98];
	_ =	swait.ge [sflag:s4], $0x0  }
0x19: {  	s7 =	sld [smem:$0x3F99]  }
0x1a: {  	s8 =	sadd.s32 $0xFFFFE003, lr  }
0x1b: {  	s9 =	sadd.s32 $0xFFFFFEF7, lr;
	s5 =	simm.s32 $0xFFFFFFFF;
	p2 =	slt.u32 s8, $0xFFFFF086  }
0x1c: {  	p1 =	slt.u32 s9, $0xF7A;
	s5 =	simm.s32 @!p2 $0x0  }
0x1d: {  	s5 =	simm.s32 @p1 $0x1;
	p0 =	seq.s32 s7, s2  }
0x1e: {  	s7 =	smul.u32 @!p0 $0xF7A, s2;
	p2 =	seq.s32 @!p0 s5, $0x0  }
0x1f: {  	s9 =	smul.u32 $0xF7A, s1;
	s8 =	simm.s32 @!p0 $0x1BF5;
	p2 =	por !p2, p0  }
0x20: {  	[sflag:s8] =	ssyncset.s32 @!p0 $0xFFFFF086;
	s6 =	sadd.s32 @!p0 s3, s7;
	s7 =	simm.s32 @!p0 $0x108  }
0x21: {  	s3 =	sadd.s32 s3, s9;
	s6 =	sadd.s32 @!p0 $0x88, s6;
	s7 =	simm.s32 @p2 $0x1082  }
0x22: {  	[simem:s7], [sflag:s8] =	dma.local @!p0 [hbm:s6], $0xF7A  }
0x23: {  	s9 =	sor.u32 $0xD0000000, s2;
	s6 =	simm.s32 $0x108;
	_ =	swait.ge @!p0 [sflag:s8], $0x0  }
0x24: {  	s3 =	sadd.s32 $0x88, s3;
	s6 =	simm.s32 @!p1 $0x1082;
	[sflag:s4] =	ssyncset.s32 $0xFFFFF086  }
0x25: {  	[simem:s6], [sflag:s4] =	dma.local [hbm:s3], $0xF7A  }
0x26: {  	[smem:$0x3F99] =	sst s1;
	(tag) =	ssettag s2;
	_ =	strace s9  }
0x27: {  	s1 =	sld [smem:$0x3FA9]  }
0x28: {  	s2 =	sld [smem:$0x3FAA]  }
0x29: {  	s4 =	sld [smem:$0x3FAC]  }
0x2a: {  	p0 =	seq.s32 s5, $0x0;
	s5 =	sld [smem:$0x3FAD]  }
0x2b: {  	s6 =	sld [smem:$0x3FAE]  }
0x2c: {  	s7 =	sld [smem:$0x3FAF]  }
0x2d: {  	s3 =	simm.s32 $0x108;
	s8 =	sld [smem:$0x3FB0]  }
0x2e: {  	s3 =	simm.s32 @!p0 $0x1082;
	s9 =	sld [smem:$0x3FB1]  }
0x2f: {  	lr =	sadd.s32 s0, s3;
	s0 =	sld [smem:$0x3FA8]  }
0x30: {  	s3 =	sld [smem:$0x3FAB]  }
0x31: {  	[smem:$0x3FB4] =	sst s10  }
0x32: {  	s10 =	sld [smem:$0x3FB2];
	_ =	sdelay $0x3  }
0x33: {  	p0 =	seq.s32 s10, $0x1;
	s10 =	sld [smem:$0x3FB4];
	_ =	sdelay $0x3  }
0x34: {  	[smem:$0x3FB4] =	sst s10  }
0x35: {  	s10 =	sld [smem:$0x3FB3];
	_ =	sdelay $0x3  }
0x36: {  	p1 =	seq.s32 s10, $0x1;
	s10 =	sld [smem:$0x3FB4];
	_ =	sdelay $0x3  }
0x37: {  	[smem:$0x3FB4] =	sst s10  }
0x38: {  	s10 =	sld [smem:$0x3FB5]  }
0x39: {  	_ = 	snop;
	(pc) =	sbr.ind lr, $3  }
0x3a: {  	_ = 	snop  }
0x3b: {  	_ = 	snop  }
0x3c: {  	p2 =	seq.s32 s10, $0x1;
	s10 =	sld [smem:$0x3FB4]  }
0x3d: {  	_ =	shalt  }
0x3e: {  	_ =	shalt  }
0x3f: {  	_ =	shalt  }
0x40: {  	_ =	shalt  }
0x41: {  	_ =	shalt  }
0x42: {  	_ =	shalt  }
0x43: {  	_ =	shalt  }
0x44: {  	_ =	shalt  }
0x45: {  	_ =	shalt  }
0x46: {  	_ =	shalt  }
0x47: {  	_ =	shalt  }
0x48: {  	_ =	shalt  }
0x49: {  	_ =	shalt  }
0x4a: {  	_ =	shalt  }
0x4b: {  	_ =	shalt  }
0x4c: {  	_ =	shalt  }
0x4d: {  	_ =	shalt  }
0x4e: {  	_ =	shalt  }
0x4f: {  	_ =	shalt  }
0x50: {  	_ =	shalt  }
0x51: {  	_ =	shalt  }
0x52: {  	_ =	shalt  }
0x53: {  	_ =	shalt  }
0x54: {  	_ =	shalt  }
0x55: {  	_ =	shalt  }
0x56: {  	_ =	shalt  }
0x57: {  	_ =	shalt  }
0x58: {  	_ =	shalt  }
0x59: {  	_ =	shalt  }
0x5a: {  	_ =	shalt  }
0x5b: {  	_ =	shalt  }
0x5c: {  	_ =	shalt  }
0x5d: {  	_ =	shalt  }
0x5e: {  	_ =	shalt  }
0x5f: {  	_ =	shalt  }
0x60: {  	_ =	shalt  }
0x61: {  	_ =	shalt  }
0x62: {  	_ =	shalt  }
0x63: {  	_ =	shalt  }
0x64: {  	_ =	shalt  }
0x65: {  	_ =	shalt  }
0x66: {  	_ =	shalt  }
0x67: {  	_ =	shalt  }
0x68: {  	_ =	shalt  }
0x69: {  	_ =	shalt  }
0x6a: {  	_ =	shalt  }
0x6b: {  	_ =	shalt  }
0x6c: {  	_ =	shalt  }
0x6d: {  	_ =	shalt  }
0x6e: {  	_ =	shalt  }
0x6f: {  	_ =	shalt  }
0x70: {  	_ =	shalt  }
0x71: {  	_ =	shalt  }
0x72: {  	_ =	shalt  }
0x73: {  	_ =	shalt  }
0x74: {  	_ =	shalt  }
0x75: {  	_ =	shalt  }
0x76: {  	_ =	shalt  }
0x77: {  	_ =	shalt  }
0x78: {  	_ =	shalt  }
0x79: {  	_ =	shalt  }
0x7a: {  	_ =	shalt  }
0x7b: {  	_ =	shalt  }
0x7c: {  	_ =	shalt  }
0x7d: {  	_ =	shalt  }
0x7e: {  	_ =	shalt  }
0x7f: {  	_ =	shalt  }
0x80: {  	_ =	shalt  }
0x81: {  	_ =	shalt  }
0x82: {  	_ =	shalt  }
0x83: {  	_ =	shalt  }
0x84: {  	_ =	shalt  }
0x85: {  	_ =	shalt  }
0x86: {  	_ =	shalt  }
0x87: {  	_ =	shalt  }
.Lfunc_end0:
.L_simem_size_0:
called_computation.1_lowered:
.L_overlay_start_0:
0x88: {  	s2 =	sld [smem:$0x3FD9]  }
0x89: {  	s3 =	sld [smem:$0x3FFE];
	_ =	sdelay $0x1  }
0x8a: {  	s1 =	srdreg.scid  }
0x8b: {  	s0 =	sand.u32 $0x1, s1  }
0x8c: {  	s17 =	sshll.u32 s0, $0xA;
	s2 =	sadd.s32 s3, s2  }
0x8d: {  	s2 =	sadd.s32 s2, s17  }
0x8e: {  	[smem:$0x3FC0] =	sst s2  }
0x8f: {  	_ = 	snop  }
0x90: {  	s2 =	sld [smem:$0x3FD0];
	(tm) =	ssettm $0x1  }
0x91: {  	s18 =	sld [smem:$0x3FFB];
	_ =	sdelay $0x3  }
0x92: {  	_ =	strace s18  }
0x93: {  	s3 =	sld [smem:$0x3FFC];
	_ =	sdelay $0x3  }
0x94: {  	_ =	strace s3  }
0x95: {  	s3 =	sld [smem:$0x3FFD];
	_ =	sdelay $0x3  }
0x96: {  	_ =	strace s3  }
0x97: {  	_ =	strace $0x8FFFFFFF  }
0x98: {  	s19 =	sld [smem:$0x3FDB];
	_ =	sdelay $0x1  }
0x99: {  	s4 =	simm.s32 $_scs_section_size  }
0x9a: {  	s5 =	simm.s32 $_size__tile_overlayer_lowered;
	s6 =	simm.s32 $_tile_overlayer_lowered  }
0x9b: {  	s22 =	simm.s32 $0x1BFF;
	s21 =	sshll.u32 s6, $0x1;
	s3 =	sadd.s32 s4, s19  }
0x9c: {  	s7 =	simm.s32 $0x0;
	s20 =	sshll.u32 s5, $0x1;
	s5 =	sadd.s32 s21, s3  }
0x9d: {  	[timem:s7], [sflag:s22] =	dma.local [hbm:s5], s20  }
0x9e: {  	_ =	swait.ge [sflag:s22], s20  }
0x9f: {  	s4 =	ssub.s32 $0x0, s20;
	[sflag:s22] =	ssyncset.done $0x0  }
0xa0: {  	[sflag:s22] =	ssyncadd.s32 s4;
	_ =	sdelay $0x1  }
0xa1: {  	s23 =	simm.s32 $0x1B8B  }
0xa2: {  	_ =	swait.ge [sflag:s23], $0x1  }
0xa3: {  	[sflag:s23] =	ssyncset.done $0x0  }
0xa4: {  	s25 =	simm.s32 $0x1B8E;
	s24 =	sld [smem:$0x3FFE];
	[sflag:s23] =	ssyncadd.s32 $0xFFFFFFFF  }
0xa5: {  	s26 =	simm.s32 $execute0_lowered;
	[smem:$0x3FD2] =	sst s25  }
0xa6: {  	s5 =	sshll.u32 s26, $0x1;
	_ =	strace $0x80000049;
	[dreg:$0x1] =	wrdreg $0xFFFFFFFF  }
0xa7: {  	s28 =	simm.s32 $_size_execute0_lowered;
	s3 =	sadd.s32 s3, s5;
	[dreg:$0x0] =	wrdreg $0x0  }
0xa8: {  	s5 =	sshll.u32 s28, $0x1;
	[dreg:$0x2] =	wrdreg s3  }
0xa9: {  	[dreg:$0x3] =	wrdreg s5  }
0xaa: {  	[dreg:$0x4] =	wrdreg $0xC0  }
0xab: {  	_ =	task [dreg:s7], $0x5FFFF  }
0xac: {  	[dreg:$0x1] =	wrdreg $0xFFFFFFFF  }
0xad: {  	[dreg:$0x0] =	wrdreg $0x60  }
0xae: {  	[dreg:$0x2] =	wrdreg s24  }
0xaf: {  	[dreg:$0x3] =	wrdreg s2  }
0xb0: {  	[dreg:$0x4] =	wrdreg $0x118800  }
0xb1: {  	[dreg:$0x5] =	wrdreg $0x9  }
0xb2: {  	_ =	task.clear_ibuf [dreg:s7], $0x6FFFF;
	_ =	strace $0x90000049  }
0xb3: {  	s29 =	simm.s32 $0x9;
	_ =	strace $0x8000004B  }
0xb4: {  	_ =	swait.ge [sflag:s29], $0x1  }
0xb5: {  	[sflag:s29] =	ssyncadd.s32 $0xFFFFFFFF  }
0xb6: {  	_ =	strace $0x9000004B  }
0xb7: {  	_ =	sfence  }
0xb8: {  	s30 =	sld [smem:$0x0];
	_ =	sdelay $0x2  }
0xb9: {  	s31 =	sshll.u32 s1, $0xD;
	s1 =	sshrl.u32 s1, $0x2  }
0xba: {  	s3 =	sand.u32 $0x4000, s31;
	s1 =	sadd.s32 s1, s30  }
0xbb: {  	s0 =	sor.u32 s3, s0;
	s1 =	sshll.u32 s1, $0x11  }
0xbc: {  	s0 =	sor.u32 s1, s0  }
0xbd: {  	s0 =	sadd.s32 $0x8F2B, s0  }
0xbe: {  	[sflag:s0] =	ssyncadd.remote.s32 $0x1  }
0xbf: {  	_ =	sfence.sel $0xFFFF  }
0xc0: {  	[dreg:$0x0] =	wrdreg $0xFFFFFFFF;
	(pc) =	sbr.abs _section_cstart, $3  }
0xc1: {  	[dreg:$0x1] =	wrdreg $0xFFFFFFFF  }
0xc2: {  	_ =	task.clear_ibuf [dreg:s7], $0x2FFFF;
	_ =	strace $0x9FFFFFFF  }
0xc3: {  	(tm) =	ssettm $0x7FFFFFFF  }
tec
execute0_lowered:
.L_overlay_start_1:
0x0: {  	(tag) =	ssettag $0x1  }
0x1: {  	s0 =	rddreg [dreg:$0x0]  }
0x2: {  	s1 =	rddreg [dreg:$0x1]  }
0x3: {  	s2 =	rddreg [dreg:$0x2];
	s3 =	simm.s32 $0x0  }
0x4: {  	s16 =	stileid.u32;
	s4 =	srdreg.scid;
	s28 =	simm.s32 $0x4  }
0x5: {  	s29 =	simm.s32 $0x6;
	s30 =	simm.s32 $0x5;
	s31 =	simm.s32 $0x0  }
0x6: {  	[smem:$0x7FF] =	sst s3;
	s5 =	smul.u32 $0xA000, s16;
	s7 =	sand.u32 $0x1, s4  }
0x7: {  	s4 =	sadd.s32 $0x39E00, s0;
	s11 =	sadd.s32 $0x3C00, s0;
	s9 =	smul.u32 $0x28000, s16  }
0x8: {  	s12 =	sadd.s32 $0x39A00, s0;
	s17 =	smul.u32 $0x5800, s16;
	s19 =	sshll.u32 s16, $0x6  }
0x9: {  	s21 =	sshll.u32 s16, $0x8;
	s23 =	sshllo.u32 s16, $0x1;
	s6 =	smul.u32 $0xA0000, s7  }
0xa: {  	_ =	strace $0x8000004A;
	s13 =	ssub.s32 $0x2, s7;
	s10 =	smul.u32 $0x58000, s7  }
0xb: {  	s16 =	smul.u32 $0x2C00, s23;
	s8 =	sshrl.u32 s5, $0x3;
	s14 =	sshrl.u32 s13, $0x1  }
0xc: {  	s15 =	sshrl.u32 s9, $0x2;
	s9 =	sand.u32 $0x300, s21;
	s8 =	sadd.s32 s8, s0  }
0xd: {  	s5 =	sadd.s32 s5, s6;
	s15 =	sadd.s32 s15, s2;
	s6 =	sor.u32 $0x1C07, s19  }
0xe: {  	s20 =	sadd.s32 s17, s10;
	s10 =	sadd.s32 s10, s16;
	s16 =	simm.s32 $0x7  }
0xf: {  	s17 =	simm.s32 $0x2C00;
	s19 =	simm.s32 $0x1;
	s5 =	sshrl.u32 s5, $0x3  }
0x10: {  	s18 =	sadd.s32 $0x19C00, s8;
	s8 =	sshrl.u32 s20, $0x3;
	s26 =	sshrl.u32 s10, $0x3  }
0x11: {  	s15 =	sshrl.u32 s15, $0x3;
	s20 =	simm.s32 $0x80;
	s0 =	sadd.s32 s5, s0  }
0x12: {  	s5 =	ssub.s32 s13, s14;
	[dreg:$0x6] =	wrdreg s18;
	s13 =	sshll.u32 s7, $0xC  }
0x13: {  	s14 =	sand.u32 $0xC00, s21;
	s22 =	sadd.s32 s1, s8;
	s24 =	sadd.s32 s11, s8  }
0x14: {  	s1 =	sadd.s32 s1, s26;
	s11 =	sadd.s32 s11, s26;
	s18 =	simm.s32 $0x5800  }
0x15: {  	s21 =	simm.s32 $0x5880;
	s26 =	simm.s32 $0x3;
	[dreg:$0x7] =	wrdreg s22  }
0x16: {  	s13 =	sor.u32 s13, s14;
	s14 =	sshll.u32 s23, $0x7;
	[dreg:$0x8] =	wrdreg s24  }
0x17: {  	[dreg:$0xa] =	wrdreg s1;
	s22 =	simm.s32 $0x9880;
	s9 =	sor.u32 s9, s13  }
0x18: {  	s23 =	simm.s32 $0x100;
	s14 =	sand.u32 $0x380, s14;
	s9 =	sshrl.u32 s9, $0x3  }
0x19: {  	s24 =	simm.s32 $0xD880;
	s13 =	sor.u32 s13, s14;
	s25 =	sadd.s32 s12, s9  }
0x1a: {  	s14 =	smax.u32 s5, $0x1;
	s13 =	sshrl.u32 s13, $0x3;
	[dreg:$0x9] =	wrdreg s25  }
0x1b: {  	s12 =	sadd.s32 s12, s13;
	s13 =	sadd.s32 $0x61E00, s0;
	s25 =	simm.s32 $0x2  }
.LBB2_1:
0x1c: {  	s0 =	rddreg [dreg:$0x6]  }
0x1d: {  	[spmem:s15], [sflag:s6] =	dma.local [hbm:s0], $0x1400  }
0x1e: {  	_ =	swait.ge [sflag:s16], $0x1400  }
0x1f: {  	[sflag:s16] =	ssyncset.done $0x0  }
0x20: {  	[sflag:s16] =	ssyncadd.s32 $0xFFFFEC00  }
0x21: {  	[bflag:$0x0] =	sbarrier.arrive $0xFFFF  }
0x22: {  	s10 =	rddreg [dreg:$0x7]  }
0x23: {  	[tilespmem:s3], [sflag:$0x7] =	stream.linear.gather [hbm4b:s10+s3], $0x2A00, $0x38;
	[tilespmem:$0x1B8C0] =	vst v63  }
0x24: {  	_ =	swait.ge [sflag:s16], $0x2A00  }
0x25: {  	[sflag:s16] =	ssyncset.done $0x0  }
0x26: {  	s1 =	rddreg [dreg:$0x8];
	[sflag:s16] =	ssyncadd.s32 $0xFFFFD600  }
0x27: {  	[tilespmem:s17], [sflag:$0x7] =	stream.linear.gather [hbm4b:s1+s3], $0x2A00, $0x38;
	[tilespmem:$0x1B8C0] =	vst v63  }
0x28: {  	_ =	swait.ge [sflag:s16], $0x2A00  }
0x29: {  	[sflag:s16] =	ssyncset.done $0x0  }
0x2a: {  	s5 =	rddreg [dreg:$0x9];
	[sflag:s16] =	ssyncadd.s32 $0xFFFFD600  }
0x2b: {  	[tilespmem:s18], [sflag:$0x7] =	stream.linear.gather [hbm4b:s5+s3], $0x80, $0x38;
	[tilespmem:$0x1B8C0] =	vst v63  }
0x2c: {  	_ =	swait.ge [sflag:s16], $0x80  }
0x2d: {  	[sflag:s16] =	ssyncset.done $0x0  }
0x2e: {  	[sflag:s16] =	ssyncadd.s32 $0xFFFFFF80  }
0x2f: {  	v0 =	vld [tilespmem:$0x5800];
	_ =	sdelay $0x4  }
0x30: {  	v0 =	vxor.u32 $0x80000000, v0  }
0x31: {  	(xrf0) =	vmax.scan.msk.u32 $0xffff, v0;
	_ =	sdelay $0x5  }
0x32: {  	v0, _, _ =	vpop (xrf0)  }
0x33: {  	(v2sf) =	vpush v0, $0xF;
	_ =	sdelay $0xe  }
0x34: {  	s7 =	spop (v2sf)  }
0x35: {  	s0 =	sadd.s32 $0x8000007F, s7  }
0x36: {  	s1 =	sand.u32 $0x7F, s0  }
0x37: {  	s5 =	sshra.s32 s0, $0x1F;
	p0 =	slt.s32 s0, $0x1;
	p1 =	sne.s32 s1, $0x0  }
0x38: {  	s8 =	sshrl.u32 s5, $0x19;
	p0 =	por !p0, !p1  }
0x39: {  	s1 =	simm.s32 $0x1;
	s0 =	sadd.s32 s8, s0;
	p0 =	por !p0, !p0  }
0x3a: {  	s0 =	sshra.s32 s0, $0x7;
	s1 =	simm.s32 @!p0 $0x0  }
0x3b: {  	s0 =	ssub.s32 s0, s1  }
0x3c: {  	s1 =	sadd.s32 $0x2, s0  }
0x3d: {  	s9 =	smulhi.u32 $0x55555556, s1;
	s1 =	sshra.s32 s1, $0x1F  }
0x3e: {  	s1 =	smul.u32 $0x55555556, s1;
	_ =	sdelay $0x1  }
0x3f: {  	s1 =	sadd.s32 s1, s9  }
0x40: {  	s5 =	sshrl.u32 s1, $0x1F  }
0x41: {  	s1 =	sadd.s32 s5, s1  }
0x42: {  	s5 =	smul.u32 $0xFFFFFFFD, s1  }
0x43: {  	s7 =	ssub.s32 $0xFFFFFFFE, s0  }
0x44: {  	p5 =	slt.s32 s0, $0xFFFFFFFF;
	p6 =	sne.s32 s5, s7  }
0x45: {  	p0 =	por !p5, !p6  }
0x46: {  	s0 =	simm.s32 $0x1;
	p0 =	por !p0, !p0  }
0x47: {  	s0 =	simm.s32 @!p0 $0x0  }
0x48: {  	s0 =	ssub.s32 s1, s0  }
0x49: {  	s0 =	smul.u32 $0x3, s0  }
0x4a: {  	[tilespmem:s21], [sflag:$0x1] =	stream.indirect.gather [hbm4b:s4+s20], $0x80, s3, s20, $0xb8;
	[tilespmem:$0x1B8C0] =	vst v63  }
0x4b: {  	p0 =	sgt.s32 s0, $0x3  }
0x4c: {  	s0 =	simm.s32 @!p0 $0x3  }
0x4d: {  	s0 =	smin.u32 s0, $0x54  }
0x4e: {  	s10 =	smul.u32 $0x56, s0  }
0x4f: {  	[tilespmem:s22], [sflag:$0x2] =	stream.indirect.gather [hbm4b:s4+s20], $0x80, s20, s20, $0xb8;
	[tilespmem:$0x1B8C0] =	vst v63  }
0x50: {  	s1 =	sshrl.u32 s10, $0x8  }
0x51: {  	s1 =	smul.u32 $0x600, s1  }
0x52: {  	[tilespmem:s24], [sflag:$0x3] =	stream.indirect.gather [hbm4b:s4+s20], $0x80, s23, s20, $0xb8;
	[tilespmem:$0x1B8C0] =	vst v63  }
0x53: {  	s5 =	simm.s32 $0x0;
	[dreg:$0x4] =	wrdreg s1;
	s1 =	simm.s32 $0x5  }
.LBB2_2:
0x54: {  	_ =	swait.ge [sflag:s19], $0x4000  }
0x55: {  	s7 =	sshra.s32 s5, $0x2;
	s10 =	sadd.s32 $0xFFFFFFFE, s1;
	[sflag:s19] =	ssyncset.done $0x0  }
0x56: {  	s8 =	sadd.s32 $0x2C00, s7;
	p0 =	sge.u32 s10, s0;
	[sflag:s19] =	ssyncadd.s32 $0xFFFFC000  }
0x57: {  	[spmem:s2] =	stream.indirect.scatter.add.f32 [tilespmem:s21], [sflag:$0x4], $0x80, s8, s20, $0xb8;
	[tilespmem:$0x1B8C0] =	vst v63  }
0x58: {  	s8 =	simm.s32 @!p0 $0x4  }
0x59: {  	_ =	swait.ge @!p0 [sflag:s8], $0x4000  }
0x5a: {  	[sflag:s8] =	ssyncset.done @!p0 $0x0  }
0x5b: {  	[sflag:s8] =	ssyncadd.s32 @!p0 $0xFFFFC000;
	s8 =	sshra.s32 @!p0 s5, $0x2  }
0x5c: {  	s9 =	simm.s32 @!p0 $0x80;
	s10 =	simm.s32 @!p0 $0x5880;
	s8 =	sadd.s32 @!p0 $0x180, s8  }
0x5d: {  	[tilespmem:s10], [sflag:$0x1] =	stream.indirect.gather @!p0 [hbm4b:s4+s9], $0x80, s8, s9, $0xb8;
	[tilespmem:$0x1B8C0] =	vst v63  }
0x5e: {  	s10 =	sadd.s32 $0xFFFFFFFF, s1;
	_ =	swait.ge [sflag:s25], $0x4000  }
0x5f: {  	p0 =	sge.u32 s10, s0;
	[sflag:s25] =	ssyncset.done $0x0  }
0x60: {  	s9 =	sadd.s32 $0x2C80, s7;
	s8 =	simm.s32 @!p0 $0x5;
	[sflag:s25] =	ssyncadd.s32 $0xFFFFC000  }
0x61: {  	[spmem:s2] =	stream.indirect.scatter.add.f32 [tilespmem:s22], [sflag:$0x5], $0x80, s9, s20, $0xb8;
	[tilespmem:$0x1B8C0] =	vst v63  }
0x62: {  	_ =	swait.ge @!p0 [sflag:s8], $0x4000  }
0x63: {  	[sflag:s8] =	ssyncset.done @!p0 $0x0  }
0x64: {  	[sflag:s8] =	ssyncadd.s32 @!p0 $0xFFFFC000;
	s8 =	sshra.s32 @!p0 s5, $0x2  }
0x65: {  	s10 =	simm.s32 @!p0 $0x9880;
	s9 =	simm.s32 @!p0 $0x80;
	s8 =	sadd.s32 @!p0 $0x200, s8  }
0x66: {  	[tilespmem:s10], [sflag:$0x2] =	stream.indirect.gather @!p0 [hbm4b:s4+s9], $0x80, s8, s9, $0xb8;
	[tilespmem:$0x1B8C0] =	vst v63  }
0x67: {  	_ =	swait.ge [sflag:s26], $0x4000  }
0x68: {  	[sflag:s26] =	ssyncset.done $0x0  }
0x69: {  	s7 =	sadd.s32 $0x2D00, s7;
	p0 =	sge.u32 s1, s0;
	[sflag:s26] =	ssyncadd.s32 $0xFFFFC000  }
0x6a: {  	[spmem:s2] =	stream.indirect.scatter.add.f32 [tilespmem:s24], [sflag:$0x6], $0x80, s7, s20, $0xb8;
	[tilespmem:$0x1B8C0] =	vst v63  }
0x6b: {  	s7 =	simm.s32 @!p0 $0x6  }
0x6c: {  	s8 =	sshra.s32 @!p0 s5, $0x2;
	s9 =	simm.s32 @!p0 $0xD880;
	_ =	swait.ge @!p0 [sflag:s7], $0x4000  }
0x6d: {  	s5 =	sadd.s32 $0x600, s5;
	[sflag:s7] =	ssyncset.done @!p0 $0x0;
	s10 =	rddreg [dreg:$0x4]  }
0x6e: {  	[sflag:s7] =	ssyncadd.s32 @!p0 $0xFFFFC000;
	s7 =	sadd.s32 @!p0 $0x280, s8;
	s8 =	simm.s32 @!p0 $0x80  }
0x6f: {  	[tilespmem:s9], [sflag:$0x3] =	stream.indirect.gather @!p0 [hbm4b:s4+s8], $0x80, s7, s8, $0xb8;
	[tilespmem:$0x1B8C0] =	vst v63  }
0x70: {  	p0 =	sne.s32 s10, s5  }
.Ltmp0:
0x71: {  	_ = 	snop;
	(pc) =	sbr.rel @p0 .LBB2_2-.Ltmp0, $2  }
0x72: {  	_ =	sdelay $0x2  }
0x73: {  	s1 =	sadd.s32 $0x3, s1  }
0x74: {  	_ =	swait.ge [sflag:s28], $0x4000  }
0x75: {  	[sflag:s28] =	ssyncset.done $0x0  }
0x76: {  	s0 =	simm.s32 $0x5;
	[sflag:s28] =	ssyncadd.s32 $0xFFFFC000  }
0x77: {  	_ =	swait.ge [sflag:s0], $0x4000  }
0x78: {  	[sflag:s0] =	ssyncset.done $0x0  }
0x79: {  	[sflag:s0] =	ssyncadd.s32 $0xFFFFC000  }
0x7a: {  	_ =	swait.ge [sflag:s29], $0x4000  }
0x7b: {  	[sflag:s29] =	ssyncset.done $0x0  }
0x7c: {  	s1 =	simm.s32 $0x0;
	s5 =	rddreg [dreg:$0xa];
	[sflag:s29] =	ssyncadd.s32 $0xFFFFC000  }
0x7d: {  	[tilespmem:s1], [sflag:$0x7] =	stream.linear.gather [hbm4b:s5+s1], $0x2A00, $0x38;
	[tilespmem:$0x1B8C0] =	vst v63  }
0x7e: {  	_ =	swait.ge [sflag:s16], $0x2A00  }
0x7f: {  	[sflag:s16] =	ssyncset.done $0x0  }
0x80: {  	[sflag:s16] =	ssyncadd.s32 $0xFFFFD600  }
0x81: {  	[tilespmem:s17], [sflag:$0x7] =	stream.linear.gather [hbm4b:s11+s1], $0x2A00, $0x38;
	[tilespmem:$0x1B8C0] =	vst v63  }
0x82: {  	_ =	swait.ge [sflag:s16], $0x2A00  }
0x83: {  	[sflag:s16] =	ssyncset.done $0x0  }
0x84: {  	[sflag:s16] =	ssyncadd.s32 $0xFFFFD600  }
0x85: {  	[tilespmem:s18], [sflag:$0x7] =	stream.linear.gather [hbm4b:s12+s1], $0x80, $0x38;
	[tilespmem:$0x1B8C0] =	vst v63  }
0x86: {  	_ =	swait.ge [sflag:s16], $0x80  }
0x87: {  	[sflag:s16] =	ssyncset.done $0x0  }
0x88: {  	[sflag:s16] =	ssyncadd.s32 $0xFFFFFF80  }
0x89: {  	v0 =	vld [tilespmem:$0x5800];
	_ =	sdelay $0x4  }
0x8a: {  	v0 =	vxor.u32 $0x80000000, v0  }
0x8b: {  	(xrf0) =	vmax.scan.msk.u32 $0xffff, v0;
	_ =	sdelay $0x5  }
0x8c: {  	v0, _, _ =	vpop (xrf0)  }
0x8d: {  	(v2sf) =	vpush v0, $0xF;
	_ =	sdelay $0xe  }
0x8e: {  	s7 =	spop (v2sf)  }
0x8f: {  	s5 =	sadd.s32 $0x8000007F, s7  }
0x90: {  	s7 =	sand.u32 $0x7F, s5  }
0x91: {  	s8 =	sshra.s32 s5, $0x1F;
	p0 =	slt.s32 s5, $0x1;
	p1 =	sne.s32 s7, $0x0  }
0x92: {  	s8 =	sshrl.u32 s8, $0x19;
	p0 =	por !p0, !p1  }
0x93: {  	s7 =	simm.s32 $0x1;
	s5 =	sadd.s32 s8, s5;
	p0 =	por !p0, !p0  }
0x94: {  	s5 =	sshra.s32 s5, $0x7;
	s7 =	simm.s32 @!p0 $0x0  }
0x95: {  	s5 =	ssub.s32 s5, s7  }
0x96: {  	s7 =	sadd.s32 $0x2, s5  }
0x97: {  	s9 =	smulhi.u32 $0x55555556, s7;
	s7 =	sshra.s32 s7, $0x1F  }
0x98: {  	s7 =	smul.u32 $0x55555556, s7;
	_ =	sdelay $0x1  }
0x99: {  	s7 =	sadd.s32 s7, s9  }
0x9a: {  	s8 =	sshrl.u32 s7, $0x1F  }
0x9b: {  	s7 =	sadd.s32 s8, s7  }
0x9c: {  	s8 =	smul.u32 $0xFFFFFFFD, s7  }
0x9d: {  	s9 =	ssub.s32 $0xFFFFFFFE, s5  }
0x9e: {  	p5 =	slt.s32 s5, $0xFFFFFFFF;
	p6 =	sne.s32 s8, s9  }
0x9f: {  	p0 =	por !p5, !p6  }
0xa0: {  	s5 =	simm.s32 $0x1;
	p0 =	por !p0, !p0  }
0xa1: {  	s5 =	simm.s32 @!p0 $0x0  }
0xa2: {  	s5 =	ssub.s32 s7, s5  }
0xa3: {  	s5 =	smul.u32 $0x3, s5  }
0xa4: {  	[tilespmem:s21], [sflag:$0x1] =	stream.indirect.gather [hbm4b:s4+s20], $0x80, s1, s20, $0xb8;
	[tilespmem:$0x1B8C0] =	vst v63  }
0xa5: {  	p0 =	sgt.s32 s5, $0x3  }
0xa6: {  	s5 =	simm.s32 @!p0 $0x3  }
0xa7: {  	s5 =	smin.u32 s5, $0x54  }
0xa8: {  	s10 =	smul.u32 $0x56, s5  }
0xa9: {  	[tilespmem:s22], [sflag:$0x2] =	stream.indirect.gather [hbm4b:s4+s20], $0x80, s20, s20, $0xb8;
	[tilespmem:$0x1B8C0] =	vst v63  }
0xaa: {  	s7 =	sshrl.u32 s10, $0x8  }
0xab: {  	s7 =	smul.u32 $0x600, s7  }
0xac: {  	[tilespmem:s24], [sflag:$0x3] =	stream.indirect.gather [hbm4b:s4+s20], $0x80, s23, s20, $0xb8;
	[tilespmem:$0x1B8C0] =	vst v63  }
0xad: {  	[dreg:$0x5] =	wrdreg s7  }
.LBB2_4:
0xae: {  	_ =	swait.ge [sflag:s19], $0x4000  }
0xaf: {  	s7 =	sshra.s32 s1, $0x2;
	s10 =	sadd.s32 $0xFFFFFFFE, s0;
	[sflag:s19] =	ssyncset.done $0x0  }
0xb0: {  	s8 =	sadd.s32 $0x2C00, s7;
	p0 =	sge.u32 s10, s5;
	[sflag:s19] =	ssyncadd.s32 $0xFFFFC000  }
0xb1: {  	[spmem:s2] =	stream.indirect.scatter.add.f32 [tilespmem:s21], [sflag:$0x4], $0x80, s8, s20, $0xb8;
	[tilespmem:$0x1B8C0] =	vst v63  }
0xb2: {  	s8 =	simm.s32 @!p0 $0x4  }
0xb3: {  	_ =	swait.ge @!p0 [sflag:s8], $0x4000  }
0xb4: {  	[sflag:s8] =	ssyncset.done @!p0 $0x0  }
0xb5: {  	[sflag:s8] =	ssyncadd.s32 @!p0 $0xFFFFC000;
	s8 =	sshra.s32 @!p0 s1, $0x2  }
0xb6: {  	s9 =	simm.s32 @!p0 $0x80;
	s10 =	simm.s32 @!p0 $0x5880;
	s8 =	sadd.s32 @!p0 $0x180, s8  }
0xb7: {  	[tilespmem:s10], [sflag:$0x1] =	stream.indirect.gather @!p0 [hbm4b:s4+s9], $0x80, s8, s9, $0xb8;
	[tilespmem:$0x1B8C0] =	vst v63  }
0xb8: {  	s10 =	sadd.s32 $0xFFFFFFFF, s0;
	_ =	swait.ge [sflag:s25], $0x4000  }
0xb9: {  	p0 =	sge.u32 s10, s5;
	[sflag:s25] =	ssyncset.done $0x0  }
0xba: {  	s9 =	sadd.s32 $0x2C80, s7;
	s8 =	simm.s32 @!p0 $0x5;
	[sflag:s25] =	ssyncadd.s32 $0xFFFFC000  }
0xbb: {  	[spmem:s2] =	stream.indirect.scatter.add.f32 [tilespmem:s22], [sflag:$0x5], $0x80, s9, s20, $0xb8;
	[tilespmem:$0x1B8C0] =	vst v63  }
0xbc: {  	_ =	swait.ge @!p0 [sflag:s8], $0x4000  }
0xbd: {  	[sflag:s8] =	ssyncset.done @!p0 $0x0  }
0xbe: {  	[sflag:s8] =	ssyncadd.s32 @!p0 $0xFFFFC000;
	s8 =	sshra.s32 @!p0 s1, $0x2  }
0xbf: {  	s10 =	simm.s32 @!p0 $0x9880;
	s9 =	simm.s32 @!p0 $0x80;
	s8 =	sadd.s32 @!p0 $0x200, s8  }
0xc0: {  	[tilespmem:s10], [sflag:$0x2] =	stream.indirect.gather @!p0 [hbm4b:s4+s9], $0x80, s8, s9, $0xb8;
	[tilespmem:$0x1B8C0] =	vst v63  }
0xc1: {  	_ =	swait.ge [sflag:s26], $0x4000  }
0xc2: {  	[sflag:s26] =	ssyncset.done $0x0  }
0xc3: {  	s7 =	sadd.s32 $0x2D00, s7;
	p0 =	sge.u32 s0, s5;
	[sflag:s26] =	ssyncadd.s32 $0xFFFFC000  }
0xc4: {  	[spmem:s2] =	stream.indirect.scatter.add.f32 [tilespmem:s24], [sflag:$0x6], $0x80, s7, s20, $0xb8;
	[tilespmem:$0x1B8C0] =	vst v63  }
0xc5: {  	s7 =	simm.s32 @!p0 $0x6  }
0xc6: {  	s8 =	sshra.s32 @!p0 s1, $0x2;
	s9 =	simm.s32 @!p0 $0xD880;
	_ =	swait.ge @!p0 [sflag:s7], $0x4000  }
0xc7: {  	s1 =	sadd.s32 $0x600, s1;
	[sflag:s7] =	ssyncset.done @!p0 $0x0;
	s10 =	rddreg [dreg:$0x5]  }
0xc8: {  	[sflag:s7] =	ssyncadd.s32 @!p0 $0xFFFFC000;
	s7 =	sadd.s32 @!p0 $0x280, s8;
	s8 =	simm.s32 @!p0 $0x80  }
0xc9: {  	[tilespmem:s9], [sflag:$0x3] =	stream.indirect.gather @!p0 [hbm4b:s4+s8], $0x80, s7, s8, $0xb8;
	[tilespmem:$0x1B8C0] =	vst v63  }
0xca: {  	p0 =	sne.s32 s10, s1  }
.Ltmp1:
0xcb: {  	_ = 	snop;
	(pc) =	sbr.rel @p0 .LBB2_4-.Ltmp1, $2  }
0xcc: {  	_ =	sdelay $0x2  }
0xcd: {  	s0 =	sadd.s32 $0x3, s0  }
0xce: {  	_ =	swait.ge [sflag:s28], $0x4000  }
0xcf: {  	[sflag:s28] =	ssyncset.done $0x0  }
0xd0: {  	[sflag:s28] =	ssyncadd.s32 $0xFFFFC000  }
0xd1: {  	_ =	swait.ge [sflag:s30], $0x4000  }
0xd2: {  	[sflag:s30] =	ssyncset.done $0x0  }
0xd3: {  	[sflag:s30] =	ssyncadd.s32 $0xFFFFC000  }
0xd4: {  	_ =	swait.ge [sflag:s29], $0x4000  }
0xd5: {  	s31 =	sadd.s32 $0x1, s31;
	[sflag:s29] =	ssyncset.done $0x0  }
0xd6: {  	p0 =	sne.s32 s31, s14;
	[sflag:s29] =	ssyncadd.s32 $0xFFFFC000  }
.Ltmp2:
0xd7: {  	[bflag:$0x0] =	sbarrier.arrive $0xFFFF;
	(pc) =	sbr.rel @p0 .LBB2_1-.Ltmp2, $4  }
0xd8: {  	[hbm:s13], [sflag:s6] =	dma.local [spmem:s15], $0x1400  }
0xd9: {  	_ =	swait.ge [sflag:s16], $0x1400  }
0xda: {  	[sflag:s16] =	ssyncset.done $0x0  }
0xdb: {  	[sflag:s16] =	ssyncadd.s32 $0xFFFFEC00  }
0xdc: {  	_ =	sfence.sel $0x180000  }
0xdd: {  	[bflag:$0x0] =	sbarrier.arrive $0xFFFF  }
0xde: {  	_ =	strace $0x9000004A  }
0xdf: {  	s0 =	stileid.u32;
	[bflag:$0x2] =	sbarrier.arrive $0xFFFF  }
0xe0: {  	p0 =	sne.s32 s0, $0x0;
	s0 =	rddreg [dreg:$0x3]  }
0xe1: {  	s0 =	sadd.s32 @!p0 $0x100000, s0  }
0xe2: {  	[sflag:s0] =	ssyncadd.tile.s32 @!p0 $0x1;
	_ =	shalt  }
.Lfunc_end2:
_tile_overlayer_lowered:
.L_overlay_start_2:
0xe3: {  	(tag) =	ssettag $0x2  }
0xe4: {  	s0 =	rddreg [dreg:$0x0];
	s2 =	stileid.u32  }
0xe5: {  	s1 =	rddreg [dreg:$0x1];
	p0 =	sne.s32 s2, $0x0  }
0xe6: {  	s3 =	rddreg [dreg:$0x2];
	[bflag:$0x3] =	sbarrier.arrive $0xFFFF;
	s2 =	simm.s32 @!p0 $0x1C07  }
0xe7: {  	[timem:s3], [sflag:s2] =	dma.local @!p0 [hbm:s0], s1  }
0xe8: {  	s0 =	simm.s32 @!p0 $0x7  }
0xe9: {  	_ =	swait.ge @!p0 [sflag:s0], s1  }
0xea: {  	s1 =	ssub.s32 @!p0 $0x0, s1;
	[sflag:s0] =	ssyncset.done @!p0 $0x0  }
0xeb: {  	[sflag:s0] =	ssyncadd.s32 @!p0 s1  }
0xec: {  	[bflag:$0x3] =	sbarrier.arrive $0xFFFF  }
0xed: {  	_ =	shalt  }

// kernel: kernel.17.cloned.1.call-start
scs
__scs_entry_jumppad:
0x0: {  	(pc) =	sbr.rel $0x88, $3  }
0x1: {  	(tag) =	ssettag $0x0;
	lr =	simm.s32 $0x1  }
0x2: {  	[smem:$0x3F99] =	sst lr;
	_ =	strace $0xD0000000  }
0x3: {  	_ = 	snop  }
0x4: {  	_ = 	snop  }
0x5: {  	_ = 	snop  }
0x6: {  	_ = 	snop  }
0x7: {  	_ = 	snop  }
__scs_overlays_trampoline_lowered:
0x8: {  	[smem:$0x3FA8] =	sst s0  }
0x9: {  	[smem:$0x3FA9] =	sst s1  }
0xa: {  	[smem:$0x3FAA] =	sst s2  }
0xb: {  	[smem:$0x3FAB] =	sst s3  }
0xc: {  	[smem:$0x3FAC] =	sst s4  }
0xd: {  	[smem:$0x3FAD] =	sst s5  }
0xe: {  	[smem:$0x3FAE] =	sst s6  }
0xf: {  	[smem:$0x3FAF] =	sst s7  }
0x10: {  	[smem:$0x3FB0] =	sst s8  }
0x11: {  	[smem:$0x3FB1] =	sst s9;
	s0 =	simm.s32 @!p0 $0x0  }
0x12: {  	s1 =	sld [smem:$0x3F97];
	s0 =	simm.s32 @p0 $0x1  }
0x13: {  	[smem:$0x3FB2] =	sst s0;
	s0 =	simm.s32 @!p1 $0x0  }
0x14: {  	s2 =	sld [smem:$0x3F96];
	s0 =	simm.s32 @p1 $0x1  }
0x15: {  	[smem:$0x3FB3] =	sst s0;
	s0 =	simm.s32 @!p2 $0x0  }
0x16: {  	s3 =	sld [smem:$0x3FDB];
	s0 =	simm.s32 @p2 $0x1  }
0x17: {  	s4 =	simm.s32 $0x1BF5;
	[smem:$0x3FB5] =	sst s0  }
0x18: {  	s0 =	sld [smem:$0x3F98];
	_ =	swait.ge [sflag:s4], $0x0  }
0x19: {  	s7 =	sld [smem:$0x3F99]  }
0x1a: {  	s8 =	sadd.s32 $0xFFFFE003, lr  }
0x1b: {  	s9 =	sadd.s32 $0xFFFFFEF7, lr;
	s5 =	simm.s32 $0xFFFFFFFF;
	p2 =	slt.u32 s8, $0xFFFFF086  }
0x1c: {  	p1 =	slt.u32 s9, $0xF7A;
	s5 =	simm.s32 @!p2 $0x0  }
0x1d: {  	s5 =	simm.s32 @p1 $0x1;
	p0 =	seq.s32 s7, s2  }
0x1e: {  	s7 =	smul.u32 @!p0 $0xF7A, s2;
	p2 =	seq.s32 @!p0 s5, $0x0  }
0x1f: {  	s9 =	smul.u32 $0xF7A, s1;
	s8 =	simm.s32 @!p0 $0x1BF5;
	p2 =	por !p2, p0  }
0x20: {  	[sflag:s8] =	ssyncset.s32 @!p0 $0xFFFFF086;
	s6 =	sadd.s32 @!p0 s3, s7;
	s7 =	simm.s32 @!p0 $0x108  }
0x21: {  	s3 =	sadd.s32 s3, s9;
	s6 =	sadd.s32 @!p0 $0x88, s6;
	s7 =	simm.s32 @p2 $0x1082  }
0x22: {  	[simem:s7], [sflag:s8] =	dma.local @!p0 [hbm:s6], $0xF7A  }
0x23: {  	s9 =	sor.u32 $0xD0000000, s2;
	s6 =	simm.s32 $0x108;
	_ =	swait.ge @!p0 [sflag:s8], $0x0  }
0x24: {  	s3 =	sadd.s32 $0x88, s3;
	s6 =	simm.s32 @!p1 $0x1082;
	[sflag:s4] =	ssyncset.s32 $0xFFFFF086  }
0x25: {  	[simem:s6], [sflag:s4] =	dma.local [hbm:s3], $0xF7A  }
0x26: {  	[smem:$0x3F99] =	sst s1;
	(tag) =	ssettag s2;
	_ =	strace s9  }
0x27: {  	s1 =	sld [smem:$0x3FA9]  }
0x28: {  	s2 =	sld [smem:$0x3FAA]  }
0x29: {  	s4 =	sld [smem:$0x3FAC]  }
0x2a: {  	p0 =	seq.s32 s5, $0x0;
	s5 =	sld [smem:$0x3FAD]  }
0x2b: {  	s6 =	sld [smem:$0x3FAE]  }
0x2c: {  	s7 =	sld [smem:$0x3FAF]  }
0x2d: {  	s3 =	simm.s32 $0x108;
	s8 =	sld [smem:$0x3FB0]  }
0x2e: {  	s3 =	simm.s32 @!p0 $0x1082;
	s9 =	sld [smem:$0x3FB1]  }
0x2f: {  	lr =	sadd.s32 s0, s3;
	s0 =	sld [smem:$0x3FA8]  }
0x30: {  	s3 =	sld [smem:$0x3FAB]  }
0x31: {  	[smem:$0x3FB4] =	sst s10  }
0x32: {  	s10 =	sld [smem:$0x3FB2];
	_ =	sdelay $0x3  }
0x33: {  	p0 =	seq.s32 s10, $0x1;
	s10 =	sld [smem:$0x3FB4];
	_ =	sdelay $0x3  }
0x34: {  	[smem:$0x3FB4] =	sst s10  }
0x35: {  	s10 =	sld [smem:$0x3FB3];
	_ =	sdelay $0x3  }
0x36: {  	p1 =	seq.s32 s10, $0x1;
	s10 =	sld [smem:$0x3FB4];
	_ =	sdelay $0x3  }
0x37: {  	[smem:$0x3FB4] =	sst s10  }
0x38: {  	s10 =	sld [smem:$0x3FB5]  }
0x39: {  	_ = 	snop;
	(pc) =	sbr.ind lr, $3  }
0x3a: {  	_ = 	snop  }
0x3b: {  	_ = 	snop  }
0x3c: {  	p2 =	seq.s32 s10, $0x1;
	s10 =	sld [smem:$0x3FB4]  }
0x3d: {  	_ =	shalt  }
0x3e: {  	_ =	shalt  }
0x3f: {  	_ =	shalt  }
0x40: {  	_ =	shalt  }
0x41: {  	_ =	shalt  }
0x42: {  	_ =	shalt  }
0x43: {  	_ =	shalt  }
0x44: {  	_ =	shalt  }
0x45: {  	_ =	shalt  }
0x46: {  	_ =	shalt  }
0x47: {  	_ =	shalt  }
0x48: {  	_ =	shalt  }
0x49: {  	_ =	shalt  }
0x4a: {  	_ =	shalt  }
0x4b: {  	_ =	shalt  }
0x4c: {  	_ =	shalt  }
0x4d: {  	_ =	shalt  }
0x4e: {  	_ =	shalt  }
0x4f: {  	_ =	shalt  }
0x50: {  	_ =	shalt  }
0x51: {  	_ =	shalt  }
0x52: {  	_ =	shalt  }
0x53: {  	_ =	shalt  }
0x54: {  	_ =	shalt  }
0x55: {  	_ =	shalt  }
0x56: {  	_ =	shalt  }
0x57: {  	_ =	shalt  }
0x58: {  	_ =	shalt  }
0x59: {  	_ =	shalt  }
0x5a: {  	_ =	shalt  }
0x5b: {  	_ =	shalt  }
0x5c: {  	_ =	shalt  }
0x5d: {  	_ =	shalt  }
0x5e: {  	_ =	shalt  }
0x5f: {  	_ =	shalt  }
0x60: {  	_ =	shalt  }
0x61: {  	_ =	shalt  }
0x62: {  	_ =	shalt  }
0x63: {  	_ =	shalt  }
0x64: {  	_ =	shalt  }
0x65: {  	_ =	shalt  }
0x66: {  	_ =	shalt  }
0x67: {  	_ =	shalt  }
0x68: {  	_ =	shalt  }
0x69: {  	_ =	shalt  }
0x6a: {  	_ =	shalt  }
0x6b: {  	_ =	shalt  }
0x6c: {  	_ =	shalt  }
0x6d: {  	_ =	shalt  }
0x6e: {  	_ =	shalt  }
0x6f: {  	_ =	shalt  }
0x70: {  	_ =	shalt  }
0x71: {  	_ =	shalt  }
0x72: {  	_ =	shalt  }
0x73: {  	_ =	shalt  }
0x74: {  	_ =	shalt  }
0x75: {  	_ =	shalt  }
0x76: {  	_ =	shalt  }
0x77: {  	_ =	shalt  }
0x78: {  	_ =	shalt  }
0x79: {  	_ =	shalt  }
0x7a: {  	_ =	shalt  }
0x7b: {  	_ =	shalt  }
0x7c: {  	_ =	shalt  }
0x7d: {  	_ =	shalt  }
0x7e: {  	_ =	shalt  }
0x7f: {  	_ =	shalt  }
0x80: {  	_ =	shalt  }
0x81: {  	_ =	shalt  }
0x82: {  	_ =	shalt  }
0x83: {  	_ =	shalt  }
0x84: {  	_ =	shalt  }
0x85: {  	_ =	shalt  }
0x86: {  	_ =	shalt  }
0x87: {  	_ =	shalt  }
.Lfunc_end0:
.L_simem_size_0:
called_computation.2_lowered:
.L_overlay_start_0:
0x88: {  	s2 =	sld [smem:$0x3FD9]  }
0x89: {  	s3 =	sld [smem:$0x3FFE];
	_ =	sdelay $0x1  }
0x8a: {  	s1 =	srdreg.scid  }
0x8b: {  	s0 =	sand.u32 $0x1, s1  }
0x8c: {  	s17 =	sshll.u32 s0, $0xA;
	s2 =	sadd.s32 s3, s2  }
0x8d: {  	s2 =	sadd.s32 s2, s17  }
0x8e: {  	[smem:$0x3FC0] =	sst s2  }
0x8f: {  	_ = 	snop  }
0x90: {  	s2 =	sld [smem:$0x3FD0];
	(tm) =	ssettm $0x1  }
0x91: {  	s18 =	sld [smem:$0x3FFB];
	_ =	sdelay $0x3  }
0x92: {  	_ =	strace s18  }
0x93: {  	s3 =	sld [smem:$0x3FFC];
	_ =	sdelay $0x3  }
0x94: {  	_ =	strace s3  }
0x95: {  	s3 =	sld [smem:$0x3FFD];
	_ =	sdelay $0x3  }
0x96: {  	_ =	strace s3  }
0x97: {  	_ =	strace $0x8FFFFFFF  }
0x98: {  	s19 =	sld [smem:$0x3FDB];
	_ =	sdelay $0x1  }
0x99: {  	s4 =	simm.s32 $_scs_section_size  }
0x9a: {  	s5 =	simm.s32 $_size__tile_overlayer_lowered;
	s6 =	simm.s32 $_tile_overlayer_lowered  }
0x9b: {  	s22 =	simm.s32 $0x1BFF;
	s21 =	sshll.u32 s6, $0x1;
	s3 =	sadd.s32 s4, s19  }
0x9c: {  	s7 =	simm.s32 $0x0;
	s20 =	sshll.u32 s5, $0x1;
	s5 =	sadd.s32 s21, s3  }
0x9d: {  	[timem:s7], [sflag:s22] =	dma.local [hbm:s5], s20  }
0x9e: {  	_ =	swait.ge [sflag:s22], s20  }
0x9f: {  	s4 =	ssub.s32 $0x0, s20;
	[sflag:s22] =	ssyncset.done $0x0  }
0xa0: {  	[sflag:s22] =	ssyncadd.s32 s4;
	_ =	sdelay $0x1  }
0xa1: {  	s23 =	simm.s32 $0x1B8B  }
0xa2: {  	_ =	swait.ge [sflag:s23], $0x1  }
0xa3: {  	[sflag:s23] =	ssyncset.done $0x0  }
0xa4: {  	s25 =	simm.s32 $0x1B8E;
	s24 =	sld [smem:$0x3FFE];
	[sflag:s23] =	ssyncadd.s32 $0xFFFFFFFF  }
0xa5: {  	s26 =	simm.s32 $execute0_lowered;
	[smem:$0x3FD2] =	sst s25  }
0xa6: {  	s5 =	sshll.u32 s26, $0x1;
	_ =	strace $0x8000004C;
	[dreg:$0x1] =	wrdreg $0xFFFFFFFF  }
0xa7: {  	s28 =	simm.s32 $_size_execute0_lowered;
	s3 =	sadd.s32 s3, s5;
	[dreg:$0x0] =	wrdreg $0x0  }
0xa8: {  	s5 =	sshll.u32 s28, $0x1;
	[dreg:$0x2] =	wrdreg s3  }
0xa9: {  	[dreg:$0x3] =	wrdreg s5  }
0xaa: {  	[dreg:$0x4] =	wrdreg $0xC0  }
0xab: {  	_ =	task [dreg:s7], $0x5FFFF  }
0xac: {  	[dreg:$0x1] =	wrdreg $0xFFFFFFFF  }
0xad: {  	[dreg:$0x0] =	wrdreg $0x60  }
0xae: {  	[dreg:$0x2] =	wrdreg s24  }
0xaf: {  	[dreg:$0x3] =	wrdreg s2  }
0xb0: {  	[dreg:$0x4] =	wrdreg $0x118800  }
0xb1: {  	[dreg:$0x5] =	wrdreg $0x9  }
0xb2: {  	_ =	task.clear_ibuf [dreg:s7], $0x6FFFF;
	_ =	strace $0x9000004C  }
0xb3: {  	s29 =	simm.s32 $0x9;
	_ =	strace $0x8000004E  }
0xb4: {  	_ =	swait.ge [sflag:s29], $0x1  }
0xb5: {  	[sflag:s29] =	ssyncadd.s32 $0xFFFFFFFF  }
0xb6: {  	_ =	strace $0x9000004E  }
0xb7: {  	_ =	sfence  }
0xb8: {  	s30 =	sld [smem:$0x0];
	_ =	sdelay $0x2  }
0xb9: {  	s31 =	sshll.u32 s1, $0xD;
	s1 =	sshrl.u32 s1, $0x2  }
0xba: {  	s3 =	sand.u32 $0x4000, s31;
	s1 =	sadd.s32 s1, s30  }
0xbb: {  	s0 =	sor.u32 s3, s0;
	s1 =	sshll.u32 s1, $0x11  }
0xbc: {  	s0 =	sor.u32 s1, s0  }
0xbd: {  	s0 =	sadd.s32 $0x8F2B, s0  }
0xbe: {  	[sflag:s0] =	ssyncadd.remote.s32 $0x1  }
0xbf: {  	_ =	sfence.sel $0xFFFF  }
0xc0: {  	[dreg:$0x0] =	wrdreg $0xFFFFFFFF;
	(pc) =	sbr.abs _section_cstart, $3  }
0xc1: {  	[dreg:$0x1] =	wrdreg $0xFFFFFFFF  }
0xc2: {  	_ =	task.clear_ibuf [dreg:s7], $0x2FFFF;
	_ =	strace $0x9FFFFFFF  }
0xc3: {  	(tm) =	ssettm $0x7FFFFFFF  }
tec
execute0_lowered:
.L_overlay_start_1:
0x0: {  	(tag) =	ssettag $0x1  }
0x1: {  	s0 =	rddreg [dreg:$0x0]  }
0x2: {  	s1 =	rddreg [dreg:$0x1]  }
0x3: {  	s2 =	rddreg [dreg:$0x2];
	s3 =	simm.s32 $0x0  }
0x4: {  	s16 =	stileid.u32;
	s4 =	srdreg.scid;
	s28 =	simm.s32 $0x4  }
0x5: {  	s29 =	simm.s32 $0x6;
	s30 =	simm.s32 $0x5;
	s31 =	simm.s32 $0x0  }
0x6: {  	[smem:$0x7FF] =	sst s3;
	s5 =	smul.u32 $0xA000, s16;
	s7 =	sand.u32 $0x1, s4  }
0x7: {  	s4 =	sadd.s32 $0x39E00, s0;
	s11 =	sadd.s32 $0x3C00, s0;
	s9 =	smul.u32 $0x28000, s16  }
0x8: {  	s12 =	sadd.s32 $0x39A00, s0;
	s17 =	smul.u32 $0x5800, s16;
	s19 =	sshll.u32 s16, $0x6  }
0x9: {  	s21 =	sshll.u32 s16, $0x8;
	s23 =	sshllo.u32 s16, $0x1;
	s6 =	smul.u32 $0xA0000, s7  }
0xa: {  	_ =	strace $0x8000004D;
	s13 =	ssub.s32 $0x2, s7;
	s10 =	smul.u32 $0x58000, s7  }
0xb: {  	s16 =	smul.u32 $0x2C00, s23;
	s8 =	sshrl.u32 s5, $0x3;
	s14 =	sshrl.u32 s13, $0x1  }
0xc: {  	s15 =	sshrl.u32 s9, $0x2;
	s9 =	sand.u32 $0x300, s21;
	s8 =	sadd.s32 s8, s0  }
0xd: {  	s5 =	sadd.s32 s5, s6;
	s15 =	sadd.s32 s15, s2;
	s6 =	sor.u32 $0x1C07, s19  }
0xe: {  	s20 =	sadd.s32 s17, s10;
	s10 =	sadd.s32 s10, s16;
	s16 =	simm.s32 $0x7  }
0xf: {  	s17 =	simm.s32 $0x2C00;
	s19 =	simm.s32 $0x1;
	s5 =	sshrl.u32 s5, $0x3  }
0x10: {  	s18 =	sadd.s32 $0x19C00, s8;
	s8 =	sshrl.u32 s20, $0x3;
	s26 =	sshrl.u32 s10, $0x3  }
0x11: {  	s15 =	sshrl.u32 s15, $0x3;
	s20 =	simm.s32 $0x80;
	s0 =	sadd.s32 s5, s0  }
0x12: {  	s5 =	ssub.s32 s13, s14;
	[dreg:$0x6] =	wrdreg s18;
	s13 =	sshll.u32 s7, $0xC  }
0x13: {  	s14 =	sand.u32 $0xC00, s21;
	s22 =	sadd.s32 s1, s8;
	s24 =	sadd.s32 s11, s8  }
0x14: {  	s1 =	sadd.s32 s1, s26;
	s11 =	sadd.s32 s11, s26;
	s18 =	simm.s32 $0x5800  }
0x15: {  	s21 =	simm.s32 $0x5880;
	s26 =	simm.s32 $0x3;
	[dreg:$0x7] =	wrdreg s22  }
0x16: {  	s13 =	sor.u32 s13, s14;
	s14 =	sshll.u32 s23, $0x7;
	[dreg:$0x8] =	wrdreg s24  }
0x17: {  	[dreg:$0xa] =	wrdreg s1;
	s22 =	simm.s32 $0x9880;
	s9 =	sor.u32 s9, s13  }
0x18: {  	s23 =	simm.s32 $0x100;
	s14 =	sand.u32 $0x380, s14;
	s9 =	sshrl.u32 s9, $0x3  }
0x19: {  	s24 =	simm.s32 $0xD880;
	s13 =	sor.u32 s13, s14;
	s25 =	sadd.s32 s12, s9  }
0x1a: {  	s14 =	smax.u32 s5, $0x1;
	s13 =	sshrl.u32 s13, $0x3;
	[dreg:$0x9] =	wrdreg s25  }
0x1b: {  	s12 =	sadd.s32 s12, s13;
	s13 =	sadd.s32 $0x61E00, s0;
	s25 =	simm.s32 $0x2  }
.LBB2_1:
0x1c: {  	s0 =	rddreg [dreg:$0x6]  }
0x1d: {  	[spmem:s15], [sflag:s6] =	dma.local [hbm:s0], $0x1400  }
0x1e: {  	_ =	swait.ge [sflag:s16], $0x1400  }
0x1f: {  	[sflag:s16] =	ssyncset.done $0x0  }
0x20: {  	[sflag:s16] =	ssyncadd.s32 $0xFFFFEC00  }
0x21: {  	[bflag:$0x0] =	sbarrier.arrive $0xFFFF  }
0x22: {  	s10 =	rddreg [dreg:$0x7]  }
0x23: {  	[tilespmem:s3], [sflag:$0x7] =	stream.linear.gather [hbm4b:s10+s3], $0x2A00, $0x38;
	[tilespmem:$0x1B8C0] =	vst v63  }
0x24: {  	_ =	swait.ge [sflag:s16], $0x2A00  }
0x25: {  	[sflag:s16] =	ssyncset.done $0x0  }
0x26: {  	s1 =	rddreg [dreg:$0x8];
	[sflag:s16] =	ssyncadd.s32 $0xFFFFD600  }
0x27: {  	[tilespmem:s17], [sflag:$0x7] =	stream.linear.gather [hbm4b:s1+s3], $0x2A00, $0x38;
	[tilespmem:$0x1B8C0] =	vst v63  }
0x28: {  	_ =	swait.ge [sflag:s16], $0x2A00  }
0x29: {  	[sflag:s16] =	ssyncset.done $0x0  }
0x2a: {  	s5 =	rddreg [dreg:$0x9];
	[sflag:s16] =	ssyncadd.s32 $0xFFFFD600  }
0x2b: {  	[tilespmem:s18], [sflag:$0x7] =	stream.linear.gather [hbm4b:s5+s3], $0x80, $0x38;
	[tilespmem:$0x1B8C0] =	vst v63  }
0x2c: {  	_ =	swait.ge [sflag:s16], $0x80  }
0x2d: {  	[sflag:s16] =	ssyncset.done $0x0  }
0x2e: {  	[sflag:s16] =	ssyncadd.s32 $0xFFFFFF80  }
0x2f: {  	v0 =	vld [tilespmem:$0x5800];
	_ =	sdelay $0x4  }
0x30: {  	v0 =	vxor.u32 $0x80000000, v0  }
0x31: {  	(xrf0) =	vmax.scan.msk.u32 $0xffff, v0;
	_ =	sdelay $0x5  }
0x32: {  	v0, _, _ =	vpop (xrf0)  }
0x33: {  	(v2sf) =	vpush v0, $0xF;
	_ =	sdelay $0xe  }
0x34: {  	s7 =	spop (v2sf)  }
0x35: {  	s0 =	sadd.s32 $0x8000007F, s7  }
0x36: {  	s1 =	sand.u32 $0x7F, s0  }
0x37: {  	s5 =	sshra.s32 s0, $0x1F;
	p0 =	slt.s32 s0, $0x1;
	p1 =	sne.s32 s1, $0x0  }
0x38: {  	s8 =	sshrl.u32 s5, $0x19;
	p0 =	por !p0, !p1  }
0x39: {  	s1 =	simm.s32 $0x1;
	s0 =	sadd.s32 s8, s0;
	p0 =	por !p0, !p0  }
0x3a: {  	s0 =	sshra.s32 s0, $0x7;
	s1 =	simm.s32 @!p0 $0x0  }
0x3b: {  	s0 =	ssub.s32 s0, s1  }
0x3c: {  	s1 =	sadd.s32 $0x2, s0  }
0x3d: {  	s9 =	smulhi.u32 $0x55555556, s1;
	s1 =	sshra.s32 s1, $0x1F  }
0x3e: {  	s1 =	smul.u32 $0x55555556, s1;
	_ =	sdelay $0x1  }
0x3f: {  	s1 =	sadd.s32 s1, s9  }
0x40: {  	s5 =	sshrl.u32 s1, $0x1F  }
0x41: {  	s1 =	sadd.s32 s5, s1  }
0x42: {  	s5 =	smul.u32 $0xFFFFFFFD, s1  }
0x43: {  	s7 =	ssub.s32 $0xFFFFFFFE, s0  }
0x44: {  	p5 =	slt.s32 s0, $0xFFFFFFFF;
	p6 =	sne.s32 s5, s7  }
0x45: {  	p0 =	por !p5, !p6  }
0x46: {  	s0 =	simm.s32 $0x1;
	p0 =	por !p0, !p0  }
0x47: {  	s0 =	simm.s32 @!p0 $0x0  }
0x48: {  	s0 =	ssub.s32 s1, s0  }
0x49: {  	s0 =	smul.u32 $0x3, s0  }
0x4a: {  	[tilespmem:s21], [sflag:$0x1] =	stream.indirect.gather [hbm4b:s4+s20], $0x80, s3, s20, $0xb8;
	[tilespmem:$0x1B8C0] =	vst v63  }
0x4b: {  	p0 =	sgt.s32 s0, $0x3  }
0x4c: {  	s0 =	simm.s32 @!p0 $0x3  }
0x4d: {  	s0 =	smin.u32 s0, $0x54  }
0x4e: {  	s10 =	smul.u32 $0x56, s0  }
0x4f: {  	[tilespmem:s22], [sflag:$0x2] =	stream.indirect.gather [hbm4b:s4+s20], $0x80, s20, s20, $0xb8;
	[tilespmem:$0x1B8C0] =	vst v63  }
0x50: {  	s1 =	sshrl.u32 s10, $0x8  }
0x51: {  	s1 =	smul.u32 $0x600, s1  }
0x52: {  	[tilespmem:s24], [sflag:$0x3] =	stream.indirect.gather [hbm4b:s4+s20], $0x80, s23, s20, $0xb8;
	[tilespmem:$0x1B8C0] =	vst v63  }
0x53: {  	s5 =	simm.s32 $0x0;
	[dreg:$0x4] =	wrdreg s1;
	s1 =	simm.s32 $0x5  }
.LBB2_2:
0x54: {  	_ =	swait.ge [sflag:s19], $0x4000  }
0x55: {  	s7 =	sshra.s32 s5, $0x2;
	s10 =	sadd.s32 $0xFFFFFFFE, s1;
	[sflag:s19] =	ssyncset.done $0x0  }
0x56: {  	s8 =	sadd.s32 $0x2C00, s7;
	p0 =	sge.u32 s10, s0;
	[sflag:s19] =	ssyncadd.s32 $0xFFFFC000  }
0x57: {  	[spmem:s2] =	stream.indirect.scatter.add.f32 [tilespmem:s21], [sflag:$0x4], $0x80, s8, s20, $0xb8;
	[tilespmem:$0x1B8C0] =	vst v63  }
0x58: {  	s8 =	simm.s32 @!p0 $0x4  }
0x59: {  	_ =	swait.ge @!p0 [sflag:s8], $0x4000  }
0x5a: {  	[sflag:s8] =	ssyncset.done @!p0 $0x0  }
0x5b: {  	[sflag:s8] =	ssyncadd.s32 @!p0 $0xFFFFC000;
	s8 =	sshra.s32 @!p0 s5, $0x2  }
0x5c: {  	s9 =	simm.s32 @!p0 $0x80;
	s10 =	simm.s32 @!p0 $0x5880;
	s8 =	sadd.s32 @!p0 $0x180, s8  }
0x5d: {  	[tilespmem:s10], [sflag:$0x1] =	stream.indirect.gather @!p0 [hbm4b:s4+s9], $0x80, s8, s9, $0xb8;
	[tilespmem:$0x1B8C0] =	vst v63  }
0x5e: {  	s10 =	sadd.s32 $0xFFFFFFFF, s1;
	_ =	swait.ge [sflag:s25], $0x4000  }
0x5f: {  	p0 =	sge.u32 s10, s0;
	[sflag:s25] =	ssyncset.done $0x0  }
0x60: {  	s9 =	sadd.s32 $0x2C80, s7;
	s8 =	simm.s32 @!p0 $0x5;
	[sflag:s25] =	ssyncadd.s32 $0xFFFFC000  }
0x61: {  	[spmem:s2] =	stream.indirect.scatter.add.f32 [tilespmem:s22], [sflag:$0x5], $0x80, s9, s20, $0xb8;
	[tilespmem:$0x1B8C0] =	vst v63  }
0x62: {  	_ =	swait.ge @!p0 [sflag:s8], $0x4000  }
0x63: {  	[sflag:s8] =	ssyncset.done @!p0 $0x0  }
0x64: {  	[sflag:s8] =	ssyncadd.s32 @!p0 $0xFFFFC000;
	s8 =	sshra.s32 @!p0 s5, $0x2  }
0x65: {  	s10 =	simm.s32 @!p0 $0x9880;
	s9 =	simm.s32 @!p0 $0x80;
	s8 =	sadd.s32 @!p0 $0x200, s8  }
0x66: {  	[tilespmem:s10], [sflag:$0x2] =	stream.indirect.gather @!p0 [hbm4b:s4+s9], $0x80, s8, s9, $0xb8;
	[tilespmem:$0x1B8C0] =	vst v63  }
0x67: {  	_ =	swait.ge [sflag:s26], $0x4000  }
0x68: {  	[sflag:s26] =	ssyncset.done $0x0  }
0x69: {  	s7 =	sadd.s32 $0x2D00, s7;
	p0 =	sge.u32 s1, s0;
	[sflag:s26] =	ssyncadd.s32 $0xFFFFC000  }
0x6a: {  	[spmem:s2] =	stream.indirect.scatter.add.f32 [tilespmem:s24], [sflag:$0x6], $0x80, s7, s20, $0xb8;
	[tilespmem:$0x1B8C0] =	vst v63  }
0x6b: {  	s7 =	simm.s32 @!p0 $0x6  }
0x6c: {  	s8 =	sshra.s32 @!p0 s5, $0x2;
	s9 =	simm.s32 @!p0 $0xD880;
	_ =	swait.ge @!p0 [sflag:s7], $0x4000  }
0x6d: {  	s5 =	sadd.s32 $0x600, s5;
	[sflag:s7] =	ssyncset.done @!p0 $0x0;
	s10 =	rddreg [dreg:$0x4]  }
0x6e: {  	[sflag:s7] =	ssyncadd.s32 @!p0 $0xFFFFC000;
	s7 =	sadd.s32 @!p0 $0x280, s8;
	s8 =	simm.s32 @!p0 $0x80  }
0x6f: {  	[tilespmem:s9], [sflag:$0x3] =	stream.indirect.gather @!p0 [hbm4b:s4+s8], $0x80, s7, s8, $0xb8;
	[tilespmem:$0x1B8C0] =	vst v63  }
0x70: {  	p0 =	sne.s32 s10, s5  }
.Ltmp0:
0x71: {  	_ = 	snop;
	(pc) =	sbr.rel @p0 .LBB2_2-.Ltmp0, $2  }
0x72: {  	_ =	sdelay $0x2  }
0x73: {  	s1 =	sadd.s32 $0x3, s1  }
0x74: {  	_ =	swait.ge [sflag:s28], $0x4000  }
0x75: {  	[sflag:s28] =	ssyncset.done $0x0  }
0x76: {  	s0 =	simm.s32 $0x5;
	[sflag:s28] =	ssyncadd.s32 $0xFFFFC000  }
0x77: {  	_ =	swait.ge [sflag:s0], $0x4000  }
0x78: {  	[sflag:s0] =	ssyncset.done $0x0  }
0x79: {  	[sflag:s0] =	ssyncadd.s32 $0xFFFFC000  }
0x7a: {  	_ =	swait.ge [sflag:s29], $0x4000  }
0x7b: {  	[sflag:s29] =	ssyncset.done $0x0  }
0x7c: {  	s1 =	simm.s32 $0x0;
	s5 =	rddreg [dreg:$0xa];
	[sflag:s29] =	ssyncadd.s32 $0xFFFFC000  }
0x7d: {  	[tilespmem:s1], [sflag:$0x7] =	stream.linear.gather [hbm4b:s5+s1], $0x2A00, $0x38;
	[tilespmem:$0x1B8C0] =	vst v63  }
0x7e: {  	_ =	swait.ge [sflag:s16], $0x2A00  }
0x7f: {  	[sflag:s16] =	ssyncset.done $0x0  }
0x80: {  	[sflag:s16] =	ssyncadd.s32 $0xFFFFD600  }
0x81: {  	[tilespmem:s17], [sflag:$0x7] =	stream.linear.gather [hbm4b:s11+s1], $0x2A00, $0x38;
	[tilespmem:$0x1B8C0] =	vst v63  }
0x82: {  	_ =	swait.ge [sflag:s16], $0x2A00  }
0x83: {  	[sflag:s16] =	ssyncset.done $0x0  }
0x84: {  	[sflag:s16] =	ssyncadd.s32 $0xFFFFD600  }
0x85: {  	[tilespmem:s18], [sflag:$0x7] =	stream.linear.gather [hbm4b:s12+s1], $0x80, $0x38;
	[tilespmem:$0x1B8C0] =	vst v63  }
0x86: {  	_ =	swait.ge [sflag:s16], $0x80  }
0x87: {  	[sflag:s16] =	ssyncset.done $0x0  }
0x88: {  	[sflag:s16] =	ssyncadd.s32 $0xFFFFFF80  }
0x89: {  	v0 =	vld [tilespmem:$0x5800];
	_ =	sdelay $0x4  }
0x8a: {  	v0 =	vxor.u32 $0x80000000, v0  }
0x8b: {  	(xrf0) =	vmax.scan.msk.u32 $0xffff, v0;
	_ =	sdelay $0x5  }
0x8c: {  	v0, _, _ =	vpop (xrf0)  }
0x8d: {  	(v2sf) =	vpush v0, $0xF;
	_ =	sdelay $0xe  }
0x8e: {  	s7 =	spop (v2sf)  }
0x8f: {  	s5 =	sadd.s32 $0x8000007F, s7  }
0x90: {  	s7 =	sand.u32 $0x7F, s5  }
0x91: {  	s8 =	sshra.s32 s5, $0x1F;
	p0 =	slt.s32 s5, $0x1;
	p1 =	sne.s32 s7, $0x0  }
0x92: {  	s8 =	sshrl.u32 s8, $0x19;
	p0 =	por !p0, !p1  }
0x93: {  	s7 =	simm.s32 $0x1;
	s5 =	sadd.s32 s8, s5;
	p0 =	por !p0, !p0  }
0x94: {  	s5 =	sshra.s32 s5, $0x7;
	s7 =	simm.s32 @!p0 $0x0  }
0x95: {  	s5 =	ssub.s32 s5, s7  }
0x96: {  	s7 =	sadd.s32 $0x2, s5  }
0x97: {  	s9 =	smulhi.u32 $0x55555556, s7;
	s7 =	sshra.s32 s7, $0x1F  }
0x98: {  	s7 =	smul.u32 $0x55555556, s7;
	_ =	sdelay $0x1  }
0x99: {  	s7 =	sadd.s32 s7, s9  }
0x9a: {  	s8 =	sshrl.u32 s7, $0x1F  }
0x9b: {  	s7 =	sadd.s32 s8, s7  }
0x9c: {  	s8 =	smul.u32 $0xFFFFFFFD, s7  }
0x9d: {  	s9 =	ssub.s32 $0xFFFFFFFE, s5  }
0x9e: {  	p5 =	slt.s32 s5, $0xFFFFFFFF;
	p6 =	sne.s32 s8, s9  }
0x9f: {  	p0 =	por !p5, !p6  }
0xa0: {  	s5 =	simm.s32 $0x1;
	p0 =	por !p0, !p0  }
0xa1: {  	s5 =	simm.s32 @!p0 $0x0  }
0xa2: {  	s5 =	ssub.s32 s7, s5  }
0xa3: {  	s5 =	smul.u32 $0x3, s5  }
0xa4: {  	[tilespmem:s21], [sflag:$0x1] =	stream.indirect.gather [hbm4b:s4+s20], $0x80, s1, s20, $0xb8;
	[tilespmem:$0x1B8C0] =	vst v63  }
0xa5: {  	p0 =	sgt.s32 s5, $0x3  }
0xa6: {  	s5 =	simm.s32 @!p0 $0x3  }
0xa7: {  	s5 =	smin.u32 s5, $0x54  }
0xa8: {  	s10 =	smul.u32 $0x56, s5  }
0xa9: {  	[tilespmem:s22], [sflag:$0x2] =	stream.indirect.gather [hbm4b:s4+s20], $0x80, s20, s20, $0xb8;
	[tilespmem:$0x1B8C0] =	vst v63  }
0xaa: {  	s7 =	sshrl.u32 s10, $0x8  }
0xab: {  	s7 =	smul.u32 $0x600, s7  }
0xac: {  	[tilespmem:s24], [sflag:$0x3] =	stream.indirect.gather [hbm4b:s4+s20], $0x80, s23, s20, $0xb8;
	[tilespmem:$0x1B8C0] =	vst v63  }
0xad: {  	[dreg:$0x5] =	wrdreg s7  }
.LBB2_4:
0xae: {  	_ =	swait.ge [sflag:s19], $0x4000  }
0xaf: {  	s7 =	sshra.s32 s1, $0x2;
	s10 =	sadd.s32 $0xFFFFFFFE, s0;
	[sflag:s19] =	ssyncset.done $0x0  }
0xb0: {  	s8 =	sadd.s32 $0x2C00, s7;
	p0 =	sge.u32 s10, s5;
	[sflag:s19] =	ssyncadd.s32 $0xFFFFC000  }
0xb1: {  	[spmem:s2] =	stream.indirect.scatter.add.f32 [tilespmem:s21], [sflag:$0x4], $0x80, s8, s20, $0xb8;
	[tilespmem:$0x1B8C0] =	vst v63  }
0xb2: {  	s8 =	simm.s32 @!p0 $0x4  }
0xb3: {  	_ =	swait.ge @!p0 [sflag:s8], $0x4000  }
0xb4: {  	[sflag:s8] =	ssyncset.done @!p0 $0x0  }
0xb5: {  	[sflag:s8] =	ssyncadd.s32 @!p0 $0xFFFFC000;
	s8 =	sshra.s32 @!p0 s1, $0x2  }
0xb6: {  	s9 =	simm.s32 @!p0 $0x80;
	s10 =	simm.s32 @!p0 $0x5880;
	s8 =	sadd.s32 @!p0 $0x180, s8  }
0xb7: {  	[tilespmem:s10], [sflag:$0x1] =	stream.indirect.gather @!p0 [hbm4b:s4+s9], $0x80, s8, s9, $0xb8;
	[tilespmem:$0x1B8C0] =	vst v63  }
0xb8: {  	s10 =	sadd.s32 $0xFFFFFFFF, s0;
	_ =	swait.ge [sflag:s25], $0x4000  }
0xb9: {  	p0 =	sge.u32 s10, s5;
	[sflag:s25] =	ssyncset.done $0x0  }
0xba: {  	s9 =	sadd.s32 $0x2C80, s7;
	s8 =	simm.s32 @!p0 $0x5;
	[sflag:s25] =	ssyncadd.s32 $0xFFFFC000  }
0xbb: {  	[spmem:s2] =	stream.indirect.scatter.add.f32 [tilespmem:s22], [sflag:$0x5], $0x80, s9, s20, $0xb8;
	[tilespmem:$0x1B8C0] =	vst v63  }
0xbc: {  	_ =	swait.ge @!p0 [sflag:s8], $0x4000  }
0xbd: {  	[sflag:s8] =	ssyncset.done @!p0 $0x0  }
0xbe: {  	[sflag:s8] =	ssyncadd.s32 @!p0 $0xFFFFC000;
	s8 =	sshra.s32 @!p0 s1, $0x2  }
0xbf: {  	s10 =	simm.s32 @!p0 $0x9880;
	s9 =	simm.s32 @!p0 $0x80;
	s8 =	sadd.s32 @!p0 $0x200, s8  }
0xc0: {  	[tilespmem:s10], [sflag:$0x2] =	stream.indirect.gather @!p0 [hbm4b:s4+s9], $0x80, s8, s9, $0xb8;
	[tilespmem:$0x1B8C0] =	vst v63  }
0xc1: {  	_ =	swait.ge [sflag:s26], $0x4000  }
0xc2: {  	[sflag:s26] =	ssyncset.done $0x0  }
0xc3: {  	s7 =	sadd.s32 $0x2D00, s7;
	p0 =	sge.u32 s0, s5;
	[sflag:s26] =	ssyncadd.s32 $0xFFFFC000  }
0xc4: {  	[spmem:s2] =	stream.indirect.scatter.add.f32 [tilespmem:s24], [sflag:$0x6], $0x80, s7, s20, $0xb8;
	[tilespmem:$0x1B8C0] =	vst v63  }
0xc5: {  	s7 =	simm.s32 @!p0 $0x6  }
0xc6: {  	s8 =	sshra.s32 @!p0 s1, $0x2;
	s9 =	simm.s32 @!p0 $0xD880;
	_ =	swait.ge @!p0 [sflag:s7], $0x4000  }
0xc7: {  	s1 =	sadd.s32 $0x600, s1;
	[sflag:s7] =	ssyncset.done @!p0 $0x0;
	s10 =	rddreg [dreg:$0x5]  }
0xc8: {  	[sflag:s7] =	ssyncadd.s32 @!p0 $0xFFFFC000;
	s7 =	sadd.s32 @!p0 $0x280, s8;
	s8 =	simm.s32 @!p0 $0x80  }
0xc9: {  	[tilespmem:s9], [sflag:$0x3] =	stream.indirect.gather @!p0 [hbm4b:s4+s8], $0x80, s7, s8, $0xb8;
	[tilespmem:$0x1B8C0] =	vst v63  }
0xca: {  	p0 =	sne.s32 s10, s1  }
.Ltmp1:
0xcb: {  	_ = 	snop;
	(pc) =	sbr.rel @p0 .LBB2_4-.Ltmp1, $2  }
0xcc: {  	_ =	sdelay $0x2  }
0xcd: {  	s0 =	sadd.s32 $0x3, s0  }
0xce: {  	_ =	swait.ge [sflag:s28], $0x4000  }
0xcf: {  	[sflag:s28] =	ssyncset.done $0x0  }
0xd0: {  	[sflag:s28] =	ssyncadd.s32 $0xFFFFC000  }
0xd1: {  	_ =	swait.ge [sflag:s30], $0x4000  }
0xd2: {  	[sflag:s30] =	ssyncset.done $0x0  }
0xd3: {  	[sflag:s30] =	ssyncadd.s32 $0xFFFFC000  }
0xd4: {  	_ =	swait.ge [sflag:s29], $0x4000  }
0xd5: {  	s31 =	sadd.s32 $0x1, s31;
	[sflag:s29] =	ssyncset.done $0x0  }
0xd6: {  	p0 =	sne.s32 s31, s14;
	[sflag:s29] =	ssyncadd.s32 $0xFFFFC000  }
.Ltmp2:
0xd7: {  	[bflag:$0x0] =	sbarrier.arrive $0xFFFF;
	(pc) =	sbr.rel @p0 .LBB2_1-.Ltmp2, $4  }
0xd8: {  	[hbm:s13], [sflag:s6] =	dma.local [spmem:s15], $0x1400  }
0xd9: {  	_ =	swait.ge [sflag:s16], $0x1400  }
0xda: {  	[sflag:s16] =	ssyncset.done $0x0  }
0xdb: {  	[sflag:s16] =	ssyncadd.s32 $0xFFFFEC00  }
0xdc: {  	_ =	sfence.sel $0x180000  }
0xdd: {  	[bflag:$0x0] =	sbarrier.arrive $0xFFFF  }
0xde: {  	_ =	strace $0x9000004D  }
0xdf: {  	s0 =	stileid.u32;
	[bflag:$0x2] =	sbarrier.arrive $0xFFFF  }
0xe0: {  	p0 =	sne.s32 s0, $0x0;
	s0 =	rddreg [dreg:$0x3]  }
0xe1: {  	s0 =	sadd.s32 @!p0 $0x100000, s0  }
0xe2: {  	[sflag:s0] =	ssyncadd.tile.s32 @!p0 $0x1;
	_ =	shalt  }
.Lfunc_end2:
_tile_overlayer_lowered:
.L_overlay_start_2:
0xe3: {  	(tag) =	ssettag $0x2  }
0xe4: {  	s0 =	rddreg [dreg:$0x0];
	s2 =	stileid.u32  }
0xe5: {  	s1 =	rddreg [dreg:$0x1];
	p0 =	sne.s32 s2, $0x0  }
0xe6: {  	s3 =	rddreg [dreg:$0x2];
	[bflag:$0x3] =	sbarrier.arrive $0xFFFF;
	s2 =	simm.s32 @!p0 $0x1C07  }
0xe7: {  	[timem:s3], [sflag:s2] =	dma.local @!p0 [hbm:s0], s1  }
0xe8: {  	s0 =	simm.s32 @!p0 $0x7  }
0xe9: {  	_ =	swait.ge @!p0 [sflag:s0], s1  }
0xea: {  	s1 =	ssub.s32 @!p0 $0x0, s1;
	[sflag:s0] =	ssyncset.done @!p0 $0x0  }
0xeb: {  	[sflag:s0] =	ssyncadd.s32 @!p0 s1  }
0xec: {  	[bflag:$0x3] =	sbarrier.arrive $0xFFFF  }
0xed: {  	_ =	shalt  }

// kernel: kernel.20.cloned.1.call-start
scs
__scs_entry_jumppad:
0x0: {  	(pc) =	sbr.rel $0x88, $3  }
0x1: {  	(tag) =	ssettag $0x0;
	lr =	simm.s32 $0x1  }
0x2: {  	[smem:$0x3F99] =	sst lr;
	_ =	strace $0xD0000000  }
0x3: {  	_ = 	snop  }
0x4: {  	_ = 	snop  }
0x5: {  	_ = 	snop  }
0x6: {  	_ = 	snop  }
0x7: {  	_ = 	snop  }
__scs_overlays_trampoline_lowered:
0x8: {  	[smem:$0x3FA8] =	sst s0  }
0x9: {  	[smem:$0x3FA9] =	sst s1  }
0xa: {  	[smem:$0x3FAA] =	sst s2  }
0xb: {  	[smem:$0x3FAB] =	sst s3  }
0xc: {  	[smem:$0x3FAC] =	sst s4  }
0xd: {  	[smem:$0x3FAD] =	sst s5  }
0xe: {  	[smem:$0x3FAE] =	sst s6  }
0xf: {  	[smem:$0x3FAF] =	sst s7  }
0x10: {  	[smem:$0x3FB0] =	sst s8  }
0x11: {  	[smem:$0x3FB1] =	sst s9;
	s0 =	simm.s32 @!p0 $0x0  }
0x12: {  	s1 =	sld [smem:$0x3F97];
	s0 =	simm.s32 @p0 $0x1  }
0x13: {  	[smem:$0x3FB2] =	sst s0;
	s0 =	simm.s32 @!p1 $0x0  }
0x14: {  	s2 =	sld [smem:$0x3F96];
	s0 =	simm.s32 @p1 $0x1  }
0x15: {  	[smem:$0x3FB3] =	sst s0;
	s0 =	simm.s32 @!p2 $0x0  }
0x16: {  	s3 =	sld [smem:$0x3FDB];
	s0 =	simm.s32 @p2 $0x1  }
0x17: {  	s4 =	simm.s32 $0x1BF5;
	[smem:$0x3FB5] =	sst s0  }
0x18: {  	s0 =	sld [smem:$0x3F98];
	_ =	swait.ge [sflag:s4], $0x0  }
0x19: {  	s7 =	sld [smem:$0x3F99]  }
0x1a: {  	s8 =	sadd.s32 $0xFFFFE003, lr  }
0x1b: {  	s9 =	sadd.s32 $0xFFFFFEF7, lr;
	s5 =	simm.s32 $0xFFFFFFFF;
	p2 =	slt.u32 s8, $0xFFFFF086  }
0x1c: {  	p1 =	slt.u32 s9, $0xF7A;
	s5 =	simm.s32 @!p2 $0x0  }
0x1d: {  	s5 =	simm.s32 @p1 $0x1;
	p0 =	seq.s32 s7, s2  }
0x1e: {  	s7 =	smul.u32 @!p0 $0xF7A, s2;
	p2 =	seq.s32 @!p0 s5, $0x0  }
0x1f: {  	s9 =	smul.u32 $0xF7A, s1;
	s8 =	simm.s32 @!p0 $0x1BF5;
	p2 =	por !p2, p0  }
0x20: {  	[sflag:s8] =	ssyncset.s32 @!p0 $0xFFFFF086;
	s6 =	sadd.s32 @!p0 s3, s7;
	s7 =	simm.s32 @!p0 $0x108  }
0x21: {  	s3 =	sadd.s32 s3, s9;
	s6 =	sadd.s32 @!p0 $0x88, s6;
	s7 =	simm.s32 @p2 $0x1082  }
0x22: {  	[simem:s7], [sflag:s8] =	dma.local @!p0 [hbm:s6], $0xF7A  }
0x23: {  	s9 =	sor.u32 $0xD0000000, s2;
	s6 =	simm.s32 $0x108;
	_ =	swait.ge @!p0 [sflag:s8], $0x0  }
0x24: {  	s3 =	sadd.s32 $0x88, s3;
	s6 =	simm.s32 @!p1 $0x1082;
	[sflag:s4] =	ssyncset.s32 $0xFFFFF086  }
0x25: {  	[simem:s6], [sflag:s4] =	dma.local [hbm:s3], $0xF7A  }
0x26: {  	[smem:$0x3F99] =	sst s1;
	(tag) =	ssettag s2;
	_ =	strace s9  }
0x27: {  	s1 =	sld [smem:$0x3FA9]  }
0x28: {  	s2 =	sld [smem:$0x3FAA]  }
0x29: {  	s4 =	sld [smem:$0x3FAC]  }
0x2a: {  	p0 =	seq.s32 s5, $0x0;
	s5 =	sld [smem:$0x3FAD]  }
0x2b: {  	s6 =	sld [smem:$0x3FAE]  }
0x2c: {  	s7 =	sld [smem:$0x3FAF]  }
0x2d: {  	s3 =	simm.s32 $0x108;
	s8 =	sld [smem:$0x3FB0]  }
0x2e: {  	s3 =	simm.s32 @!p0 $0x1082;
	s9 =	sld [smem:$0x3FB1]  }
0x2f: {  	lr =	sadd.s32 s0, s3;
	s0 =	sld [smem:$0x3FA8]  }
0x30: {  	s3 =	sld [smem:$0x3FAB]  }
0x31: {  	[smem:$0x3FB4] =	sst s10  }
0x32: {  	s10 =	sld [smem:$0x3FB2];
	_ =	sdelay $0x3  }
0x33: {  	p0 =	seq.s32 s10, $0x1;
	s10 =	sld [smem:$0x3FB4];
	_ =	sdelay $0x3  }
0x34: {  	[smem:$0x3FB4] =	sst s10  }
0x35: {  	s10 =	sld [smem:$0x3FB3];
	_ =	sdelay $0x3  }
0x36: {  	p1 =	seq.s32 s10, $0x1;
	s10 =	sld [smem:$0x3FB4];
	_ =	sdelay $0x3  }
0x37: {  	[smem:$0x3FB4] =	sst s10  }
0x38: {  	s10 =	sld [smem:$0x3FB5]  }
0x39: {  	_ = 	snop;
	(pc) =	sbr.ind lr, $3  }
0x3a: {  	_ = 	snop  }
0x3b: {  	_ = 	snop  }
0x3c: {  	p2 =	seq.s32 s10, $0x1;
	s10 =	sld [smem:$0x3FB4]  }
0x3d: {  	_ =	shalt  }
0x3e: {  	_ =	shalt  }
0x3f: {  	_ =	shalt  }
0x40: {  	_ =	shalt  }
0x41: {  	_ =	shalt  }
0x42: {  	_ =	shalt  }
0x43: {  	_ =	shalt  }
0x44: {  	_ =	shalt  }
0x45: {  	_ =	shalt  }
0x46: {  	_ =	shalt  }
0x47: {  	_ =	shalt  }
0x48: {  	_ =	shalt  }
0x49: {  	_ =	shalt  }
0x4a: {  	_ =	shalt  }
0x4b: {  	_ =	shalt  }
0x4c: {  	_ =	shalt  }
0x4d: {  	_ =	shalt  }
0x4e: {  	_ =	shalt  }
0x4f: {  	_ =	shalt  }
0x50: {  	_ =	shalt  }
0x51: {  	_ =	shalt  }
0x52: {  	_ =	shalt  }
0x53: {  	_ =	shalt  }
0x54: {  	_ =	shalt  }
0x55: {  	_ =	shalt  }
0x56: {  	_ =	shalt  }
0x57: {  	_ =	shalt  }
0x58: {  	_ =	shalt  }
0x59: {  	_ =	shalt  }
0x5a: {  	_ =	shalt  }
0x5b: {  	_ =	shalt  }
0x5c: {  	_ =	shalt  }
0x5d: {  	_ =	shalt  }
0x5e: {  	_ =	shalt  }
0x5f: {  	_ =	shalt  }
0x60: {  	_ =	shalt  }
0x61: {  	_ =	shalt  }
0x62: {  	_ =	shalt  }
0x63: {  	_ =	shalt  }
0x64: {  	_ =	shalt  }
0x65: {  	_ =	shalt  }
0x66: {  	_ =	shalt  }
0x67: {  	_ =	shalt  }
0x68: {  	_ =	shalt  }
0x69: {  	_ =	shalt  }
0x6a: {  	_ =	shalt  }
0x6b: {  	_ =	shalt  }
0x6c: {  	_ =	shalt  }
0x6d: {  	_ =	shalt  }
0x6e: {  	_ =	shalt  }
0x6f: {  	_ =	shalt  }
0x70: {  	_ =	shalt  }
0x71: {  	_ =	shalt  }
0x72: {  	_ =	shalt  }
0x73: {  	_ =	shalt  }
0x74: {  	_ =	shalt  }
0x75: {  	_ =	shalt  }
0x76: {  	_ =	shalt  }
0x77: {  	_ =	shalt  }
0x78: {  	_ =	shalt  }
0x79: {  	_ =	shalt  }
0x7a: {  	_ =	shalt  }
0x7b: {  	_ =	shalt  }
0x7c: {  	_ =	shalt  }
0x7d: {  	_ =	shalt  }
0x7e: {  	_ =	shalt  }
0x7f: {  	_ =	shalt  }
0x80: {  	_ =	shalt  }
0x81: {  	_ =	shalt  }
0x82: {  	_ =	shalt  }
0x83: {  	_ =	shalt  }
0x84: {  	_ =	shalt  }
0x85: {  	_ =	shalt  }
0x86: {  	_ =	shalt  }
0x87: {  	_ =	shalt  }
.Lfunc_end0:
.L_simem_size_0:
called_computation.3_lowered:
.L_overlay_start_0:
0x88: {  	s2 =	sld [smem:$0x3FD9]  }
0x89: {  	s3 =	sld [smem:$0x3FFE];
	_ =	sdelay $0x1  }
0x8a: {  	s1 =	srdreg.scid  }
0x8b: {  	s0 =	sand.u32 $0x1, s1  }
0x8c: {  	s17 =	sshll.u32 s0, $0xA;
	s2 =	sadd.s32 s3, s2  }
0x8d: {  	s2 =	sadd.s32 s2, s17  }
0x8e: {  	[smem:$0x3FC0] =	sst s2  }
0x8f: {  	_ = 	snop  }
0x90: {  	s2 =	sld [smem:$0x3FD0];
	(tm) =	ssettm $0x1  }
0x91: {  	s18 =	sld [smem:$0x3FFB];
	_ =	sdelay $0x3  }
0x92: {  	_ =	strace s18  }
0x93: {  	s3 =	sld [smem:$0x3FFC];
	_ =	sdelay $0x3  }
0x94: {  	_ =	strace s3  }
0x95: {  	s3 =	sld [smem:$0x3FFD];
	_ =	sdelay $0x3  }
0x96: {  	_ =	strace s3  }
0x97: {  	_ =	strace $0x8FFFFFFF  }
0x98: {  	s19 =	sld [smem:$0x3FDB];
	_ =	sdelay $0x1  }
0x99: {  	s4 =	simm.s32 $_scs_section_size  }
0x9a: {  	s5 =	simm.s32 $_size__tile_overlayer_lowered;
	s6 =	simm.s32 $_tile_overlayer_lowered  }
0x9b: {  	s22 =	simm.s32 $0x1BFF;
	s21 =	sshll.u32 s6, $0x1;
	s3 =	sadd.s32 s4, s19  }
0x9c: {  	s7 =	simm.s32 $0x0;
	s20 =	sshll.u32 s5, $0x1;
	s5 =	sadd.s32 s21, s3  }
0x9d: {  	[timem:s7], [sflag:s22] =	dma.local [hbm:s5], s20  }
0x9e: {  	_ =	swait.ge [sflag:s22], s20  }
0x9f: {  	s4 =	ssub.s32 $0x0, s20;
	[sflag:s22] =	ssyncset.done $0x0  }
0xa0: {  	[sflag:s22] =	ssyncadd.s32 s4;
	_ =	sdelay $0x1  }
0xa1: {  	s23 =	simm.s32 $0x1B8B  }
0xa2: {  	_ =	swait.ge [sflag:s23], $0x1  }
0xa3: {  	[sflag:s23] =	ssyncset.done $0x0  }
0xa4: {  	s25 =	simm.s32 $0x1B8E;
	s24 =	sld [smem:$0x3FFE];
	[sflag:s23] =	ssyncadd.s32 $0xFFFFFFFF  }
0xa5: {  	s26 =	simm.s32 $execute0_lowered;
	[smem:$0x3FD2] =	sst s25  }
0xa6: {  	s5 =	sshll.u32 s26, $0x1;
	_ =	strace $0x8000004F;
	[dreg:$0x1] =	wrdreg $0xFFFFFFFF  }
0xa7: {  	s28 =	simm.s32 $_size_execute0_lowered;
	s3 =	sadd.s32 s3, s5;
	[dreg:$0x0] =	wrdreg $0x0  }
0xa8: {  	s5 =	sshll.u32 s28, $0x1;
	[dreg:$0x2] =	wrdreg s3  }
0xa9: {  	[dreg:$0x3] =	wrdreg s5  }
0xaa: {  	[dreg:$0x4] =	wrdreg $0xC0  }
0xab: {  	_ =	task [dreg:s7], $0x5FFFF  }
0xac: {  	[dreg:$0x1] =	wrdreg $0xFFFFFFFF  }
0xad: {  	[dreg:$0x0] =	wrdreg $0x60  }
0xae: {  	[dreg:$0x2] =	wrdreg s24  }
0xaf: {  	[dreg:$0x3] =	wrdreg s2  }
0xb0: {  	[dreg:$0x4] =	wrdreg $0x118800  }
0xb1: {  	[dreg:$0x5] =	wrdreg $0x9  }
0xb2: {  	_ =	task.clear_ibuf [dreg:s7], $0x6FFFF;
	_ =	strace $0x9000004F  }
0xb3: {  	s29 =	simm.s32 $0x9;
	_ =	strace $0x80000051  }
0xb4: {  	_ =	swait.ge [sflag:s29], $0x1  }
0xb5: {  	[sflag:s29] =	ssyncadd.s32 $0xFFFFFFFF  }
0xb6: {  	_ =	strace $0x90000051  }
0xb7: {  	_ =	sfence  }
0xb8: {  	s30 =	sld [smem:$0x0];
	_ =	sdelay $0x2  }
0xb9: {  	s31 =	sshll.u32 s1, $0xD;
	s1 =	sshrl.u32 s1, $0x2  }
0xba: {  	s3 =	sand.u32 $0x4000, s31;
	s1 =	sadd.s32 s1, s30  }
0xbb: {  	s0 =	sor.u32 s3, s0;
	s1 =	sshll.u32 s1, $0x11  }
0xbc: {  	s0 =	sor.u32 s1, s0  }
0xbd: {  	s0 =	sadd.s32 $0x8F2B, s0  }
0xbe: {  	[sflag:s0] =	ssyncadd.remote.s32 $0x1  }
0xbf: {  	_ =	sfence.sel $0xFFFF  }
0xc0: {  	[dreg:$0x0] =	wrdreg $0xFFFFFFFF;
	(pc) =	sbr.abs _section_cstart, $3  }
0xc1: {  	[dreg:$0x1] =	wrdreg $0xFFFFFFFF  }
0xc2: {  	_ =	task.clear_ibuf [dreg:s7], $0x2FFFF;
	_ =	strace $0x9FFFFFFF  }
0xc3: {  	(tm) =	ssettm $0x7FFFFFFF  }
tec
execute0_lowered:
.L_overlay_start_1:
0x0: {  	(tag) =	ssettag $0x1  }
0x1: {  	s0 =	rddreg [dreg:$0x0]  }
0x2: {  	s1 =	rddreg [dreg:$0x1]  }
0x3: {  	s2 =	rddreg [dreg:$0x2];
	s3 =	simm.s32 $0x0  }
0x4: {  	s16 =	stileid.u32;
	s4 =	srdreg.scid;
	s28 =	simm.s32 $0x4  }
0x5: {  	s29 =	simm.s32 $0x6;
	s30 =	simm.s32 $0x5;
	s31 =	simm.s32 $0x0  }
0x6: {  	[smem:$0x7FF] =	sst s3;
	s5 =	smul.u32 $0xA000, s16;
	s7 =	sand.u32 $0x1, s4  }
0x7: {  	s4 =	sadd.s32 $0x39E00, s0;
	s11 =	sadd.s32 $0x3C00, s0;
	s9 =	smul.u32 $0x28000, s16  }
0x8: {  	s12 =	sadd.s32 $0x39A00, s0;
	s17 =	smul.u32 $0x5800, s16;
	s19 =	sshll.u32 s16, $0x6  }
0x9: {  	s21 =	sshll.u32 s16, $0x8;
	s23 =	sshllo.u32 s16, $0x1;
	s6 =	smul.u32 $0xA0000, s7  }
0xa: {  	_ =	strace $0x80000050;
	s13 =	ssub.s32 $0x2, s7;
	s10 =	smul.u32 $0x58000, s7  }
0xb: {  	s16 =	smul.u32 $0x2C00, s23;
	s8 =	sshrl.u32 s5, $0x3;
	s14 =	sshrl.u32 s13, $0x1  }
0xc: {  	s15 =	sshrl.u32 s9, $0x2;
	s9 =	sand.u32 $0x300, s21;
	s8 =	sadd.s32 s8, s0  }
0xd: {  	s5 =	sadd.s32 s5, s6;
	s15 =	sadd.s32 s15, s2;
	s6 =	sor.u32 $0x1C07, s19  }
0xe: {  	s20 =	sadd.s32 s17, s10;
	s10 =	sadd.s32 s10, s16;
	s16 =	simm.s32 $0x7  }
0xf: {  	s17 =	simm.s32 $0x2C00;
	s19 =	simm.s32 $0x1;
	s5 =	sshrl.u32 s5, $0x3  }
0x10: {  	s18 =	sadd.s32 $0x19C00, s8;
	s8 =	sshrl.u32 s20, $0x3;
	s26 =	sshrl.u32 s10, $0x3  }
0x11: {  	s15 =	sshrl.u32 s15, $0x3;
	s20 =	simm.s32 $0x80;
	s0 =	sadd.s32 s5, s0  }
0x12: {  	s5 =	ssub.s32 s13, s14;
	[dreg:$0x6] =	wrdreg s18;
	s13 =	sshll.u32 s7, $0xC  }
0x13: {  	s14 =	sand.u32 $0xC00, s21;
	s22 =	sadd.s32 s1, s8;
	s24 =	sadd.s32 s11, s8  }
0x14: {  	s1 =	sadd.s32 s1, s26;
	s11 =	sadd.s32 s11, s26;
	s18 =	simm.s32 $0x5800  }
0x15: {  	s21 =	simm.s32 $0x5880;
	s26 =	simm.s32 $0x3;
	[dreg:$0x7] =	wrdreg s22  }
0x16: {  	s13 =	sor.u32 s13, s14;
	s14 =	sshll.u32 s23, $0x7;
	[dreg:$0x8] =	wrdreg s24  }
0x17: {  	[dreg:$0xa] =	wrdreg s1;
	s22 =	simm.s32 $0x9880;
	s9 =	sor.u32 s9, s13  }
0x18: {  	s23 =	simm.s32 $0x100;
	s14 =	sand.u32 $0x380, s14;
	s9 =	sshrl.u32 s9, $0x3  }
0x19: {  	s24 =	simm.s32 $0xD880;
	s13 =	sor.u32 s13, s14;
	s25 =	sadd.s32 s12, s9  }
0x1a: {  	s14 =	smax.u32 s5, $0x1;
	s13 =	sshrl.u32 s13, $0x3;
	[dreg:$0x9] =	wrdreg s25  }
0x1b: {  	s12 =	sadd.s32 s12, s13;
	s13 =	sadd.s32 $0x61E00, s0;
	s25 =	simm.s32 $0x2  }
.LBB2_1:
0x1c: {  	s0 =	rddreg [dreg:$0x6]  }
0x1d: {  	[spmem:s15], [sflag:s6] =	dma.local [hbm:s0], $0x1400  }
0x1e: {  	_ =	swait.ge [sflag:s16], $0x1400  }
0x1f: {  	[sflag:s16] =	ssyncset.done $0x0  }
0x20: {  	[sflag:s16] =	ssyncadd.s32 $0xFFFFEC00  }
0x21: {  	[bflag:$0x0] =	sbarrier.arrive $0xFFFF  }
0x22: {  	s10 =	rddreg [dreg:$0x7]  }
0x23: {  	[tilespmem:s3], [sflag:$0x7] =	stream.linear.gather [hbm4b:s10+s3], $0x2A00, $0x38;
	[tilespmem:$0x1B8C0] =	vst v63  }
0x24: {  	_ =	swait.ge [sflag:s16], $0x2A00  }
0x25: {  	[sflag:s16] =	ssyncset.done $0x0  }
0x26: {  	s1 =	rddreg [dreg:$0x8];
	[sflag:s16] =	ssyncadd.s32 $0xFFFFD600  }
0x27: {  	[tilespmem:s17], [sflag:$0x7] =	stream.linear.gather [hbm4b:s1+s3], $0x2A00, $0x38;
	[tilespmem:$0x1B8C0] =	vst v63  }
0x28: {  	_ =	swait.ge [sflag:s16], $0x2A00  }
0x29: {  	[sflag:s16] =	ssyncset.done $0x0  }
0x2a: {  	s5 =	rddreg [dreg:$0x9];
	[sflag:s16] =	ssyncadd.s32 $0xFFFFD600  }
0x2b: {  	[tilespmem:s18], [sflag:$0x7] =	stream.linear.gather [hbm4b:s5+s3], $0x80, $0x38;
	[tilespmem:$0x1B8C0] =	vst v63  }
0x2c: {  	_ =	swait.ge [sflag:s16], $0x80  }
0x2d: {  	[sflag:s16] =	ssyncset.done $0x0  }
0x2e: {  	[sflag:s16] =	ssyncadd.s32 $0xFFFFFF80  }
0x2f: {  	v0 =	vld [tilespmem:$0x5800];
	_ =	sdelay $0x4  }
0x30: {  	v0 =	vxor.u32 $0x80000000, v0  }
0x31: {  	(xrf0) =	vmax.scan.msk.u32 $0xffff, v0;
	_ =	sdelay $0x5  }
0x32: {  	v0, _, _ =	vpop (xrf0)  }
0x33: {  	(v2sf) =	vpush v0, $0xF;
	_ =	sdelay $0xe  }
0x34: {  	s7 =	spop (v2sf)  }
0x35: {  	s0 =	sadd.s32 $0x8000007F, s7  }
0x36: {  	s1 =	sand.u32 $0x7F, s0  }
0x37: {  	s5 =	sshra.s32 s0, $0x1F;
	p0 =	slt.s32 s0, $0x1;
	p1 =	sne.s32 s1, $0x0  }
0x38: {  	s8 =	sshrl.u32 s5, $0x19;
	p0 =	por !p0, !p1  }
0x39: {  	s1 =	simm.s32 $0x1;
	s0 =	sadd.s32 s8, s0;
	p0 =	por !p0, !p0  }
0x3a: {  	s0 =	sshra.s32 s0, $0x7;
	s1 =	simm.s32 @!p0 $0x0  }
0x3b: {  	s0 =	ssub.s32 s0, s1  }
0x3c: {  	s1 =	sadd.s32 $0x2, s0  }
0x3d: {  	s9 =	smulhi.u32 $0x55555556, s1;
	s1 =	sshra.s32 s1, $0x1F  }
0x3e: {  	s1 =	smul.u32 $0x55555556, s1;
	_ =	sdelay $0x1  }
0x3f: {  	s1 =	sadd.s32 s1, s9  }
0x40: {  	s5 =	sshrl.u32 s1, $0x1F  }
0x41: {  	s1 =	sadd.s32 s5, s1  }
0x42: {  	s5 =	smul.u32 $0xFFFFFFFD, s1  }
0x43: {  	s7 =	ssub.s32 $0xFFFFFFFE, s0  }
0x44: {  	p5 =	slt.s32 s0, $0xFFFFFFFF;
	p6 =	sne.s32 s5, s7  }
0x45: {  	p0 =	por !p5, !p6  }
0x46: {  	s0 =	simm.s32 $0x1;
	p0 =	por !p0, !p0  }
0x47: {  	s0 =	simm.s32 @!p0 $0x0  }
0x48: {  	s0 =	ssub.s32 s1, s0  }
0x49: {  	s0 =	smul.u32 $0x3, s0  }
0x4a: {  	[tilespmem:s21], [sflag:$0x1] =	stream.indirect.gather [hbm4b:s4+s20], $0x80, s3, s20, $0xb8;
	[tilespmem:$0x1B8C0] =	vst v63  }
0x4b: {  	p0 =	sgt.s32 s0, $0x3  }
0x4c: {  	s0 =	simm.s32 @!p0 $0x3  }
0x4d: {  	s0 =	smin.u32 s0, $0x54  }
0x4e: {  	s10 =	smul.u32 $0x56, s0  }
0x4f: {  	[tilespmem:s22], [sflag:$0x2] =	stream.indirect.gather [hbm4b:s4+s20], $0x80, s20, s20, $0xb8;
	[tilespmem:$0x1B8C0] =	vst v63  }
0x50: {  	s1 =	sshrl.u32 s10, $0x8  }
0x51: {  	s1 =	smul.u32 $0x600, s1  }
0x52: {  	[tilespmem:s24], [sflag:$0x3] =	stream.indirect.gather [hbm4b:s4+s20], $0x80, s23, s20, $0xb8;
	[tilespmem:$0x1B8C0] =	vst v63  }
0x53: {  	s5 =	simm.s32 $0x0;
	[dreg:$0x4] =	wrdreg s1;
	s1 =	simm.s32 $0x5  }
.LBB2_2:
0x54: {  	_ =	swait.ge [sflag:s19], $0x4000  }
0x55: {  	s7 =	sshra.s32 s5, $0x2;
	s10 =	sadd.s32 $0xFFFFFFFE, s1;
	[sflag:s19] =	ssyncset.done $0x0  }
0x56: {  	s8 =	sadd.s32 $0x2C00, s7;
	p0 =	sge.u32 s10, s0;
	[sflag:s19] =	ssyncadd.s32 $0xFFFFC000  }
0x57: {  	[spmem:s2] =	stream.indirect.scatter.add.f32 [tilespmem:s21], [sflag:$0x4], $0x80, s8, s20, $0xb8;
	[tilespmem:$0x1B8C0] =	vst v63  }
0x58: {  	s8 =	simm.s32 @!p0 $0x4  }
0x59: {  	_ =	swait.ge @!p0 [sflag:s8], $0x4000  }
0x5a: {  	[sflag:s8] =	ssyncset.done @!p0 $0x0  }
0x5b: {  	[sflag:s8] =	ssyncadd.s32 @!p0 $0xFFFFC000;
	s8 =	sshra.s32 @!p0 s5, $0x2  }
0x5c: {  	s9 =	simm.s32 @!p0 $0x80;
	s10 =	simm.s32 @!p0 $0x5880;
	s8 =	sadd.s32 @!p0 $0x180, s8  }
0x5d: {  	[tilespmem:s10], [sflag:$0x1] =	stream.indirect.gather @!p0 [hbm4b:s4+s9], $0x80, s8, s9, $0xb8;
	[tilespmem:$0x1B8C0] =	vst v63  }
0x5e: {  	s10 =	sadd.s32 $0xFFFFFFFF, s1;
	_ =	swait.ge [sflag:s25], $0x4000  }
0x5f: {  	p0 =	sge.u32 s10, s0;
	[sflag:s25] =	ssyncset.done $0x0  }
0x60: {  	s9 =	sadd.s32 $0x2C80, s7;
	s8 =	simm.s32 @!p0 $0x5;
	[sflag:s25] =	ssyncadd.s32 $0xFFFFC000  }
0x61: {  	[spmem:s2] =	stream.indirect.scatter.add.f32 [tilespmem:s22], [sflag:$0x5], $0x80, s9, s20, $0xb8;
	[tilespmem:$0x1B8C0] =	vst v63  }
0x62: {  	_ =	swait.ge @!p0 [sflag:s8], $0x4000  }
0x63: {  	[sflag:s8] =	ssyncset.done @!p0 $0x0  }
0x64: {  	[sflag:s8] =	ssyncadd.s32 @!p0 $0xFFFFC000;
	s8 =	sshra.s32 @!p0 s5, $0x2  }
0x65: {  	s10 =	simm.s32 @!p0 $0x9880;
	s9 =	simm.s32 @!p0 $0x80;
	s8 =	sadd.s32 @!p0 $0x200, s8  }
0x66: {  	[tilespmem:s10], [sflag:$0x2] =	stream.indirect.gather @!p0 [hbm4b:s4+s9], $0x80, s8, s9, $0xb8;
	[tilespmem:$0x1B8C0] =	vst v63  }
0x67: {  	_ =	swait.ge [sflag:s26], $0x4000  }
0x68: {  	[sflag:s26] =	ssyncset.done $0x0  }
0x69: {  	s7 =	sadd.s32 $0x2D00, s7;
	p0 =	sge.u32 s1, s0;
	[sflag:s26] =	ssyncadd.s32 $0xFFFFC000  }
0x6a: {  	[spmem:s2] =	stream.indirect.scatter.add.f32 [tilespmem:s24], [sflag:$0x6], $0x80, s7, s20, $0xb8;
	[tilespmem:$0x1B8C0] =	vst v63  }
0x6b: {  	s7 =	simm.s32 @!p0 $0x6  }
0x6c: {  	s8 =	sshra.s32 @!p0 s5, $0x2;
	s9 =	simm.s32 @!p0 $0xD880;
	_ =	swait.ge @!p0 [sflag:s7], $0x4000  }
0x6d: {  	s5 =	sadd.s32 $0x600, s5;
	[sflag:s7] =	ssyncset.done @!p0 $0x0;
	s10 =	rddreg [dreg:$0x4]  }
0x6e: {  	[sflag:s7] =	ssyncadd.s32 @!p0 $0xFFFFC000;
	s7 =	sadd.s32 @!p0 $0x280, s8;
	s8 =	simm.s32 @!p0 $0x80  }
0x6f: {  	[tilespmem:s9], [sflag:$0x3] =	stream.indirect.gather @!p0 [hbm4b:s4+s8], $0x80, s7, s8, $0xb8;
	[tilespmem:$0x1B8C0] =	vst v63  }
0x70: {  	p0 =	sne.s32 s10, s5  }
.Ltmp0:
0x71: {  	_ = 	snop;
	(pc) =	sbr.rel @p0 .LBB2_2-.Ltmp0, $2  }
0x72: {  	_ =	sdelay $0x2  }
0x73: {  	s1 =	sadd.s32 $0x3, s1  }
0x74: {  	_ =	swait.ge [sflag:s28], $0x4000  }
0x75: {  	[sflag:s28] =	ssyncset.done $0x0  }
0x76: {  	s0 =	simm.s32 $0x5;
	[sflag:s28] =	ssyncadd.s32 $0xFFFFC000  }
0x77: {  	_ =	swait.ge [sflag:s0], $0x4000  }
0x78: {  	[sflag:s0] =	ssyncset.done $0x0  }
0x79: {  	[sflag:s0] =	ssyncadd.s32 $0xFFFFC000  }
0x7a: {  	_ =	swait.ge [sflag:s29], $0x4000  }
0x7b: {  	[sflag:s29] =	ssyncset.done $0x0  }
0x7c: {  	s1 =	simm.s32 $0x0;
	s5 =	rddreg [dreg:$0xa];
	[sflag:s29] =	ssyncadd.s32 $0xFFFFC000  }
0x7d: {  	[tilespmem:s1], [sflag:$0x7] =	stream.linear.gather [hbm4b:s5+s1], $0x2A00, $0x38;
	[tilespmem:$0x1B8C0] =	vst v63  }
0x7e: {  	_ =	swait.ge [sflag:s16], $0x2A00  }
0x7f: {  	[sflag:s16] =	ssyncset.done $0x0  }
0x80: {  	[sflag:s16] =	ssyncadd.s32 $0xFFFFD600  }
0x81: {  	[tilespmem:s17], [sflag:$0x7] =	stream.linear.gather [hbm4b:s11+s1], $0x2A00, $0x38;
	[tilespmem:$0x1B8C0] =	vst v63  }
0x82: {  	_ =	swait.ge [sflag:s16], $0x2A00  }
0x83: {  	[sflag:s16] =	ssyncset.done $0x0  }
0x84: {  	[sflag:s16] =	ssyncadd.s32 $0xFFFFD600  }
0x85: {  	[tilespmem:s18], [sflag:$0x7] =	stream.linear.gather [hbm4b:s12+s1], $0x80, $0x38;
	[tilespmem:$0x1B8C0] =	vst v63  }
0x86: {  	_ =	swait.ge [sflag:s16], $0x80  }
0x87: {  	[sflag:s16] =	ssyncset.done $0x0  }
0x88: {  	[sflag:s16] =	ssyncadd.s32 $0xFFFFFF80  }
0x89: {  	v0 =	vld [tilespmem:$0x5800];
	_ =	sdelay $0x4  }
0x8a: {  	v0 =	vxor.u32 $0x80000000, v0  }
0x8b: {  	(xrf0) =	vmax.scan.msk.u32 $0xffff, v0;
	_ =	sdelay $0x5  }
0x8c: {  	v0, _, _ =	vpop (xrf0)  }
0x8d: {  	(v2sf) =	vpush v0, $0xF;
	_ =	sdelay $0xe  }
0x8e: {  	s7 =	spop (v2sf)  }
0x8f: {  	s5 =	sadd.s32 $0x8000007F, s7  }
0x90: {  	s7 =	sand.u32 $0x7F, s5  }
0x91: {  	s8 =	sshra.s32 s5, $0x1F;
	p0 =	slt.s32 s5, $0x1;
	p1 =	sne.s32 s7, $0x0  }
0x92: {  	s8 =	sshrl.u32 s8, $0x19;
	p0 =	por !p0, !p1  }
0x93: {  	s7 =	simm.s32 $0x1;
	s5 =	sadd.s32 s8, s5;
	p0 =	por !p0, !p0  }
0x94: {  	s5 =	sshra.s32 s5, $0x7;
	s7 =	simm.s32 @!p0 $0x0  }
0x95: {  	s5 =	ssub.s32 s5, s7  }
0x96: {  	s7 =	sadd.s32 $0x2, s5  }
0x97: {  	s9 =	smulhi.u32 $0x55555556, s7;
	s7 =	sshra.s32 s7, $0x1F  }
0x98: {  	s7 =	smul.u32 $0x55555556, s7;
	_ =	sdelay $0x1  }
0x99: {  	s7 =	sadd.s32 s7, s9  }
0x9a: {  	s8 =	sshrl.u32 s7, $0x1F  }
0x9b: {  	s7 =	sadd.s32 s8, s7  }
0x9c: {  	s8 =	smul.u32 $0xFFFFFFFD, s7  }
0x9d: {  	s9 =	ssub.s32 $0xFFFFFFFE, s5  }
0x9e: {  	p5 =	slt.s32 s5, $0xFFFFFFFF;
	p6 =	sne.s32 s8, s9  }
0x9f: {  	p0 =	por !p5, !p6  }
0xa0: {  	s5 =	simm.s32 $0x1;
	p0 =	por !p0, !p0  }
0xa1: {  	s5 =	simm.s32 @!p0 $0x0  }
0xa2: {  	s5 =	ssub.s32 s7, s5  }
0xa3: {  	s5 =	smul.u32 $0x3, s5  }
0xa4: {  	[tilespmem:s21], [sflag:$0x1] =	stream.indirect.gather [hbm4b:s4+s20], $0x80, s1, s20, $0xb8;
	[tilespmem:$0x1B8C0] =	vst v63  }
0xa5: {  	p0 =	sgt.s32 s5, $0x3  }
0xa6: {  	s5 =	simm.s32 @!p0 $0x3  }
0xa7: {  	s5 =	smin.u32 s5, $0x54  }
0xa8: {  	s10 =	smul.u32 $0x56, s5  }
0xa9: {  	[tilespmem:s22], [sflag:$0x2] =	stream.indirect.gather [hbm4b:s4+s20], $0x80, s20, s20, $0xb8;
	[tilespmem:$0x1B8C0] =	vst v63  }
0xaa: {  	s7 =	sshrl.u32 s10, $0x8  }
0xab: {  	s7 =	smul.u32 $0x600, s7  }
0xac: {  	[tilespmem:s24], [sflag:$0x3] =	stream.indirect.gather [hbm4b:s4+s20], $0x80, s23, s20, $0xb8;
	[tilespmem:$0x1B8C0] =	vst v63  }
0xad: {  	[dreg:$0x5] =	wrdreg s7  }
.LBB2_4:
0xae: {  	_ =	swait.ge [sflag:s19], $0x4000  }
0xaf: {  	s7 =	sshra.s32 s1, $0x2;
	s10 =	sadd.s32 $0xFFFFFFFE, s0;
	[sflag:s19] =	ssyncset.done $0x0  }
0xb0: {  	s8 =	sadd.s32 $0x2C00, s7;
	p0 =	sge.u32 s10, s5;
	[sflag:s19] =	ssyncadd.s32 $0xFFFFC000  }
0xb1: {  	[spmem:s2] =	stream.indirect.scatter.add.f32 [tilespmem:s21], [sflag:$0x4], $0x80, s8, s20, $0xb8;
	[tilespmem:$0x1B8C0] =	vst v63  }
0xb2: {  	s8 =	simm.s32 @!p0 $0x4  }
0xb3: {  	_ =	swait.ge @!p0 [sflag:s8], $0x4000  }
0xb4: {  	[sflag:s8] =	ssyncset.done @!p0 $0x0  }
0xb5: {  	[sflag:s8] =	ssyncadd.s32 @!p0 $0xFFFFC000;
	s8 =	sshra.s32 @!p0 s1, $0x2  }
0xb6: {  	s9 =	simm.s32 @!p0 $0x80;
	s10 =	simm.s32 @!p0 $0x5880;
	s8 =	sadd.s32 @!p0 $0x180, s8  }
0xb7: {  	[tilespmem:s10], [sflag:$0x1] =	stream.indirect.gather @!p0 [hbm4b:s4+s9], $0x80, s8, s9, $0xb8;
	[tilespmem:$0x1B8C0] =	vst v63  }
0xb8: {  	s10 =	sadd.s32 $0xFFFFFFFF, s0;
	_ =	swait.ge [sflag:s25], $0x4000  }
0xb9: {  	p0 =	sge.u32 s10, s5;
	[sflag:s25] =	ssyncset.done $0x0  }
0xba: {  	s9 =	sadd.s32 $0x2C80, s7;
	s8 =	simm.s32 @!p0 $0x5;
	[sflag:s25] =	ssyncadd.s32 $0xFFFFC000  }
0xbb: {  	[spmem:s2] =	stream.indirect.scatter.add.f32 [tilespmem:s22], [sflag:$0x5], $0x80, s9, s20, $0xb8;
	[tilespmem:$0x1B8C0] =	vst v63  }
0xbc: {  	_ =	swait.ge @!p0 [sflag:s8], $0x4000  }
0xbd: {  	[sflag:s8] =	ssyncset.done @!p0 $0x0  }
0xbe: {  	[sflag:s8] =	ssyncadd.s32 @!p0 $0xFFFFC000;
	s8 =	sshra.s32 @!p0 s1, $0x2  }
0xbf: {  	s10 =	simm.s32 @!p0 $0x9880;
	s9 =	simm.s32 @!p0 $0x80;
	s8 =	sadd.s32 @!p0 $0x200, s8  }
0xc0: {  	[tilespmem:s10], [sflag:$0x2] =	stream.indirect.gather @!p0 [hbm4b:s4+s9], $0x80, s8, s9, $0xb8;
	[tilespmem:$0x1B8C0] =	vst v63  }
0xc1: {  	_ =	swait.ge [sflag:s26], $0x4000  }
0xc2: {  	[sflag:s26] =	ssyncset.done $0x0  }
0xc3: {  	s7 =	sadd.s32 $0x2D00, s7;
	p0 =	sge.u32 s0, s5;
	[sflag:s26] =	ssyncadd.s32 $0xFFFFC000  }
0xc4: {  	[spmem:s2] =	stream.indirect.scatter.add.f32 [tilespmem:s24], [sflag:$0x6], $0x80, s7, s20, $0xb8;
	[tilespmem:$0x1B8C0] =	vst v63  }
0xc5: {  	s7 =	simm.s32 @!p0 $0x6  }
0xc6: {  	s8 =	sshra.s32 @!p0 s1, $0x2;
	s9 =	simm.s32 @!p0 $0xD880;
	_ =	swait.ge @!p0 [sflag:s7], $0x4000  }
0xc7: {  	s1 =	sadd.s32 $0x600, s1;
	[sflag:s7] =	ssyncset.done @!p0 $0x0;
	s10 =	rddreg [dreg:$0x5]  }
0xc8: {  	[sflag:s7] =	ssyncadd.s32 @!p0 $0xFFFFC000;
	s7 =	sadd.s32 @!p0 $0x280, s8;
	s8 =	simm.s32 @!p0 $0x80  }
0xc9: {  	[tilespmem:s9], [sflag:$0x3] =	stream.indirect.gather @!p0 [hbm4b:s4+s8], $0x80, s7, s8, $0xb8;
	[tilespmem:$0x1B8C0] =	vst v63  }
0xca: {  	p0 =	sne.s32 s10, s1  }
.Ltmp1:
0xcb: {  	_ = 	snop;
	(pc) =	sbr.rel @p0 .LBB2_4-.Ltmp1, $2  }
0xcc: {  	_ =	sdelay $0x2  }
0xcd: {  	s0 =	sadd.s32 $0x3, s0  }
0xce: {  	_ =	swait.ge [sflag:s28], $0x4000  }
0xcf: {  	[sflag:s28] =	ssyncset.done $0x0  }
0xd0: {  	[sflag:s28] =	ssyncadd.s32 $0xFFFFC000  }
0xd1: {  	_ =	swait.ge [sflag:s30], $0x4000  }
0xd2: {  	[sflag:s30] =	ssyncset.done $0x0  }
0xd3: {  	[sflag:s30] =	ssyncadd.s32 $0xFFFFC000  }
0xd4: {  	_ =	swait.ge [sflag:s29], $0x4000  }
0xd5: {  	s31 =	sadd.s32 $0x1, s31;
	[sflag:s29] =	ssyncset.done $0x0  }
0xd6: {  	p0 =	sne.s32 s31, s14;
	[sflag:s29] =	ssyncadd.s32 $0xFFFFC000  }
.Ltmp2:
0xd7: {  	[bflag:$0x0] =	sbarrier.arrive $0xFFFF;
	(pc) =	sbr.rel @p0 .LBB2_1-.Ltmp2, $4  }
0xd8: {  	[hbm:s13], [sflag:s6] =	dma.local [spmem:s15], $0x1400  }
0xd9: {  	_ =	swait.ge [sflag:s16], $0x1400  }
0xda: {  	[sflag:s16] =	ssyncset.done $0x0  }
0xdb: {  	[sflag:s16] =	ssyncadd.s32 $0xFFFFEC00  }
0xdc: {  	_ =	sfence.sel $0x180000  }
0xdd: {  	[bflag:$0x0] =	sbarrier.arrive $0xFFFF  }
0xde: {  	_ =	strace $0x90000050  }
0xdf: {  	s0 =	stileid.u32;
	[bflag:$0x2] =	sbarrier.arrive $0xFFFF  }
0xe0: {  	p0 =	sne.s32 s0, $0x0;
	s0 =	rddreg [dreg:$0x3]  }
0xe1: {  	s0 =	sadd.s32 @!p0 $0x100000, s0  }
0xe2: {  	[sflag:s0] =	ssyncadd.tile.s32 @!p0 $0x1;
	_ =	shalt  }
.Lfunc_end2:
_tile_overlayer_lowered:
.L_overlay_start_2:
0xe3: {  	(tag) =	ssettag $0x2  }
0xe4: {  	s0 =	rddreg [dreg:$0x0];
	s2 =	stileid.u32  }
0xe5: {  	s1 =	rddreg [dreg:$0x1];
	p0 =	sne.s32 s2, $0x0  }
0xe6: {  	s3 =	rddreg [dreg:$0x2];
	[bflag:$0x3] =	sbarrier.arrive $0xFFFF;
	s2 =	simm.s32 @!p0 $0x1C07  }
0xe7: {  	[timem:s3], [sflag:s2] =	dma.local @!p0 [hbm:s0], s1  }
0xe8: {  	s0 =	simm.s32 @!p0 $0x7  }
0xe9: {  	_ =	swait.ge @!p0 [sflag:s0], s1  }
0xea: {  	s1 =	ssub.s32 @!p0 $0x0, s1;
	[sflag:s0] =	ssyncset.done @!p0 $0x0  }
0xeb: {  	[sflag:s0] =	ssyncadd.s32 @!p0 s1  }
0xec: {  	[bflag:$0x3] =	sbarrier.arrive $0xFFFF  }
0xed: {  	_ =	shalt  }

</sc_bundles>
